<compile_context>
chip_gen: v7x
topology: tpu7x:2x2x1
jax: 0.10.2.dev20260603
libtpu: 0.0.44.dev20260713+nightly
codegen_flags: <defaults>
</compile_context>

<pallas_src>
import functools

import jax
import jax.numpy as jnp
from jax import lax
from jax.experimental import pallas as pl
from jax.experimental.pallas import tpu as pltpu
from jax.experimental.pallas import tpu_sc as plsc

SIGMA = 0.2
NPER = 2048
EPER = 8192
NSEG = 16
NTASK = 32
L = 16


def _sigmoid(x):
    return 1.0 / (1.0 + jnp.exp(-x))


def _mlp_body(x_ref, w1_ref, b1_ref, w2_ref, b2_ref, v_ref):
    h = _sigmoid(
        jnp.dot(x_ref[...], w1_ref[...], preferred_element_type=jnp.float32)
        + b1_ref[0, :][None, :]
    )
    u = jnp.dot(h, w2_ref[...], preferred_element_type=jnp.float32) + b2_ref[0, 0]
    v_ref[...] = _sigmoid(u[:, 0:1])


def _readout_body(px_ref, py_ref, centers_ref, clsw_ref, clsb_ref, out_ref):
    inv = 1.0 / (2.0 * SIGMA * SIGMA)
    px = px_ref[...]
    py = py_ref[...]
    logits = jnp.broadcast_to(clsb_ref[0, :][None, :], (NSEG, 10)).astype(jnp.float32)
    for c in range(64):
        cx = centers_ref[c, 0]
        cy = centers_ref[c, 1]
        dx = px - cx
        dy = py - cy
        g = jnp.exp(-(dx * dx + dy * dy) * inv)
        sc = jnp.sum(g, axis=1)
        logits = logits + sc[:NSEG, None] * clsw_ref[c, :][None, :]
        logits = logits + sc[NSEG:, None] * clsw_ref[64 + c, :][None, :]
    out_ref[...] = logits


def _ph_body(v_hbm, el_hbm, px_hbm, py_hbm,
             vv, keys0, pay0, keys1, pay1, hist, parent, tmpp,
             pxv, pyv, eav, ebv):
    wid = lax.axis_index("s") * 2 + lax.axis_index("c")
    s = wid % NSEG
    lvl = wid // NSEG
    sgn = jnp.where(lvl == 0, 1.0, -1.0).astype(jnp.float32)
    base = (s * NPER).astype(jnp.int32)
    lanes = lax.iota(jnp.int32, L)
    onesi = jnp.ones((L,), jnp.int32)

    pltpu.sync_copy(v_hbm.at[s], vv)
    pltpu.sync_copy(el_hbm.at[s], eav)
    pltpu.sync_copy(el_hbm.at[NSEG + s], ebv)

    def key_chunk(c, _):
        av = eav[pl.ds(c * L, L)] - base
        bv = ebv[pl.ds(c * L, L)] - base
        fa = plsc.load_gather(vv, [av]) * sgn
        fb = plsc.load_gather(vv, [bv]) * sgn
        ev = jnp.maximum(fa, fb)
        u = lax.bitcast_convert_type(ev, jnp.int32)
        key = jnp.where(u < 0, ~u, u ^ jnp.int32(-2147483648))
        keys0[pl.ds(c * L, L)] = key
        pay0[pl.ds(c * L, L)] = av | (bv << 11)
        return 0

    lax.fori_loop(0, EPER // L, key_chunk, 0)

    def radix_pass(shift, src_k, src_p, dst_k, dst_p):
        def zero(c, _):
            hist[pl.ds(c * L, L)] = jnp.zeros((L,), jnp.int32)
            return 0

        lax.fori_loop(0, 4096 // L, zero, 0)

        def hist_chunk(c, _):
            idxv = lanes * (EPER // L) + c
            k = plsc.load_gather(src_k, [idxv])
            d = lax.shift_right_logical(k, shift) & 255
            plsc.addupdate_scatter(hist, [d * L + lanes], onesi)
            return 0

        lax.fori_loop(0, EPER // L, hist_chunk, 0)

        def scan_chunk(c, run):
            hv = hist[pl.ds(c * L, L)]
            cs = plsc.cumsum(hv)
            hist[pl.ds(c * L, L)] = cs - hv + run
            return run + jnp.sum(hv)

        lax.fori_loop(0, 4096 // L, scan_chunk, jnp.int32(0))

        def scat_chunk(c, _):
            idxv = lanes * (EPER // L) + c
            k = plsc.load_gather(src_k, [idxv])
            p = plsc.load_gather(src_p, [idxv])
            h = (lax.shift_right_logical(k, shift) & 255) * L + lanes
            pos = plsc.load_gather(hist, [h])
            plsc.store_scatter(hist, [h], pos + 1)
            plsc.store_scatter(dst_k, [pos], k)
            plsc.store_scatter(dst_p, [pos], p)
            return 0

        lax.fori_loop(0, EPER // L, scat_chunk, 0)

    radix_pass(0, keys0, pay0, keys1, pay1)
    radix_pass(8, keys1, pay1, keys0, pay0)
    radix_pass(16, keys0, pay0, keys1, pay1)
    radix_pass(24, keys1, pay1, keys0, pay0)

    def init_parent(c, _):
        parent[pl.ds(c * L, L)] = lanes + c * L
        return 0

    lax.fori_loop(0, NPER // L, init_parent, 0)

    lane0 = lanes == 0
    lane8 = lanes == 8
    halfmask = lanes < 8
    wr_mask = lane0 | lane8
    pair_mask = lanes < 2

    def edge_step(e, cnt):
        ev = jnp.full((L,), e, jnp.int32)
        pay = plsc.load_gather(pay0, [ev])
        key = plsc.load_gather(keys0, [ev])
        av = pay & 2047
        bv = lax.shift_right_logical(pay, 11) & 2047
        cur0 = jnp.where(halfmask, av, bv)
        p0 = plsc.load_gather(parent, [cur0])

        def fcond(st):
            cur, p = st
            return jnp.any(p != cur)

        def fbody(st):
            cur, p = st
            pp = plsc.load_gather(parent, [p])
            plsc.store_scatter(parent, [cur], pp, mask=wr_mask)
            return p, pp

        _, roots = lax.while_loop(fcond, fbody, (cur0, p0))
        ra = jnp.sum(jnp.where(lane0, roots, 0))
        rb = jnp.sum(jnp.where(lane8, roots, 0))
        merged = ra != rb

        fq = plsc.load_gather(vv, [roots])
        v_ra = jnp.sum(jnp.where(lane0, fq, 0.0))
        v_rb = jnp.sum(jnp.where(lane8, fq, 0.0))

        u = jnp.where(key < 0, key ^ jnp.int32(-2147483648), ~key)
        d_val = jnp.sum(jnp.where(lane0,
                                  lax.bitcast_convert_type(u, jnp.float32), 0.0)) * sgn

        elder = v_ra * sgn <= v_rb * sgn
        loser = jnp.where(elder, rb, ra)
        winner = jnp.where(elder, ra, rb)
        y_val = jnp.where(elder, v_rb, v_ra)

        mvec = lane0 & merged
        plsc.store_scatter(parent, [jnp.full((L,), loser, jnp.int32)],
                           jnp.full((L,), winner, jnp.int32), mask=mvec)
        pidx = 2 * cnt + lanes
        pv = jnp.where(lane0, y_val, d_val)
        plsc.store_scatter(tmpp, [pidx], pv, mask=pair_mask & merged)
        return cnt + merged.astype(jnp.int32)

    cnt = lax.fori_loop(0, EPER, edge_step, jnp.int32(0))

    big = jnp.float32(1e9)

    def emit0(c, _):
        j = lanes + c * L
        valid = j < cnt
        jj = jnp.where(valid, j, 0)
        bvals = plsc.load_gather(tmpp, [2 * jj])
        dvals = plsc.load_gather(tmpp, [2 * jj + 1])
        pxv[pl.ds(c * L, L)] = jnp.where(valid, bvals, big)
        pyv[pl.ds(c * L, L)] = jnp.where(valid, dvals, big)
        return 0

    def emit1(c, _):
        j = lanes + c * L
        valid = j < cnt
        k0 = 2 * j
        k1 = 2 * j + 1

        def cc_at(k):
            in_d = k < cnt
            gd = plsc.load_gather(tmpp, [jnp.where(in_d, 2 * k + 1, 1)])
            gb = plsc.load_gather(tmpp, [jnp.where(in_d | ~valid, 0,
                                                   2 * (k - cnt))])
            return jnp.where(in_d, gd, gb)

        pxv[pl.ds(c * L, L)] = jnp.where(valid, cc_at(k0), big)
        pyv[pl.ds(c * L, L)] = jnp.where(valid, cc_at(k1), big)
        return 0

    @pl.when(lvl == 0)
    def _():
        lax.fori_loop(0, NPER // L, emit0, 0)

    @pl.when(lvl != 0)
    def _():
        lax.fori_loop(0, NPER // L, emit1, 0)

    pltpu.sync_copy(pxv, px_hbm.at[wid])
    pltpu.sync_copy(pyv, py_hbm.at[wid])


def kernel(x, sample_pos, edge_index, W1, b1, W2, b2, centers, cls_W, cls_b):
    del sample_pos
    w2p = jnp.pad(W2, ((0, 0), (0, 127)))
    vcol = pl.pallas_call(
        _mlp_body,
        grid=(NSEG,),
        in_specs=[
            pl.BlockSpec((NPER, 128), lambda i: (i, 0)),
            pl.BlockSpec((128, 64), lambda i: (0, 0)),
            pl.BlockSpec((1, 64), lambda i: (0, 0)),
            pl.BlockSpec((64, 128), lambda i: (0, 0)),
            pl.BlockSpec((1, 1), lambda i: (0, 0)),
        ],
        out_specs=pl.BlockSpec((NPER, 1), lambda i: (i, 0)),
        out_shape=jax.ShapeDtypeStruct((NSEG * NPER, 1), jnp.float32),
    )(x, W1, b1.reshape(1, -1), w2p, b2.reshape(1, 1))
    v = vcol.reshape(NSEG, NPER)

    el = edge_index.astype(jnp.int32).reshape(2 * NSEG, EPER)

    mesh = plsc.VectorSubcoreMesh(core_axis_name="c", subcore_axis_name="s")
    ph = functools.partial(
        pl.kernel,
        out_type=[
            jax.ShapeDtypeStruct((NTASK, NPER), jnp.float32),
            jax.ShapeDtypeStruct((NTASK, NPER), jnp.float32),
        ],
        mesh=mesh,
        compiler_params=pltpu.CompilerParams(needs_layout_passes=False),
        scratch_types=[
            pltpu.VMEM((NPER,), jnp.float32),
            pltpu.VMEM((EPER,), jnp.int32),
            pltpu.VMEM((EPER,), jnp.int32),
            pltpu.VMEM((EPER,), jnp.int32),
            pltpu.VMEM((EPER,), jnp.int32),
            pltpu.VMEM((4096,), jnp.int32),
            pltpu.VMEM((NPER,), jnp.int32),
            pltpu.VMEM((2 * NPER,), jnp.float32),
            pltpu.VMEM((NPER,), jnp.float32),
            pltpu.VMEM((NPER,), jnp.float32),
            pltpu.VMEM((EPER,), jnp.int32),
            pltpu.VMEM((EPER,), jnp.int32),
        ],
    )(_ph_body)
    px, py = ph(v, el)

    out = pl.pallas_call(
        _readout_body,
        out_shape=jax.ShapeDtypeStruct((NSEG, 10), jnp.float32),
    )(px, py, centers, cls_W, cls_b.reshape(1, -1))
    return out

# --- scband reference (transcript-rebuilt; emitter-appended) ---
"""Pipeline reference for scband-pershom-base-6828998001465 (READ-ONLY COPY).

The authoritative reference and input builder live on the scoring server;
editing this copy changes nothing except your own understanding.
"""

import jax, jax.numpy as jnp
import numpy as np

B = 16
NPER = 2048
TOTAL = B * NPER
D = 128
EPER = 8192
H = 64
K = 64
C = 10
SIGMA = 0.2

def _ph0_pairs_np(f, edges):
    # 0-dim sublevel-set vertex persistence via union-find (elder rule).
    # f: np.float32[n] vertex filtration values; edges: np.int64[E,2] local indices.
    n = f.shape[0]
    if edges.shape[0] == 0:
        z = np.zeros((0,), dtype=np.int64)
        return z, z
    ev = np.maximum(f[edges[:, 0]], f[edges[:, 1]])
    order = np.argsort(ev, kind='stable')
    parent = np.arange(n)
    birth = np.arange(n)
    def find(a):
        while parent[a] != a:
            parent[a] = parent[parent[a]]
            a = parent[a]
        return a
    pb = []
    pd = []
    for idx in order:
        a = int(edges[idx, 0]); b = int(edges[idx, 1])
        ra = find(a); rb = find(b)
        if ra == rb:
            continue
        ba = birth[ra]; bb = birth[rb]
        if f[ba] <= f[bb]:
            younger = bb
            parent[rb] = ra
            birth[ra] = ba
        else:
            younger = ba
            parent[ra] = rb
            birth[rb] = bb
        d = a if f[a] >= f[b] else b
        pb.append(int(younger)); pd.append(int(d))
    return np.asarray(pb, dtype=np.int64), np.asarray(pd, dtype=np.int64)

def _ph0_pairs_scan(f, ea, eb):
    # 0-dim sublevel-set vertex persistence via union-find (elder rule),
    # expressed as a scan over edges in stable filtration order.
    n = f.shape[0]
    ev = jnp.maximum(f[ea], f[eb])
    order = jnp.argsort(ev, stable=True)
    sa = ea[order].astype(jnp.int32)
    sb = eb[order].astype(jnp.int32)
    parent0 = jnp.arange(n, dtype=jnp.int32)
    birth0 = jnp.arange(n, dtype=jnp.int32)
    def find(parent, a):
        def cond(st):
            p, c = st
            return p[c] != c
        def body(st):
            p, c = st
            pc = p[p[c]]
            return p.at[c].set(pc), pc
        return jax.lax.while_loop(cond, body, (parent, a))
    def step(carry, ab):
        parent, birth = carry
        a, b = ab
        parent, ra = find(parent, a)
        parent, rb = find(parent, b)
        merged = ra != rb
        ba = birth[ra]; bb = birth[rb]
        elder = f[ba] <= f[bb]
        younger = jnp.where(elder, bb, ba)
        parent2 = parent.at[jnp.where(elder, rb, ra)].set(jnp.where(elder, ra, rb))
        birth2 = birth.at[jnp.where(elder, ra, rb)].set(jnp.where(elder, ba, bb))
        parent = jnp.where(merged, parent2, parent)
        birth = jnp.where(merged, birth2, birth)
        d = jnp.where(f[a] >= f[b], a, b)
        return (parent, birth), (merged, younger, d)
    _, (merged, pb, pd) = jax.lax.scan(step, (parent0, birth0), (sa, sb))
    return merged, pb, pd

def _vectorize(pairs, centers):
    # Gaussian structure elements over barcode points (differentiable readout).
    if pairs.shape[0] == 0:
        return jnp.zeros((centers.shape[0],), dtype=jnp.float32)
    diff = pairs[:, None, :] - centers[None, :, :]
    d2 = jnp.sum(diff * diff, axis=-1)
    return jnp.sum(jnp.exp(-d2 / (2.0 * SIGMA * SIGMA)), axis=0)

def _vectorize_masked(pairs, valid, centers):
    # Gaussian structure elements over barcode points; padded rows are
    # zeroed by the validity mask so they contribute exact additive zeros.
    diff = pairs[:, None, :] - centers[None, :, :]
    d2 = jnp.sum(diff * diff, axis=-1)
    g = jnp.exp(-d2 / (2.0 * SIGMA * SIGMA))
    return jnp.sum(g * valid[:, None].astype(g.dtype), axis=0)

def _node_filt(x, W1, b1, W2, b2):
    # self.fil: MLP producing a scalar filtration value in (0,1) per node.
    hmid = jax.nn.sigmoid(x @ W1 + b1)
    return jax.nn.sigmoid(hmid @ W2 + b2)[:, 0]

def setup_inputs(seed: int = 0):
    key = jax.random.key(seed)
    ks = jax.random.split(key, 8)
    x = jax.random.normal(ks[0], (TOTAL, D), dtype=jnp.float32)
    sample_pos = jnp.arange(B + 1, dtype=jnp.int32) * NPER
    e_loc = jax.random.randint(ks[1], (2, B, EPER), 0, NPER)
    offs = jnp.arange(B, dtype=jnp.int32) * NPER
    edge_index = (e_loc + offs[None, :, None]).reshape(2, B * EPER).astype(jnp.int64)
    W1 = jax.random.normal(ks[2], (D, H), dtype=jnp.float32) * 0.05
    b1 = jnp.zeros((H,), dtype=jnp.float32)
    W2 = jax.random.normal(ks[3], (H, 1), dtype=jnp.float32) * 0.05
    b2 = jnp.zeros((1,), dtype=jnp.float32)
    centers = jax.random.uniform(ks[4], (K, 2), dtype=jnp.float32)
    cls_W = jax.random.normal(ks[5], (2 * K, C), dtype=jnp.float32) * 0.05
    cls_b = jnp.zeros((C,), dtype=jnp.float32)
    return {"x": x, "sample_pos": sample_pos, "edge_index": edge_index, "W1": W1, "b1": b1, "W2": W2, "b2": b2, "centers": centers, "cls_W": cls_W, "cls_b": cls_b}

def reference(x, sample_pos, edge_index, W1, b1, W2, b2, centers, cls_W, cls_b):
    v_all = _node_filt(x, W1, b1, W2, b2)
    nseg = sample_pos.shape[0] - 1
    nper = x.shape[0] // nseg
    ecols = edge_index.shape[1] // nseg
    feats = []
    for s in range(nseg):
        i = sample_pos[s]
        e_blk = edge_index[:, s * ecols:(s + 1) * ecols]
        e_loc = (e_blk - i.astype(e_blk.dtype)).T
        ea = e_loc[:, 0]
        eb = e_loc[:, 1]
        v = jax.lax.dynamic_slice(v_all, (i,), (nper,))
        m0, y0, d0 = _ph0_pairs_scan(v, ea, eb)             # sublevel pers  -> h_0
        m1, y1, d1 = _ph0_pairs_scan(-v, ea, eb)            # superlevel pers (on -v)
        emax = ea.shape[0]
        cnt0 = jnp.cumsum(m0.astype(jnp.int32))
        P0 = cnt0[-1]
        slot0 = jnp.where(m0, cnt0 - 1, emax)
        h0 = jnp.zeros((emax, 2), dtype=v.dtype).at[slot0].set(
            jnp.stack([v[y0], v[d0]], axis=1), mode='drop')
        valid0 = jnp.arange(emax) < P0
        # original: cat([-x[:,1], -x[:,0]]).view(-1,2) where x are (-v)-pairs
        cnt1 = jnp.cumsum(m1.astype(jnp.int32))
        P1 = cnt1[-1]
        slot_d = jnp.where(m1, cnt1 - 1, 2 * emax)
        slot_b = jnp.where(m1, P1 + cnt1 - 1, 2 * emax)
        cc = jnp.zeros((2 * emax,), dtype=v.dtype).at[slot_d].set(
            v[d1], mode='drop').at[slot_b].set(v[y1], mode='drop')
        h1 = cc.reshape(-1, 2)
        valid1 = jnp.arange(emax) < P1
        feats.append(jnp.concatenate([_vectorize_masked(h0, valid0, centers),
                                      _vectorize_masked(h1, valid1, centers)], axis=0))
    F = jnp.stack(feats, axis=0)
    return F @ cls_W + cls_b

if __name__ == "__main__":
    import jax
    _d = setup_inputs()
    print(jax.jit(kernel)(*tuple(_d.values())))

</pallas_src>

<mosaic_0001>
#map = affine_map<(d0, d1) -> (0, 0)>
module attributes {stable_mosaic.version = 14 : i64} {
  func.func @_ph_body(%arg0: i32, %arg1: i32, %arg2: memref<16x2048xf32, #tpu.memory_space<hbm>>, %arg3: memref<32x8192xi32, #tpu.memory_space<hbm>>, %arg4: memref<32x2048xf32, #tpu.memory_space<hbm>>, %arg5: memref<32x2048xf32, #tpu.memory_space<hbm>>, %arg6: memref<2048xf32, #tpu.memory_space<vmem>>, %arg7: memref<8192xi32, #tpu.memory_space<vmem>>, %arg8: memref<8192xi32, #tpu.memory_space<vmem>>, %arg9: memref<8192xi32, #tpu.memory_space<vmem>>, %arg10: memref<8192xi32, #tpu.memory_space<vmem>>, %arg11: memref<4096xi32, #tpu.memory_space<vmem>>, %arg12: memref<2048xi32, #tpu.memory_space<vmem>>, %arg13: memref<4096xf32, #tpu.memory_space<vmem>>, %arg14: memref<2048xf32, #tpu.memory_space<vmem>>, %arg15: memref<2048xf32, #tpu.memory_space<vmem>>, %arg16: memref<8192xi32, #tpu.memory_space<vmem>>, %arg17: memref<8192xi32, #tpu.memory_space<vmem>>) attributes {dimension_semantics = [#tpu.dimension_semantics<core_parallel>, #tpu.dimension_semantics<subcore_parallel>], iteration_bounds = array<i64: 2, 16>, scalar_prefetch = 0 : i64, scratch_operands = 12 : i64, tpu.core_type = #tpu.core_type<sc_vector_subcore>, window_params = [{transform_indices = #map}, {transform_indices = #map}, {transform_indices = #map}, {transform_indices = #map}]} {
    %mul3A = arith.constant 2 : i32
    %mul3A_0 = arith.muli %arg1, %mul3A : i32
    %add3A = arith.addi %mul3A_0, %arg0 : i32
    %jit3A = arith.constant 16 : i32
    %eq3A = arith.constant 0 : i32
    %eq3A_1 = arith.cmpi eq, %jit3A, %eq3A : i32
    %jit3A_2 = arith.constant 1 : i32
    %select_n3A = arith.select %eq3A_1, %jit3A_2, %jit3A : i32
    %rem3A = arith.remsi %add3A, %select_n3A : i32
    %ne3A = arith.constant 0 : i32
    %ne3A_3 = arith.cmpi ne, %rem3A, %ne3A : i32
    %lt3A = arith.constant 0 : i32
    %lt3A_4 = arith.cmpi slt, %rem3A, %lt3A : i32
    %lt3A_5 = arith.constant 0 : i32
    %lt3A_6 = arith.cmpi slt, %select_n3A, %lt3A_5 : i32
    %ne3A_7 = arith.xori %lt3A_4, %lt3A_6 : i1
    %and3A = arith.andi %ne3A_7, %ne3A_3 : i1
    %add3A_8 = arith.addi %rem3A, %select_n3A : i32
    %select_n3A_9 = arith.select %and3A, %add3A_8, %rem3A : i32
    %jit3A_10 = arith.constant 16 : i32
    %div3A = arith.divsi %add3A, %jit3A_10 : i32
    %sign3A = arith.constant 0 : i32
    %sign3A_11 = arith.cmpi sgt, %add3A, %sign3A : i32
    %sign3A_12 = arith.extui %sign3A_11 : i1 to i32
    %sign3A_13 = arith.constant 0 : i32
    %sign3A_14 = arith.cmpi slt, %add3A, %sign3A_13 : i32
    %sign3A_15 = arith.extui %sign3A_14 : i1 to i32
    %sign3A_16 = arith.subi %sign3A_12, %sign3A_15 : i32
    %sign3A_17 = arith.constant 0 : i32
    %sign3A_18 = arith.cmpi sgt, %jit3A_10, %sign3A_17 : i32
    %sign3A_19 = arith.extui %sign3A_18 : i1 to i32
    %sign3A_20 = arith.constant 0 : i32
    %sign3A_21 = arith.cmpi slt, %jit3A_10, %sign3A_20 : i32
    %sign3A_22 = arith.extui %sign3A_21 : i1 to i32
    %sign3A_23 = arith.subi %sign3A_19, %sign3A_22 : i32
    %ne3A_24 = arith.cmpi ne, %sign3A_16, %sign3A_23 : i32
    %rem3A_25 = arith.remsi %add3A, %jit3A_10 : i32
    %ne3A_26 = arith.constant 0 : i32
    %ne3A_27 = arith.cmpi ne, %rem3A_25, %ne3A_26 : i32
    %and3A_28 = arith.andi %ne3A_24, %ne3A_27 : i1
    %sub3A = arith.constant 1 : i32
    %sub3A_29 = arith.subi %div3A, %sub3A : i32
    %select_n3A_30 = arith.select %and3A_28, %sub3A_29, %div3A : i32
    %eq3A_31 = arith.constant 0 : i32
    %eq3A_32 = arith.cmpi eq, %select_n3A_30, %eq3A_31 : i32
    %jit3A_33 = arith.constant 1.000000e+00 : f32
    %jit3A_34 = arith.constant -1.000000e+00 : f32
    %select_n3A_35 = arith.select %eq3A_32, %jit3A_33, %jit3A_34 : f32
    %mul3A_36 = arith.constant 2048 : i32
    %mul3A_37 = arith.muli %select_n3A_9, %mul3A_36 : i32
    %iota3A = tpu.iota {dimensions = array<i32: 0>} : vector<16xi32>
    %broadcast_in_dim3A = arith.constant 1 : i32
    %broadcast_in_dim3A_38 = vector.broadcast %broadcast_in_dim3A : i32 to vector<16xi32>
    "tpu.region"() ({
      %run_scoped3A = tpu.sem_alloc : memref<!tpu.dma_semaphore, #tpu.memory_space<semaphore_mem>>
      %dma_start3A = arith.constant 0 : i32
      %dma_start3A_195 = tpu.memref_slice %arg2[%select_n3A_9, %dma_start3A] : memref<16x2048xf32, #tpu.memory_space<hbm>> -> memref<1x2048xf32, #tpu.memory_space<hbm>>
      %dma_start3A_196 = tpu.memref_squeeze %dma_start3A_195 : memref<1x2048xf32, #tpu.memory_space<hbm>> -> memref<2048xf32, #tpu.memory_space<hbm>>
      %dma_start3A_197 = arith.constant 0 : i32
      %dma_start3A_198 = tpu.memref_slice %arg2[%select_n3A_9, %dma_start3A_197] : memref<16x2048xf32, #tpu.memory_space<hbm>> -> memref<1x2048xf32, #tpu.memory_space<hbm>>
      %dma_start3A_199 = tpu.memref_squeeze %dma_start3A_198 : memref<1x2048xf32, #tpu.memory_space<hbm>> -> memref<2048xf32, #tpu.memory_space<hbm>>
      tpu.enqueue_dma source(%dma_start3A_199 : memref<2048xf32, #tpu.memory_space<hbm>>) target(%arg6 : memref<2048xf32, #tpu.memory_space<vmem>>) target_semaphore(%run_scoped3A : memref<!tpu.dma_semaphore, #tpu.memory_space<semaphore_mem>>)
      %dma_wait3A = arith.constant 0 : i32
      %dma_wait3A_200 = tpu.memref_slice %arg2[%select_n3A_9, %dma_wait3A] : memref<16x2048xf32, #tpu.memory_space<hbm>> -> memref<1x2048xf32, #tpu.memory_space<hbm>>
      %dma_wait3A_201 = tpu.memref_squeeze %dma_wait3A_200 : memref<1x2048xf32, #tpu.memory_space<hbm>> -> memref<2048xf32, #tpu.memory_space<hbm>>
      %dma_wait3A_202 = arith.constant 0 : i32
      %dma_wait3A_203 = tpu.memref_slice %arg2[%select_n3A_9, %dma_wait3A_202] : memref<16x2048xf32, #tpu.memory_space<hbm>> -> memref<1x2048xf32, #tpu.memory_space<hbm>>
      %dma_wait3A_204 = tpu.memref_squeeze %dma_wait3A_203 : memref<1x2048xf32, #tpu.memory_space<hbm>> -> memref<2048xf32, #tpu.memory_space<hbm>>
      tpu.wait_dma2 semaphore(%run_scoped3A : memref<!tpu.dma_semaphore, #tpu.memory_space<semaphore_mem>>) src(%dma_wait3A_204 : memref<2048xf32, #tpu.memory_space<hbm>>) dst(%arg6 : memref<2048xf32, #tpu.memory_space<vmem>>)
      tpu.yield
    }) : () -> ()
    "tpu.region"() ({
      %run_scoped3A = tpu.sem_alloc : memref<!tpu.dma_semaphore, #tpu.memory_space<semaphore_mem>>
      %dma_start3A = arith.constant 0 : i32
      %dma_start3A_195 = tpu.memref_slice %arg3[%select_n3A_9, %dma_start3A] : memref<32x8192xi32, #tpu.memory_space<hbm>> -> memref<1x8192xi32, #tpu.memory_space<hbm>>
      %dma_start3A_196 = tpu.memref_squeeze %dma_start3A_195 : memref<1x8192xi32, #tpu.memory_space<hbm>> -> memref<8192xi32, #tpu.memory_space<hbm>>
      %dma_start3A_197 = arith.constant 0 : i32
      %dma_start3A_198 = tpu.memref_slice %arg3[%select_n3A_9, %dma_start3A_197] : memref<32x8192xi32, #tpu.memory_space<hbm>> -> memref<1x8192xi32, #tpu.memory_space<hbm>>
      %dma_start3A_199 = tpu.memref_squeeze %dma_start3A_198 : memref<1x8192xi32, #tpu.memory_space<hbm>> -> memref<8192xi32, #tpu.memory_space<hbm>>
      tpu.enqueue_dma source(%dma_start3A_199 : memref<8192xi32, #tpu.memory_space<hbm>>) target(%arg16 : memref<8192xi32, #tpu.memory_space<vmem>>) target_semaphore(%run_scoped3A : memref<!tpu.dma_semaphore, #tpu.memory_space<semaphore_mem>>)
      %dma_wait3A = arith.constant 0 : i32
      %dma_wait3A_200 = tpu.memref_slice %arg3[%select_n3A_9, %dma_wait3A] : memref<32x8192xi32, #tpu.memory_space<hbm>> -> memref<1x8192xi32, #tpu.memory_space<hbm>>
      %dma_wait3A_201 = tpu.memref_squeeze %dma_wait3A_200 : memref<1x8192xi32, #tpu.memory_space<hbm>> -> memref<8192xi32, #tpu.memory_space<hbm>>
      %dma_wait3A_202 = arith.constant 0 : i32
      %dma_wait3A_203 = tpu.memref_slice %arg3[%select_n3A_9, %dma_wait3A_202] : memref<32x8192xi32, #tpu.memory_space<hbm>> -> memref<1x8192xi32, #tpu.memory_space<hbm>>
      %dma_wait3A_204 = tpu.memref_squeeze %dma_wait3A_203 : memref<1x8192xi32, #tpu.memory_space<hbm>> -> memref<8192xi32, #tpu.memory_space<hbm>>
      tpu.wait_dma2 semaphore(%run_scoped3A : memref<!tpu.dma_semaphore, #tpu.memory_space<semaphore_mem>>) src(%dma_wait3A_204 : memref<8192xi32, #tpu.memory_space<hbm>>) dst(%arg16 : memref<8192xi32, #tpu.memory_space<vmem>>)
      tpu.yield
    }) : () -> ()
    %add3A_39 = arith.constant 16 : i32
    %add3A_40 = arith.addi %add3A_39, %select_n3A_9 : i32
    "tpu.region"() ({
      %run_scoped3A = tpu.sem_alloc : memref<!tpu.dma_semaphore, #tpu.memory_space<semaphore_mem>>
      %dma_start3A = arith.constant 0 : i32
      %dma_start3A_195 = tpu.memref_slice %arg3[%add3A_40, %dma_start3A] : memref<32x8192xi32, #tpu.memory_space<hbm>> -> memref<1x8192xi32, #tpu.memory_space<hbm>>
      %dma_start3A_196 = tpu.memref_squeeze %dma_start3A_195 : memref<1x8192xi32, #tpu.memory_space<hbm>> -> memref<8192xi32, #tpu.memory_space<hbm>>
      %dma_start3A_197 = arith.constant 0 : i32
      %dma_start3A_198 = tpu.memref_slice %arg3[%add3A_40, %dma_start3A_197] : memref<32x8192xi32, #tpu.memory_space<hbm>> -> memref<1x8192xi32, #tpu.memory_space<hbm>>
      %dma_start3A_199 = tpu.memref_squeeze %dma_start3A_198 : memref<1x8192xi32, #tpu.memory_space<hbm>> -> memref<8192xi32, #tpu.memory_space<hbm>>
      tpu.enqueue_dma source(%dma_start3A_199 : memref<8192xi32, #tpu.memory_space<hbm>>) target(%arg17 : memref<8192xi32, #tpu.memory_space<vmem>>) target_semaphore(%run_scoped3A : memref<!tpu.dma_semaphore, #tpu.memory_space<semaphore_mem>>)
      %dma_wait3A = arith.constant 0 : i32
      %dma_wait3A_200 = tpu.memref_slice %arg3[%add3A_40, %dma_wait3A] : memref<32x8192xi32, #tpu.memory_space<hbm>> -> memref<1x8192xi32, #tpu.memory_space<hbm>>
      %dma_wait3A_201 = tpu.memref_squeeze %dma_wait3A_200 : memref<1x8192xi32, #tpu.memory_space<hbm>> -> memref<8192xi32, #tpu.memory_space<hbm>>
      %dma_wait3A_202 = arith.constant 0 : i32
      %dma_wait3A_203 = tpu.memref_slice %arg3[%add3A_40, %dma_wait3A_202] : memref<32x8192xi32, #tpu.memory_space<hbm>> -> memref<1x8192xi32, #tpu.memory_space<hbm>>
      %dma_wait3A_204 = tpu.memref_squeeze %dma_wait3A_203 : memref<1x8192xi32, #tpu.memory_space<hbm>> -> memref<8192xi32, #tpu.memory_space<hbm>>
      tpu.wait_dma2 semaphore(%run_scoped3A : memref<!tpu.dma_semaphore, #tpu.memory_space<semaphore_mem>>) src(%dma_wait3A_204 : memref<8192xi32, #tpu.memory_space<hbm>>) dst(%arg17 : memref<8192xi32, #tpu.memory_space<vmem>>)
      tpu.yield
    }) : () -> ()
    %scan3A = arith.constant 0 : i32
    %scan3A_41 = arith.constant 0 : i32
    %scan3A_42 = arith.constant 512 : i32
    %scan3A_43 = arith.addi %scan3A_41, %scan3A_42 : i32
    %scan3A_44 = arith.constant 1 : i32
    %scan3A_45 = scf.for %scan3A_195 = %scan3A_41 to %scan3A_43 step %scan3A_44 iter_args(%scan3A_196 = %scan3A) -> (i32)  : i32 {
      %mul3A_197 = arith.constant 16 : i32
      %mul3A_198 = arith.muli %scan3A_195, %mul3A_197 : i32
      %get3A = arith.index_cast %mul3A_198 : i32 to index
      %get3A_199 = tpu.vector_load %arg16[%get3A] {strides = array<i32>} : memref<8192xi32, #tpu.memory_space<vmem>>, vector<16xi32>,
      %sub3A_200 = vector.broadcast %mul3A_37 : i32 to vector<16xi32>
      %sub3A_201 = arith.subi %get3A_199, %sub3A_200 : vector<16xi32>
      %mul3A_202 = arith.constant 16 : i32
      %mul3A_203 = arith.muli %scan3A_195, %mul3A_202 : i32
      %get3A_204 = arith.index_cast %mul3A_203 : i32 to index
      %get3A_205 = tpu.vector_load %arg17[%get3A_204] {strides = array<i32>} : memref<8192xi32, #tpu.memory_space<vmem>>, vector<16xi32>,
      %sub3A_206 = vector.broadcast %mul3A_37 : i32 to vector<16xi32>
      %sub3A_207 = arith.subi %get3A_205, %sub3A_206 : vector<16xi32>
      %gather3A = tpu.vector_load_idx %arg6[%sub3A_201] : memref<2048xf32, #tpu.memory_space<vmem>>[vector<16xi32>], vector<16xf32>,
      %mul3A_208 = vector.broadcast %select_n3A_35 : f32 to vector<16xf32>
      %mul3A_209 = arith.mulf %gather3A, %mul3A_208 : vector<16xf32>
      %gather3A_210 = tpu.vector_load_idx %arg6[%sub3A_207] : memref<2048xf32, #tpu.memory_space<vmem>>[vector<16xi32>], vector<16xf32>,
      %mul3A_211 = vector.broadcast %select_n3A_35 : f32 to vector<16xf32>
      %mul3A_212 = arith.mulf %gather3A_210, %mul3A_211 : vector<16xf32>
      %max3A = arith.maximumf %mul3A_209, %mul3A_212 : vector<16xf32>
      %bitcast_convert_type3A = tpu.bitcast %max3A : vector<16xf32> -> vector<16xi32>
      %lt3A_213 = arith.constant 0 : i32
      %lt3A_214 = vector.broadcast %lt3A_213 : i32 to vector<16xi32>
      %lt3A_215 = arith.cmpi slt, %bitcast_convert_type3A, %lt3A_214 : vector<16xi32>
      %not3A = arith.constant dense<-1> : vector<16xi32>
      %not3A_216 = arith.xori %bitcast_convert_type3A, %not3A : vector<16xi32>
      %xor3A = arith.constant -2147483648 : i32
      %xor3A_217 = vector.broadcast %xor3A : i32 to vector<16xi32>
      %xor3A_218 = arith.xori %bitcast_convert_type3A, %xor3A_217 : vector<16xi32>
      %select_n3A_219 = arith.select %lt3A_215, %not3A_216, %xor3A_218 : vector<16xi1>, vector<16xi32>
      %mul3A_220 = arith.constant 16 : i32
      %mul3A_221 = arith.muli %scan3A_195, %mul3A_220 : i32
      %swap3A = arith.index_cast %mul3A_221 : i32 to index
      %swap3A_222 = tpu.vector_load %arg7[%swap3A] {strides = array<i32>} : memref<8192xi32, #tpu.memory_space<vmem>>, vector<16xi32>,
      tpu.vector_store %arg7[%swap3A], %select_n3A_219 {strides = array<i32>} : memref<8192xi32, #tpu.memory_space<vmem>>, vector<16xi32>,
      %shift_left3A = arith.constant 11 : i32
      %shift_left3A_223 = vector.broadcast %shift_left3A : i32 to vector<16xi32>
      %shift_left3A_224 = arith.shli %sub3A_207, %shift_left3A_223 : vector<16xi32>
      %or3A_225 = arith.ori %sub3A_201, %shift_left3A_224 : vector<16xi32>
      %mul3A_226 = arith.constant 16 : i32
      %mul3A_227 = arith.muli %scan3A_195, %mul3A_226 : i32
      %swap3A_228 = arith.index_cast %mul3A_227 : i32 to index
      %swap3A_229 = tpu.vector_load %arg8[%swap3A_228] {strides = array<i32>} : memref<8192xi32, #tpu.memory_space<vmem>>, vector<16xi32>,
      tpu.vector_store %arg8[%swap3A_228], %or3A_225 {strides = array<i32>} : memref<8192xi32, #tpu.memory_space<vmem>>, vector<16xi32>,
      %scan3A_230 = arith.constant 0 : i32
      scf.yield %scan3A_230 : i32
    }
    %scan3A_46 = arith.constant 512 : i32
    %scan3A_47 = arith.constant 0 : i32
    %scan3A_48 = arith.constant 0 : i32
    %scan3A_49 = arith.constant 256 : i32
    %scan3A_50 = arith.addi %scan3A_48, %scan3A_49 : i32
    %scan3A_51 = arith.constant 1 : i32
    %scan3A_52 = scf.for %scan3A_195 = %scan3A_48 to %scan3A_50 step %scan3A_51 iter_args(%scan3A_196 = %scan3A_47) -> (i32)  : i32 {
      %broadcast_in_dim3A_197 = arith.constant 0 : i32
      %broadcast_in_dim3A_198 = vector.broadcast %broadcast_in_dim3A_197 : i32 to vector<16xi32>
      %mul3A_199 = arith.constant 16 : i32
      %mul3A_200 = arith.muli %scan3A_195, %mul3A_199 : i32
      %swap3A = arith.index_cast %mul3A_200 : i32 to index
      %swap3A_201 = tpu.vector_load %arg11[%swap3A] {strides = array<i32>} : memref<4096xi32, #tpu.memory_space<vmem>>, vector<16xi32>,
      tpu.vector_store %arg11[%swap3A], %broadcast_in_dim3A_198 {strides = array<i32>} : memref<4096xi32, #tpu.memory_space<vmem>>, vector<16xi32>,
      %scan3A_202 = arith.constant 0 : i32
      scf.yield %scan3A_202 : i32
    }
    %scan3A_53 = arith.constant 256 : i32
    %scan3A_54 = arith.constant 0 : i32
    %scan3A_55 = arith.constant 0 : i32
    %scan3A_56 = arith.constant 512 : i32
    %scan3A_57 = arith.addi %scan3A_55, %scan3A_56 : i32
    %scan3A_58 = arith.constant 1 : i32
    %scan3A_59 = scf.for %scan3A_195 = %scan3A_55 to %scan3A_57 step %scan3A_58 iter_args(%scan3A_196 = %scan3A_54) -> (i32)  : i32 {
      %mul3A_197 = arith.constant 512 : i32
      %mul3A_198 = vector.broadcast %mul3A_197 : i32 to vector<16xi32>
      %mul3A_199 = arith.muli %iota3A, %mul3A_198 : vector<16xi32>
      %add3A_200 = vector.broadcast %scan3A_195 : i32 to vector<16xi32>
      %add3A_201 = arith.addi %mul3A_199, %add3A_200 : vector<16xi32>
      %gather3A = tpu.vector_load_idx %arg7[%add3A_201] : memref<8192xi32, #tpu.memory_space<vmem>>[vector<16xi32>], vector<16xi32>,
      %shift_right_logical3A = arith.constant 0 : i32
      %shift_right_logical3A_202 = vector.broadcast %shift_right_logical3A : i32 to vector<16xi32>
      %shift_right_logical3A_203 = arith.shrui %gather3A, %shift_right_logical3A_202 : vector<16xi32>
      %and3A_204 = arith.constant 255 : i32
      %and3A_205 = vector.broadcast %and3A_204 : i32 to vector<16xi32>
      %and3A_206 = arith.andi %shift_right_logical3A_203, %and3A_205 : vector<16xi32>
      %mul3A_207 = arith.constant 16 : i32
      %mul3A_208 = vector.broadcast %mul3A_207 : i32 to vector<16xi32>
      %mul3A_209 = arith.muli %and3A_206, %mul3A_208 : vector<16xi32>
      %add3A_210 = arith.addi %mul3A_209, %iota3A : vector<16xi32>
      tpu.vector_store_idx %arg11[%add3A_210], %broadcast_in_dim3A_38 {add = true} : memref<4096xi32, #tpu.memory_space<vmem>>[vector<16xi32>], vector<16xi32>,
      %scan3A_211 = arith.constant 0 : i32
      scf.yield %scan3A_211 : i32
    }
    %scan3A_60 = arith.constant 512 : i32
    %scan3A_61 = arith.constant 0 : i32
    %scan3A_62 = arith.constant 0 : i32
    %scan3A_63 = arith.constant 256 : i32
    %scan3A_64 = arith.addi %scan3A_62, %scan3A_63 : i32
    %scan3A_65 = arith.constant 1 : i32
    %scan3A_66 = scf.for %scan3A_195 = %scan3A_62 to %scan3A_64 step %scan3A_65 iter_args(%scan3A_196 = %scan3A_61) -> (i32)  : i32 {
      %mul3A_197 = arith.constant 16 : i32
      %mul3A_198 = arith.muli %scan3A_195, %mul3A_197 : i32
      %get3A = arith.index_cast %mul3A_198 : i32 to index
      %get3A_199 = tpu.vector_load %arg11[%get3A] {strides = array<i32>} : memref<4096xi32, #tpu.memory_space<vmem>>, vector<16xi32>,
      %broadcast_in_dim3A_200 = arith.constant true
      %broadcast_in_dim3A_201 = vector.broadcast %broadcast_in_dim3A_200 : i1 to vector<16xi1>
      %masked_cumsum3A = tpu.scan <sum>, %get3A_199 masked %broadcast_in_dim3A_201 : vector<16xi32>, vector<16xi1> -> vector<16xi32>
      %sub3A_202 = arith.subi %masked_cumsum3A, %get3A_199 : vector<16xi32>
      %add3A_203 = vector.broadcast %scan3A_196 : i32 to vector<16xi32>
      %add3A_204 = arith.addi %sub3A_202, %add3A_203 : vector<16xi32>
      %mul3A_205 = arith.constant 16 : i32
      %mul3A_206 = arith.muli %scan3A_195, %mul3A_205 : i32
      %swap3A = arith.index_cast %mul3A_206 : i32 to index
      %swap3A_207 = tpu.vector_load %arg11[%swap3A] {strides = array<i32>} : memref<4096xi32, #tpu.memory_space<vmem>>, vector<16xi32>,
      tpu.vector_store %arg11[%swap3A], %add3A_204 {strides = array<i32>} : memref<4096xi32, #tpu.memory_space<vmem>>, vector<16xi32>,
      %reduce_sum3A = arith.constant true
      %reduce_sum3A_208 = vector.broadcast %reduce_sum3A : i1 to vector<16xi1>
      %reduce_sum3A_209 = tpu.scan <sum>, %get3A_199 masked %reduce_sum3A_208 : vector<16xi32>, vector<16xi1> -> vector<16xi32>
      %reduce_sum3A_210 = vector.extract %reduce_sum3A_209[15] : i32 from vector<16xi32>
      %add3A_211 = arith.addi %scan3A_196, %reduce_sum3A_210 : i32
      scf.yield %add3A_211 : i32
    }
    %scan3A_67 = arith.constant 256 : i32
    %scan3A_68 = arith.constant 0 : i32
    %scan3A_69 = arith.constant 0 : i32
    %scan3A_70 = arith.constant 512 : i32
    %scan3A_71 = arith.addi %scan3A_69, %scan3A_70 : i32
    %scan3A_72 = arith.constant 1 : i32
    %scan3A_73 = scf.for %scan3A_195 = %scan3A_69 to %scan3A_71 step %scan3A_72 iter_args(%scan3A_196 = %scan3A_68) -> (i32)  : i32 {
      %mul3A_197 = arith.constant 512 : i32
      %mul3A_198 = vector.broadcast %mul3A_197 : i32 to vector<16xi32>
      %mul3A_199 = arith.muli %iota3A, %mul3A_198 : vector<16xi32>
      %add3A_200 = vector.broadcast %scan3A_195 : i32 to vector<16xi32>
      %add3A_201 = arith.addi %mul3A_199, %add3A_200 : vector<16xi32>
      %gather3A = tpu.vector_load_idx %arg7[%add3A_201] : memref<8192xi32, #tpu.memory_space<vmem>>[vector<16xi32>], vector<16xi32>,
      %gather3A_202 = tpu.vector_load_idx %arg8[%add3A_201] : memref<8192xi32, #tpu.memory_space<vmem>>[vector<16xi32>], vector<16xi32>,
      %shift_right_logical3A = arith.constant 0 : i32
      %shift_right_logical3A_203 = vector.broadcast %shift_right_logical3A : i32 to vector<16xi32>
      %shift_right_logical3A_204 = arith.shrui %gather3A, %shift_right_logical3A_203 : vector<16xi32>
      %and3A_205 = arith.constant 255 : i32
      %and3A_206 = vector.broadcast %and3A_205 : i32 to vector<16xi32>
      %and3A_207 = arith.andi %shift_right_logical3A_204, %and3A_206 : vector<16xi32>
      %mul3A_208 = arith.constant 16 : i32
      %mul3A_209 = vector.broadcast %mul3A_208 : i32 to vector<16xi32>
      %mul3A_210 = arith.muli %and3A_207, %mul3A_209 : vector<16xi32>
      %add3A_211 = arith.addi %mul3A_210, %iota3A : vector<16xi32>
      %gather3A_212 = tpu.vector_load_idx %arg11[%add3A_211] : memref<4096xi32, #tpu.memory_space<vmem>>[vector<16xi32>], vector<16xi32>,
      %add3A_213 = arith.constant 1 : i32
      %add3A_214 = vector.broadcast %add3A_213 : i32 to vector<16xi32>
      %add3A_215 = arith.addi %gather3A_212, %add3A_214 : vector<16xi32>
      tpu.vector_store_idx %arg11[%add3A_211], %add3A_215 : memref<4096xi32, #tpu.memory_space<vmem>>[vector<16xi32>], vector<16xi32>,
      tpu.vector_store_idx %arg9[%gather3A_212], %gather3A : memref<8192xi32, #tpu.memory_space<vmem>>[vector<16xi32>], vector<16xi32>,
      tpu.vector_store_idx %arg10[%gather3A_212], %gather3A_202 : memref<8192xi32, #tpu.memory_space<vmem>>[vector<16xi32>], vector<16xi32>,
      %scan3A_216 = arith.constant 0 : i32
      scf.yield %scan3A_216 : i32
    }
    %scan3A_74 = arith.constant 512 : i32
    %scan3A_75 = arith.constant 0 : i32
    %scan3A_76 = arith.constant 0 : i32
    %scan3A_77 = arith.constant 256 : i32
    %scan3A_78 = arith.addi %scan3A_76, %scan3A_77 : i32
    %scan3A_79 = arith.constant 1 : i32
    %scan3A_80 = scf.for %scan3A_195 = %scan3A_76 to %scan3A_78 step %scan3A_79 iter_args(%scan3A_196 = %scan3A_75) -> (i32)  : i32 {
      %broadcast_in_dim3A_197 = arith.constant 0 : i32
      %broadcast_in_dim3A_198 = vector.broadcast %broadcast_in_dim3A_197 : i32 to vector<16xi32>
      %mul3A_199 = arith.constant 16 : i32
      %mul3A_200 = arith.muli %scan3A_195, %mul3A_199 : i32
      %swap3A = arith.index_cast %mul3A_200 : i32 to index
      %swap3A_201 = tpu.vector_load %arg11[%swap3A] {strides = array<i32>} : memref<4096xi32, #tpu.memory_space<vmem>>, vector<16xi32>,
      tpu.vector_store %arg11[%swap3A], %broadcast_in_dim3A_198 {strides = array<i32>} : memref<4096xi32, #tpu.memory_space<vmem>>, vector<16xi32>,
      %scan3A_202 = arith.constant 0 : i32
      scf.yield %scan3A_202 : i32
    }
    %scan3A_81 = arith.constant 256 : i32
    %scan3A_82 = arith.constant 0 : i32
    %scan3A_83 = arith.constant 0 : i32
    %scan3A_84 = arith.constant 512 : i32
    %scan3A_85 = arith.addi %scan3A_83, %scan3A_84 : i32
    %scan3A_86 = arith.constant 1 : i32
    %scan3A_87 = scf.for %scan3A_195 = %scan3A_83 to %scan3A_85 step %scan3A_86 iter_args(%scan3A_196 = %scan3A_82) -> (i32)  : i32 {
      %mul3A_197 = arith.constant 512 : i32
      %mul3A_198 = vector.broadcast %mul3A_197 : i32 to vector<16xi32>
      %mul3A_199 = arith.muli %iota3A, %mul3A_198 : vector<16xi32>
      %add3A_200 = vector.broadcast %scan3A_195 : i32 to vector<16xi32>
      %add3A_201 = arith.addi %mul3A_199, %add3A_200 : vector<16xi32>
      %gather3A = tpu.vector_load_idx %arg9[%add3A_201] : memref<8192xi32, #tpu.memory_space<vmem>>[vector<16xi32>], vector<16xi32>,
      %shift_right_logical3A = arith.constant 8 : i32
      %shift_right_logical3A_202 = vector.broadcast %shift_right_logical3A : i32 to vector<16xi32>
      %shift_right_logical3A_203 = arith.shrui %gather3A, %shift_right_logical3A_202 : vector<16xi32>
      %and3A_204 = arith.constant 255 : i32
      %and3A_205 = vector.broadcast %and3A_204 : i32 to vector<16xi32>
      %and3A_206 = arith.andi %shift_right_logical3A_203, %and3A_205 : vector<16xi32>
      %mul3A_207 = arith.constant 16 : i32
      %mul3A_208 = vector.broadcast %mul3A_207 : i32 to vector<16xi32>
      %mul3A_209 = arith.muli %and3A_206, %mul3A_208 : vector<16xi32>
      %add3A_210 = arith.addi %mul3A_209, %iota3A : vector<16xi32>
      tpu.vector_store_idx %arg11[%add3A_210], %broadcast_in_dim3A_38 {add = true} : memref<4096xi32, #tpu.memory_space<vmem>>[vector<16xi32>], vector<16xi32>,
      %scan3A_211 = arith.constant 0 : i32
      scf.yield %scan3A_211 : i32
    }
    %scan3A_88 = arith.constant 512 : i32
    %scan3A_89 = arith.constant 0 : i32
    %scan3A_90 = arith.constant 0 : i32
    %scan3A_91 = arith.constant 256 : i32
    %scan3A_92 = arith.addi %scan3A_90, %scan3A_91 : i32
    %scan3A_93 = arith.constant 1 : i32
    %scan3A_94 = scf.for %scan3A_195 = %scan3A_90 to %scan3A_92 step %scan3A_93 iter_args(%scan3A_196 = %scan3A_89) -> (i32)  : i32 {
      %mul3A_197 = arith.constant 16 : i32
      %mul3A_198 = arith.muli %scan3A_195, %mul3A_197 : i32
      %get3A = arith.index_cast %mul3A_198 : i32 to index
      %get3A_199 = tpu.vector_load %arg11[%get3A] {strides = array<i32>} : memref<4096xi32, #tpu.memory_space<vmem>>, vector<16xi32>,
      %broadcast_in_dim3A_200 = arith.constant true
      %broadcast_in_dim3A_201 = vector.broadcast %broadcast_in_dim3A_200 : i1 to vector<16xi1>
      %masked_cumsum3A = tpu.scan <sum>, %get3A_199 masked %broadcast_in_dim3A_201 : vector<16xi32>, vector<16xi1> -> vector<16xi32>
      %sub3A_202 = arith.subi %masked_cumsum3A, %get3A_199 : vector<16xi32>
      %add3A_203 = vector.broadcast %scan3A_196 : i32 to vector<16xi32>
      %add3A_204 = arith.addi %sub3A_202, %add3A_203 : vector<16xi32>
      %mul3A_205 = arith.constant 16 : i32
      %mul3A_206 = arith.muli %scan3A_195, %mul3A_205 : i32
      %swap3A = arith.index_cast %mul3A_206 : i32 to index
      %swap3A_207 = tpu.vector_load %arg11[%swap3A] {strides = array<i32>} : memref<4096xi32, #tpu.memory_space<vmem>>, vector<16xi32>,
      tpu.vector_store %arg11[%swap3A], %add3A_204 {strides = array<i32>} : memref<4096xi32, #tpu.memory_space<vmem>>, vector<16xi32>,
      %reduce_sum3A = arith.constant true
      %reduce_sum3A_208 = vector.broadcast %reduce_sum3A : i1 to vector<16xi1>
      %reduce_sum3A_209 = tpu.scan <sum>, %get3A_199 masked %reduce_sum3A_208 : vector<16xi32>, vector<16xi1> -> vector<16xi32>
      %reduce_sum3A_210 = vector.extract %reduce_sum3A_209[15] : i32 from vector<16xi32>
      %add3A_211 = arith.addi %scan3A_196, %reduce_sum3A_210 : i32
      scf.yield %add3A_211 : i32
    }
    %scan3A_95 = arith.constant 256 : i32
    %scan3A_96 = arith.constant 0 : i32
    %scan3A_97 = arith.constant 0 : i32
    %scan3A_98 = arith.constant 512 : i32
    %scan3A_99 = arith.addi %scan3A_97, %scan3A_98 : i32
    %scan3A_100 = arith.constant 1 : i32
    %scan3A_101 = scf.for %scan3A_195 = %scan3A_97 to %scan3A_99 step %scan3A_100 iter_args(%scan3A_196 = %scan3A_96) -> (i32)  : i32 {
      %mul3A_197 = arith.constant 512 : i32
      %mul3A_198 = vector.broadcast %mul3A_197 : i32 to vector<16xi32>
      %mul3A_199 = arith.muli %iota3A, %mul3A_198 : vector<16xi32>
      %add3A_200 = vector.broadcast %scan3A_195 : i32 to vector<16xi32>
      %add3A_201 = arith.addi %mul3A_199, %add3A_200 : vector<16xi32>
      %gather3A = tpu.vector_load_idx %arg9[%add3A_201] : memref<8192xi32, #tpu.memory_space<vmem>>[vector<16xi32>], vector<16xi32>,
      %gather3A_202 = tpu.vector_load_idx %arg10[%add3A_201] : memref<8192xi32, #tpu.memory_space<vmem>>[vector<16xi32>], vector<16xi32>,
      %shift_right_logical3A = arith.constant 8 : i32
      %shift_right_logical3A_203 = vector.broadcast %shift_right_logical3A : i32 to vector<16xi32>
      %shift_right_logical3A_204 = arith.shrui %gather3A, %shift_right_logical3A_203 : vector<16xi32>
      %and3A_205 = arith.constant 255 : i32
      %and3A_206 = vector.broadcast %and3A_205 : i32 to vector<16xi32>
      %and3A_207 = arith.andi %shift_right_logical3A_204, %and3A_206 : vector<16xi32>
      %mul3A_208 = arith.constant 16 : i32
      %mul3A_209 = vector.broadcast %mul3A_208 : i32 to vector<16xi32>
      %mul3A_210 = arith.muli %and3A_207, %mul3A_209 : vector<16xi32>
      %add3A_211 = arith.addi %mul3A_210, %iota3A : vector<16xi32>
      %gather3A_212 = tpu.vector_load_idx %arg11[%add3A_211] : memref<4096xi32, #tpu.memory_space<vmem>>[vector<16xi32>], vector<16xi32>,
      %add3A_213 = arith.constant 1 : i32
      %add3A_214 = vector.broadcast %add3A_213 : i32 to vector<16xi32>
      %add3A_215 = arith.addi %gather3A_212, %add3A_214 : vector<16xi32>
      tpu.vector_store_idx %arg11[%add3A_211], %add3A_215 : memref<4096xi32, #tpu.memory_space<vmem>>[vector<16xi32>], vector<16xi32>,
      tpu.vector_store_idx %arg7[%gather3A_212], %gather3A : memref<8192xi32, #tpu.memory_space<vmem>>[vector<16xi32>], vector<16xi32>,
      tpu.vector_store_idx %arg8[%gather3A_212], %gather3A_202 : memref<8192xi32, #tpu.memory_space<vmem>>[vector<16xi32>], vector<16xi32>,
      %scan3A_216 = arith.constant 0 : i32
      scf.yield %scan3A_216 : i32
    }
    %scan3A_102 = arith.constant 512 : i32
    %scan3A_103 = arith.constant 0 : i32
    %scan3A_104 = arith.constant 0 : i32
    %scan3A_105 = arith.constant 256 : i32
    %scan3A_106 = arith.addi %scan3A_104, %scan3A_105 : i32
    %scan3A_107 = arith.constant 1 : i32
    %scan3A_108 = scf.for %scan3A_195 = %scan3A_104 to %scan3A_106 step %scan3A_107 iter_args(%scan3A_196 = %scan3A_103) -> (i32)  : i32 {
      %broadcast_in_dim3A_197 = arith.constant 0 : i32
      %broadcast_in_dim3A_198 = vector.broadcast %broadcast_in_dim3A_197 : i32 to vector<16xi32>
      %mul3A_199 = arith.constant 16 : i32
      %mul3A_200 = arith.muli %scan3A_195, %mul3A_199 : i32
      %swap3A = arith.index_cast %mul3A_200 : i32 to index
      %swap3A_201 = tpu.vector_load %arg11[%swap3A] {strides = array<i32>} : memref<4096xi32, #tpu.memory_space<vmem>>, vector<16xi32>,
      tpu.vector_store %arg11[%swap3A], %broadcast_in_dim3A_198 {strides = array<i32>} : memref<4096xi32, #tpu.memory_space<vmem>>, vector<16xi32>,
      %scan3A_202 = arith.constant 0 : i32
      scf.yield %scan3A_202 : i32
    }
    %scan3A_109 = arith.constant 256 : i32
    %scan3A_110 = arith.constant 0 : i32
    %scan3A_111 = arith.constant 0 : i32
    %scan3A_112 = arith.constant 512 : i32
    %scan3A_113 = arith.addi %scan3A_111, %scan3A_112 : i32
    %scan3A_114 = arith.constant 1 : i32
    %scan3A_115 = scf.for %scan3A_195 = %scan3A_111 to %scan3A_113 step %scan3A_114 iter_args(%scan3A_196 = %scan3A_110) -> (i32)  : i32 {
      %mul3A_197 = arith.constant 512 : i32
      %mul3A_198 = vector.broadcast %mul3A_197 : i32 to vector<16xi32>
      %mul3A_199 = arith.muli %iota3A, %mul3A_198 : vector<16xi32>
      %add3A_200 = vector.broadcast %scan3A_195 : i32 to vector<16xi32>
      %add3A_201 = arith.addi %mul3A_199, %add3A_200 : vector<16xi32>
      %gather3A = tpu.vector_load_idx %arg7[%add3A_201] : memref<8192xi32, #tpu.memory_space<vmem>>[vector<16xi32>], vector<16xi32>,
      %shift_right_logical3A = arith.constant 16 : i32
      %shift_right_logical3A_202 = vector.broadcast %shift_right_logical3A : i32 to vector<16xi32>
      %shift_right_logical3A_203 = arith.shrui %gather3A, %shift_right_logical3A_202 : vector<16xi32>
      %and3A_204 = arith.constant 255 : i32
      %and3A_205 = vector.broadcast %and3A_204 : i32 to vector<16xi32>
      %and3A_206 = arith.andi %shift_right_logical3A_203, %and3A_205 : vector<16xi32>
      %mul3A_207 = arith.constant 16 : i32
      %mul3A_208 = vector.broadcast %mul3A_207 : i32 to vector<16xi32>
      %mul3A_209 = arith.muli %and3A_206, %mul3A_208 : vector<16xi32>
      %add3A_210 = arith.addi %mul3A_209, %iota3A : vector<16xi32>
      tpu.vector_store_idx %arg11[%add3A_210], %broadcast_in_dim3A_38 {add = true} : memref<4096xi32, #tpu.memory_space<vmem>>[vector<16xi32>], vector<16xi32>,
      %scan3A_211 = arith.constant 0 : i32
      scf.yield %scan3A_211 : i32
    }
    %scan3A_116 = arith.constant 512 : i32
    %scan3A_117 = arith.constant 0 : i32
    %scan3A_118 = arith.constant 0 : i32
    %scan3A_119 = arith.constant 256 : i32
    %scan3A_120 = arith.addi %scan3A_118, %scan3A_119 : i32
    %scan3A_121 = arith.constant 1 : i32
    %scan3A_122 = scf.for %scan3A_195 = %scan3A_118 to %scan3A_120 step %scan3A_121 iter_args(%scan3A_196 = %scan3A_117) -> (i32)  : i32 {
      %mul3A_197 = arith.constant 16 : i32
      %mul3A_198 = arith.muli %scan3A_195, %mul3A_197 : i32
      %get3A = arith.index_cast %mul3A_198 : i32 to index
      %get3A_199 = tpu.vector_load %arg11[%get3A] {strides = array<i32>} : memref<4096xi32, #tpu.memory_space<vmem>>, vector<16xi32>,
      %broadcast_in_dim3A_200 = arith.constant true
      %broadcast_in_dim3A_201 = vector.broadcast %broadcast_in_dim3A_200 : i1 to vector<16xi1>
      %masked_cumsum3A = tpu.scan <sum>, %get3A_199 masked %broadcast_in_dim3A_201 : vector<16xi32>, vector<16xi1> -> vector<16xi32>
      %sub3A_202 = arith.subi %masked_cumsum3A, %get3A_199 : vector<16xi32>
      %add3A_203 = vector.broadcast %scan3A_196 : i32 to vector<16xi32>
      %add3A_204 = arith.addi %sub3A_202, %add3A_203 : vector<16xi32>
      %mul3A_205 = arith.constant 16 : i32
      %mul3A_206 = arith.muli %scan3A_195, %mul3A_205 : i32
      %swap3A = arith.index_cast %mul3A_206 : i32 to index
      %swap3A_207 = tpu.vector_load %arg11[%swap3A] {strides = array<i32>} : memref<4096xi32, #tpu.memory_space<vmem>>, vector<16xi32>,
      tpu.vector_store %arg11[%swap3A], %add3A_204 {strides = array<i32>} : memref<4096xi32, #tpu.memory_space<vmem>>, vector<16xi32>,
      %reduce_sum3A = arith.constant true
      %reduce_sum3A_208 = vector.broadcast %reduce_sum3A : i1 to vector<16xi1>
      %reduce_sum3A_209 = tpu.scan <sum>, %get3A_199 masked %reduce_sum3A_208 : vector<16xi32>, vector<16xi1> -> vector<16xi32>
      %reduce_sum3A_210 = vector.extract %reduce_sum3A_209[15] : i32 from vector<16xi32>
      %add3A_211 = arith.addi %scan3A_196, %reduce_sum3A_210 : i32
      scf.yield %add3A_211 : i32
    }
    %scan3A_123 = arith.constant 256 : i32
    %scan3A_124 = arith.constant 0 : i32
    %scan3A_125 = arith.constant 0 : i32
    %scan3A_126 = arith.constant 512 : i32
    %scan3A_127 = arith.addi %scan3A_125, %scan3A_126 : i32
    %scan3A_128 = arith.constant 1 : i32
    %scan3A_129 = scf.for %scan3A_195 = %scan3A_125 to %scan3A_127 step %scan3A_128 iter_args(%scan3A_196 = %scan3A_124) -> (i32)  : i32 {
      %mul3A_197 = arith.constant 512 : i32
      %mul3A_198 = vector.broadcast %mul3A_197 : i32 to vector<16xi32>
      %mul3A_199 = arith.muli %iota3A, %mul3A_198 : vector<16xi32>
      %add3A_200 = vector.broadcast %scan3A_195 : i32 to vector<16xi32>
      %add3A_201 = arith.addi %mul3A_199, %add3A_200 : vector<16xi32>
      %gather3A = tpu.vector_load_idx %arg7[%add3A_201] : memref<8192xi32, #tpu.memory_space<vmem>>[vector<16xi32>], vector<16xi32>,
      %gather3A_202 = tpu.vector_load_idx %arg8[%add3A_201] : memref<8192xi32, #tpu.memory_space<vmem>>[vector<16xi32>], vector<16xi32>,
      %shift_right_logical3A = arith.constant 16 : i32
      %shift_right_logical3A_203 = vector.broadcast %shift_right_logical3A : i32 to vector<16xi32>
      %shift_right_logical3A_204 = arith.shrui %gather3A, %shift_right_logical3A_203 : vector<16xi32>
      %and3A_205 = arith.constant 255 : i32
      %and3A_206 = vector.broadcast %and3A_205 : i32 to vector<16xi32>
      %and3A_207 = arith.andi %shift_right_logical3A_204, %and3A_206 : vector<16xi32>
      %mul3A_208 = arith.constant 16 : i32
      %mul3A_209 = vector.broadcast %mul3A_208 : i32 to vector<16xi32>
      %mul3A_210 = arith.muli %and3A_207, %mul3A_209 : vector<16xi32>
      %add3A_211 = arith.addi %mul3A_210, %iota3A : vector<16xi32>
      %gather3A_212 = tpu.vector_load_idx %arg11[%add3A_211] : memref<4096xi32, #tpu.memory_space<vmem>>[vector<16xi32>], vector<16xi32>,
      %add3A_213 = arith.constant 1 : i32
      %add3A_214 = vector.broadcast %add3A_213 : i32 to vector<16xi32>
      %add3A_215 = arith.addi %gather3A_212, %add3A_214 : vector<16xi32>
      tpu.vector_store_idx %arg11[%add3A_211], %add3A_215 : memref<4096xi32, #tpu.memory_space<vmem>>[vector<16xi32>], vector<16xi32>,
      tpu.vector_store_idx %arg9[%gather3A_212], %gather3A : memref<8192xi32, #tpu.memory_space<vmem>>[vector<16xi32>], vector<16xi32>,
      tpu.vector_store_idx %arg10[%gather3A_212], %gather3A_202 : memref<8192xi32, #tpu.memory_space<vmem>>[vector<16xi32>], vector<16xi32>,
      %scan3A_216 = arith.constant 0 : i32
      scf.yield %scan3A_216 : i32
    }
    %scan3A_130 = arith.constant 512 : i32
    %scan3A_131 = arith.constant 0 : i32
    %scan3A_132 = arith.constant 0 : i32
    %scan3A_133 = arith.constant 256 : i32
    %scan3A_134 = arith.addi %scan3A_132, %scan3A_133 : i32
    %scan3A_135 = arith.constant 1 : i32
    %scan3A_136 = scf.for %scan3A_195 = %scan3A_132 to %scan3A_134 step %scan3A_135 iter_args(%scan3A_196 = %scan3A_131) -> (i32)  : i32 {
      %broadcast_in_dim3A_197 = arith.constant 0 : i32
      %broadcast_in_dim3A_198 = vector.broadcast %broadcast_in_dim3A_197 : i32 to vector<16xi32>
      %mul3A_199 = arith.constant 16 : i32
      %mul3A_200 = arith.muli %scan3A_195, %mul3A_199 : i32
      %swap3A = arith.index_cast %mul3A_200 : i32 to index
      %swap3A_201 = tpu.vector_load %arg11[%swap3A] {strides = array<i32>} : memref<4096xi32, #tpu.memory_space<vmem>>, vector<16xi32>,
      tpu.vector_store %arg11[%swap3A], %broadcast_in_dim3A_198 {strides = array<i32>} : memref<4096xi32, #tpu.memory_space<vmem>>, vector<16xi32>,
      %scan3A_202 = arith.constant 0 : i32
      scf.yield %scan3A_202 : i32
    }
    %scan3A_137 = arith.constant 256 : i32
    %scan3A_138 = arith.constant 0 : i32
    %scan3A_139 = arith.constant 0 : i32
    %scan3A_140 = arith.constant 512 : i32
    %scan3A_141 = arith.addi %scan3A_139, %scan3A_140 : i32
    %scan3A_142 = arith.constant 1 : i32
    %scan3A_143 = scf.for %scan3A_195 = %scan3A_139 to %scan3A_141 step %scan3A_142 iter_args(%scan3A_196 = %scan3A_138) -> (i32)  : i32 {
      %mul3A_197 = arith.constant 512 : i32
      %mul3A_198 = vector.broadcast %mul3A_197 : i32 to vector<16xi32>
      %mul3A_199 = arith.muli %iota3A, %mul3A_198 : vector<16xi32>
      %add3A_200 = vector.broadcast %scan3A_195 : i32 to vector<16xi32>
      %add3A_201 = arith.addi %mul3A_199, %add3A_200 : vector<16xi32>
      %gather3A = tpu.vector_load_idx %arg9[%add3A_201] : memref<8192xi32, #tpu.memory_space<vmem>>[vector<16xi32>], vector<16xi32>,
      %shift_right_logical3A = arith.constant 24 : i32
      %shift_right_logical3A_202 = vector.broadcast %shift_right_logical3A : i32 to vector<16xi32>
      %shift_right_logical3A_203 = arith.shrui %gather3A, %shift_right_logical3A_202 : vector<16xi32>
      %and3A_204 = arith.constant 255 : i32
      %and3A_205 = vector.broadcast %and3A_204 : i32 to vector<16xi32>
      %and3A_206 = arith.andi %shift_right_logical3A_203, %and3A_205 : vector<16xi32>
      %mul3A_207 = arith.constant 16 : i32
      %mul3A_208 = vector.broadcast %mul3A_207 : i32 to vector<16xi32>
      %mul3A_209 = arith.muli %and3A_206, %mul3A_208 : vector<16xi32>
      %add3A_210 = arith.addi %mul3A_209, %iota3A : vector<16xi32>
      tpu.vector_store_idx %arg11[%add3A_210], %broadcast_in_dim3A_38 {add = true} : memref<4096xi32, #tpu.memory_space<vmem>>[vector<16xi32>], vector<16xi32>,
      %scan3A_211 = arith.constant 0 : i32
      scf.yield %scan3A_211 : i32
    }
    %scan3A_144 = arith.constant 512 : i32
    %scan3A_145 = arith.constant 0 : i32
    %scan3A_146 = arith.constant 0 : i32
    %scan3A_147 = arith.constant 256 : i32
    %scan3A_148 = arith.addi %scan3A_146, %scan3A_147 : i32
    %scan3A_149 = arith.constant 1 : i32
    %scan3A_150 = scf.for %scan3A_195 = %scan3A_146 to %scan3A_148 step %scan3A_149 iter_args(%scan3A_196 = %scan3A_145) -> (i32)  : i32 {
      %mul3A_197 = arith.constant 16 : i32
      %mul3A_198 = arith.muli %scan3A_195, %mul3A_197 : i32
      %get3A = arith.index_cast %mul3A_198 : i32 to index
      %get3A_199 = tpu.vector_load %arg11[%get3A] {strides = array<i32>} : memref<4096xi32, #tpu.memory_space<vmem>>, vector<16xi32>,
      %broadcast_in_dim3A_200 = arith.constant true
      %broadcast_in_dim3A_201 = vector.broadcast %broadcast_in_dim3A_200 : i1 to vector<16xi1>
      %masked_cumsum3A = tpu.scan <sum>, %get3A_199 masked %broadcast_in_dim3A_201 : vector<16xi32>, vector<16xi1> -> vector<16xi32>
      %sub3A_202 = arith.subi %masked_cumsum3A, %get3A_199 : vector<16xi32>
      %add3A_203 = vector.broadcast %scan3A_196 : i32 to vector<16xi32>
      %add3A_204 = arith.addi %sub3A_202, %add3A_203 : vector<16xi32>
      %mul3A_205 = arith.constant 16 : i32
      %mul3A_206 = arith.muli %scan3A_195, %mul3A_205 : i32
      %swap3A = arith.index_cast %mul3A_206 : i32 to index
      %swap3A_207 = tpu.vector_load %arg11[%swap3A] {strides = array<i32>} : memref<4096xi32, #tpu.memory_space<vmem>>, vector<16xi32>,
      tpu.vector_store %arg11[%swap3A], %add3A_204 {strides = array<i32>} : memref<4096xi32, #tpu.memory_space<vmem>>, vector<16xi32>,
      %reduce_sum3A = arith.constant true
      %reduce_sum3A_208 = vector.broadcast %reduce_sum3A : i1 to vector<16xi1>
      %reduce_sum3A_209 = tpu.scan <sum>, %get3A_199 masked %reduce_sum3A_208 : vector<16xi32>, vector<16xi1> -> vector<16xi32>
      %reduce_sum3A_210 = vector.extract %reduce_sum3A_209[15] : i32 from vector<16xi32>
      %add3A_211 = arith.addi %scan3A_196, %reduce_sum3A_210 : i32
      scf.yield %add3A_211 : i32
    }
    %scan3A_151 = arith.constant 256 : i32
    %scan3A_152 = arith.constant 0 : i32
    %scan3A_153 = arith.constant 0 : i32
    %scan3A_154 = arith.constant 512 : i32
    %scan3A_155 = arith.addi %scan3A_153, %scan3A_154 : i32
    %scan3A_156 = arith.constant 1 : i32
    %scan3A_157 = scf.for %scan3A_195 = %scan3A_153 to %scan3A_155 step %scan3A_156 iter_args(%scan3A_196 = %scan3A_152) -> (i32)  : i32 {
      %mul3A_197 = arith.constant 512 : i32
      %mul3A_198 = vector.broadcast %mul3A_197 : i32 to vector<16xi32>
      %mul3A_199 = arith.muli %iota3A, %mul3A_198 : vector<16xi32>
      %add3A_200 = vector.broadcast %scan3A_195 : i32 to vector<16xi32>
      %add3A_201 = arith.addi %mul3A_199, %add3A_200 : vector<16xi32>
      %gather3A = tpu.vector_load_idx %arg9[%add3A_201] : memref<8192xi32, #tpu.memory_space<vmem>>[vector<16xi32>], vector<16xi32>,
      %gather3A_202 = tpu.vector_load_idx %arg10[%add3A_201] : memref<8192xi32, #tpu.memory_space<vmem>>[vector<16xi32>], vector<16xi32>,
      %shift_right_logical3A = arith.constant 24 : i32
      %shift_right_logical3A_203 = vector.broadcast %shift_right_logical3A : i32 to vector<16xi32>
      %shift_right_logical3A_204 = arith.shrui %gather3A, %shift_right_logical3A_203 : vector<16xi32>
      %and3A_205 = arith.constant 255 : i32
      %and3A_206 = vector.broadcast %and3A_205 : i32 to vector<16xi32>
      %and3A_207 = arith.andi %shift_right_logical3A_204, %and3A_206 : vector<16xi32>
      %mul3A_208 = arith.constant 16 : i32
      %mul3A_209 = vector.broadcast %mul3A_208 : i32 to vector<16xi32>
      %mul3A_210 = arith.muli %and3A_207, %mul3A_209 : vector<16xi32>
      %add3A_211 = arith.addi %mul3A_210, %iota3A : vector<16xi32>
      %gather3A_212 = tpu.vector_load_idx %arg11[%add3A_211] : memref<4096xi32, #tpu.memory_space<vmem>>[vector<16xi32>], vector<16xi32>,
      %add3A_213 = arith.constant 1 : i32
      %add3A_214 = vector.broadcast %add3A_213 : i32 to vector<16xi32>
      %add3A_215 = arith.addi %gather3A_212, %add3A_214 : vector<16xi32>
      tpu.vector_store_idx %arg11[%add3A_211], %add3A_215 : memref<4096xi32, #tpu.memory_space<vmem>>[vector<16xi32>], vector<16xi32>,
      tpu.vector_store_idx %arg7[%gather3A_212], %gather3A : memref<8192xi32, #tpu.memory_space<vmem>>[vector<16xi32>], vector<16xi32>,
      tpu.vector_store_idx %arg8[%gather3A_212], %gather3A_202 : memref<8192xi32, #tpu.memory_space<vmem>>[vector<16xi32>], vector<16xi32>,
      %scan3A_216 = arith.constant 0 : i32
      scf.yield %scan3A_216 : i32
    }
    %scan3A_158 = arith.constant 512 : i32
    %scan3A_159 = arith.constant 0 : i32
    %scan3A_160 = arith.constant 0 : i32
    %scan3A_161 = arith.constant 128 : i32
    %scan3A_162 = arith.addi %scan3A_160, %scan3A_161 : i32
    %scan3A_163 = arith.constant 1 : i32
    %scan3A_164 = scf.for %scan3A_195 = %scan3A_160 to %scan3A_162 step %scan3A_163 iter_args(%scan3A_196 = %scan3A_159) -> (i32)  : i32 {
      %mul3A_197 = arith.constant 16 : i32
      %mul3A_198 = arith.muli %scan3A_195, %mul3A_197 : i32
      %add3A_199 = vector.broadcast %mul3A_198 : i32 to vector<16xi32>
      %add3A_200 = arith.addi %iota3A, %add3A_199 : vector<16xi32>
      %mul3A_201 = arith.constant 16 : i32
      %mul3A_202 = arith.muli %scan3A_195, %mul3A_201 : i32
      %swap3A = arith.index_cast %mul3A_202 : i32 to index
      %swap3A_203 = tpu.vector_load %arg12[%swap3A] {strides = array<i32>} : memref<2048xi32, #tpu.memory_space<vmem>>, vector<16xi32>,
      tpu.vector_store %arg12[%swap3A], %add3A_200 {strides = array<i32>} : memref<2048xi32, #tpu.memory_space<vmem>>, vector<16xi32>,
      %scan3A_204 = arith.constant 0 : i32
      scf.yield %scan3A_204 : i32
    }
    %scan3A_165 = arith.constant 128 : i32
    %eq3A_166 = arith.constant 0 : i32
    %eq3A_167 = vector.broadcast %eq3A_166 : i32 to vector<16xi32>
    %eq3A_168 = arith.cmpi eq, %iota3A, %eq3A_167 : vector<16xi32>
    %eq3A_169 = arith.constant 8 : i32
    %eq3A_170 = vector.broadcast %eq3A_169 : i32 to vector<16xi32>
    %eq3A_171 = arith.cmpi eq, %iota3A, %eq3A_170 : vector<16xi32>
    %lt3A_172 = arith.constant 8 : i32
    %lt3A_173 = vector.broadcast %lt3A_172 : i32 to vector<16xi32>
    %lt3A_174 = arith.cmpi slt, %iota3A, %lt3A_173 : vector<16xi32>
    %or3A = arith.ori %eq3A_168, %eq3A_171 : vector<16xi1>
    %lt3A_175 = arith.constant 2 : i32
    %lt3A_176 = vector.broadcast %lt3A_175 : i32 to vector<16xi32>
    %lt3A_177 = arith.cmpi slt, %iota3A, %lt3A_176 : vector<16xi32>
    %scan3A_178 = arith.constant 0 : i32
    %scan3A_179 = arith.constant 0 : i32
    %scan3A_180 = arith.constant 8192 : i32
    %scan3A_181 = arith.addi %scan3A_179, %scan3A_180 : i32
    %scan3A_182 = arith.constant 1 : i32
    %scan3A_183 = scf.for %scan3A_195 = %scan3A_179 to %scan3A_181 step %scan3A_182 iter_args(%scan3A_196 = %scan3A_178) -> (i32)  : i32 {
      %broadcast_in_dim3A_197 = vector.broadcast %scan3A_195 : i32 to vector<16xi32>
      %gather3A = tpu.vector_load_idx %arg8[%broadcast_in_dim3A_197] : memref<8192xi32, #tpu.memory_space<vmem>>[vector<16xi32>], vector<16xi32>,
      %gather3A_198 = tpu.vector_load_idx %arg7[%broadcast_in_dim3A_197] : memref<8192xi32, #tpu.memory_space<vmem>>[vector<16xi32>], vector<16xi32>,
      %and3A_199 = arith.constant 2047 : i32
      %and3A_200 = vector.broadcast %and3A_199 : i32 to vector<16xi32>
      %and3A_201 = arith.andi %gather3A, %and3A_200 : vector<16xi32>
      %shift_right_logical3A = arith.constant 11 : i32
      %shift_right_logical3A_202 = vector.broadcast %shift_right_logical3A : i32 to vector<16xi32>
      %shift_right_logical3A_203 = arith.shrui %gather3A, %shift_right_logical3A_202 : vector<16xi32>
      %and3A_204 = arith.constant 2047 : i32
      %and3A_205 = vector.broadcast %and3A_204 : i32 to vector<16xi32>
      %and3A_206 = arith.andi %shift_right_logical3A_203, %and3A_205 : vector<16xi32>
      %select_n3A_207 = arith.select %lt3A_174, %and3A_201, %and3A_206 : vector<16xi1>, vector<16xi32>
      %gather3A_208 = tpu.vector_load_idx %arg12[%select_n3A_207] : memref<2048xi32, #tpu.memory_space<vmem>>[vector<16xi32>], vector<16xi32>,
      %while3A:2 = scf.while (%while3A_273 = %select_n3A_207, %while3A_274 = %gather3A_208) : (vector<16xi32>, vector<16xi32>) -> (vector<16xi32>, vector<16xi32>) {
        %ne3A_275 = arith.cmpi ne, %while3A_274, %while3A_273 : vector<16xi32>
        %reduce_or3A = arith.constant 1.000000e+00 : f32
        %reduce_or3A_276 = arith.constant 0.000000e+00 : f32
        %reduce_or3A_277 = vector.broadcast %reduce_or3A : f32 to vector<16xf32>
        %reduce_or3A_278 = vector.broadcast %reduce_or3A_276 : f32 to vector<16xf32>
        %reduce_or3A_279 = arith.select %ne3A_275, %reduce_or3A_277, %reduce_or3A_278 : vector<16xi1>, vector<16xf32>
        %reduce_or3A_280 = arith.constant true
        %reduce_or3A_281 = vector.broadcast %reduce_or3A_280 : i1 to vector<16xi1>
        %reduce_or3A_282 = tpu.scan <max>, %reduce_or3A_279 masked %reduce_or3A_281 : vector<16xf32>, vector<16xi1> -> vector<16xf32>
        %reduce_or3A_283 = vector.extract %reduce_or3A_282[15] : f32 from vector<16xf32>
        %reduce_or3A_284 = arith.constant 0.000000e+00 : f32
        %reduce_or3A_285 = arith.cmpf ogt, %reduce_or3A_283, %reduce_or3A_284 : f32
        scf.condition(%reduce_or3A_285) %while3A_273, %while3A_274 : vector<16xi32>, vector<16xi32>
      } do {
      ^bb0(%while3A_273: vector<16xi32>, %while3A_274: vector<16xi32>):
        %gather3A_275 = tpu.vector_load_idx %arg12[%while3A_274] : memref<2048xi32, #tpu.memory_space<vmem>>[vector<16xi32>], vector<16xi32>,
        tpu.vector_store_idx %arg12[%while3A_273], %gather3A_275 masked %or3A : memref<2048xi32, #tpu.memory_space<vmem>>[vector<16xi32>], vector<16xi32>, vector<16xi1>
        scf.yield %while3A_274, %gather3A_275 : vector<16xi32>, vector<16xi32>
      }
      %jit3A_209 = arith.constant 0 : i32
      %broadcast_in_dim3A_210 = vector.broadcast %jit3A_209 : i32 to vector<16xi32>
      %select_n3A_211 = arith.select %eq3A_168, %while3A#1, %broadcast_in_dim3A_210 : vector<16xi1>, vector<16xi32>
      %reduce_sum3A = arith.constant true
      %reduce_sum3A_212 = vector.broadcast %reduce_sum3A : i1 to vector<16xi1>
      %reduce_sum3A_213 = tpu.scan <sum>, %select_n3A_211 masked %reduce_sum3A_212 : vector<16xi32>, vector<16xi1> -> vector<16xi32>
      %reduce_sum3A_214 = vector.extract %reduce_sum3A_213[15] : i32 from vector<16xi32>
      %jit3A_215 = arith.constant 0 : i32
      %broadcast_in_dim3A_216 = vector.broadcast %jit3A_215 : i32 to vector<16xi32>
      %select_n3A_217 = arith.select %eq3A_171, %while3A#1, %broadcast_in_dim3A_216 : vector<16xi1>, vector<16xi32>
      %reduce_sum3A_218 = arith.constant true
      %reduce_sum3A_219 = vector.broadcast %reduce_sum3A_218 : i1 to vector<16xi1>
      %reduce_sum3A_220 = tpu.scan <sum>, %select_n3A_217 masked %reduce_sum3A_219 : vector<16xi32>, vector<16xi1> -> vector<16xi32>
      %reduce_sum3A_221 = vector.extract %reduce_sum3A_220[15] : i32 from vector<16xi32>
      %ne3A_222 = arith.cmpi ne, %reduce_sum3A_214, %reduce_sum3A_221 : i32
      %gather3A_223 = tpu.vector_load_idx %arg6[%while3A#1] : memref<2048xf32, #tpu.memory_space<vmem>>[vector<16xi32>], vector<16xf32>,
      %jit3A_224 = arith.constant 0.000000e+00 : f32
      %broadcast_in_dim3A_225 = vector.broadcast %jit3A_224 : f32 to vector<16xf32>
      %select_n3A_226 = arith.select %eq3A_168, %gather3A_223, %broadcast_in_dim3A_225 : vector<16xi1>, vector<16xf32>
      %reduce_sum3A_227 = arith.constant true
      %reduce_sum3A_228 = vector.broadcast %reduce_sum3A_227 : i1 to vector<16xi1>
      %reduce_sum3A_229 = tpu.scan <sum>, %select_n3A_226 masked %reduce_sum3A_228 : vector<16xf32>, vector<16xi1> -> vector<16xf32>
      %reduce_sum3A_230 = vector.extract %reduce_sum3A_229[15] : f32 from vector<16xf32>
      %jit3A_231 = arith.constant 0.000000e+00 : f32
      %broadcast_in_dim3A_232 = vector.broadcast %jit3A_231 : f32 to vector<16xf32>
      %select_n3A_233 = arith.select %eq3A_171, %gather3A_223, %broadcast_in_dim3A_232 : vector<16xi1>, vector<16xf32>
      %reduce_sum3A_234 = arith.constant true
      %reduce_sum3A_235 = vector.broadcast %reduce_sum3A_234 : i1 to vector<16xi1>
      %reduce_sum3A_236 = tpu.scan <sum>, %select_n3A_233 masked %reduce_sum3A_235 : vector<16xf32>, vector<16xi1> -> vector<16xf32>
      %reduce_sum3A_237 = vector.extract %reduce_sum3A_236[15] : f32 from vector<16xf32>
      %lt3A_238 = arith.constant 0 : i32
      %lt3A_239 = vector.broadcast %lt3A_238 : i32 to vector<16xi32>
      %lt3A_240 = arith.cmpi slt, %gather3A_198, %lt3A_239 : vector<16xi32>
      %xor3A = arith.constant -2147483648 : i32
      %xor3A_241 = vector.broadcast %xor3A : i32 to vector<16xi32>
      %xor3A_242 = arith.xori %gather3A_198, %xor3A_241 : vector<16xi32>
      %not3A = arith.constant dense<-1> : vector<16xi32>
      %not3A_243 = arith.xori %gather3A_198, %not3A : vector<16xi32>
      %select_n3A_244 = arith.select %lt3A_240, %xor3A_242, %not3A_243 : vector<16xi1>, vector<16xi32>
      %bitcast_convert_type3A = tpu.bitcast %select_n3A_244 : vector<16xi32> -> vector<16xf32>
      %jit3A_245 = arith.constant 0.000000e+00 : f32
      %broadcast_in_dim3A_246 = vector.broadcast %jit3A_245 : f32 to vector<16xf32>
      %select_n3A_247 = arith.select %eq3A_168, %bitcast_convert_type3A, %broadcast_in_dim3A_246 : vector<16xi1>, vector<16xf32>
      %reduce_sum3A_248 = arith.constant true
      %reduce_sum3A_249 = vector.broadcast %reduce_sum3A_248 : i1 to vector<16xi1>
      %reduce_sum3A_250 = tpu.scan <sum>, %select_n3A_247 masked %reduce_sum3A_249 : vector<16xf32>, vector<16xi1> -> vector<16xf32>
      %reduce_sum3A_251 = vector.extract %reduce_sum3A_250[15] : f32 from vector<16xf32>
      %mul3A_252 = arith.mulf %reduce_sum3A_251, %select_n3A_35 : f32
      %mul3A_253 = arith.mulf %reduce_sum3A_230, %select_n3A_35 : f32
      %mul3A_254 = arith.mulf %reduce_sum3A_237, %select_n3A_35 : f32
      %le3A = arith.cmpf ole, %mul3A_253, %mul3A_254 : f32
      %select_n3A_255 = arith.select %le3A, %reduce_sum3A_221, %reduce_sum3A_214 : i32
      %select_n3A_256 = arith.select %le3A, %reduce_sum3A_214, %reduce_sum3A_221 : i32
      %select_n3A_257 = arith.select %le3A, %reduce_sum3A_237, %reduce_sum3A_230 : f32
      %and3A_258 = vector.broadcast %ne3A_222 : i1 to vector<16xi1>
      %and3A_259 = arith.andi %eq3A_168, %and3A_258 : vector<16xi1>
      %broadcast_in_dim3A_260 = vector.broadcast %select_n3A_255 : i32 to vector<16xi32>
      %broadcast_in_dim3A_261 = vector.broadcast %select_n3A_256 : i32 to vector<16xi32>
      tpu.vector_store_idx %arg12[%broadcast_in_dim3A_260], %broadcast_in_dim3A_261 masked %and3A_259 : memref<2048xi32, #tpu.memory_space<vmem>>[vector<16xi32>], vector<16xi32>, vector<16xi1>
      %mul3A_262 = arith.constant 2 : i32
      %mul3A_263 = arith.muli %mul3A_262, %scan3A_196 : i32
      %add3A_264 = vector.broadcast %mul3A_263 : i32 to vector<16xi32>
      %add3A_265 = arith.addi %add3A_264, %iota3A : vector<16xi32>
      %broadcast_in_dim3A_266 = vector.broadcast %select_n3A_257 : f32 to vector<16xf32>
      %broadcast_in_dim3A_267 = vector.broadcast %mul3A_252 : f32 to vector<16xf32>
      %select_n3A_268 = arith.select %eq3A_168, %broadcast_in_dim3A_266, %broadcast_in_dim3A_267 : vector<16xi1>, vector<16xf32>
      %and3A_269 = vector.broadcast %ne3A_222 : i1 to vector<16xi1>
      %and3A_270 = arith.andi %lt3A_177, %and3A_269 : vector<16xi1>
      tpu.vector_store_idx %arg13[%add3A_265], %select_n3A_268 masked %and3A_270 : memref<4096xf32, #tpu.memory_space<vmem>>[vector<16xi32>], vector<16xf32>, vector<16xi1>
      %convert_element_type3A_271 = arith.extui %ne3A_222 : i1 to i32
      %add3A_272 = arith.addi %scan3A_196, %convert_element_type3A_271 : i32
      scf.yield %add3A_272 : i32
    }
    %scan3A_184 = arith.constant 8192 : i32
    %eq3A_185 = arith.constant 0 : i32
    %eq3A_186 = arith.cmpi eq, %select_n3A_30, %eq3A_185 : i32
    %convert_element_type3A = arith.extui %eq3A_186 : i1 to i32
    %cond3A = arith.constant 1.000000e+09 : f32
    %cond3A_187 = arith.constant 0 : i32
    %cond3A_188 = arith.cmpi ne, %convert_element_type3A, %cond3A_187 : i32
    scf.if %cond3A_188 {
      %scan3A_195 = arith.constant 0 : i32
      %scan3A_196 = arith.constant 0 : i32
      %scan3A_197 = arith.constant 128 : i32
      %scan3A_198 = arith.addi %scan3A_196, %scan3A_197 : i32
      %scan3A_199 = arith.constant 1 : i32
      %scan3A_200 = scf.for %scan3A_202 = %scan3A_196 to %scan3A_198 step %scan3A_199 iter_args(%scan3A_203 = %scan3A_195) -> (i32)  : i32 {
        %mul3A_204 = arith.constant 16 : i32
        %mul3A_205 = arith.muli %scan3A_202, %mul3A_204 : i32
        %add3A_206 = vector.broadcast %mul3A_205 : i32 to vector<16xi32>
        %add3A_207 = arith.addi %iota3A, %add3A_206 : vector<16xi32>
        %lt3A_208 = vector.broadcast %scan3A_183 : i32 to vector<16xi32>
        %lt3A_209 = arith.cmpi slt, %add3A_207, %lt3A_208 : vector<16xi32>
        %jit3A_210 = arith.constant 0 : i32
        %broadcast_in_dim3A_211 = vector.broadcast %jit3A_210 : i32 to vector<16xi32>
        %select_n3A_212 = arith.select %lt3A_209, %add3A_207, %broadcast_in_dim3A_211 : vector<16xi1>, vector<16xi32>
        %mul3A_213 = arith.constant 2 : i32
        %mul3A_214 = vector.broadcast %mul3A_213 : i32 to vector<16xi32>
        %mul3A_215 = arith.muli %mul3A_214, %select_n3A_212 : vector<16xi32>
        %gather3A = tpu.vector_load_idx %arg13[%mul3A_215] : memref<4096xf32, #tpu.memory_space<vmem>>[vector<16xi32>], vector<16xf32>,
        %mul3A_216 = arith.constant 2 : i32
        %mul3A_217 = vector.broadcast %mul3A_216 : i32 to vector<16xi32>
        %mul3A_218 = arith.muli %mul3A_217, %select_n3A_212 : vector<16xi32>
        %add3A_219 = arith.constant 1 : i32
        %add3A_220 = vector.broadcast %add3A_219 : i32 to vector<16xi32>
        %add3A_221 = arith.addi %mul3A_218, %add3A_220 : vector<16xi32>
        %gather3A_222 = tpu.vector_load_idx %arg13[%add3A_221] : memref<4096xf32, #tpu.memory_space<vmem>>[vector<16xi32>], vector<16xf32>,
        %broadcast_in_dim3A_223 = vector.broadcast %cond3A : f32 to vector<16xf32>
        %select_n3A_224 = arith.select %lt3A_209, %gather3A, %broadcast_in_dim3A_223 : vector<16xi1>, vector<16xf32>
        %mul3A_225 = arith.constant 16 : i32
        %mul3A_226 = arith.muli %scan3A_202, %mul3A_225 : i32
        %swap3A = arith.index_cast %mul3A_226 : i32 to index
        %swap3A_227 = tpu.vector_load %arg14[%swap3A] {strides = array<i32>} : memref<2048xf32, #tpu.memory_space<vmem>>, vector<16xf32>,
        tpu.vector_store %arg14[%swap3A], %select_n3A_224 {strides = array<i32>} : memref<2048xf32, #tpu.memory_space<vmem>>, vector<16xf32>,
        %broadcast_in_dim3A_228 = vector.broadcast %cond3A : f32 to vector<16xf32>
        %select_n3A_229 = arith.select %lt3A_209, %gather3A_222, %broadcast_in_dim3A_228 : vector<16xi1>, vector<16xf32>
        %mul3A_230 = arith.constant 16 : i32
        %mul3A_231 = arith.muli %scan3A_202, %mul3A_230 : i32
        %swap3A_232 = arith.index_cast %mul3A_231 : i32 to index
        %swap3A_233 = tpu.vector_load %arg15[%swap3A_232] {strides = array<i32>} : memref<2048xf32, #tpu.memory_space<vmem>>, vector<16xf32>,
        tpu.vector_store %arg15[%swap3A_232], %select_n3A_229 {strides = array<i32>} : memref<2048xf32, #tpu.memory_space<vmem>>, vector<16xf32>,
        %scan3A_234 = arith.constant 0 : i32
        scf.yield %scan3A_234 : i32
      }
      %scan3A_201 = arith.constant 128 : i32
    } else {
    }
    %ne3A_189 = arith.constant 0 : i32
    %ne3A_190 = arith.cmpi ne, %select_n3A_30, %ne3A_189 : i32
    %convert_element_type3A_191 = arith.extui %ne3A_190 : i1 to i32
    %cond3A_192 = arith.constant 1.000000e+09 : f32
    %cond3A_193 = arith.constant 0 : i32
    %cond3A_194 = arith.cmpi ne, %convert_element_type3A_191, %cond3A_193 : i32
    scf.if %cond3A_194 {
      %scan3A_195 = arith.constant 0 : i32
      %scan3A_196 = arith.constant 0 : i32
      %scan3A_197 = arith.constant 128 : i32
      %scan3A_198 = arith.addi %scan3A_196, %scan3A_197 : i32
      %scan3A_199 = arith.constant 1 : i32
      %scan3A_200 = scf.for %scan3A_202 = %scan3A_196 to %scan3A_198 step %scan3A_199 iter_args(%scan3A_203 = %scan3A_195) -> (i32)  : i32 {
        %mul3A_204 = arith.constant 16 : i32
        %mul3A_205 = arith.muli %scan3A_202, %mul3A_204 : i32
        %add3A_206 = vector.broadcast %mul3A_205 : i32 to vector<16xi32>
        %add3A_207 = arith.addi %iota3A, %add3A_206 : vector<16xi32>
        %lt3A_208 = vector.broadcast %scan3A_183 : i32 to vector<16xi32>
        %lt3A_209 = arith.cmpi slt, %add3A_207, %lt3A_208 : vector<16xi32>
        %mul3A_210 = arith.constant 2 : i32
        %mul3A_211 = vector.broadcast %mul3A_210 : i32 to vector<16xi32>
        %mul3A_212 = arith.muli %mul3A_211, %add3A_207 : vector<16xi32>
        %mul3A_213 = arith.constant 2 : i32
        %mul3A_214 = vector.broadcast %mul3A_213 : i32 to vector<16xi32>
        %mul3A_215 = arith.muli %mul3A_214, %add3A_207 : vector<16xi32>
        %add3A_216 = arith.constant 1 : i32
        %add3A_217 = vector.broadcast %add3A_216 : i32 to vector<16xi32>
        %add3A_218 = arith.addi %mul3A_215, %add3A_217 : vector<16xi32>
        %lt3A_219 = vector.broadcast %scan3A_183 : i32 to vector<16xi32>
        %lt3A_220 = arith.cmpi slt, %mul3A_212, %lt3A_219 : vector<16xi32>
        %mul3A_221 = arith.constant 2 : i32
        %mul3A_222 = vector.broadcast %mul3A_221 : i32 to vector<16xi32>
        %mul3A_223 = arith.muli %mul3A_222, %mul3A_212 : vector<16xi32>
        %add3A_224 = arith.constant 1 : i32
        %add3A_225 = vector.broadcast %add3A_224 : i32 to vector<16xi32>
        %add3A_226 = arith.addi %mul3A_223, %add3A_225 : vector<16xi32>
        %jit3A_227 = arith.constant 1 : i32
        %broadcast_in_dim3A_228 = vector.broadcast %jit3A_227 : i32 to vector<16xi32>
        %select_n3A_229 = arith.select %lt3A_220, %add3A_226, %broadcast_in_dim3A_228 : vector<16xi1>, vector<16xi32>
        %gather3A = tpu.vector_load_idx %arg13[%select_n3A_229] : memref<4096xf32, #tpu.memory_space<vmem>>[vector<16xi32>], vector<16xf32>,
        %not3A = arith.constant dense<true> : vector<16xi1>
        %not3A_230 = arith.xori %lt3A_209, %not3A : vector<16xi1>
        %or3A_231 = arith.ori %lt3A_220, %not3A_230 : vector<16xi1>
        %sub3A_232 = vector.broadcast %scan3A_183 : i32 to vector<16xi32>
        %sub3A_233 = arith.subi %mul3A_212, %sub3A_232 : vector<16xi32>
        %mul3A_234 = arith.constant 2 : i32
        %mul3A_235 = vector.broadcast %mul3A_234 : i32 to vector<16xi32>
        %mul3A_236 = arith.muli %mul3A_235, %sub3A_233 : vector<16xi32>
        %jit3A_237 = arith.constant 0 : i32
        %broadcast_in_dim3A_238 = vector.broadcast %jit3A_237 : i32 to vector<16xi32>
        %select_n3A_239 = arith.select %or3A_231, %broadcast_in_dim3A_238, %mul3A_236 : vector<16xi1>, vector<16xi32>
        %gather3A_240 = tpu.vector_load_idx %arg13[%select_n3A_239] : memref<4096xf32, #tpu.memory_space<vmem>>[vector<16xi32>], vector<16xf32>,
        %select_n3A_241 = arith.select %lt3A_220, %gather3A, %gather3A_240 : vector<16xi1>, vector<16xf32>
        %broadcast_in_dim3A_242 = vector.broadcast %cond3A_192 : f32 to vector<16xf32>
        %select_n3A_243 = arith.select %lt3A_209, %select_n3A_241, %broadcast_in_dim3A_242 : vector<16xi1>, vector<16xf32>
        %mul3A_244 = arith.constant 16 : i32
        %mul3A_245 = arith.muli %scan3A_202, %mul3A_244 : i32
        %swap3A = arith.index_cast %mul3A_245 : i32 to index
        %swap3A_246 = tpu.vector_load %arg14[%swap3A] {strides = array<i32>} : memref<2048xf32, #tpu.memory_space<vmem>>, vector<16xf32>,
        tpu.vector_store %arg14[%swap3A], %select_n3A_243 {strides = array<i32>} : memref<2048xf32, #tpu.memory_space<vmem>>, vector<16xf32>,
        %lt3A_247 = vector.broadcast %scan3A_183 : i32 to vector<16xi32>
        %lt3A_248 = arith.cmpi slt, %add3A_218, %lt3A_247 : vector<16xi32>
        %mul3A_249 = arith.constant 2 : i32
        %mul3A_250 = vector.broadcast %mul3A_249 : i32 to vector<16xi32>
        %mul3A_251 = arith.muli %mul3A_250, %add3A_218 : vector<16xi32>
        %add3A_252 = arith.constant 1 : i32
        %add3A_253 = vector.broadcast %add3A_252 : i32 to vector<16xi32>
        %add3A_254 = arith.addi %mul3A_251, %add3A_253 : vector<16xi32>
        %jit3A_255 = arith.constant 1 : i32
        %broadcast_in_dim3A_256 = vector.broadcast %jit3A_255 : i32 to vector<16xi32>
        %select_n3A_257 = arith.select %lt3A_248, %add3A_254, %broadcast_in_dim3A_256 : vector<16xi1>, vector<16xi32>
        %gather3A_258 = tpu.vector_load_idx %arg13[%select_n3A_257] : memref<4096xf32, #tpu.memory_space<vmem>>[vector<16xi32>], vector<16xf32>,
        %not3A_259 = arith.constant dense<true> : vector<16xi1>
        %not3A_260 = arith.xori %lt3A_209, %not3A_259 : vector<16xi1>
        %or3A_261 = arith.ori %lt3A_248, %not3A_260 : vector<16xi1>
        %sub3A_262 = vector.broadcast %scan3A_183 : i32 to vector<16xi32>
        %sub3A_263 = arith.subi %add3A_218, %sub3A_262 : vector<16xi32>
        %mul3A_264 = arith.constant 2 : i32
        %mul3A_265 = vector.broadcast %mul3A_264 : i32 to vector<16xi32>
        %mul3A_266 = arith.muli %mul3A_265, %sub3A_263 : vector<16xi32>
        %jit3A_267 = arith.constant 0 : i32
        %broadcast_in_dim3A_268 = vector.broadcast %jit3A_267 : i32 to vector<16xi32>
        %select_n3A_269 = arith.select %or3A_261, %broadcast_in_dim3A_268, %mul3A_266 : vector<16xi1>, vector<16xi32>
        %gather3A_270 = tpu.vector_load_idx %arg13[%select_n3A_269] : memref<4096xf32, #tpu.memory_space<vmem>>[vector<16xi32>], vector<16xf32>,
        %select_n3A_271 = arith.select %lt3A_248, %gather3A_258, %gather3A_270 : vector<16xi1>, vector<16xf32>
        %broadcast_in_dim3A_272 = vector.broadcast %cond3A_192 : f32 to vector<16xf32>
        %select_n3A_273 = arith.select %lt3A_209, %select_n3A_271, %broadcast_in_dim3A_272 : vector<16xi1>, vector<16xf32>
        %mul3A_274 = arith.constant 16 : i32
        %mul3A_275 = arith.muli %scan3A_202, %mul3A_274 : i32
        %swap3A_276 = arith.index_cast %mul3A_275 : i32 to index
        %swap3A_277 = tpu.vector_load %arg15[%swap3A_276] {strides = array<i32>} : memref<2048xf32, #tpu.memory_space<vmem>>, vector<16xf32>,
        tpu.vector_store %arg15[%swap3A_276], %select_n3A_273 {strides = array<i32>} : memref<2048xf32, #tpu.memory_space<vmem>>, vector<16xf32>,
        %scan3A_278 = arith.constant 0 : i32
        scf.yield %scan3A_278 : i32
      }
      %scan3A_201 = arith.constant 128 : i32
    } else {
    }
    "tpu.region"() ({
      %run_scoped3A = tpu.sem_alloc : memref<!tpu.dma_semaphore, #tpu.memory_space<semaphore_mem>>
      %dma_start3A = arith.constant 0 : i32
      %dma_start3A_195 = tpu.memref_slice %arg4[%add3A, %dma_start3A] : memref<32x2048xf32, #tpu.memory_space<hbm>> -> memref<1x2048xf32, #tpu.memory_space<hbm>>
      %dma_start3A_196 = tpu.memref_squeeze %dma_start3A_195 : memref<1x2048xf32, #tpu.memory_space<hbm>> -> memref<2048xf32, #tpu.memory_space<hbm>>
      %dma_start3A_197 = arith.constant 0 : i32
      %dma_start3A_198 = tpu.memref_slice %arg4[%add3A, %dma_start3A_197] : memref<32x2048xf32, #tpu.memory_space<hbm>> -> memref<1x2048xf32, #tpu.memory_space<hbm>>
      %dma_start3A_199 = tpu.memref_squeeze %dma_start3A_198 : memref<1x2048xf32, #tpu.memory_space<hbm>> -> memref<2048xf32, #tpu.memory_space<hbm>>
      tpu.enqueue_dma source(%arg14 : memref<2048xf32, #tpu.memory_space<vmem>>) target(%dma_start3A_199 : memref<2048xf32, #tpu.memory_space<hbm>>) target_semaphore(%run_scoped3A : memref<!tpu.dma_semaphore, #tpu.memory_space<semaphore_mem>>)
      %dma_wait3A = arith.constant 0 : i32
      %dma_wait3A_200 = tpu.memref_slice %arg4[%add3A, %dma_wait3A] : memref<32x2048xf32, #tpu.memory_space<hbm>> -> memref<1x2048xf32, #tpu.memory_space<hbm>>
      %dma_wait3A_201 = tpu.memref_squeeze %dma_wait3A_200 : memref<1x2048xf32, #tpu.memory_space<hbm>> -> memref<2048xf32, #tpu.memory_space<hbm>>
      %dma_wait3A_202 = arith.constant 0 : i32
      %dma_wait3A_203 = tpu.memref_slice %arg4[%add3A, %dma_wait3A_202] : memref<32x2048xf32, #tpu.memory_space<hbm>> -> memref<1x2048xf32, #tpu.memory_space<hbm>>
      %dma_wait3A_204 = tpu.memref_squeeze %dma_wait3A_203 : memref<1x2048xf32, #tpu.memory_space<hbm>> -> memref<2048xf32, #tpu.memory_space<hbm>>
      tpu.wait_dma2 semaphore(%run_scoped3A : memref<!tpu.dma_semaphore, #tpu.memory_space<semaphore_mem>>) src(%arg14 : memref<2048xf32, #tpu.memory_space<vmem>>) dst(%dma_wait3A_204 : memref<2048xf32, #tpu.memory_space<hbm>>)
      tpu.yield
    }) : () -> ()
    "tpu.region"() ({
      %run_scoped3A = tpu.sem_alloc : memref<!tpu.dma_semaphore, #tpu.memory_space<semaphore_mem>>
      %dma_start3A = arith.constant 0 : i32
      %dma_start3A_195 = tpu.memref_slice %arg5[%add3A, %dma_start3A] : memref<32x2048xf32, #tpu.memory_space<hbm>> -> memref<1x2048xf32, #tpu.memory_space<hbm>>
      %dma_start3A_196 = tpu.memref_squeeze %dma_start3A_195 : memref<1x2048xf32, #tpu.memory_space<hbm>> -> memref<2048xf32, #tpu.memory_space<hbm>>
      %dma_start3A_197 = arith.constant 0 : i32
      %dma_start3A_198 = tpu.memref_slice %arg5[%add3A, %dma_start3A_197] : memref<32x2048xf32, #tpu.memory_space<hbm>> -> memref<1x2048xf32, #tpu.memory_space<hbm>>
      %dma_start3A_199 = tpu.memref_squeeze %dma_start3A_198 : memref<1x2048xf32, #tpu.memory_space<hbm>> -> memref<2048xf32, #tpu.memory_space<hbm>>
      tpu.enqueue_dma source(%arg15 : memref<2048xf32, #tpu.memory_space<vmem>>) target(%dma_start3A_199 : memref<2048xf32, #tpu.memory_space<hbm>>) target_semaphore(%run_scoped3A : memref<!tpu.dma_semaphore, #tpu.memory_space<semaphore_mem>>)
      %dma_wait3A = arith.constant 0 : i32
      %dma_wait3A_200 = tpu.memref_slice %arg5[%add3A, %dma_wait3A] : memref<32x2048xf32, #tpu.memory_space<hbm>> -> memref<1x2048xf32, #tpu.memory_space<hbm>>
      %dma_wait3A_201 = tpu.memref_squeeze %dma_wait3A_200 : memref<1x2048xf32, #tpu.memory_space<hbm>> -> memref<2048xf32, #tpu.memory_space<hbm>>
      %dma_wait3A_202 = arith.constant 0 : i32
      %dma_wait3A_203 = tpu.memref_slice %arg5[%add3A, %dma_wait3A_202] : memref<32x2048xf32, #tpu.memory_space<hbm>> -> memref<1x2048xf32, #tpu.memory_space<hbm>>
      %dma_wait3A_204 = tpu.memref_squeeze %dma_wait3A_203 : memref<1x2048xf32, #tpu.memory_space<hbm>> -> memref<2048xf32, #tpu.memory_space<hbm>>
      tpu.wait_dma2 semaphore(%run_scoped3A : memref<!tpu.dma_semaphore, #tpu.memory_space<semaphore_mem>>) src(%arg15 : memref<2048xf32, #tpu.memory_space<vmem>>) dst(%dma_wait3A_204 : memref<2048xf32, #tpu.memory_space<hbm>>)
      tpu.yield
    }) : () -> ()
    return
  }
}

module attributes {stable_mosaic.version = 14 : i64} {
  func.func @_mlp_body(%arg0: i32, %arg1: memref<2048x128xf32, #tpu.memory_space<vmem>>, %arg2: memref<128x64xf32, #tpu.memory_space<vmem>>, %arg3: memref<1x64xf32, #tpu.memory_space<vmem>>, %arg4: memref<64x128xf32, #tpu.memory_space<vmem>>, %arg5: memref<1x1xf32, #tpu.memory_space<vmem>>, %arg6: memref<2048x1xf32, #tpu.memory_space<vmem>>) attributes {dimension_semantics = [#tpu.dimension_semantics<arbitrary>], iteration_bounds = array<i64: 16>, scalar_prefetch = 0 : i64, scratch_operands = 0 : i64, tpu.core_type = #tpu.core_type<tc>, window_params = [{transform_indices = @transform_0, window_bounds = array<i64: 2048, 128>}, {pipeline_mode = #tpu.pipeline_mode<synchronous>, transform_indices = @transform_1, window_bounds = array<i64: 128, 64>}, {pipeline_mode = #tpu.pipeline_mode<synchronous>, transform_indices = @transform_2, window_bounds = array<i64: 1, 64>}, {pipeline_mode = #tpu.pipeline_mode<synchronous>, transform_indices = @transform_3, window_bounds = array<i64: 64, 128>}, {pipeline_mode = #tpu.pipeline_mode<synchronous>, transform_indices = @transform_4, window_bounds = array<i64: 1, 1>}, {transform_indices = @transform_5, window_bounds = array<i64: 2048, 1>}]} {
    %get3A = arith.constant 0 : index
    %get3A_0 = arith.constant 0 : index
    %get3A_1 = vector.load %arg1[%get3A, %get3A_0] : memref<2048x128xf32, #tpu.memory_space<vmem>>, vector<2048x128xf32>
    %get3A_2 = arith.constant 0 : index
    %get3A_3 = arith.constant 0 : index
    %get3A_4 = vector.load %arg2[%get3A_2, %get3A_3] : memref<128x64xf32, #tpu.memory_space<vmem>>, vector<128x64xf32>
    %dot_general3A = arith.constant dense<0.000000e+00> : vector<2048x64xf32>
    %dot_general3A_5 = tpu.matmul %get3A_1, %get3A_4, %dot_general3A {dimension_numbers = #tpu.dot_dimension_numbers<[1], [0], [0], [1], [0, 0, 1, 1], [], []>, transpose_lhs_hint = false} : vector<2048x128xf32>, vector<128x64xf32>, vector<2048x64xf32> -> vector<2048x64xf32>
    %get3A_6 = arith.constant 0 : index
    %get3A_7 = arith.constant 0 : index
    %get3A_8 = vector.load %arg3[%get3A_6, %get3A_7] : memref<1x64xf32, #tpu.memory_space<vmem>>, vector<1x64xf32>
    %get3A_9 = vector.shape_cast %get3A_8 : vector<1x64xf32> to vector<64xf32>
    %broadcast_in_dim3A = vector.shape_cast %get3A_9 : vector<64xf32> to vector<1x64xf32>
    %add3A = vector.broadcast %broadcast_in_dim3A : vector<1x64xf32> to vector<2048x64xf32>
    %add3A_10 = arith.addf %dot_general3A_5, %add3A : vector<2048x64xf32>
    %neg3A = arith.constant 0.000000e+00 : f32
    %neg3A_11 = vector.broadcast %neg3A : f32 to vector<2048x64xf32>
    %neg3A_12 = arith.subf %neg3A_11, %add3A_10 : vector<2048x64xf32>
    %exp3A = math.exp %neg3A_12 : vector<2048x64xf32>
    %add3A_13 = arith.constant 1.000000e+00 : f32
    %add3A_14 = vector.broadcast %add3A_13 : f32 to vector<2048x64xf32>
    %add3A_15 = arith.addf %add3A_14, %exp3A : vector<2048x64xf32>
    %div3A = arith.constant 1.000000e+00 : f32
    %div3A_16 = vector.broadcast %div3A : f32 to vector<2048x64xf32>
    %div3A_17 = arith.divf %div3A_16, %add3A_15 : vector<2048x64xf32>
    %get3A_18 = arith.constant 0 : index
    %get3A_19 = arith.constant 0 : index
    %get3A_20 = vector.load %arg4[%get3A_18, %get3A_19] : memref<64x128xf32, #tpu.memory_space<vmem>>, vector<64x128xf32>
    %dot_general3A_21 = arith.constant dense<0.000000e+00> : vector<2048x128xf32>
    %dot_general3A_22 = tpu.matmul %div3A_17, %get3A_20, %dot_general3A_21 {dimension_numbers = #tpu.dot_dimension_numbers<[1], [0], [0], [1], [0, 0, 1, 1], [], []>, transpose_lhs_hint = false} : vector<2048x64xf32>, vector<64x128xf32>, vector<2048x128xf32> -> vector<2048x128xf32>
    %get3A_23 = arith.constant 0 : index
    %get3A_24 = arith.constant 0 : index
    %get3A_25 = vector.load %arg5[%get3A_23, %get3A_24] : memref<1x1xf32, #tpu.memory_space<vmem>>, vector<1x1xf32>
    %get3A_26 = vector.extract %get3A_25[0, 0] : f32 from vector<1x1xf32>
    %add3A_27 = vector.broadcast %get3A_26 : f32 to vector<2048x128xf32>
    %add3A_28 = arith.addf %dot_general3A_22, %add3A_27 : vector<2048x128xf32>
    %slice3A = vector.extract_strided_slice %add3A_28 {offsets = [0, 0], sizes = [2048, 1], strides = [1, 1]} : vector<2048x128xf32> to vector<2048x1xf32>
    %neg3A_29 = arith.constant 0.000000e+00 : f32
    %neg3A_30 = vector.broadcast %neg3A_29 : f32 to vector<2048x1xf32>
    %neg3A_31 = arith.subf %neg3A_30, %slice3A : vector<2048x1xf32>
    %exp3A_32 = math.exp %neg3A_31 : vector<2048x1xf32>
    %add3A_33 = arith.constant 1.000000e+00 : f32
    %add3A_34 = vector.broadcast %add3A_33 : f32 to vector<2048x1xf32>
    %add3A_35 = arith.addf %add3A_34, %exp3A_32 : vector<2048x1xf32>
    %div3A_36 = arith.constant 1.000000e+00 : f32
    %div3A_37 = vector.broadcast %div3A_36 : f32 to vector<2048x1xf32>
    %div3A_38 = arith.divf %div3A_37, %add3A_35 : vector<2048x1xf32>
    %swap3A = arith.constant 0 : index
    %swap3A_39 = arith.constant 0 : index
    %swap3A_40 = vector.load %arg6[%swap3A, %swap3A_39] : memref<2048x1xf32, #tpu.memory_space<vmem>>, vector<2048x1xf32>
    tpu.vector_store %arg6[%swap3A, %swap3A_39], %div3A_38 {strides = array<i32>} : memref<2048x1xf32, #tpu.memory_space<vmem>>, vector<2048x1xf32>,
    return
  }
  func.func @transform_0(%arg0: i32) -> (i32, i32) {
    %c0_i32 = arith.constant 0 : i32
    %c0_i32_0 = arith.constant 0 : i32
    return %arg0, %c0_i32 : i32, i32
  }
  func.func @transform_1(%arg0: i32) -> (i32, i32) {
    %c0_i32 = arith.constant 0 : i32
    %c0_i32_0 = arith.constant 0 : i32
    %c0_i32_1 = arith.constant 0 : i32
    return %c0_i32, %c0_i32_0 : i32, i32
  }
  func.func @transform_2(%arg0: i32) -> (i32, i32) {
    %c0_i32 = arith.constant 0 : i32
    %c0_i32_0 = arith.constant 0 : i32
    %c0_i32_1 = arith.constant 0 : i32
    return %c0_i32, %c0_i32_0 : i32, i32
  }
  func.func @transform_3(%arg0: i32) -> (i32, i32) {
    %c0_i32 = arith.constant 0 : i32
    %c0_i32_0 = arith.constant 0 : i32
    %c0_i32_1 = arith.constant 0 : i32
    return %c0_i32, %c0_i32_0 : i32, i32
  }
  func.func @transform_4(%arg0: i32) -> (i32, i32) {
    %c0_i32 = arith.constant 0 : i32
    %c0_i32_0 = arith.constant 0 : i32
    %c0_i32_1 = arith.constant 0 : i32
    return %c0_i32, %c0_i32_0 : i32, i32
  }
  func.func @transform_5(%arg0: i32) -> (i32, i32) {
    %c0_i32 = arith.constant 0 : i32
    %c0_i32_0 = arith.constant 0 : i32
    return %arg0, %c0_i32 : i32, i32
  }
}

module attributes {stable_mosaic.version = 14 : i64} {
  func.func @_readout_body(%arg0: memref<32x2048xf32, #tpu.memory_space<vmem>>, %arg1: memref<32x2048xf32, #tpu.memory_space<vmem>>, %arg2: memref<64x2xf32, #tpu.memory_space<vmem>>, %arg3: memref<128x10xf32, #tpu.memory_space<vmem>>, %arg4: memref<1x10xf32, #tpu.memory_space<vmem>>, %arg5: memref<16x10xf32, #tpu.memory_space<vmem>>) attributes {dimension_semantics = [], scalar_prefetch = 0 : i64, scratch_operands = 0 : i64, tpu.core_type = #tpu.core_type<tc>} {
    %get3A = arith.constant 0 : index
    %get3A_0 = arith.constant 0 : index
    %get3A_1 = vector.load %arg0[%get3A, %get3A_0] : memref<32x2048xf32, #tpu.memory_space<vmem>>, vector<32x2048xf32>
    %get3A_2 = arith.constant 0 : index
    %get3A_3 = arith.constant 0 : index
    %get3A_4 = vector.load %arg1[%get3A_2, %get3A_3] : memref<32x2048xf32, #tpu.memory_space<vmem>>, vector<32x2048xf32>
    %get3A_5 = arith.constant 0 : index
    %get3A_6 = arith.constant 0 : index
    %get3A_7 = vector.load %arg4[%get3A_5, %get3A_6] : memref<1x10xf32, #tpu.memory_space<vmem>>, vector<1x10xf32>
    %get3A_8 = vector.shape_cast %get3A_7 : vector<1x10xf32> to vector<10xf32>
    %broadcast_in_dim3A = vector.shape_cast %get3A_8 : vector<10xf32> to vector<1x10xf32>
    %broadcast_in_dim3A_9 = vector.shape_cast %broadcast_in_dim3A : vector<1x10xf32> to vector<1x10xf32>
    %broadcast_in_dim3A_10 = vector.broadcast %broadcast_in_dim3A_9 : vector<1x10xf32> to vector<16x10xf32>
    %get3A_11 = arith.constant 0 : index
    %get3A_12 = arith.constant 0 : index
    %get3A_13 = vector.load %arg2[%get3A_11, %get3A_12] : memref<64x2xf32, #tpu.memory_space<vmem>>, vector<1x1xf32>
    %get3A_14 = vector.extract %get3A_13[0, 0] : f32 from vector<1x1xf32>
    %get3A_15 = arith.constant 0 : index
    %get3A_16 = arith.constant 1 : index
    %get3A_17 = vector.load %arg2[%get3A_15, %get3A_16] : memref<64x2xf32, #tpu.memory_space<vmem>>, vector<1x1xf32>
    %get3A_18 = vector.extract %get3A_17[0, 0] : f32 from vector<1x1xf32>
    %sub3A = vector.broadcast %get3A_14 : f32 to vector<32x2048xf32>
    %sub3A_19 = arith.subf %get3A_1, %sub3A : vector<32x2048xf32>
    %sub3A_20 = vector.broadcast %get3A_18 : f32 to vector<32x2048xf32>
    %sub3A_21 = arith.subf %get3A_4, %sub3A_20 : vector<32x2048xf32>
    %mul3A = arith.mulf %sub3A_19, %sub3A_19 : vector<32x2048xf32>
    %mul3A_22 = arith.mulf %sub3A_21, %sub3A_21 : vector<32x2048xf32>
    %add3A = arith.addf %mul3A, %mul3A_22 : vector<32x2048xf32>
    %neg3A = arith.constant 0.000000e+00 : f32
    %neg3A_23 = vector.broadcast %neg3A : f32 to vector<32x2048xf32>
    %neg3A_24 = arith.subf %neg3A_23, %add3A : vector<32x2048xf32>
    %mul3A_25 = arith.constant 1.250000e+01 : f32
    %mul3A_26 = vector.broadcast %mul3A_25 : f32 to vector<32x2048xf32>
    %mul3A_27 = arith.mulf %neg3A_24, %mul3A_26 : vector<32x2048xf32>
    %exp3A = math.exp %mul3A_27 : vector<32x2048xf32>
    %reduce_sum3A = arith.constant dense<0.000000e+00> : vector<32xf32>
    %reduce_sum3A_28 = vector.multi_reduction <add>, %exp3A, %reduce_sum3A [1] : vector<32x2048xf32> to vector<32xf32>
    %slice3A = vector.extract_strided_slice %reduce_sum3A_28 {offsets = [0], sizes = [16], strides = [1]} : vector<32xf32> to vector<16xf32>
    %broadcast_in_dim3A_29 = vector.shape_cast %slice3A : vector<16xf32> to vector<16x1xf32>
    %get3A_30 = arith.constant 0 : index
    %get3A_31 = arith.constant 0 : index
    %get3A_32 = vector.load %arg3[%get3A_30, %get3A_31] : memref<128x10xf32, #tpu.memory_space<vmem>>, vector<1x10xf32>
    %get3A_33 = vector.shape_cast %get3A_32 : vector<1x10xf32> to vector<10xf32>
    %broadcast_in_dim3A_34 = vector.shape_cast %get3A_33 : vector<10xf32> to vector<1x10xf32>
    %mul3A_35 = vector.broadcast %broadcast_in_dim3A_29 : vector<16x1xf32> to vector<16x10xf32>
    %mul3A_36 = vector.broadcast %broadcast_in_dim3A_34 : vector<1x10xf32> to vector<16x10xf32>
    %mul3A_37 = arith.mulf %mul3A_35, %mul3A_36 : vector<16x10xf32>
    %add3A_38 = arith.addf %broadcast_in_dim3A_10, %mul3A_37 : vector<16x10xf32>
    %slice3A_39 = vector.extract_strided_slice %reduce_sum3A_28 {offsets = [16], sizes = [16], strides = [1]} : vector<32xf32> to vector<16xf32>
    %broadcast_in_dim3A_40 = vector.shape_cast %slice3A_39 : vector<16xf32> to vector<16x1xf32>
    %get3A_41 = arith.constant 64 : index
    %get3A_42 = arith.constant 0 : index
    %get3A_43 = vector.load %arg3[%get3A_41, %get3A_42] : memref<128x10xf32, #tpu.memory_space<vmem>>, vector<1x10xf32>
    %get3A_44 = vector.shape_cast %get3A_43 : vector<1x10xf32> to vector<10xf32>
    %broadcast_in_dim3A_45 = vector.shape_cast %get3A_44 : vector<10xf32> to vector<1x10xf32>
    %mul3A_46 = vector.broadcast %broadcast_in_dim3A_40 : vector<16x1xf32> to vector<16x10xf32>
    %mul3A_47 = vector.broadcast %broadcast_in_dim3A_45 : vector<1x10xf32> to vector<16x10xf32>
    %mul3A_48 = arith.mulf %mul3A_46, %mul3A_47 : vector<16x10xf32>
    %add3A_49 = arith.addf %add3A_38, %mul3A_48 : vector<16x10xf32>
    %get3A_50 = arith.constant 1 : index
    %get3A_51 = arith.constant 0 : index
    %get3A_52 = vector.load %arg2[%get3A_50, %get3A_51] : memref<64x2xf32, #tpu.memory_space<vmem>>, vector<1x1xf32>
    %get3A_53 = vector.extract %get3A_52[0, 0] : f32 from vector<1x1xf32>
    %get3A_54 = arith.constant 1 : index
    %get3A_55 = arith.constant 1 : index
    %get3A_56 = vector.load %arg2[%get3A_54, %get3A_55] : memref<64x2xf32, #tpu.memory_space<vmem>>, vector<1x1xf32>
    %get3A_57 = vector.extract %get3A_56[0, 0] : f32 from vector<1x1xf32>
    %sub3A_58 = vector.broadcast %get3A_53 : f32 to vector<32x2048xf32>
    %sub3A_59 = arith.subf %get3A_1, %sub3A_58 : vector<32x2048xf32>
    %sub3A_60 = vector.broadcast %get3A_57 : f32 to vector<32x2048xf32>
    %sub3A_61 = arith.subf %get3A_4, %sub3A_60 : vector<32x2048xf32>
    %mul3A_62 = arith.mulf %sub3A_59, %sub3A_59 : vector<32x2048xf32>
    %mul3A_63 = arith.mulf %sub3A_61, %sub3A_61 : vector<32x2048xf32>
    %add3A_64 = arith.addf %mul3A_62, %mul3A_63 : vector<32x2048xf32>
    %neg3A_65 = arith.constant 0.000000e+00 : f32
    %neg3A_66 = vector.broadcast %neg3A_65 : f32 to vector<32x2048xf32>
    %neg3A_67 = arith.subf %neg3A_66, %add3A_64 : vector<32x2048xf32>
    %mul3A_68 = arith.constant 1.250000e+01 : f32
    %mul3A_69 = vector.broadcast %mul3A_68 : f32 to vector<32x2048xf32>
    %mul3A_70 = arith.mulf %neg3A_67, %mul3A_69 : vector<32x2048xf32>
    %exp3A_71 = math.exp %mul3A_70 : vector<32x2048xf32>
    %reduce_sum3A_72 = arith.constant dense<0.000000e+00> : vector<32xf32>
    %reduce_sum3A_73 = vector.multi_reduction <add>, %exp3A_71, %reduce_sum3A_72 [1] : vector<32x2048xf32> to vector<32xf32>
    %slice3A_74 = vector.extract_strided_slice %reduce_sum3A_73 {offsets = [0], sizes = [16], strides = [1]} : vector<32xf32> to vector<16xf32>
    %broadcast_in_dim3A_75 = vector.shape_cast %slice3A_74 : vector<16xf32> to vector<16x1xf32>
    %get3A_76 = arith.constant 1 : index
    %get3A_77 = arith.constant 0 : index
    %get3A_78 = vector.load %arg3[%get3A_76, %get3A_77] : memref<128x10xf32, #tpu.memory_space<vmem>>, vector<1x10xf32>
    %get3A_79 = vector.shape_cast %get3A_78 : vector<1x10xf32> to vector<10xf32>
    %broadcast_in_dim3A_80 = vector.shape_cast %get3A_79 : vector<10xf32> to vector<1x10xf32>
    %mul3A_81 = vector.broadcast %broadcast_in_dim3A_75 : vector<16x1xf32> to vector<16x10xf32>
    %mul3A_82 = vector.broadcast %broadcast_in_dim3A_80 : vector<1x10xf32> to vector<16x10xf32>
    %mul3A_83 = arith.mulf %mul3A_81, %mul3A_82 : vector<16x10xf32>
    %add3A_84 = arith.addf %add3A_49, %mul3A_83 : vector<16x10xf32>
    %slice3A_85 = vector.extract_strided_slice %reduce_sum3A_73 {offsets = [16], sizes = [16], strides = [1]} : vector<32xf32> to vector<16xf32>
    %broadcast_in_dim3A_86 = vector.shape_cast %slice3A_85 : vector<16xf32> to vector<16x1xf32>
    %get3A_87 = arith.constant 65 : index
    %get3A_88 = arith.constant 0 : index
    %get3A_89 = vector.load %arg3[%get3A_87, %get3A_88] : memref<128x10xf32, #tpu.memory_space<vmem>>, vector<1x10xf32>
    %get3A_90 = vector.shape_cast %get3A_89 : vector<1x10xf32> to vector<10xf32>
    %broadcast_in_dim3A_91 = vector.shape_cast %get3A_90 : vector<10xf32> to vector<1x10xf32>
    %mul3A_92 = vector.broadcast %broadcast_in_dim3A_86 : vector<16x1xf32> to vector<16x10xf32>
    %mul3A_93 = vector.broadcast %broadcast_in_dim3A_91 : vector<1x10xf32> to vector<16x10xf32>
    %mul3A_94 = arith.mulf %mul3A_92, %mul3A_93 : vector<16x10xf32>
    %add3A_95 = arith.addf %add3A_84, %mul3A_94 : vector<16x10xf32>
    %get3A_96 = arith.constant 2 : index
    %get3A_97 = arith.constant 0 : index
    %get3A_98 = vector.load %arg2[%get3A_96, %get3A_97] : memref<64x2xf32, #tpu.memory_space<vmem>>, vector<1x1xf32>
    %get3A_99 = vector.extract %get3A_98[0, 0] : f32 from vector<1x1xf32>
    %get3A_100 = arith.constant 2 : index
    %get3A_101 = arith.constant 1 : index
    %get3A_102 = vector.load %arg2[%get3A_100, %get3A_101] : memref<64x2xf32, #tpu.memory_space<vmem>>, vector<1x1xf32>
    %get3A_103 = vector.extract %get3A_102[0, 0] : f32 from vector<1x1xf32>
    %sub3A_104 = vector.broadcast %get3A_99 : f32 to vector<32x2048xf32>
    %sub3A_105 = arith.subf %get3A_1, %sub3A_104 : vector<32x2048xf32>
    %sub3A_106 = vector.broadcast %get3A_103 : f32 to vector<32x2048xf32>
    %sub3A_107 = arith.subf %get3A_4, %sub3A_106 : vector<32x2048xf32>
    %mul3A_108 = arith.mulf %sub3A_105, %sub3A_105 : vector<32x2048xf32>
    %mul3A_109 = arith.mulf %sub3A_107, %sub3A_107 : vector<32x2048xf32>
    %add3A_110 = arith.addf %mul3A_108, %mul3A_109 : vector<32x2048xf32>
    %neg3A_111 = arith.constant 0.000000e+00 : f32
    %neg3A_112 = vector.broadcast %neg3A_111 : f32 to vector<32x2048xf32>
    %neg3A_113 = arith.subf %neg3A_112, %add3A_110 : vector<32x2048xf32>
    %mul3A_114 = arith.constant 1.250000e+01 : f32
    %mul3A_115 = vector.broadcast %mul3A_114 : f32 to vector<32x2048xf32>
    %mul3A_116 = arith.mulf %neg3A_113, %mul3A_115 : vector<32x2048xf32>
    %exp3A_117 = math.exp %mul3A_116 : vector<32x2048xf32>
    %reduce_sum3A_118 = arith.constant dense<0.000000e+00> : vector<32xf32>
    %reduce_sum3A_119 = vector.multi_reduction <add>, %exp3A_117, %reduce_sum3A_118 [1] : vector<32x2048xf32> to vector<32xf32>
    %slice3A_120 = vector.extract_strided_slice %reduce_sum3A_119 {offsets = [0], sizes = [16], strides = [1]} : vector<32xf32> to vector<16xf32>
    %broadcast_in_dim3A_121 = vector.shape_cast %slice3A_120 : vector<16xf32> to vector<16x1xf32>
    %get3A_122 = arith.constant 2 : index
    %get3A_123 = arith.constant 0 : index
    %get3A_124 = vector.load %arg3[%get3A_122, %get3A_123] : memref<128x10xf32, #tpu.memory_space<vmem>>, vector<1x10xf32>
    %get3A_125 = vector.shape_cast %get3A_124 : vector<1x10xf32> to vector<10xf32>
    %broadcast_in_dim3A_126 = vector.shape_cast %get3A_125 : vector<10xf32> to vector<1x10xf32>
    %mul3A_127 = vector.broadcast %broadcast_in_dim3A_121 : vector<16x1xf32> to vector<16x10xf32>
    %mul3A_128 = vector.broadcast %broadcast_in_dim3A_126 : vector<1x10xf32> to vector<16x10xf32>
    %mul3A_129 = arith.mulf %mul3A_127, %mul3A_128 : vector<16x10xf32>
    %add3A_130 = arith.addf %add3A_95, %mul3A_129 : vector<16x10xf32>
    %slice3A_131 = vector.extract_strided_slice %reduce_sum3A_119 {offsets = [16], sizes = [16], strides = [1]} : vector<32xf32> to vector<16xf32>
    %broadcast_in_dim3A_132 = vector.shape_cast %slice3A_131 : vector<16xf32> to vector<16x1xf32>
    %get3A_133 = arith.constant 66 : index
    %get3A_134 = arith.constant 0 : index
    %get3A_135 = vector.load %arg3[%get3A_133, %get3A_134] : memref<128x10xf32, #tpu.memory_space<vmem>>, vector<1x10xf32>
    %get3A_136 = vector.shape_cast %get3A_135 : vector<1x10xf32> to vector<10xf32>
    %broadcast_in_dim3A_137 = vector.shape_cast %get3A_136 : vector<10xf32> to vector<1x10xf32>
    %mul3A_138 = vector.broadcast %broadcast_in_dim3A_132 : vector<16x1xf32> to vector<16x10xf32>
    %mul3A_139 = vector.broadcast %broadcast_in_dim3A_137 : vector<1x10xf32> to vector<16x10xf32>
    %mul3A_140 = arith.mulf %mul3A_138, %mul3A_139 : vector<16x10xf32>
    %add3A_141 = arith.addf %add3A_130, %mul3A_140 : vector<16x10xf32>
    %get3A_142 = arith.constant 3 : index
    %get3A_143 = arith.constant 0 : index
    %get3A_144 = vector.load %arg2[%get3A_142, %get3A_143] : memref<64x2xf32, #tpu.memory_space<vmem>>, vector<1x1xf32>
    %get3A_145 = vector.extract %get3A_144[0, 0] : f32 from vector<1x1xf32>
    %get3A_146 = arith.constant 3 : index
    %get3A_147 = arith.constant 1 : index
    %get3A_148 = vector.load %arg2[%get3A_146, %get3A_147] : memref<64x2xf32, #tpu.memory_space<vmem>>, vector<1x1xf32>
    %get3A_149 = vector.extract %get3A_148[0, 0] : f32 from vector<1x1xf32>
    %sub3A_150 = vector.broadcast %get3A_145 : f32 to vector<32x2048xf32>
    %sub3A_151 = arith.subf %get3A_1, %sub3A_150 : vector<32x2048xf32>
    %sub3A_152 = vector.broadcast %get3A_149 : f32 to vector<32x2048xf32>
    %sub3A_153 = arith.subf %get3A_4, %sub3A_152 : vector<32x2048xf32>
    %mul3A_154 = arith.mulf %sub3A_151, %sub3A_151 : vector<32x2048xf32>
    %mul3A_155 = arith.mulf %sub3A_153, %sub3A_153 : vector<32x2048xf32>
    %add3A_156 = arith.addf %mul3A_154, %mul3A_155 : vector<32x2048xf32>
    %neg3A_157 = arith.constant 0.000000e+00 : f32
    %neg3A_158 = vector.broadcast %neg3A_157 : f32 to vector<32x2048xf32>
    %neg3A_159 = arith.subf %neg3A_158, %add3A_156 : vector<32x2048xf32>
    %mul3A_160 = arith.constant 1.250000e+01 : f32
    %mul3A_161 = vector.broadcast %mul3A_160 : f32 to vector<32x2048xf32>
    %mul3A_162 = arith.mulf %neg3A_159, %mul3A_161 : vector<32x2048xf32>
    %exp3A_163 = math.exp %mul3A_162 : vector<32x2048xf32>
    %reduce_sum3A_164 = arith.constant dense<0.000000e+00> : vector<32xf32>
    %reduce_sum3A_165 = vector.multi_reduction <add>, %exp3A_163, %reduce_sum3A_164 [1] : vector<32x2048xf32> to vector<32xf32>
    %slice3A_166 = vector.extract_strided_slice %reduce_sum3A_165 {offsets = [0], sizes = [16], strides = [1]} : vector<32xf32> to vector<16xf32>
    %broadcast_in_dim3A_167 = vector.shape_cast %slice3A_166 : vector<16xf32> to vector<16x1xf32>
    %get3A_168 = arith.constant 3 : index
    %get3A_169 = arith.constant 0 : index
    %get3A_170 = vector.load %arg3[%get3A_168, %get3A_169] : memref<128x10xf32, #tpu.memory_space<vmem>>, vector<1x10xf32>
    %get3A_171 = vector.shape_cast %get3A_170 : vector<1x10xf32> to vector<10xf32>
    %broadcast_in_dim3A_172 = vector.shape_cast %get3A_171 : vector<10xf32> to vector<1x10xf32>
    %mul3A_173 = vector.broadcast %broadcast_in_dim3A_167 : vector<16x1xf32> to vector<16x10xf32>
    %mul3A_174 = vector.broadcast %broadcast_in_dim3A_172 : vector<1x10xf32> to vector<16x10xf32>
    %mul3A_175 = arith.mulf %mul3A_173, %mul3A_174 : vector<16x10xf32>
    %add3A_176 = arith.addf %add3A_141, %mul3A_175 : vector<16x10xf32>
    %slice3A_177 = vector.extract_strided_slice %reduce_sum3A_165 {offsets = [16], sizes = [16], strides = [1]} : vector<32xf32> to vector<16xf32>
    %broadcast_in_dim3A_178 = vector.shape_cast %slice3A_177 : vector<16xf32> to vector<16x1xf32>
    %get3A_179 = arith.constant 67 : index
    %get3A_180 = arith.constant 0 : index
    %get3A_181 = vector.load %arg3[%get3A_179, %get3A_180] : memref<128x10xf32, #tpu.memory_space<vmem>>, vector<1x10xf32>
    %get3A_182 = vector.shape_cast %get3A_181 : vector<1x10xf32> to vector<10xf32>
    %broadcast_in_dim3A_183 = vector.shape_cast %get3A_182 : vector<10xf32> to vector<1x10xf32>
    %mul3A_184 = vector.broadcast %broadcast_in_dim3A_178 : vector<16x1xf32> to vector<16x10xf32>
    %mul3A_185 = vector.broadcast %broadcast_in_dim3A_183 : vector<1x10xf32> to vector<16x10xf32>
    %mul3A_186 = arith.mulf %mul3A_184, %mul3A_185 : vector<16x10xf32>
    %add3A_187 = arith.addf %add3A_176, %mul3A_186 : vector<16x10xf32>
    %get3A_188 = arith.constant 4 : index
    %get3A_189 = arith.constant 0 : index
    %get3A_190 = vector.load %arg2[%get3A_188, %get3A_189] : memref<64x2xf32, #tpu.memory_space<vmem>>, vector<1x1xf32>
    %get3A_191 = vector.extract %get3A_190[0, 0] : f32 from vector<1x1xf32>
    %get3A_192 = arith.constant 4 : index
    %get3A_193 = arith.constant 1 : index
    %get3A_194 = vector.load %arg2[%get3A_192, %get3A_193] : memref<64x2xf32, #tpu.memory_space<vmem>>, vector<1x1xf32>
    %get3A_195 = vector.extract %get3A_194[0, 0] : f32 from vector<1x1xf32>
    %sub3A_196 = vector.broadcast %get3A_191 : f32 to vector<32x2048xf32>
    %sub3A_197 = arith.subf %get3A_1, %sub3A_196 : vector<32x2048xf32>
    %sub3A_198 = vector.broadcast %get3A_195 : f32 to vector<32x2048xf32>
    %sub3A_199 = arith.subf %get3A_4, %sub3A_198 : vector<32x2048xf32>
    %mul3A_200 = arith.mulf %sub3A_197, %sub3A_197 : vector<32x2048xf32>
    %mul3A_201 = arith.mulf %sub3A_199, %sub3A_199 : vector<32x2048xf32>
    %add3A_202 = arith.addf %mul3A_200, %mul3A_201 : vector<32x2048xf32>
    %neg3A_203 = arith.constant 0.000000e+00 : f32
    %neg3A_204 = vector.broadcast %neg3A_203 : f32 to vector<32x2048xf32>
    %neg3A_205 = arith.subf %neg3A_204, %add3A_202 : vector<32x2048xf32>
    %mul3A_206 = arith.constant 1.250000e+01 : f32
    %mul3A_207 = vector.broadcast %mul3A_206 : f32 to vector<32x2048xf32>
    %mul3A_208 = arith.mulf %neg3A_205, %mul3A_207 : vector<32x2048xf32>
    %exp3A_209 = math.exp %mul3A_208 : vector<32x2048xf32>
    %reduce_sum3A_210 = arith.constant dense<0.000000e+00> : vector<32xf32>
    %reduce_sum3A_211 = vector.multi_reduction <add>, %exp3A_209, %reduce_sum3A_210 [1] : vector<32x2048xf32> to vector<32xf32>
    %slice3A_212 = vector.extract_strided_slice %reduce_sum3A_211 {offsets = [0], sizes = [16], strides = [1]} : vector<32xf32> to vector<16xf32>
    %broadcast_in_dim3A_213 = vector.shape_cast %slice3A_212 : vector<16xf32> to vector<16x1xf32>
    %get3A_214 = arith.constant 4 : index
    %get3A_215 = arith.constant 0 : index
    %get3A_216 = vector.load %arg3[%get3A_214, %get3A_215] : memref<128x10xf32, #tpu.memory_space<vmem>>, vector<1x10xf32>
    %get3A_217 = vector.shape_cast %get3A_216 : vector<1x10xf32> to vector<10xf32>
    %broadcast_in_dim3A_218 = vector.shape_cast %get3A_217 : vector<10xf32> to vector<1x10xf32>
    %mul3A_219 = vector.broadcast %broadcast_in_dim3A_213 : vector<16x1xf32> to vector<16x10xf32>
    %mul3A_220 = vector.broadcast %broadcast_in_dim3A_218 : vector<1x10xf32> to vector<16x10xf32>
    %mul3A_221 = arith.mulf %mul3A_219, %mul3A_220 : vector<16x10xf32>
    %add3A_222 = arith.addf %add3A_187, %mul3A_221 : vector<16x10xf32>
    %slice3A_223 = vector.extract_strided_slice %reduce_sum3A_211 {offsets = [16], sizes = [16], strides = [1]} : vector<32xf32> to vector<16xf32>
    %broadcast_in_dim3A_224 = vector.shape_cast %slice3A_223 : vector<16xf32> to vector<16x1xf32>
    %get3A_225 = arith.constant 68 : index
    %get3A_226 = arith.constant 0 : index
    %get3A_227 = vector.load %arg3[%get3A_225, %get3A_226] : memref<128x10xf32, #tpu.memory_space<vmem>>, vector<1x10xf32>
    %get3A_228 = vector.shape_cast %get3A_227 : vector<1x10xf32> to vector<10xf32>
    %broadcast_in_dim3A_229 = vector.shape_cast %get3A_228 : vector<10xf32> to vector<1x10xf32>
    %mul3A_230 = vector.broadcast %broadcast_in_dim3A_224 : vector<16x1xf32> to vector<16x10xf32>
    %mul3A_231 = vector.broadcast %broadcast_in_dim3A_229 : vector<1x10xf32> to vector<16x10xf32>
    %mul3A_232 = arith.mulf %mul3A_230, %mul3A_231 : vector<16x10xf32>
    %add3A_233 = arith.addf %add3A_222, %mul3A_232 : vector<16x10xf32>
    %get3A_234 = arith.constant 5 : index
    %get3A_235 = arith.constant 0 : index
    %get3A_236 = vector.load %arg2[%get3A_234, %get3A_235] : memref<64x2xf32, #tpu.memory_space<vmem>>, vector<1x1xf32>
    %get3A_237 = vector.extract %get3A_236[0, 0] : f32 from vector<1x1xf32>
    %get3A_238 = arith.constant 5 : index
    %get3A_239 = arith.constant 1 : index
    %get3A_240 = vector.load %arg2[%get3A_238, %get3A_239] : memref<64x2xf32, #tpu.memory_space<vmem>>, vector<1x1xf32>
    %get3A_241 = vector.extract %get3A_240[0, 0] : f32 from vector<1x1xf32>
    %sub3A_242 = vector.broadcast %get3A_237 : f32 to vector<32x2048xf32>
    %sub3A_243 = arith.subf %get3A_1, %sub3A_242 : vector<32x2048xf32>
    %sub3A_244 = vector.broadcast %get3A_241 : f32 to vector<32x2048xf32>
    %sub3A_245 = arith.subf %get3A_4, %sub3A_244 : vector<32x2048xf32>
    %mul3A_246 = arith.mulf %sub3A_243, %sub3A_243 : vector<32x2048xf32>
    %mul3A_247 = arith.mulf %sub3A_245, %sub3A_245 : vector<32x2048xf32>
    %add3A_248 = arith.addf %mul3A_246, %mul3A_247 : vector<32x2048xf32>
    %neg3A_249 = arith.constant 0.000000e+00 : f32
    %neg3A_250 = vector.broadcast %neg3A_249 : f32 to vector<32x2048xf32>
    %neg3A_251 = arith.subf %neg3A_250, %add3A_248 : vector<32x2048xf32>
    %mul3A_252 = arith.constant 1.250000e+01 : f32
    %mul3A_253 = vector.broadcast %mul3A_252 : f32 to vector<32x2048xf32>
    %mul3A_254 = arith.mulf %neg3A_251, %mul3A_253 : vector<32x2048xf32>
    %exp3A_255 = math.exp %mul3A_254 : vector<32x2048xf32>
    %reduce_sum3A_256 = arith.constant dense<0.000000e+00> : vector<32xf32>
    %reduce_sum3A_257 = vector.multi_reduction <add>, %exp3A_255, %reduce_sum3A_256 [1] : vector<32x2048xf32> to vector<32xf32>
    %slice3A_258 = vector.extract_strided_slice %reduce_sum3A_257 {offsets = [0], sizes = [16], strides = [1]} : vector<32xf32> to vector<16xf32>
    %broadcast_in_dim3A_259 = vector.shape_cast %slice3A_258 : vector<16xf32> to vector<16x1xf32>
    %get3A_260 = arith.constant 5 : index
    %get3A_261 = arith.constant 0 : index
    %get3A_262 = vector.load %arg3[%get3A_260, %get3A_261] : memref<128x10xf32, #tpu.memory_space<vmem>>, vector<1x10xf32>
    %get3A_263 = vector.shape_cast %get3A_262 : vector<1x10xf32> to vector<10xf32>
    %broadcast_in_dim3A_264 = vector.shape_cast %get3A_263 : vector<10xf32> to vector<1x10xf32>
    %mul3A_265 = vector.broadcast %broadcast_in_dim3A_259 : vector<16x1xf32> to vector<16x10xf32>
    %mul3A_266 = vector.broadcast %broadcast_in_dim3A_264 : vector<1x10xf32> to vector<16x10xf32>
    %mul3A_267 = arith.mulf %mul3A_265, %mul3A_266 : vector<16x10xf32>
    %add3A_268 = arith.addf %add3A_233, %mul3A_267 : vector<16x10xf32>
    %slice3A_269 = vector.extract_strided_slice %reduce_sum3A_257 {offsets = [16], sizes = [16], strides = [1]} : vector<32xf32> to vector<16xf32>
    %broadcast_in_dim3A_270 = vector.shape_cast %slice3A_269 : vector<16xf32> to vector<16x1xf32>
    %get3A_271 = arith.constant 69 : index
    %get3A_272 = arith.constant 0 : index
    %get3A_273 = vector.load %arg3[%get3A_271, %get3A_272] : memref<128x10xf32, #tpu.memory_space<vmem>>, vector<1x10xf32>
    %get3A_274 = vector.shape_cast %get3A_273 : vector<1x10xf32> to vector<10xf32>
    %broadcast_in_dim3A_275 = vector.shape_cast %get3A_274 : vector<10xf32> to vector<1x10xf32>
    %mul3A_276 = vector.broadcast %broadcast_in_dim3A_270 : vector<16x1xf32> to vector<16x10xf32>
    %mul3A_277 = vector.broadcast %broadcast_in_dim3A_275 : vector<1x10xf32> to vector<16x10xf32>
    %mul3A_278 = arith.mulf %mul3A_276, %mul3A_277 : vector<16x10xf32>
    %add3A_279 = arith.addf %add3A_268, %mul3A_278 : vector<16x10xf32>
    %get3A_280 = arith.constant 6 : index
    %get3A_281 = arith.constant 0 : index
    %get3A_282 = vector.load %arg2[%get3A_280, %get3A_281] : memref<64x2xf32, #tpu.memory_space<vmem>>, vector<1x1xf32>
    %get3A_283 = vector.extract %get3A_282[0, 0] : f32 from vector<1x1xf32>
    %get3A_284 = arith.constant 6 : index
    %get3A_285 = arith.constant 1 : index
    %get3A_286 = vector.load %arg2[%get3A_284, %get3A_285] : memref<64x2xf32, #tpu.memory_space<vmem>>, vector<1x1xf32>
    %get3A_287 = vector.extract %get3A_286[0, 0] : f32 from vector<1x1xf32>
    %sub3A_288 = vector.broadcast %get3A_283 : f32 to vector<32x2048xf32>
    %sub3A_289 = arith.subf %get3A_1, %sub3A_288 : vector<32x2048xf32>
    %sub3A_290 = vector.broadcast %get3A_287 : f32 to vector<32x2048xf32>
    %sub3A_291 = arith.subf %get3A_4, %sub3A_290 : vector<32x2048xf32>
    %mul3A_292 = arith.mulf %sub3A_289, %sub3A_289 : vector<32x2048xf32>
    %mul3A_293 = arith.mulf %sub3A_291, %sub3A_291 : vector<32x2048xf32>
    %add3A_294 = arith.addf %mul3A_292, %mul3A_293 : vector<32x2048xf32>
    %neg3A_295 = arith.constant 0.000000e+00 : f32
    %neg3A_296 = vector.broadcast %neg3A_295 : f32 to vector<32x2048xf32>
    %neg3A_297 = arith.subf %neg3A_296, %add3A_294 : vector<32x2048xf32>
    %mul3A_298 = arith.constant 1.250000e+01 : f32
    %mul3A_299 = vector.broadcast %mul3A_298 : f32 to vector<32x2048xf32>
    %mul3A_300 = arith.mulf %neg3A_297, %mul3A_299 : vector<32x2048xf32>
    %exp3A_301 = math.exp %mul3A_300 : vector<32x2048xf32>
    %reduce_sum3A_302 = arith.constant dense<0.000000e+00> : vector<32xf32>
    %reduce_sum3A_303 = vector.multi_reduction <add>, %exp3A_301, %reduce_sum3A_302 [1] : vector<32x2048xf32> to vector<32xf32>
    %slice3A_304 = vector.extract_strided_slice %reduce_sum3A_303 {offsets = [0], sizes = [16], strides = [1]} : vector<32xf32> to vector<16xf32>
    %broadcast_in_dim3A_305 = vector.shape_cast %slice3A_304 : vector<16xf32> to vector<16x1xf32>
    %get3A_306 = arith.constant 6 : index
    %get3A_307 = arith.constant 0 : index
    %get3A_308 = vector.load %arg3[%get3A_306, %get3A_307] : memref<128x10xf32, #tpu.memory_space<vmem>>, vector<1x10xf32>
    %get3A_309 = vector.shape_cast %get3A_308 : vector<1x10xf32> to vector<10xf32>
    %broadcast_in_dim3A_310 = vector.shape_cast %get3A_309 : vector<10xf32> to vector<1x10xf32>
    %mul3A_311 = vector.broadcast %broadcast_in_dim3A_305 : vector<16x1xf32> to vector<16x10xf32>
    %mul3A_312 = vector.broadcast %broadcast_in_dim3A_310 : vector<1x10xf32> to vector<16x10xf32>
    %mul3A_313 = arith.mulf %mul3A_311, %mul3A_312 : vector<16x10xf32>
    %add3A_314 = arith.addf %add3A_279, %mul3A_313 : vector<16x10xf32>
    %slice3A_315 = vector.extract_strided_slice %reduce_sum3A_303 {offsets = [16], sizes = [16], strides = [1]} : vector<32xf32> to vector<16xf32>
    %broadcast_in_dim3A_316 = vector.shape_cast %slice3A_315 : vector<16xf32> to vector<16x1xf32>
    %get3A_317 = arith.constant 70 : index
    %get3A_318 = arith.constant 0 : index
    %get3A_319 = vector.load %arg3[%get3A_317, %get3A_318] : memref<128x10xf32, #tpu.memory_space<vmem>>, vector<1x10xf32>
    %get3A_320 = vector.shape_cast %get3A_319 : vector<1x10xf32> to vector<10xf32>
    %broadcast_in_dim3A_321 = vector.shape_cast %get3A_320 : vector<10xf32> to vector<1x10xf32>
    %mul3A_322 = vector.broadcast %broadcast_in_dim3A_316 : vector<16x1xf32> to vector<16x10xf32>
    %mul3A_323 = vector.broadcast %broadcast_in_dim3A_321 : vector<1x10xf32> to vector<16x10xf32>
    %mul3A_324 = arith.mulf %mul3A_322, %mul3A_323 : vector<16x10xf32>
    %add3A_325 = arith.addf %add3A_314, %mul3A_324 : vector<16x10xf32>
    %get3A_326 = arith.constant 7 : index
    %get3A_327 = arith.constant 0 : index
    %get3A_328 = vector.load %arg2[%get3A_326, %get3A_327] : memref<64x2xf32, #tpu.memory_space<vmem>>, vector<1x1xf32>
    %get3A_329 = vector.extract %get3A_328[0, 0] : f32 from vector<1x1xf32>
    %get3A_330 = arith.constant 7 : index
    %get3A_331 = arith.constant 1 : index
    %get3A_332 = vector.load %arg2[%get3A_330, %get3A_331] : memref<64x2xf32, #tpu.memory_space<vmem>>, vector<1x1xf32>
    %get3A_333 = vector.extract %get3A_332[0, 0] : f32 from vector<1x1xf32>
    %sub3A_334 = vector.broadcast %get3A_329 : f32 to vector<32x2048xf32>
    %sub3A_335 = arith.subf %get3A_1, %sub3A_334 : vector<32x2048xf32>
    %sub3A_336 = vector.broadcast %get3A_333 : f32 to vector<32x2048xf32>
    %sub3A_337 = arith.subf %get3A_4, %sub3A_336 : vector<32x2048xf32>
    %mul3A_338 = arith.mulf %sub3A_335, %sub3A_335 : vector<32x2048xf32>
    %mul3A_339 = arith.mulf %sub3A_337, %sub3A_337 : vector<32x2048xf32>
    %add3A_340 = arith.addf %mul3A_338, %mul3A_339 : vector<32x2048xf32>
    %neg3A_341 = arith.constant 0.000000e+00 : f32
    %neg3A_342 = vector.broadcast %neg3A_341 : f32 to vector<32x2048xf32>
    %neg3A_343 = arith.subf %neg3A_342, %add3A_340 : vector<32x2048xf32>
    %mul3A_344 = arith.constant 1.250000e+01 : f32
    %mul3A_345 = vector.broadcast %mul3A_344 : f32 to vector<32x2048xf32>
    %mul3A_346 = arith.mulf %neg3A_343, %mul3A_345 : vector<32x2048xf32>
    %exp3A_347 = math.exp %mul3A_346 : vector<32x2048xf32>
    %reduce_sum3A_348 = arith.constant dense<0.000000e+00> : vector<32xf32>
    %reduce_sum3A_349 = vector.multi_reduction <add>, %exp3A_347, %reduce_sum3A_348 [1] : vector<32x2048xf32> to vector<32xf32>
    %slice3A_350 = vector.extract_strided_slice %reduce_sum3A_349 {offsets = [0], sizes = [16], strides = [1]} : vector<32xf32> to vector<16xf32>
    %broadcast_in_dim3A_351 = vector.shape_cast %slice3A_350 : vector<16xf32> to vector<16x1xf32>
    %get3A_352 = arith.constant 7 : index
    %get3A_353 = arith.constant 0 : index
    %get3A_354 = vector.load %arg3[%get3A_352, %get3A_353] : memref<128x10xf32, #tpu.memory_space<vmem>>, vector<1x10xf32>
    %get3A_355 = vector.shape_cast %get3A_354 : vector<1x10xf32> to vector<10xf32>
    %broadcast_in_dim3A_356 = vector.shape_cast %get3A_355 : vector<10xf32> to vector<1x10xf32>
    %mul3A_357 = vector.broadcast %broadcast_in_dim3A_351 : vector<16x1xf32> to vector<16x10xf32>
    %mul3A_358 = vector.broadcast %broadcast_in_dim3A_356 : vector<1x10xf32> to vector<16x10xf32>
    %mul3A_359 = arith.mulf %mul3A_357, %mul3A_358 : vector<16x10xf32>
    %add3A_360 = arith.addf %add3A_325, %mul3A_359 : vector<16x10xf32>
    %slice3A_361 = vector.extract_strided_slice %reduce_sum3A_349 {offsets = [16], sizes = [16], strides = [1]} : vector<32xf32> to vector<16xf32>
    %broadcast_in_dim3A_362 = vector.shape_cast %slice3A_361 : vector<16xf32> to vector<16x1xf32>
    %get3A_363 = arith.constant 71 : index
    %get3A_364 = arith.constant 0 : index
    %get3A_365 = vector.load %arg3[%get3A_363, %get3A_364] : memref<128x10xf32, #tpu.memory_space<vmem>>, vector<1x10xf32>
    %get3A_366 = vector.shape_cast %get3A_365 : vector<1x10xf32> to vector<10xf32>
    %broadcast_in_dim3A_367 = vector.shape_cast %get3A_366 : vector<10xf32> to vector<1x10xf32>
    %mul3A_368 = vector.broadcast %broadcast_in_dim3A_362 : vector<16x1xf32> to vector<16x10xf32>
    %mul3A_369 = vector.broadcast %broadcast_in_dim3A_367 : vector<1x10xf32> to vector<16x10xf32>
    %mul3A_370 = arith.mulf %mul3A_368, %mul3A_369 : vector<16x10xf32>
    %add3A_371 = arith.addf %add3A_360, %mul3A_370 : vector<16x10xf32>
    %get3A_372 = arith.constant 8 : index
    %get3A_373 = arith.constant 0 : index
    %get3A_374 = vector.load %arg2[%get3A_372, %get3A_373] : memref<64x2xf32, #tpu.memory_space<vmem>>, vector<1x1xf32>
    %get3A_375 = vector.extract %get3A_374[0, 0] : f32 from vector<1x1xf32>
    %get3A_376 = arith.constant 8 : index
    %get3A_377 = arith.constant 1 : index
    %get3A_378 = vector.load %arg2[%get3A_376, %get3A_377] : memref<64x2xf32, #tpu.memory_space<vmem>>, vector<1x1xf32>
    %get3A_379 = vector.extract %get3A_378[0, 0] : f32 from vector<1x1xf32>
    %sub3A_380 = vector.broadcast %get3A_375 : f32 to vector<32x2048xf32>
    %sub3A_381 = arith.subf %get3A_1, %sub3A_380 : vector<32x2048xf32>
    %sub3A_382 = vector.broadcast %get3A_379 : f32 to vector<32x2048xf32>
    %sub3A_383 = arith.subf %get3A_4, %sub3A_382 : vector<32x2048xf32>
    %mul3A_384 = arith.mulf %sub3A_381, %sub3A_381 : vector<32x2048xf32>
    %mul3A_385 = arith.mulf %sub3A_383, %sub3A_383 : vector<32x2048xf32>
    %add3A_386 = arith.addf %mul3A_384, %mul3A_385 : vector<32x2048xf32>
    %neg3A_387 = arith.constant 0.000000e+00 : f32
    %neg3A_388 = vector.broadcast %neg3A_387 : f32 to vector<32x2048xf32>
    %neg3A_389 = arith.subf %neg3A_388, %add3A_386 : vector<32x2048xf32>
    %mul3A_390 = arith.constant 1.250000e+01 : f32
    %mul3A_391 = vector.broadcast %mul3A_390 : f32 to vector<32x2048xf32>
    %mul3A_392 = arith.mulf %neg3A_389, %mul3A_391 : vector<32x2048xf32>
    %exp3A_393 = math.exp %mul3A_392 : vector<32x2048xf32>
    %reduce_sum3A_394 = arith.constant dense<0.000000e+00> : vector<32xf32>
    %reduce_sum3A_395 = vector.multi_reduction <add>, %exp3A_393, %reduce_sum3A_394 [1] : vector<32x2048xf32> to vector<32xf32>
    %slice3A_396 = vector.extract_strided_slice %reduce_sum3A_395 {offsets = [0], sizes = [16], strides = [1]} : vector<32xf32> to vector<16xf32>
    %broadcast_in_dim3A_397 = vector.shape_cast %slice3A_396 : vector<16xf32> to vector<16x1xf32>
    %get3A_398 = arith.constant 8 : index
    %get3A_399 = arith.constant 0 : index
    %get3A_400 = vector.load %arg3[%get3A_398, %get3A_399] : memref<128x10xf32, #tpu.memory_space<vmem>>, vector<1x10xf32>
    %get3A_401 = vector.shape_cast %get3A_400 : vector<1x10xf32> to vector<10xf32>
    %broadcast_in_dim3A_402 = vector.shape_cast %get3A_401 : vector<10xf32> to vector<1x10xf32>
    %mul3A_403 = vector.broadcast %broadcast_in_dim3A_397 : vector<16x1xf32> to vector<16x10xf32>
    %mul3A_404 = vector.broadcast %broadcast_in_dim3A_402 : vector<1x10xf32> to vector<16x10xf32>
    %mul3A_405 = arith.mulf %mul3A_403, %mul3A_404 : vector<16x10xf32>
    %add3A_406 = arith.addf %add3A_371, %mul3A_405 : vector<16x10xf32>
    %slice3A_407 = vector.extract_strided_slice %reduce_sum3A_395 {offsets = [16], sizes = [16], strides = [1]} : vector<32xf32> to vector<16xf32>
    %broadcast_in_dim3A_408 = vector.shape_cast %slice3A_407 : vector<16xf32> to vector<16x1xf32>
    %get3A_409 = arith.constant 72 : index
    %get3A_410 = arith.constant 0 : index
    %get3A_411 = vector.load %arg3[%get3A_409, %get3A_410] : memref<128x10xf32, #tpu.memory_space<vmem>>, vector<1x10xf32>
    %get3A_412 = vector.shape_cast %get3A_411 : vector<1x10xf32> to vector<10xf32>
    %broadcast_in_dim3A_413 = vector.shape_cast %get3A_412 : vector<10xf32> to vector<1x10xf32>
    %mul3A_414 = vector.broadcast %broadcast_in_dim3A_408 : vector<16x1xf32> to vector<16x10xf32>
    %mul3A_415 = vector.broadcast %broadcast_in_dim3A_413 : vector<1x10xf32> to vector<16x10xf32>
    %mul3A_416 = arith.mulf %mul3A_414, %mul3A_415 : vector<16x10xf32>
    %add3A_417 = arith.addf %add3A_406, %mul3A_416 : vector<16x10xf32>
    %get3A_418 = arith.constant 9 : index
    %get3A_419 = arith.constant 0 : index
    %get3A_420 = vector.load %arg2[%get3A_418, %get3A_419] : memref<64x2xf32, #tpu.memory_space<vmem>>, vector<1x1xf32>
    %get3A_421 = vector.extract %get3A_420[0, 0] : f32 from vector<1x1xf32>
    %get3A_422 = arith.constant 9 : index
    %get3A_423 = arith.constant 1 : index
    %get3A_424 = vector.load %arg2[%get3A_422, %get3A_423] : memref<64x2xf32, #tpu.memory_space<vmem>>, vector<1x1xf32>
    %get3A_425 = vector.extract %get3A_424[0, 0] : f32 from vector<1x1xf32>
    %sub3A_426 = vector.broadcast %get3A_421 : f32 to vector<32x2048xf32>
    %sub3A_427 = arith.subf %get3A_1, %sub3A_426 : vector<32x2048xf32>
    %sub3A_428 = vector.broadcast %get3A_425 : f32 to vector<32x2048xf32>
    %sub3A_429 = arith.subf %get3A_4, %sub3A_428 : vector<32x2048xf32>
    %mul3A_430 = arith.mulf %sub3A_427, %sub3A_427 : vector<32x2048xf32>
    %mul3A_431 = arith.mulf %sub3A_429, %sub3A_429 : vector<32x2048xf32>
    %add3A_432 = arith.addf %mul3A_430, %mul3A_431 : vector<32x2048xf32>
    %neg3A_433 = arith.constant 0.000000e+00 : f32
    %neg3A_434 = vector.broadcast %neg3A_433 : f32 to vector<32x2048xf32>
    %neg3A_435 = arith.subf %neg3A_434, %add3A_432 : vector<32x2048xf32>
    %mul3A_436 = arith.constant 1.250000e+01 : f32
    %mul3A_437 = vector.broadcast %mul3A_436 : f32 to vector<32x2048xf32>
    %mul3A_438 = arith.mulf %neg3A_435, %mul3A_437 : vector<32x2048xf32>
    %exp3A_439 = math.exp %mul3A_438 : vector<32x2048xf32>
    %reduce_sum3A_440 = arith.constant dense<0.000000e+00> : vector<32xf32>
    %reduce_sum3A_441 = vector.multi_reduction <add>, %exp3A_439, %reduce_sum3A_440 [1] : vector<32x2048xf32> to vector<32xf32>
    %slice3A_442 = vector.extract_strided_slice %reduce_sum3A_441 {offsets = [0], sizes = [16], strides = [1]} : vector<32xf32> to vector<16xf32>
    %broadcast_in_dim3A_443 = vector.shape_cast %slice3A_442 : vector<16xf32> to vector<16x1xf32>
    %get3A_444 = arith.constant 9 : index
    %get3A_445 = arith.constant 0 : index
    %get3A_446 = vector.load %arg3[%get3A_444, %get3A_445] : memref<128x10xf32, #tpu.memory_space<vmem>>, vector<1x10xf32>
    %get3A_447 = vector.shape_cast %get3A_446 : vector<1x10xf32> to vector<10xf32>
    %broadcast_in_dim3A_448 = vector.shape_cast %get3A_447 : vector<10xf32> to vector<1x10xf32>
    %mul3A_449 = vector.broadcast %broadcast_in_dim3A_443 : vector<16x1xf32> to vector<16x10xf32>
    %mul3A_450 = vector.broadcast %broadcast_in_dim3A_448 : vector<1x10xf32> to vector<16x10xf32>
    %mul3A_451 = arith.mulf %mul3A_449, %mul3A_450 : vector<16x10xf32>
    %add3A_452 = arith.addf %add3A_417, %mul3A_451 : vector<16x10xf32>
    %slice3A_453 = vector.extract_strided_slice %reduce_sum3A_441 {offsets = [16], sizes = [16], strides = [1]} : vector<32xf32> to vector<16xf32>
    %broadcast_in_dim3A_454 = vector.shape_cast %slice3A_453 : vector<16xf32> to vector<16x1xf32>
    %get3A_455 = arith.constant 73 : index
    %get3A_456 = arith.constant 0 : index
    %get3A_457 = vector.load %arg3[%get3A_455, %get3A_456] : memref<128x10xf32, #tpu.memory_space<vmem>>, vector<1x10xf32>
    %get3A_458 = vector.shape_cast %get3A_457 : vector<1x10xf32> to vector<10xf32>
    %broadcast_in_dim3A_459 = vector.shape_cast %get3A_458 : vector<10xf32> to vector<1x10xf32>
    %mul3A_460 = vector.broadcast %broadcast_in_dim3A_454 : vector<16x1xf32> to vector<16x10xf32>
    %mul3A_461 = vector.broadcast %broadcast_in_dim3A_459 : vector<1x10xf32> to vector<16x10xf32>
    %mul3A_462 = arith.mulf %mul3A_460, %mul3A_461 : vector<16x10xf32>
    %add3A_463 = arith.addf %add3A_452, %mul3A_462 : vector<16x10xf32>
    %get3A_464 = arith.constant 10 : index
    %get3A_465 = arith.constant 0 : index
    %get3A_466 = vector.load %arg2[%get3A_464, %get3A_465] : memref<64x2xf32, #tpu.memory_space<vmem>>, vector<1x1xf32>
    %get3A_467 = vector.extract %get3A_466[0, 0] : f32 from vector<1x1xf32>
    %get3A_468 = arith.constant 10 : index
    %get3A_469 = arith.constant 1 : index
    %get3A_470 = vector.load %arg2[%get3A_468, %get3A_469] : memref<64x2xf32, #tpu.memory_space<vmem>>, vector<1x1xf32>
    %get3A_471 = vector.extract %get3A_470[0, 0] : f32 from vector<1x1xf32>
    %sub3A_472 = vector.broadcast %get3A_467 : f32 to vector<32x2048xf32>
    %sub3A_473 = arith.subf %get3A_1, %sub3A_472 : vector<32x2048xf32>
    %sub3A_474 = vector.broadcast %get3A_471 : f32 to vector<32x2048xf32>
    %sub3A_475 = arith.subf %get3A_4, %sub3A_474 : vector<32x2048xf32>
    %mul3A_476 = arith.mulf %sub3A_473, %sub3A_473 : vector<32x2048xf32>
    %mul3A_477 = arith.mulf %sub3A_475, %sub3A_475 : vector<32x2048xf32>
    %add3A_478 = arith.addf %mul3A_476, %mul3A_477 : vector<32x2048xf32>
    %neg3A_479 = arith.constant 0.000000e+00 : f32
    %neg3A_480 = vector.broadcast %neg3A_479 : f32 to vector<32x2048xf32>
    %neg3A_481 = arith.subf %neg3A_480, %add3A_478 : vector<32x2048xf32>
    %mul3A_482 = arith.constant 1.250000e+01 : f32
    %mul3A_483 = vector.broadcast %mul3A_482 : f32 to vector<32x2048xf32>
    %mul3A_484 = arith.mulf %neg3A_481, %mul3A_483 : vector<32x2048xf32>
    %exp3A_485 = math.exp %mul3A_484 : vector<32x2048xf32>
    %reduce_sum3A_486 = arith.constant dense<0.000000e+00> : vector<32xf32>
    %reduce_sum3A_487 = vector.multi_reduction <add>, %exp3A_485, %reduce_sum3A_486 [1] : vector<32x2048xf32> to vector<32xf32>
    %slice3A_488 = vector.extract_strided_slice %reduce_sum3A_487 {offsets = [0], sizes = [16], strides = [1]} : vector<32xf32> to vector<16xf32>
    %broadcast_in_dim3A_489 = vector.shape_cast %slice3A_488 : vector<16xf32> to vector<16x1xf32>
    %get3A_490 = arith.constant 10 : index
    %get3A_491 = arith.constant 0 : index
    %get3A_492 = vector.load %arg3[%get3A_490, %get3A_491] : memref<128x10xf32, #tpu.memory_space<vmem>>, vector<1x10xf32>
    %get3A_493 = vector.shape_cast %get3A_492 : vector<1x10xf32> to vector<10xf32>
    %broadcast_in_dim3A_494 = vector.shape_cast %get3A_493 : vector<10xf32> to vector<1x10xf32>
    %mul3A_495 = vector.broadcast %broadcast_in_dim3A_489 : vector<16x1xf32> to vector<16x10xf32>
    %mul3A_496 = vector.broadcast %broadcast_in_dim3A_494 : vector<1x10xf32> to vector<16x10xf32>
    %mul3A_497 = arith.mulf %mul3A_495, %mul3A_496 : vector<16x10xf32>
    %add3A_498 = arith.addf %add3A_463, %mul3A_497 : vector<16x10xf32>
    %slice3A_499 = vector.extract_strided_slice %reduce_sum3A_487 {offsets = [16], sizes = [16], strides = [1]} : vector<32xf32> to vector<16xf32>
    %broadcast_in_dim3A_500 = vector.shape_cast %slice3A_499 : vector<16xf32> to vector<16x1xf32>
    %get3A_501 = arith.constant 74 : index
    %get3A_502 = arith.constant 0 : index
    %get3A_503 = vector.load %arg3[%get3A_501, %get3A_502] : memref<128x10xf32, #tpu.memory_space<vmem>>, vector<1x10xf32>
    %get3A_504 = vector.shape_cast %get3A_503 : vector<1x10xf32> to vector<10xf32>
    %broadcast_in_dim3A_505 = vector.shape_cast %get3A_504 : vector<10xf32> to vector<1x10xf32>
    %mul3A_506 = vector.broadcast %broadcast_in_dim3A_500 : vector<16x1xf32> to vector<16x10xf32>
    %mul3A_507 = vector.broadcast %broadcast_in_dim3A_505 : vector<1x10xf32> to vector<16x10xf32>
    %mul3A_508 = arith.mulf %mul3A_506, %mul3A_507 : vector<16x10xf32>
    %add3A_509 = arith.addf %add3A_498, %mul3A_508 : vector<16x10xf32>
    %get3A_510 = arith.constant 11 : index
    %get3A_511 = arith.constant 0 : index
    %get3A_512 = vector.load %arg2[%get3A_510, %get3A_511] : memref<64x2xf32, #tpu.memory_space<vmem>>, vector<1x1xf32>
    %get3A_513 = vector.extract %get3A_512[0, 0] : f32 from vector<1x1xf32>
    %get3A_514 = arith.constant 11 : index
    %get3A_515 = arith.constant 1 : index
    %get3A_516 = vector.load %arg2[%get3A_514, %get3A_515] : memref<64x2xf32, #tpu.memory_space<vmem>>, vector<1x1xf32>
    %get3A_517 = vector.extract %get3A_516[0, 0] : f32 from vector<1x1xf32>
    %sub3A_518 = vector.broadcast %get3A_513 : f32 to vector<32x2048xf32>
    %sub3A_519 = arith.subf %get3A_1, %sub3A_518 : vector<32x2048xf32>
    %sub3A_520 = vector.broadcast %get3A_517 : f32 to vector<32x2048xf32>
    %sub3A_521 = arith.subf %get3A_4, %sub3A_520 : vector<32x2048xf32>
    %mul3A_522 = arith.mulf %sub3A_519, %sub3A_519 : vector<32x2048xf32>
    %mul3A_523 = arith.mulf %sub3A_521, %sub3A_521 : vector<32x2048xf32>
    %add3A_524 = arith.addf %mul3A_522, %mul3A_523 : vector<32x2048xf32>
    %neg3A_525 = arith.constant 0.000000e+00 : f32
    %neg3A_526 = vector.broadcast %neg3A_525 : f32 to vector<32x2048xf32>
    %neg3A_527 = arith.subf %neg3A_526, %add3A_524 : vector<32x2048xf32>
    %mul3A_528 = arith.constant 1.250000e+01 : f32
    %mul3A_529 = vector.broadcast %mul3A_528 : f32 to vector<32x2048xf32>
    %mul3A_530 = arith.mulf %neg3A_527, %mul3A_529 : vector<32x2048xf32>
    %exp3A_531 = math.exp %mul3A_530 : vector<32x2048xf32>
    %reduce_sum3A_532 = arith.constant dense<0.000000e+00> : vector<32xf32>
    %reduce_sum3A_533 = vector.multi_reduction <add>, %exp3A_531, %reduce_sum3A_532 [1] : vector<32x2048xf32> to vector<32xf32>
    %slice3A_534 = vector.extract_strided_slice %reduce_sum3A_533 {offsets = [0], sizes = [16], strides = [1]} : vector<32xf32> to vector<16xf32>
    %broadcast_in_dim3A_535 = vector.shape_cast %slice3A_534 : vector<16xf32> to vector<16x1xf32>
    %get3A_536 = arith.constant 11 : index
    %get3A_537 = arith.constant 0 : index
    %get3A_538 = vector.load %arg3[%get3A_536, %get3A_537] : memref<128x10xf32, #tpu.memory_space<vmem>>, vector<1x10xf32>
    %get3A_539 = vector.shape_cast %get3A_538 : vector<1x10xf32> to vector<10xf32>
    %broadcast_in_dim3A_540 = vector.shape_cast %get3A_539 : vector<10xf32> to vector<1x10xf32>
    %mul3A_541 = vector.broadcast %broadcast_in_dim3A_535 : vector<16x1xf32> to vector<16x10xf32>
    %mul3A_542 = vector.broadcast %broadcast_in_dim3A_540 : vector<1x10xf32> to vector<16x10xf32>
    %mul3A_543 = arith.mulf %mul3A_541, %mul3A_542 : vector<16x10xf32>
    %add3A_544 = arith.addf %add3A_509, %mul3A_543 : vector<16x10xf32>
    %slice3A_545 = vector.extract_strided_slice %reduce_sum3A_533 {offsets = [16], sizes = [16], strides = [1]} : vector<32xf32> to vector<16xf32>
    %broadcast_in_dim3A_546 = vector.shape_cast %slice3A_545 : vector<16xf32> to vector<16x1xf32>
    %get3A_547 = arith.constant 75 : index
    %get3A_548 = arith.constant 0 : index
    %get3A_549 = vector.load %arg3[%get3A_547, %get3A_548] : memref<128x10xf32, #tpu.memory_space<vmem>>, vector<1x10xf32>
    %get3A_550 = vector.shape_cast %get3A_549 : vector<1x10xf32> to vector<10xf32>
    %broadcast_in_dim3A_551 = vector.shape_cast %get3A_550 : vector<10xf32> to vector<1x10xf32>
    %mul3A_552 = vector.broadcast %broadcast_in_dim3A_546 : vector<16x1xf32> to vector<16x10xf32>
    %mul3A_553 = vector.broadcast %broadcast_in_dim3A_551 : vector<1x10xf32> to vector<16x10xf32>
    %mul3A_554 = arith.mulf %mul3A_552, %mul3A_553 : vector<16x10xf32>
    %add3A_555 = arith.addf %add3A_544, %mul3A_554 : vector<16x10xf32>
    %get3A_556 = arith.constant 12 : index
    %get3A_557 = arith.constant 0 : index
    %get3A_558 = vector.load %arg2[%get3A_556, %get3A_557] : memref<64x2xf32, #tpu.memory_space<vmem>>, vector<1x1xf32>
    %get3A_559 = vector.extract %get3A_558[0, 0] : f32 from vector<1x1xf32>
    %get3A_560 = arith.constant 12 : index
    %get3A_561 = arith.constant 1 : index
    %get3A_562 = vector.load %arg2[%get3A_560, %get3A_561] : memref<64x2xf32, #tpu.memory_space<vmem>>, vector<1x1xf32>
    %get3A_563 = vector.extract %get3A_562[0, 0] : f32 from vector<1x1xf32>
    %sub3A_564 = vector.broadcast %get3A_559 : f32 to vector<32x2048xf32>
    %sub3A_565 = arith.subf %get3A_1, %sub3A_564 : vector<32x2048xf32>
    %sub3A_566 = vector.broadcast %get3A_563 : f32 to vector<32x2048xf32>
    %sub3A_567 = arith.subf %get3A_4, %sub3A_566 : vector<32x2048xf32>
    %mul3A_568 = arith.mulf %sub3A_565, %sub3A_565 : vector<32x2048xf32>
    %mul3A_569 = arith.mulf %sub3A_567, %sub3A_567 : vector<32x2048xf32>
    %add3A_570 = arith.addf %mul3A_568, %mul3A_569 : vector<32x2048xf32>
    %neg3A_571 = arith.constant 0.000000e+00 : f32
    %neg3A_572 = vector.broadcast %neg3A_571 : f32 to vector<32x2048xf32>
    %neg3A_573 = arith.subf %neg3A_572, %add3A_570 : vector<32x2048xf32>
    %mul3A_574 = arith.constant 1.250000e+01 : f32
    %mul3A_575 = vector.broadcast %mul3A_574 : f32 to vector<32x2048xf32>
    %mul3A_576 = arith.mulf %neg3A_573, %mul3A_575 : vector<32x2048xf32>
    %exp3A_577 = math.exp %mul3A_576 : vector<32x2048xf32>
    %reduce_sum3A_578 = arith.constant dense<0.000000e+00> : vector<32xf32>
    %reduce_sum3A_579 = vector.multi_reduction <add>, %exp3A_577, %reduce_sum3A_578 [1] : vector<32x2048xf32> to vector<32xf32>
    %slice3A_580 = vector.extract_strided_slice %reduce_sum3A_579 {offsets = [0], sizes = [16], strides = [1]} : vector<32xf32> to vector<16xf32>
    %broadcast_in_dim3A_581 = vector.shape_cast %slice3A_580 : vector<16xf32> to vector<16x1xf32>
    %get3A_582 = arith.constant 12 : index
    %get3A_583 = arith.constant 0 : index
    %get3A_584 = vector.load %arg3[%get3A_582, %get3A_583] : memref<128x10xf32, #tpu.memory_space<vmem>>, vector<1x10xf32>
    %get3A_585 = vector.shape_cast %get3A_584 : vector<1x10xf32> to vector<10xf32>
    %broadcast_in_dim3A_586 = vector.shape_cast %get3A_585 : vector<10xf32> to vector<1x10xf32>
    %mul3A_587 = vector.broadcast %broadcast_in_dim3A_581 : vector<16x1xf32> to vector<16x10xf32>
    %mul3A_588 = vector.broadcast %broadcast_in_dim3A_586 : vector<1x10xf32> to vector<16x10xf32>
    %mul3A_589 = arith.mulf %mul3A_587, %mul3A_588 : vector<16x10xf32>
    %add3A_590 = arith.addf %add3A_555, %mul3A_589 : vector<16x10xf32>
    %slice3A_591 = vector.extract_strided_slice %reduce_sum3A_579 {offsets = [16], sizes = [16], strides = [1]} : vector<32xf32> to vector<16xf32>
    %broadcast_in_dim3A_592 = vector.shape_cast %slice3A_591 : vector<16xf32> to vector<16x1xf32>
    %get3A_593 = arith.constant 76 : index
    %get3A_594 = arith.constant 0 : index
    %get3A_595 = vector.load %arg3[%get3A_593, %get3A_594] : memref<128x10xf32, #tpu.memory_space<vmem>>, vector<1x10xf32>
    %get3A_596 = vector.shape_cast %get3A_595 : vector<1x10xf32> to vector<10xf32>
    %broadcast_in_dim3A_597 = vector.shape_cast %get3A_596 : vector<10xf32> to vector<1x10xf32>
    %mul3A_598 = vector.broadcast %broadcast_in_dim3A_592 : vector<16x1xf32> to vector<16x10xf32>
    %mul3A_599 = vector.broadcast %broadcast_in_dim3A_597 : vector<1x10xf32> to vector<16x10xf32>
    %mul3A_600 = arith.mulf %mul3A_598, %mul3A_599 : vector<16x10xf32>
    %add3A_601 = arith.addf %add3A_590, %mul3A_600 : vector<16x10xf32>
    %get3A_602 = arith.constant 13 : index
    %get3A_603 = arith.constant 0 : index
    %get3A_604 = vector.load %arg2[%get3A_602, %get3A_603] : memref<64x2xf32, #tpu.memory_space<vmem>>, vector<1x1xf32>
    %get3A_605 = vector.extract %get3A_604[0, 0] : f32 from vector<1x1xf32>
    %get3A_606 = arith.constant 13 : index
    %get3A_607 = arith.constant 1 : index
    %get3A_608 = vector.load %arg2[%get3A_606, %get3A_607] : memref<64x2xf32, #tpu.memory_space<vmem>>, vector<1x1xf32>
    %get3A_609 = vector.extract %get3A_608[0, 0] : f32 from vector<1x1xf32>
    %sub3A_610 = vector.broadcast %get3A_605 : f32 to vector<32x2048xf32>
    %sub3A_611 = arith.subf %get3A_1, %sub3A_610 : vector<32x2048xf32>
    %sub3A_612 = vector.broadcast %get3A_609 : f32 to vector<32x2048xf32>
    %sub3A_613 = arith.subf %get3A_4, %sub3A_612 : vector<32x2048xf32>
    %mul3A_614 = arith.mulf %sub3A_611, %sub3A_611 : vector<32x2048xf32>
    %mul3A_615 = arith.mulf %sub3A_613, %sub3A_613 : vector<32x2048xf32>
    %add3A_616 = arith.addf %mul3A_614, %mul3A_615 : vector<32x2048xf32>
    %neg3A_617 = arith.constant 0.000000e+00 : f32
    %neg3A_618 = vector.broadcast %neg3A_617 : f32 to vector<32x2048xf32>
    %neg3A_619 = arith.subf %neg3A_618, %add3A_616 : vector<32x2048xf32>
    %mul3A_620 = arith.constant 1.250000e+01 : f32
    %mul3A_621 = vector.broadcast %mul3A_620 : f32 to vector<32x2048xf32>
    %mul3A_622 = arith.mulf %neg3A_619, %mul3A_621 : vector<32x2048xf32>
    %exp3A_623 = math.exp %mul3A_622 : vector<32x2048xf32>
    %reduce_sum3A_624 = arith.constant dense<0.000000e+00> : vector<32xf32>
    %reduce_sum3A_625 = vector.multi_reduction <add>, %exp3A_623, %reduce_sum3A_624 [1] : vector<32x2048xf32> to vector<32xf32>
    %slice3A_626 = vector.extract_strided_slice %reduce_sum3A_625 {offsets = [0], sizes = [16], strides = [1]} : vector<32xf32> to vector<16xf32>
    %broadcast_in_dim3A_627 = vector.shape_cast %slice3A_626 : vector<16xf32> to vector<16x1xf32>
    %get3A_628 = arith.constant 13 : index
    %get3A_629 = arith.constant 0 : index
    %get3A_630 = vector.load %arg3[%get3A_628, %get3A_629] : memref<128x10xf32, #tpu.memory_space<vmem>>, vector<1x10xf32>
    %get3A_631 = vector.shape_cast %get3A_630 : vector<1x10xf32> to vector<10xf32>
    %broadcast_in_dim3A_632 = vector.shape_cast %get3A_631 : vector<10xf32> to vector<1x10xf32>
    %mul3A_633 = vector.broadcast %broadcast_in_dim3A_627 : vector<16x1xf32> to vector<16x10xf32>
    %mul3A_634 = vector.broadcast %broadcast_in_dim3A_632 : vector<1x10xf32> to vector<16x10xf32>
    %mul3A_635 = arith.mulf %mul3A_633, %mul3A_634 : vector<16x10xf32>
    %add3A_636 = arith.addf %add3A_601, %mul3A_635 : vector<16x10xf32>
    %slice3A_637 = vector.extract_strided_slice %reduce_sum3A_625 {offsets = [16], sizes = [16], strides = [1]} : vector<32xf32> to vector<16xf32>
    %broadcast_in_dim3A_638 = vector.shape_cast %slice3A_637 : vector<16xf32> to vector<16x1xf32>
    %get3A_639 = arith.constant 77 : index
    %get3A_640 = arith.constant 0 : index
    %get3A_641 = vector.load %arg3[%get3A_639, %get3A_640] : memref<128x10xf32, #tpu.memory_space<vmem>>, vector<1x10xf32>
    %get3A_642 = vector.shape_cast %get3A_641 : vector<1x10xf32> to vector<10xf32>
    %broadcast_in_dim3A_643 = vector.shape_cast %get3A_642 : vector<10xf32> to vector<1x10xf32>
    %mul3A_644 = vector.broadcast %broadcast_in_dim3A_638 : vector<16x1xf32> to vector<16x10xf32>
    %mul3A_645 = vector.broadcast %broadcast_in_dim3A_643 : vector<1x10xf32> to vector<16x10xf32>
    %mul3A_646 = arith.mulf %mul3A_644, %mul3A_645 : vector<16x10xf32>
    %add3A_647 = arith.addf %add3A_636, %mul3A_646 : vector<16x10xf32>
    %get3A_648 = arith.constant 14 : index
    %get3A_649 = arith.constant 0 : index
    %get3A_650 = vector.load %arg2[%get3A_648, %get3A_649] : memref<64x2xf32, #tpu.memory_space<vmem>>, vector<1x1xf32>
    %get3A_651 = vector.extract %get3A_650[0, 0] : f32 from vector<1x1xf32>
    %get3A_652 = arith.constant 14 : index
    %get3A_653 = arith.constant 1 : index
    %get3A_654 = vector.load %arg2[%get3A_652, %get3A_653] : memref<64x2xf32, #tpu.memory_space<vmem>>, vector<1x1xf32>
    %get3A_655 = vector.extract %get3A_654[0, 0] : f32 from vector<1x1xf32>
    %sub3A_656 = vector.broadcast %get3A_651 : f32 to vector<32x2048xf32>
    %sub3A_657 = arith.subf %get3A_1, %sub3A_656 : vector<32x2048xf32>
    %sub3A_658 = vector.broadcast %get3A_655 : f32 to vector<32x2048xf32>
    %sub3A_659 = arith.subf %get3A_4, %sub3A_658 : vector<32x2048xf32>
    %mul3A_660 = arith.mulf %sub3A_657, %sub3A_657 : vector<32x2048xf32>
    %mul3A_661 = arith.mulf %sub3A_659, %sub3A_659 : vector<32x2048xf32>
    %add3A_662 = arith.addf %mul3A_660, %mul3A_661 : vector<32x2048xf32>
    %neg3A_663 = arith.constant 0.000000e+00 : f32
    %neg3A_664 = vector.broadcast %neg3A_663 : f32 to vector<32x2048xf32>
    %neg3A_665 = arith.subf %neg3A_664, %add3A_662 : vector<32x2048xf32>
    %mul3A_666 = arith.constant 1.250000e+01 : f32
    %mul3A_667 = vector.broadcast %mul3A_666 : f32 to vector<32x2048xf32>
    %mul3A_668 = arith.mulf %neg3A_665, %mul3A_667 : vector<32x2048xf32>
    %exp3A_669 = math.exp %mul3A_668 : vector<32x2048xf32>
    %reduce_sum3A_670 = arith.constant dense<0.000000e+00> : vector<32xf32>
    %reduce_sum3A_671 = vector.multi_reduction <add>, %exp3A_669, %reduce_sum3A_670 [1] : vector<32x2048xf32> to vector<32xf32>
    %slice3A_672 = vector.extract_strided_slice %reduce_sum3A_671 {offsets = [0], sizes = [16], strides = [1]} : vector<32xf32> to vector<16xf32>
    %broadcast_in_dim3A_673 = vector.shape_cast %slice3A_672 : vector<16xf32> to vector<16x1xf32>
    %get3A_674 = arith.constant 14 : index
    %get3A_675 = arith.constant 0 : index
    %get3A_676 = vector.load %arg3[%get3A_674, %get3A_675] : memref<128x10xf32, #tpu.memory_space<vmem>>, vector<1x10xf32>
    %get3A_677 = vector.shape_cast %get3A_676 : vector<1x10xf32> to vector<10xf32>
    %broadcast_in_dim3A_678 = vector.shape_cast %get3A_677 : vector<10xf32> to vector<1x10xf32>
    %mul3A_679 = vector.broadcast %broadcast_in_dim3A_673 : vector<16x1xf32> to vector<16x10xf32>
    %mul3A_680 = vector.broadcast %broadcast_in_dim3A_678 : vector<1x10xf32> to vector<16x10xf32>
    %mul3A_681 = arith.mulf %mul3A_679, %mul3A_680 : vector<16x10xf32>
    %add3A_682 = arith.addf %add3A_647, %mul3A_681 : vector<16x10xf32>
    %slice3A_683 = vector.extract_strided_slice %reduce_sum3A_671 {offsets = [16], sizes = [16], strides = [1]} : vector<32xf32> to vector<16xf32>
    %broadcast_in_dim3A_684 = vector.shape_cast %slice3A_683 : vector<16xf32> to vector<16x1xf32>
    %get3A_685 = arith.constant 78 : index
    %get3A_686 = arith.constant 0 : index
    %get3A_687 = vector.load %arg3[%get3A_685, %get3A_686] : memref<128x10xf32, #tpu.memory_space<vmem>>, vector<1x10xf32>
    %get3A_688 = vector.shape_cast %get3A_687 : vector<1x10xf32> to vector<10xf32>
    %broadcast_in_dim3A_689 = vector.shape_cast %get3A_688 : vector<10xf32> to vector<1x10xf32>
    %mul3A_690 = vector.broadcast %broadcast_in_dim3A_684 : vector<16x1xf32> to vector<16x10xf32>
    %mul3A_691 = vector.broadcast %broadcast_in_dim3A_689 : vector<1x10xf32> to vector<16x10xf32>
    %mul3A_692 = arith.mulf %mul3A_690, %mul3A_691 : vector<16x10xf32>
    %add3A_693 = arith.addf %add3A_682, %mul3A_692 : vector<16x10xf32>
    %get3A_694 = arith.constant 15 : index
    %get3A_695 = arith.constant 0 : index
    %get3A_696 = vector.load %arg2[%get3A_694, %get3A_695] : memref<64x2xf32, #tpu.memory_space<vmem>>, vector<1x1xf32>
    %get3A_697 = vector.extract %get3A_696[0, 0] : f32 from vector<1x1xf32>
    %get3A_698 = arith.constant 15 : index
    %get3A_699 = arith.constant 1 : index
    %get3A_700 = vector.load %arg2[%get3A_698, %get3A_699] : memref<64x2xf32, #tpu.memory_space<vmem>>, vector<1x1xf32>
    %get3A_701 = vector.extract %get3A_700[0, 0] : f32 from vector<1x1xf32>
    %sub3A_702 = vector.broadcast %get3A_697 : f32 to vector<32x2048xf32>
    %sub3A_703 = arith.subf %get3A_1, %sub3A_702 : vector<32x2048xf32>
    %sub3A_704 = vector.broadcast %get3A_701 : f32 to vector<32x2048xf32>
    %sub3A_705 = arith.subf %get3A_4, %sub3A_704 : vector<32x2048xf32>
    %mul3A_706 = arith.mulf %sub3A_703, %sub3A_703 : vector<32x2048xf32>
    %mul3A_707 = arith.mulf %sub3A_705, %sub3A_705 : vector<32x2048xf32>
    %add3A_708 = arith.addf %mul3A_706, %mul3A_707 : vector<32x2048xf32>
    %neg3A_709 = arith.constant 0.000000e+00 : f32
    %neg3A_710 = vector.broadcast %neg3A_709 : f32 to vector<32x2048xf32>
    %neg3A_711 = arith.subf %neg3A_710, %add3A_708 : vector<32x2048xf32>
    %mul3A_712 = arith.constant 1.250000e+01 : f32
    %mul3A_713 = vector.broadcast %mul3A_712 : f32 to vector<32x2048xf32>
    %mul3A_714 = arith.mulf %neg3A_711, %mul3A_713 : vector<32x2048xf32>
    %exp3A_715 = math.exp %mul3A_714 : vector<32x2048xf32>
    %reduce_sum3A_716 = arith.constant dense<0.000000e+00> : vector<32xf32>
    %reduce_sum3A_717 = vector.multi_reduction <add>, %exp3A_715, %reduce_sum3A_716 [1] : vector<32x2048xf32> to vector<32xf32>
    %slice3A_718 = vector.extract_strided_slice %reduce_sum3A_717 {offsets = [0], sizes = [16], strides = [1]} : vector<32xf32> to vector<16xf32>
    %broadcast_in_dim3A_719 = vector.shape_cast %slice3A_718 : vector<16xf32> to vector<16x1xf32>
    %get3A_720 = arith.constant 15 : index
    %get3A_721 = arith.constant 0 : index
    %get3A_722 = vector.load %arg3[%get3A_720, %get3A_721] : memref<128x10xf32, #tpu.memory_space<vmem>>, vector<1x10xf32>
    %get3A_723 = vector.shape_cast %get3A_722 : vector<1x10xf32> to vector<10xf32>
    %broadcast_in_dim3A_724 = vector.shape_cast %get3A_723 : vector<10xf32> to vector<1x10xf32>
    %mul3A_725 = vector.broadcast %broadcast_in_dim3A_719 : vector<16x1xf32> to vector<16x10xf32>
    %mul3A_726 = vector.broadcast %broadcast_in_dim3A_724 : vector<1x10xf32> to vector<16x10xf32>
    %mul3A_727 = arith.mulf %mul3A_725, %mul3A_726 : vector<16x10xf32>
    %add3A_728 = arith.addf %add3A_693, %mul3A_727 : vector<16x10xf32>
    %slice3A_729 = vector.extract_strided_slice %reduce_sum3A_717 {offsets = [16], sizes = [16], strides = [1]} : vector<32xf32> to vector<16xf32>
    %broadcast_in_dim3A_730 = vector.shape_cast %slice3A_729 : vector<16xf32> to vector<16x1xf32>
    %get3A_731 = arith.constant 79 : index
    %get3A_732 = arith.constant 0 : index
    %get3A_733 = vector.load %arg3[%get3A_731, %get3A_732] : memref<128x10xf32, #tpu.memory_space<vmem>>, vector<1x10xf32>
    %get3A_734 = vector.shape_cast %get3A_733 : vector<1x10xf32> to vector<10xf32>
    %broadcast_in_dim3A_735 = vector.shape_cast %get3A_734 : vector<10xf32> to vector<1x10xf32>
    %mul3A_736 = vector.broadcast %broadcast_in_dim3A_730 : vector<16x1xf32> to vector<16x10xf32>
    %mul3A_737 = vector.broadcast %broadcast_in_dim3A_735 : vector<1x10xf32> to vector<16x10xf32>
    %mul3A_738 = arith.mulf %mul3A_736, %mul3A_737 : vector<16x10xf32>
    %add3A_739 = arith.addf %add3A_728, %mul3A_738 : vector<16x10xf32>
    %get3A_740 = arith.constant 16 : index
    %get3A_741 = arith.constant 0 : index
    %get3A_742 = vector.load %arg2[%get3A_740, %get3A_741] : memref<64x2xf32, #tpu.memory_space<vmem>>, vector<1x1xf32>
    %get3A_743 = vector.extract %get3A_742[0, 0] : f32 from vector<1x1xf32>
    %get3A_744 = arith.constant 16 : index
    %get3A_745 = arith.constant 1 : index
    %get3A_746 = vector.load %arg2[%get3A_744, %get3A_745] : memref<64x2xf32, #tpu.memory_space<vmem>>, vector<1x1xf32>
    %get3A_747 = vector.extract %get3A_746[0, 0] : f32 from vector<1x1xf32>
    %sub3A_748 = vector.broadcast %get3A_743 : f32 to vector<32x2048xf32>
    %sub3A_749 = arith.subf %get3A_1, %sub3A_748 : vector<32x2048xf32>
    %sub3A_750 = vector.broadcast %get3A_747 : f32 to vector<32x2048xf32>
    %sub3A_751 = arith.subf %get3A_4, %sub3A_750 : vector<32x2048xf32>
    %mul3A_752 = arith.mulf %sub3A_749, %sub3A_749 : vector<32x2048xf32>
    %mul3A_753 = arith.mulf %sub3A_751, %sub3A_751 : vector<32x2048xf32>
    %add3A_754 = arith.addf %mul3A_752, %mul3A_753 : vector<32x2048xf32>
    %neg3A_755 = arith.constant 0.000000e+00 : f32
    %neg3A_756 = vector.broadcast %neg3A_755 : f32 to vector<32x2048xf32>
    %neg3A_757 = arith.subf %neg3A_756, %add3A_754 : vector<32x2048xf32>
    %mul3A_758 = arith.constant 1.250000e+01 : f32
    %mul3A_759 = vector.broadcast %mul3A_758 : f32 to vector<32x2048xf32>
    %mul3A_760 = arith.mulf %neg3A_757, %mul3A_759 : vector<32x2048xf32>
    %exp3A_761 = math.exp %mul3A_760 : vector<32x2048xf32>
    %reduce_sum3A_762 = arith.constant dense<0.000000e+00> : vector<32xf32>
    %reduce_sum3A_763 = vector.multi_reduction <add>, %exp3A_761, %reduce_sum3A_762 [1] : vector<32x2048xf32> to vector<32xf32>
    %slice3A_764 = vector.extract_strided_slice %reduce_sum3A_763 {offsets = [0], sizes = [16], strides = [1]} : vector<32xf32> to vector<16xf32>
    %broadcast_in_dim3A_765 = vector.shape_cast %slice3A_764 : vector<16xf32> to vector<16x1xf32>
    %get3A_766 = arith.constant 16 : index
    %get3A_767 = arith.constant 0 : index
    %get3A_768 = vector.load %arg3[%get3A_766, %get3A_767] : memref<128x10xf32, #tpu.memory_space<vmem>>, vector<1x10xf32>
    %get3A_769 = vector.shape_cast %get3A_768 : vector<1x10xf32> to vector<10xf32>
    %broadcast_in_dim3A_770 = vector.shape_cast %get3A_769 : vector<10xf32> to vector<1x10xf32>
    %mul3A_771 = vector.broadcast %broadcast_in_dim3A_765 : vector<16x1xf32> to vector<16x10xf32>
    %mul3A_772 = vector.broadcast %broadcast_in_dim3A_770 : vector<1x10xf32> to vector<16x10xf32>
    %mul3A_773 = arith.mulf %mul3A_771, %mul3A_772 : vector<16x10xf32>
    %add3A_774 = arith.addf %add3A_739, %mul3A_773 : vector<16x10xf32>
    %slice3A_775 = vector.extract_strided_slice %reduce_sum3A_763 {offsets = [16], sizes = [16], strides = [1]} : vector<32xf32> to vector<16xf32>
    %broadcast_in_dim3A_776 = vector.shape_cast %slice3A_775 : vector<16xf32> to vector<16x1xf32>
    %get3A_777 = arith.constant 80 : index
    %get3A_778 = arith.constant 0 : index
    %get3A_779 = vector.load %arg3[%get3A_777, %get3A_778] : memref<128x10xf32, #tpu.memory_space<vmem>>, vector<1x10xf32>
    %get3A_780 = vector.shape_cast %get3A_779 : vector<1x10xf32> to vector<10xf32>
    %broadcast_in_dim3A_781 = vector.shape_cast %get3A_780 : vector<10xf32> to vector<1x10xf32>
    %mul3A_782 = vector.broadcast %broadcast_in_dim3A_776 : vector<16x1xf32> to vector<16x10xf32>
    %mul3A_783 = vector.broadcast %broadcast_in_dim3A_781 : vector<1x10xf32> to vector<16x10xf32>
    %mul3A_784 = arith.mulf %mul3A_782, %mul3A_783 : vector<16x10xf32>
    %add3A_785 = arith.addf %add3A_774, %mul3A_784 : vector<16x10xf32>
    %get3A_786 = arith.constant 17 : index
    %get3A_787 = arith.constant 0 : index
    %get3A_788 = vector.load %arg2[%get3A_786, %get3A_787] : memref<64x2xf32, #tpu.memory_space<vmem>>, vector<1x1xf32>
    %get3A_789 = vector.extract %get3A_788[0, 0] : f32 from vector<1x1xf32>
    %get3A_790 = arith.constant 17 : index
    %get3A_791 = arith.constant 1 : index
    %get3A_792 = vector.load %arg2[%get3A_790, %get3A_791] : memref<64x2xf32, #tpu.memory_space<vmem>>, vector<1x1xf32>
    %get3A_793 = vector.extract %get3A_792[0, 0] : f32 from vector<1x1xf32>
    %sub3A_794 = vector.broadcast %get3A_789 : f32 to vector<32x2048xf32>
    %sub3A_795 = arith.subf %get3A_1, %sub3A_794 : vector<32x2048xf32>
    %sub3A_796 = vector.broadcast %get3A_793 : f32 to vector<32x2048xf32>
    %sub3A_797 = arith.subf %get3A_4, %sub3A_796 : vector<32x2048xf32>
    %mul3A_798 = arith.mulf %sub3A_795, %sub3A_795 : vector<32x2048xf32>
    %mul3A_799 = arith.mulf %sub3A_797, %sub3A_797 : vector<32x2048xf32>
    %add3A_800 = arith.addf %mul3A_798, %mul3A_799 : vector<32x2048xf32>
    %neg3A_801 = arith.constant 0.000000e+00 : f32
    %neg3A_802 = vector.broadcast %neg3A_801 : f32 to vector<32x2048xf32>
    %neg3A_803 = arith.subf %neg3A_802, %add3A_800 : vector<32x2048xf32>
    %mul3A_804 = arith.constant 1.250000e+01 : f32
    %mul3A_805 = vector.broadcast %mul3A_804 : f32 to vector<32x2048xf32>
    %mul3A_806 = arith.mulf %neg3A_803, %mul3A_805 : vector<32x2048xf32>
    %exp3A_807 = math.exp %mul3A_806 : vector<32x2048xf32>
    %reduce_sum3A_808 = arith.constant dense<0.000000e+00> : vector<32xf32>
    %reduce_sum3A_809 = vector.multi_reduction <add>, %exp3A_807, %reduce_sum3A_808 [1] : vector<32x2048xf32> to vector<32xf32>
    %slice3A_810 = vector.extract_strided_slice %reduce_sum3A_809 {offsets = [0], sizes = [16], strides = [1]} : vector<32xf32> to vector<16xf32>
    %broadcast_in_dim3A_811 = vector.shape_cast %slice3A_810 : vector<16xf32> to vector<16x1xf32>
    %get3A_812 = arith.constant 17 : index
    %get3A_813 = arith.constant 0 : index
    %get3A_814 = vector.load %arg3[%get3A_812, %get3A_813] : memref<128x10xf32, #tpu.memory_space<vmem>>, vector<1x10xf32>
    %get3A_815 = vector.shape_cast %get3A_814 : vector<1x10xf32> to vector<10xf32>
    %broadcast_in_dim3A_816 = vector.shape_cast %get3A_815 : vector<10xf32> to vector<1x10xf32>
    %mul3A_817 = vector.broadcast %broadcast_in_dim3A_811 : vector<16x1xf32> to vector<16x10xf32>
    %mul3A_818 = vector.broadcast %broadcast_in_dim3A_816 : vector<1x10xf32> to vector<16x10xf32>
    %mul3A_819 = arith.mulf %mul3A_817, %mul3A_818 : vector<16x10xf32>
    %add3A_820 = arith.addf %add3A_785, %mul3A_819 : vector<16x10xf32>
    %slice3A_821 = vector.extract_strided_slice %reduce_sum3A_809 {offsets = [16], sizes = [16], strides = [1]} : vector<32xf32> to vector<16xf32>
    %broadcast_in_dim3A_822 = vector.shape_cast %slice3A_821 : vector<16xf32> to vector<16x1xf32>
    %get3A_823 = arith.constant 81 : index
    %get3A_824 = arith.constant 0 : index
    %get3A_825 = vector.load %arg3[%get3A_823, %get3A_824] : memref<128x10xf32, #tpu.memory_space<vmem>>, vector<1x10xf32>
    %get3A_826 = vector.shape_cast %get3A_825 : vector<1x10xf32> to vector<10xf32>
    %broadcast_in_dim3A_827 = vector.shape_cast %get3A_826 : vector<10xf32> to vector<1x10xf32>
    %mul3A_828 = vector.broadcast %broadcast_in_dim3A_822 : vector<16x1xf32> to vector<16x10xf32>
    %mul3A_829 = vector.broadcast %broadcast_in_dim3A_827 : vector<1x10xf32> to vector<16x10xf32>
    %mul3A_830 = arith.mulf %mul3A_828, %mul3A_829 : vector<16x10xf32>
    %add3A_831 = arith.addf %add3A_820, %mul3A_830 : vector<16x10xf32>
    %get3A_832 = arith.constant 18 : index
    %get3A_833 = arith.constant 0 : index
    %get3A_834 = vector.load %arg2[%get3A_832, %get3A_833] : memref<64x2xf32, #tpu.memory_space<vmem>>, vector<1x1xf32>
    %get3A_835 = vector.extract %get3A_834[0, 0] : f32 from vector<1x1xf32>
    %get3A_836 = arith.constant 18 : index
    %get3A_837 = arith.constant 1 : index
    %get3A_838 = vector.load %arg2[%get3A_836, %get3A_837] : memref<64x2xf32, #tpu.memory_space<vmem>>, vector<1x1xf32>
    %get3A_839 = vector.extract %get3A_838[0, 0] : f32 from vector<1x1xf32>
    %sub3A_840 = vector.broadcast %get3A_835 : f32 to vector<32x2048xf32>
    %sub3A_841 = arith.subf %get3A_1, %sub3A_840 : vector<32x2048xf32>
    %sub3A_842 = vector.broadcast %get3A_839 : f32 to vector<32x2048xf32>
    %sub3A_843 = arith.subf %get3A_4, %sub3A_842 : vector<32x2048xf32>
    %mul3A_844 = arith.mulf %sub3A_841, %sub3A_841 : vector<32x2048xf32>
    %mul3A_845 = arith.mulf %sub3A_843, %sub3A_843 : vector<32x2048xf32>
    %add3A_846 = arith.addf %mul3A_844, %mul3A_845 : vector<32x2048xf32>
    %neg3A_847 = arith.constant 0.000000e+00 : f32
    %neg3A_848 = vector.broadcast %neg3A_847 : f32 to vector<32x2048xf32>
    %neg3A_849 = arith.subf %neg3A_848, %add3A_846 : vector<32x2048xf32>
    %mul3A_850 = arith.constant 1.250000e+01 : f32
    %mul3A_851 = vector.broadcast %mul3A_850 : f32 to vector<32x2048xf32>
    %mul3A_852 = arith.mulf %neg3A_849, %mul3A_851 : vector<32x2048xf32>
    %exp3A_853 = math.exp %mul3A_852 : vector<32x2048xf32>
    %reduce_sum3A_854 = arith.constant dense<0.000000e+00> : vector<32xf32>
    %reduce_sum3A_855 = vector.multi_reduction <add>, %exp3A_853, %reduce_sum3A_854 [1] : vector<32x2048xf32> to vector<32xf32>
    %slice3A_856 = vector.extract_strided_slice %reduce_sum3A_855 {offsets = [0], sizes = [16], strides = [1]} : vector<32xf32> to vector<16xf32>
    %broadcast_in_dim3A_857 = vector.shape_cast %slice3A_856 : vector<16xf32> to vector<16x1xf32>
    %get3A_858 = arith.constant 18 : index
    %get3A_859 = arith.constant 0 : index
    %get3A_860 = vector.load %arg3[%get3A_858, %get3A_859] : memref<128x10xf32, #tpu.memory_space<vmem>>, vector<1x10xf32>
    %get3A_861 = vector.shape_cast %get3A_860 : vector<1x10xf32> to vector<10xf32>
    %broadcast_in_dim3A_862 = vector.shape_cast %get3A_861 : vector<10xf32> to vector<1x10xf32>
    %mul3A_863 = vector.broadcast %broadcast_in_dim3A_857 : vector<16x1xf32> to vector<16x10xf32>
    %mul3A_864 = vector.broadcast %broadcast_in_dim3A_862 : vector<1x10xf32> to vector<16x10xf32>
    %mul3A_865 = arith.mulf %mul3A_863, %mul3A_864 : vector<16x10xf32>
    %add3A_866 = arith.addf %add3A_831, %mul3A_865 : vector<16x10xf32>
    %slice3A_867 = vector.extract_strided_slice %reduce_sum3A_855 {offsets = [16], sizes = [16], strides = [1]} : vector<32xf32> to vector<16xf32>
    %broadcast_in_dim3A_868 = vector.shape_cast %slice3A_867 : vector<16xf32> to vector<16x1xf32>
    %get3A_869 = arith.constant 82 : index
    %get3A_870 = arith.constant 0 : index
    %get3A_871 = vector.load %arg3[%get3A_869, %get3A_870] : memref<128x10xf32, #tpu.memory_space<vmem>>, vector<1x10xf32>
    %get3A_872 = vector.shape_cast %get3A_871 : vector<1x10xf32> to vector<10xf32>
    %broadcast_in_dim3A_873 = vector.shape_cast %get3A_872 : vector<10xf32> to vector<1x10xf32>
    %mul3A_874 = vector.broadcast %broadcast_in_dim3A_868 : vector<16x1xf32> to vector<16x10xf32>
    %mul3A_875 = vector.broadcast %broadcast_in_dim3A_873 : vector<1x10xf32> to vector<16x10xf32>
    %mul3A_876 = arith.mulf %mul3A_874, %mul3A_875 : vector<16x10xf32>
    %add3A_877 = arith.addf %add3A_866, %mul3A_876 : vector<16x10xf32>
    %get3A_878 = arith.constant 19 : index
    %get3A_879 = arith.constant 0 : index
    %get3A_880 = vector.load %arg2[%get3A_878, %get3A_879] : memref<64x2xf32, #tpu.memory_space<vmem>>, vector<1x1xf32>
    %get3A_881 = vector.extract %get3A_880[0, 0] : f32 from vector<1x1xf32>
    %get3A_882 = arith.constant 19 : index
    %get3A_883 = arith.constant 1 : index
    %get3A_884 = vector.load %arg2[%get3A_882, %get3A_883] : memref<64x2xf32, #tpu.memory_space<vmem>>, vector<1x1xf32>
    %get3A_885 = vector.extract %get3A_884[0, 0] : f32 from vector<1x1xf32>
    %sub3A_886 = vector.broadcast %get3A_881 : f32 to vector<32x2048xf32>
    %sub3A_887 = arith.subf %get3A_1, %sub3A_886 : vector<32x2048xf32>
    %sub3A_888 = vector.broadcast %get3A_885 : f32 to vector<32x2048xf32>
    %sub3A_889 = arith.subf %get3A_4, %sub3A_888 : vector<32x2048xf32>
    %mul3A_890 = arith.mulf %sub3A_887, %sub3A_887 : vector<32x2048xf32>
    %mul3A_891 = arith.mulf %sub3A_889, %sub3A_889 : vector<32x2048xf32>
    %add3A_892 = arith.addf %mul3A_890, %mul3A_891 : vector<32x2048xf32>
    %neg3A_893 = arith.constant 0.000000e+00 : f32
    %neg3A_894 = vector.broadcast %neg3A_893 : f32 to vector<32x2048xf32>
    %neg3A_895 = arith.subf %neg3A_894, %add3A_892 : vector<32x2048xf32>
    %mul3A_896 = arith.constant 1.250000e+01 : f32
    %mul3A_897 = vector.broadcast %mul3A_896 : f32 to vector<32x2048xf32>
    %mul3A_898 = arith.mulf %neg3A_895, %mul3A_897 : vector<32x2048xf32>
    %exp3A_899 = math.exp %mul3A_898 : vector<32x2048xf32>
    %reduce_sum3A_900 = arith.constant dense<0.000000e+00> : vector<32xf32>
    %reduce_sum3A_901 = vector.multi_reduction <add>, %exp3A_899, %reduce_sum3A_900 [1] : vector<32x2048xf32> to vector<32xf32>
    %slice3A_902 = vector.extract_strided_slice %reduce_sum3A_901 {offsets = [0], sizes = [16], strides = [1]} : vector<32xf32> to vector<16xf32>
    %broadcast_in_dim3A_903 = vector.shape_cast %slice3A_902 : vector<16xf32> to vector<16x1xf32>
    %get3A_904 = arith.constant 19 : index
    %get3A_905 = arith.constant 0 : index
    %get3A_906 = vector.load %arg3[%get3A_904, %get3A_905] : memref<128x10xf32, #tpu.memory_space<vmem>>, vector<1x10xf32>
    %get3A_907 = vector.shape_cast %get3A_906 : vector<1x10xf32> to vector<10xf32>
    %broadcast_in_dim3A_908 = vector.shape_cast %get3A_907 : vector<10xf32> to vector<1x10xf32>
    %mul3A_909 = vector.broadcast %broadcast_in_dim3A_903 : vector<16x1xf32> to vector<16x10xf32>
    %mul3A_910 = vector.broadcast %broadcast_in_dim3A_908 : vector<1x10xf32> to vector<16x10xf32>
    %mul3A_911 = arith.mulf %mul3A_909, %mul3A_910 : vector<16x10xf32>
    %add3A_912 = arith.addf %add3A_877, %mul3A_911 : vector<16x10xf32>
    %slice3A_913 = vector.extract_strided_slice %reduce_sum3A_901 {offsets = [16], sizes = [16], strides = [1]} : vector<32xf32> to vector<16xf32>
    %broadcast_in_dim3A_914 = vector.shape_cast %slice3A_913 : vector<16xf32> to vector<16x1xf32>
    %get3A_915 = arith.constant 83 : index
    %get3A_916 = arith.constant 0 : index
    %get3A_917 = vector.load %arg3[%get3A_915, %get3A_916] : memref<128x10xf32, #tpu.memory_space<vmem>>, vector<1x10xf32>
    %get3A_918 = vector.shape_cast %get3A_917 : vector<1x10xf32> to vector<10xf32>
    %broadcast_in_dim3A_919 = vector.shape_cast %get3A_918 : vector<10xf32> to vector<1x10xf32>
    %mul3A_920 = vector.broadcast %broadcast_in_dim3A_914 : vector<16x1xf32> to vector<16x10xf32>
    %mul3A_921 = vector.broadcast %broadcast_in_dim3A_919 : vector<1x10xf32> to vector<16x10xf32>
    %mul3A_922 = arith.mulf %mul3A_920, %mul3A_921 : vector<16x10xf32>
    %add3A_923 = arith.addf %add3A_912, %mul3A_922 : vector<16x10xf32>
    %get3A_924 = arith.constant 20 : index
    %get3A_925 = arith.constant 0 : index
    %get3A_926 = vector.load %arg2[%get3A_924, %get3A_925] : memref<64x2xf32, #tpu.memory_space<vmem>>, vector<1x1xf32>
    %get3A_927 = vector.extract %get3A_926[0, 0] : f32 from vector<1x1xf32>
    %get3A_928 = arith.constant 20 : index
    %get3A_929 = arith.constant 1 : index
    %get3A_930 = vector.load %arg2[%get3A_928, %get3A_929] : memref<64x2xf32, #tpu.memory_space<vmem>>, vector<1x1xf32>
    %get3A_931 = vector.extract %get3A_930[0, 0] : f32 from vector<1x1xf32>
    %sub3A_932 = vector.broadcast %get3A_927 : f32 to vector<32x2048xf32>
    %sub3A_933 = arith.subf %get3A_1, %sub3A_932 : vector<32x2048xf32>
    %sub3A_934 = vector.broadcast %get3A_931 : f32 to vector<32x2048xf32>
    %sub3A_935 = arith.subf %get3A_4, %sub3A_934 : vector<32x2048xf32>
    %mul3A_936 = arith.mulf %sub3A_933, %sub3A_933 : vector<32x2048xf32>
    %mul3A_937 = arith.mulf %sub3A_935, %sub3A_935 : vector<32x2048xf32>
    %add3A_938 = arith.addf %mul3A_936, %mul3A_937 : vector<32x2048xf32>
    %neg3A_939 = arith.constant 0.000000e+00 : f32
    %neg3A_940 = vector.broadcast %neg3A_939 : f32 to vector<32x2048xf32>
    %neg3A_941 = arith.subf %neg3A_940, %add3A_938 : vector<32x2048xf32>
    %mul3A_942 = arith.constant 1.250000e+01 : f32
    %mul3A_943 = vector.broadcast %mul3A_942 : f32 to vector<32x2048xf32>
    %mul3A_944 = arith.mulf %neg3A_941, %mul3A_943 : vector<32x2048xf32>
    %exp3A_945 = math.exp %mul3A_944 : vector<32x2048xf32>
    %reduce_sum3A_946 = arith.constant dense<0.000000e+00> : vector<32xf32>
    %reduce_sum3A_947 = vector.multi_reduction <add>, %exp3A_945, %reduce_sum3A_946 [1] : vector<32x2048xf32> to vector<32xf32>
    %slice3A_948 = vector.extract_strided_slice %reduce_sum3A_947 {offsets = [0], sizes = [16], strides = [1]} : vector<32xf32> to vector<16xf32>
    %broadcast_in_dim3A_949 = vector.shape_cast %slice3A_948 : vector<16xf32> to vector<16x1xf32>
    %get3A_950 = arith.constant 20 : index
    %get3A_951 = arith.constant 0 : index
    %get3A_952 = vector.load %arg3[%get3A_950, %get3A_951] : memref<128x10xf32, #tpu.memory_space<vmem>>, vector<1x10xf32>
    %get3A_953 = vector.shape_cast %get3A_952 : vector<1x10xf32> to vector<10xf32>
    %broadcast_in_dim3A_954 = vector.shape_cast %get3A_953 : vector<10xf32> to vector<1x10xf32>
    %mul3A_955 = vector.broadcast %broadcast_in_dim3A_949 : vector<16x1xf32> to vector<16x10xf32>
    %mul3A_956 = vector.broadcast %broadcast_in_dim3A_954 : vector<1x10xf32> to vector<16x10xf32>
    %mul3A_957 = arith.mulf %mul3A_955, %mul3A_956 : vector<16x10xf32>
    %add3A_958 = arith.addf %add3A_923, %mul3A_957 : vector<16x10xf32>
    %slice3A_959 = vector.extract_strided_slice %reduce_sum3A_947 {offsets = [16], sizes = [16], strides = [1]} : vector<32xf32> to vector<16xf32>
    %broadcast_in_dim3A_960 = vector.shape_cast %slice3A_959 : vector<16xf32> to vector<16x1xf32>
    %get3A_961 = arith.constant 84 : index
    %get3A_962 = arith.constant 0 : index
    %get3A_963 = vector.load %arg3[%get3A_961, %get3A_962] : memref<128x10xf32, #tpu.memory_space<vmem>>, vector<1x10xf32>
    %get3A_964 = vector.shape_cast %get3A_963 : vector<1x10xf32> to vector<10xf32>
    %broadcast_in_dim3A_965 = vector.shape_cast %get3A_964 : vector<10xf32> to vector<1x10xf32>
    %mul3A_966 = vector.broadcast %broadcast_in_dim3A_960 : vector<16x1xf32> to vector<16x10xf32>
    %mul3A_967 = vector.broadcast %broadcast_in_dim3A_965 : vector<1x10xf32> to vector<16x10xf32>
    %mul3A_968 = arith.mulf %mul3A_966, %mul3A_967 : vector<16x10xf32>
    %add3A_969 = arith.addf %add3A_958, %mul3A_968 : vector<16x10xf32>
    %get3A_970 = arith.constant 21 : index
    %get3A_971 = arith.constant 0 : index
    %get3A_972 = vector.load %arg2[%get3A_970, %get3A_971] : memref<64x2xf32, #tpu.memory_space<vmem>>, vector<1x1xf32>
    %get3A_973 = vector.extract %get3A_972[0, 0] : f32 from vector<1x1xf32>
    %get3A_974 = arith.constant 21 : index
    %get3A_975 = arith.constant 1 : index
    %get3A_976 = vector.load %arg2[%get3A_974, %get3A_975] : memref<64x2xf32, #tpu.memory_space<vmem>>, vector<1x1xf32>
    %get3A_977 = vector.extract %get3A_976[0, 0] : f32 from vector<1x1xf32>
    %sub3A_978 = vector.broadcast %get3A_973 : f32 to vector<32x2048xf32>
    %sub3A_979 = arith.subf %get3A_1, %sub3A_978 : vector<32x2048xf32>
    %sub3A_980 = vector.broadcast %get3A_977 : f32 to vector<32x2048xf32>
    %sub3A_981 = arith.subf %get3A_4, %sub3A_980 : vector<32x2048xf32>
    %mul3A_982 = arith.mulf %sub3A_979, %sub3A_979 : vector<32x2048xf32>
    %mul3A_983 = arith.mulf %sub3A_981, %sub3A_981 : vector<32x2048xf32>
    %add3A_984 = arith.addf %mul3A_982, %mul3A_983 : vector<32x2048xf32>
    %neg3A_985 = arith.constant 0.000000e+00 : f32
    %neg3A_986 = vector.broadcast %neg3A_985 : f32 to vector<32x2048xf32>
    %neg3A_987 = arith.subf %neg3A_986, %add3A_984 : vector<32x2048xf32>
    %mul3A_988 = arith.constant 1.250000e+01 : f32
    %mul3A_989 = vector.broadcast %mul3A_988 : f32 to vector<32x2048xf32>
    %mul3A_990 = arith.mulf %neg3A_987, %mul3A_989 : vector<32x2048xf32>
    %exp3A_991 = math.exp %mul3A_990 : vector<32x2048xf32>
    %reduce_sum3A_992 = arith.constant dense<0.000000e+00> : vector<32xf32>
    %reduce_sum3A_993 = vector.multi_reduction <add>, %exp3A_991, %reduce_sum3A_992 [1] : vector<32x2048xf32> to vector<32xf32>
    %slice3A_994 = vector.extract_strided_slice %reduce_sum3A_993 {offsets = [0], sizes = [16], strides = [1]} : vector<32xf32> to vector<16xf32>
    %broadcast_in_dim3A_995 = vector.shape_cast %slice3A_994 : vector<16xf32> to vector<16x1xf32>
    %get3A_996 = arith.constant 21 : index
    %get3A_997 = arith.constant 0 : index
    %get3A_998 = vector.load %arg3[%get3A_996, %get3A_997] : memref<128x10xf32, #tpu.memory_space<vmem>>, vector<1x10xf32>
    %get3A_999 = vector.shape_cast %get3A_998 : vector<1x10xf32> to vector<10xf32>
    %broadcast_in_dim3A_1000 = vector.shape_cast %get3A_999 : vector<10xf32> to vector<1x10xf32>
    %mul3A_1001 = vector.broadcast %broadcast_in_dim3A_995 : vector<16x1xf32> to vector<16x10xf32>
    %mul3A_1002 = vector.broadcast %broadcast_in_dim3A_1000 : vector<1x10xf32> to vector<16x10xf32>
    %mul3A_1003 = arith.mulf %mul3A_1001, %mul3A_1002 : vector<16x10xf32>
    %add3A_1004 = arith.addf %add3A_969, %mul3A_1003 : vector<16x10xf32>
    %slice3A_1005 = vector.extract_strided_slice %reduce_sum3A_993 {offsets = [16], sizes = [16], strides = [1]} : vector<32xf32> to vector<16xf32>
    %broadcast_in_dim3A_1006 = vector.shape_cast %slice3A_1005 : vector<16xf32> to vector<16x1xf32>
    %get3A_1007 = arith.constant 85 : index
    %get3A_1008 = arith.constant 0 : index
    %get3A_1009 = vector.load %arg3[%get3A_1007, %get3A_1008] : memref<128x10xf32, #tpu.memory_space<vmem>>, vector<1x10xf32>
    %get3A_1010 = vector.shape_cast %get3A_1009 : vector<1x10xf32> to vector<10xf32>
    %broadcast_in_dim3A_1011 = vector.shape_cast %get3A_1010 : vector<10xf32> to vector<1x10xf32>
    %mul3A_1012 = vector.broadcast %broadcast_in_dim3A_1006 : vector<16x1xf32> to vector<16x10xf32>
    %mul3A_1013 = vector.broadcast %broadcast_in_dim3A_1011 : vector<1x10xf32> to vector<16x10xf32>
    %mul3A_1014 = arith.mulf %mul3A_1012, %mul3A_1013 : vector<16x10xf32>
    %add3A_1015 = arith.addf %add3A_1004, %mul3A_1014 : vector<16x10xf32>
    %get3A_1016 = arith.constant 22 : index
    %get3A_1017 = arith.constant 0 : index
    %get3A_1018 = vector.load %arg2[%get3A_1016, %get3A_1017] : memref<64x2xf32, #tpu.memory_space<vmem>>, vector<1x1xf32>
    %get3A_1019 = vector.extract %get3A_1018[0, 0] : f32 from vector<1x1xf32>
    %get3A_1020 = arith.constant 22 : index
    %get3A_1021 = arith.constant 1 : index
    %get3A_1022 = vector.load %arg2[%get3A_1020, %get3A_1021] : memref<64x2xf32, #tpu.memory_space<vmem>>, vector<1x1xf32>
    %get3A_1023 = vector.extract %get3A_1022[0, 0] : f32 from vector<1x1xf32>
    %sub3A_1024 = vector.broadcast %get3A_1019 : f32 to vector<32x2048xf32>
    %sub3A_1025 = arith.subf %get3A_1, %sub3A_1024 : vector<32x2048xf32>
    %sub3A_1026 = vector.broadcast %get3A_1023 : f32 to vector<32x2048xf32>
    %sub3A_1027 = arith.subf %get3A_4, %sub3A_1026 : vector<32x2048xf32>
    %mul3A_1028 = arith.mulf %sub3A_1025, %sub3A_1025 : vector<32x2048xf32>
    %mul3A_1029 = arith.mulf %sub3A_1027, %sub3A_1027 : vector<32x2048xf32>
    %add3A_1030 = arith.addf %mul3A_1028, %mul3A_1029 : vector<32x2048xf32>
    %neg3A_1031 = arith.constant 0.000000e+00 : f32
    %neg3A_1032 = vector.broadcast %neg3A_1031 : f32 to vector<32x2048xf32>
    %neg3A_1033 = arith.subf %neg3A_1032, %add3A_1030 : vector<32x2048xf32>
    %mul3A_1034 = arith.constant 1.250000e+01 : f32
    %mul3A_1035 = vector.broadcast %mul3A_1034 : f32 to vector<32x2048xf32>
    %mul3A_1036 = arith.mulf %neg3A_1033, %mul3A_1035 : vector<32x2048xf32>
    %exp3A_1037 = math.exp %mul3A_1036 : vector<32x2048xf32>
    %reduce_sum3A_1038 = arith.constant dense<0.000000e+00> : vector<32xf32>
    %reduce_sum3A_1039 = vector.multi_reduction <add>, %exp3A_1037, %reduce_sum3A_1038 [1] : vector<32x2048xf32> to vector<32xf32>
    %slice3A_1040 = vector.extract_strided_slice %reduce_sum3A_1039 {offsets = [0], sizes = [16], strides = [1]} : vector<32xf32> to vector<16xf32>
    %broadcast_in_dim3A_1041 = vector.shape_cast %slice3A_1040 : vector<16xf32> to vector<16x1xf32>
    %get3A_1042 = arith.constant 22 : index
    %get3A_1043 = arith.constant 0 : index
    %get3A_1044 = vector.load %arg3[%get3A_1042, %get3A_1043] : memref<128x10xf32, #tpu.memory_space<vmem>>, vector<1x10xf32>
    %get3A_1045 = vector.shape_cast %get3A_1044 : vector<1x10xf32> to vector<10xf32>
    %broadcast_in_dim3A_1046 = vector.shape_cast %get3A_1045 : vector<10xf32> to vector<1x10xf32>
    %mul3A_1047 = vector.broadcast %broadcast_in_dim3A_1041 : vector<16x1xf32> to vector<16x10xf32>
    %mul3A_1048 = vector.broadcast %broadcast_in_dim3A_1046 : vector<1x10xf32> to vector<16x10xf32>
    %mul3A_1049 = arith.mulf %mul3A_1047, %mul3A_1048 : vector<16x10xf32>
    %add3A_1050 = arith.addf %add3A_1015, %mul3A_1049 : vector<16x10xf32>
    %slice3A_1051 = vector.extract_strided_slice %reduce_sum3A_1039 {offsets = [16], sizes = [16], strides = [1]} : vector<32xf32> to vector<16xf32>
    %broadcast_in_dim3A_1052 = vector.shape_cast %slice3A_1051 : vector<16xf32> to vector<16x1xf32>
    %get3A_1053 = arith.constant 86 : index
    %get3A_1054 = arith.constant 0 : index
    %get3A_1055 = vector.load %arg3[%get3A_1053, %get3A_1054] : memref<128x10xf32, #tpu.memory_space<vmem>>, vector<1x10xf32>
    %get3A_1056 = vector.shape_cast %get3A_1055 : vector<1x10xf32> to vector<10xf32>
    %broadcast_in_dim3A_1057 = vector.shape_cast %get3A_1056 : vector<10xf32> to vector<1x10xf32>
    %mul3A_1058 = vector.broadcast %broadcast_in_dim3A_1052 : vector<16x1xf32> to vector<16x10xf32>
    %mul3A_1059 = vector.broadcast %broadcast_in_dim3A_1057 : vector<1x10xf32> to vector<16x10xf32>
    %mul3A_1060 = arith.mulf %mul3A_1058, %mul3A_1059 : vector<16x10xf32>
    %add3A_1061 = arith.addf %add3A_1050, %mul3A_1060 : vector<16x10xf32>
    %get3A_1062 = arith.constant 23 : index
    %get3A_1063 = arith.constant 0 : index
    %get3A_1064 = vector.load %arg2[%get3A_1062, %get3A_1063] : memref<64x2xf32, #tpu.memory_space<vmem>>, vector<1x1xf32>
    %get3A_1065 = vector.extract %get3A_1064[0, 0] : f32 from vector<1x1xf32>
    %get3A_1066 = arith.constant 23 : index
    %get3A_1067 = arith.constant 1 : index
    %get3A_1068 = vector.load %arg2[%get3A_1066, %get3A_1067] : memref<64x2xf32, #tpu.memory_space<vmem>>, vector<1x1xf32>
    %get3A_1069 = vector.extract %get3A_1068[0, 0] : f32 from vector<1x1xf32>
    %sub3A_1070 = vector.broadcast %get3A_1065 : f32 to vector<32x2048xf32>
    %sub3A_1071 = arith.subf %get3A_1, %sub3A_1070 : vector<32x2048xf32>
    %sub3A_1072 = vector.broadcast %get3A_1069 : f32 to vector<32x2048xf32>
    %sub3A_1073 = arith.subf %get3A_4, %sub3A_1072 : vector<32x2048xf32>
    %mul3A_1074 = arith.mulf %sub3A_1071, %sub3A_1071 : vector<32x2048xf32>
    %mul3A_1075 = arith.mulf %sub3A_1073, %sub3A_1073 : vector<32x2048xf32>
    %add3A_1076 = arith.addf %mul3A_1074, %mul3A_1075 : vector<32x2048xf32>
    %neg3A_1077 = arith.constant 0.000000e+00 : f32
    %neg3A_1078 = vector.broadcast %neg3A_1077 : f32 to vector<32x2048xf32>
    %neg3A_1079 = arith.subf %neg3A_1078, %add3A_1076 : vector<32x2048xf32>
    %mul3A_1080 = arith.constant 1.250000e+01 : f32
    %mul3A_1081 = vector.broadcast %mul3A_1080 : f32 to vector<32x2048xf32>
    %mul3A_1082 = arith.mulf %neg3A_1079, %mul3A_1081 : vector<32x2048xf32>
    %exp3A_1083 = math.exp %mul3A_1082 : vector<32x2048xf32>
    %reduce_sum3A_1084 = arith.constant dense<0.000000e+00> : vector<32xf32>
    %reduce_sum3A_1085 = vector.multi_reduction <add>, %exp3A_1083, %reduce_sum3A_1084 [1] : vector<32x2048xf32> to vector<32xf32>
    %slice3A_1086 = vector.extract_strided_slice %reduce_sum3A_1085 {offsets = [0], sizes = [16], strides = [1]} : vector<32xf32> to vector<16xf32>
    %broadcast_in_dim3A_1087 = vector.shape_cast %slice3A_1086 : vector<16xf32> to vector<16x1xf32>
    %get3A_1088 = arith.constant 23 : index
    %get3A_1089 = arith.constant 0 : index
    %get3A_1090 = vector.load %arg3[%get3A_1088, %get3A_1089] : memref<128x10xf32, #tpu.memory_space<vmem>>, vector<1x10xf32>
    %get3A_1091 = vector.shape_cast %get3A_1090 : vector<1x10xf32> to vector<10xf32>
    %broadcast_in_dim3A_1092 = vector.shape_cast %get3A_1091 : vector<10xf32> to vector<1x10xf32>
    %mul3A_1093 = vector.broadcast %broadcast_in_dim3A_1087 : vector<16x1xf32> to vector<16x10xf32>
    %mul3A_1094 = vector.broadcast %broadcast_in_dim3A_1092 : vector<1x10xf32> to vector<16x10xf32>
    %mul3A_1095 = arith.mulf %mul3A_1093, %mul3A_1094 : vector<16x10xf32>
    %add3A_1096 = arith.addf %add3A_1061, %mul3A_1095 : vector<16x10xf32>
    %slice3A_1097 = vector.extract_strided_slice %reduce_sum3A_1085 {offsets = [16], sizes = [16], strides = [1]} : vector<32xf32> to vector<16xf32>
    %broadcast_in_dim3A_1098 = vector.shape_cast %slice3A_1097 : vector<16xf32> to vector<16x1xf32>
    %get3A_1099 = arith.constant 87 : index
    %get3A_1100 = arith.constant 0 : index
    %get3A_1101 = vector.load %arg3[%get3A_1099, %get3A_1100] : memref<128x10xf32, #tpu.memory_space<vmem>>, vector<1x10xf32>
    %get3A_1102 = vector.shape_cast %get3A_1101 : vector<1x10xf32> to vector<10xf32>
    %broadcast_in_dim3A_1103 = vector.shape_cast %get3A_1102 : vector<10xf32> to vector<1x10xf32>
    %mul3A_1104 = vector.broadcast %broadcast_in_dim3A_1098 : vector<16x1xf32> to vector<16x10xf32>
    %mul3A_1105 = vector.broadcast %broadcast_in_dim3A_1103 : vector<1x10xf32> to vector<16x10xf32>
    %mul3A_1106 = arith.mulf %mul3A_1104, %mul3A_1105 : vector<16x10xf32>
    %add3A_1107 = arith.addf %add3A_1096, %mul3A_1106 : vector<16x10xf32>
    %get3A_1108 = arith.constant 24 : index
    %get3A_1109 = arith.constant 0 : index
    %get3A_1110 = vector.load %arg2[%get3A_1108, %get3A_1109] : memref<64x2xf32, #tpu.memory_space<vmem>>, vector<1x1xf32>
    %get3A_1111 = vector.extract %get3A_1110[0, 0] : f32 from vector<1x1xf32>
    %get3A_1112 = arith.constant 24 : index
    %get3A_1113 = arith.constant 1 : index
    %get3A_1114 = vector.load %arg2[%get3A_1112, %get3A_1113] : memref<64x2xf32, #tpu.memory_space<vmem>>, vector<1x1xf32>
    %get3A_1115 = vector.extract %get3A_1114[0, 0] : f32 from vector<1x1xf32>
    %sub3A_1116 = vector.broadcast %get3A_1111 : f32 to vector<32x2048xf32>
    %sub3A_1117 = arith.subf %get3A_1, %sub3A_1116 : vector<32x2048xf32>
    %sub3A_1118 = vector.broadcast %get3A_1115 : f32 to vector<32x2048xf32>
    %sub3A_1119 = arith.subf %get3A_4, %sub3A_1118 : vector<32x2048xf32>
    %mul3A_1120 = arith.mulf %sub3A_1117, %sub3A_1117 : vector<32x2048xf32>
    %mul3A_1121 = arith.mulf %sub3A_1119, %sub3A_1119 : vector<32x2048xf32>
    %add3A_1122 = arith.addf %mul3A_1120, %mul3A_1121 : vector<32x2048xf32>
    %neg3A_1123 = arith.constant 0.000000e+00 : f32
    %neg3A_1124 = vector.broadcast %neg3A_1123 : f32 to vector<32x2048xf32>
    %neg3A_1125 = arith.subf %neg3A_1124, %add3A_1122 : vector<32x2048xf32>
    %mul3A_1126 = arith.constant 1.250000e+01 : f32
    %mul3A_1127 = vector.broadcast %mul3A_1126 : f32 to vector<32x2048xf32>
    %mul3A_1128 = arith.mulf %neg3A_1125, %mul3A_1127 : vector<32x2048xf32>
    %exp3A_1129 = math.exp %mul3A_1128 : vector<32x2048xf32>
    %reduce_sum3A_1130 = arith.constant dense<0.000000e+00> : vector<32xf32>
    %reduce_sum3A_1131 = vector.multi_reduction <add>, %exp3A_1129, %reduce_sum3A_1130 [1] : vector<32x2048xf32> to vector<32xf32>
    %slice3A_1132 = vector.extract_strided_slice %reduce_sum3A_1131 {offsets = [0], sizes = [16], strides = [1]} : vector<32xf32> to vector<16xf32>
    %broadcast_in_dim3A_1133 = vector.shape_cast %slice3A_1132 : vector<16xf32> to vector<16x1xf32>
    %get3A_1134 = arith.constant 24 : index
    %get3A_1135 = arith.constant 0 : index
    %get3A_1136 = vector.load %arg3[%get3A_1134, %get3A_1135] : memref<128x10xf32, #tpu.memory_space<vmem>>, vector<1x10xf32>
    %get3A_1137 = vector.shape_cast %get3A_1136 : vector<1x10xf32> to vector<10xf32>
    %broadcast_in_dim3A_1138 = vector.shape_cast %get3A_1137 : vector<10xf32> to vector<1x10xf32>
    %mul3A_1139 = vector.broadcast %broadcast_in_dim3A_1133 : vector<16x1xf32> to vector<16x10xf32>
    %mul3A_1140 = vector.broadcast %broadcast_in_dim3A_1138 : vector<1x10xf32> to vector<16x10xf32>
    %mul3A_1141 = arith.mulf %mul3A_1139, %mul3A_1140 : vector<16x10xf32>
    %add3A_1142 = arith.addf %add3A_1107, %mul3A_1141 : vector<16x10xf32>
    %slice3A_1143 = vector.extract_strided_slice %reduce_sum3A_1131 {offsets = [16], sizes = [16], strides = [1]} : vector<32xf32> to vector<16xf32>
    %broadcast_in_dim3A_1144 = vector.shape_cast %slice3A_1143 : vector<16xf32> to vector<16x1xf32>
    %get3A_1145 = arith.constant 88 : index
    %get3A_1146 = arith.constant 0 : index
    %get3A_1147 = vector.load %arg3[%get3A_1145, %get3A_1146] : memref<128x10xf32, #tpu.memory_space<vmem>>, vector<1x10xf32>
    %get3A_1148 = vector.shape_cast %get3A_1147 : vector<1x10xf32> to vector<10xf32>
    %broadcast_in_dim3A_1149 = vector.shape_cast %get3A_1148 : vector<10xf32> to vector<1x10xf32>
    %mul3A_1150 = vector.broadcast %broadcast_in_dim3A_1144 : vector<16x1xf32> to vector<16x10xf32>
    %mul3A_1151 = vector.broadcast %broadcast_in_dim3A_1149 : vector<1x10xf32> to vector<16x10xf32>
    %mul3A_1152 = arith.mulf %mul3A_1150, %mul3A_1151 : vector<16x10xf32>
    %add3A_1153 = arith.addf %add3A_1142, %mul3A_1152 : vector<16x10xf32>
    %get3A_1154 = arith.constant 25 : index
    %get3A_1155 = arith.constant 0 : index
    %get3A_1156 = vector.load %arg2[%get3A_1154, %get3A_1155] : memref<64x2xf32, #tpu.memory_space<vmem>>, vector<1x1xf32>
    %get3A_1157 = vector.extract %get3A_1156[0, 0] : f32 from vector<1x1xf32>
    %get3A_1158 = arith.constant 25 : index
    %get3A_1159 = arith.constant 1 : index
    %get3A_1160 = vector.load %arg2[%get3A_1158, %get3A_1159] : memref<64x2xf32, #tpu.memory_space<vmem>>, vector<1x1xf32>
    %get3A_1161 = vector.extract %get3A_1160[0, 0] : f32 from vector<1x1xf32>
    %sub3A_1162 = vector.broadcast %get3A_1157 : f32 to vector<32x2048xf32>
    %sub3A_1163 = arith.subf %get3A_1, %sub3A_1162 : vector<32x2048xf32>
    %sub3A_1164 = vector.broadcast %get3A_1161 : f32 to vector<32x2048xf32>
    %sub3A_1165 = arith.subf %get3A_4, %sub3A_1164 : vector<32x2048xf32>
    %mul3A_1166 = arith.mulf %sub3A_1163, %sub3A_1163 : vector<32x2048xf32>
    %mul3A_1167 = arith.mulf %sub3A_1165, %sub3A_1165 : vector<32x2048xf32>
    %add3A_1168 = arith.addf %mul3A_1166, %mul3A_1167 : vector<32x2048xf32>
    %neg3A_1169 = arith.constant 0.000000e+00 : f32
    %neg3A_1170 = vector.broadcast %neg3A_1169 : f32 to vector<32x2048xf32>
    %neg3A_1171 = arith.subf %neg3A_1170, %add3A_1168 : vector<32x2048xf32>
    %mul3A_1172 = arith.constant 1.250000e+01 : f32
    %mul3A_1173 = vector.broadcast %mul3A_1172 : f32 to vector<32x2048xf32>
    %mul3A_1174 = arith.mulf %neg3A_1171, %mul3A_1173 : vector<32x2048xf32>
    %exp3A_1175 = math.exp %mul3A_1174 : vector<32x2048xf32>
    %reduce_sum3A_1176 = arith.constant dense<0.000000e+00> : vector<32xf32>
    %reduce_sum3A_1177 = vector.multi_reduction <add>, %exp3A_1175, %reduce_sum3A_1176 [1] : vector<32x2048xf32> to vector<32xf32>
    %slice3A_1178 = vector.extract_strided_slice %reduce_sum3A_1177 {offsets = [0], sizes = [16], strides = [1]} : vector<32xf32> to vector<16xf32>
    %broadcast_in_dim3A_1179 = vector.shape_cast %slice3A_1178 : vector<16xf32> to vector<16x1xf32>
    %get3A_1180 = arith.constant 25 : index
    %get3A_1181 = arith.constant 0 : index
    %get3A_1182 = vector.load %arg3[%get3A_1180, %get3A_1181] : memref<128x10xf32, #tpu.memory_space<vmem>>, vector<1x10xf32>
    %get3A_1183 = vector.shape_cast %get3A_1182 : vector<1x10xf32> to vector<10xf32>
    %broadcast_in_dim3A_1184 = vector.shape_cast %get3A_1183 : vector<10xf32> to vector<1x10xf32>
    %mul3A_1185 = vector.broadcast %broadcast_in_dim3A_1179 : vector<16x1xf32> to vector<16x10xf32>
    %mul3A_1186 = vector.broadcast %broadcast_in_dim3A_1184 : vector<1x10xf32> to vector<16x10xf32>
    %mul3A_1187 = arith.mulf %mul3A_1185, %mul3A_1186 : vector<16x10xf32>
    %add3A_1188 = arith.addf %add3A_1153, %mul3A_1187 : vector<16x10xf32>
    %slice3A_1189 = vector.extract_strided_slice %reduce_sum3A_1177 {offsets = [16], sizes = [16], strides = [1]} : vector<32xf32> to vector<16xf32>
    %broadcast_in_dim3A_1190 = vector.shape_cast %slice3A_1189 : vector<16xf32> to vector<16x1xf32>
    %get3A_1191 = arith.constant 89 : index
    %get3A_1192 = arith.constant 0 : index
    %get3A_1193 = vector.load %arg3[%get3A_1191, %get3A_1192] : memref<128x10xf32, #tpu.memory_space<vmem>>, vector<1x10xf32>
    %get3A_1194 = vector.shape_cast %get3A_1193 : vector<1x10xf32> to vector<10xf32>
    %broadcast_in_dim3A_1195 = vector.shape_cast %get3A_1194 : vector<10xf32> to vector<1x10xf32>
    %mul3A_1196 = vector.broadcast %broadcast_in_dim3A_1190 : vector<16x1xf32> to vector<16x10xf32>
    %mul3A_1197 = vector.broadcast %broadcast_in_dim3A_1195 : vector<1x10xf32> to vector<16x10xf32>
    %mul3A_1198 = arith.mulf %mul3A_1196, %mul3A_1197 : vector<16x10xf32>
    %add3A_1199 = arith.addf %add3A_1188, %mul3A_1198 : vector<16x10xf32>
    %get3A_1200 = arith.constant 26 : index
    %get3A_1201 = arith.constant 0 : index
    %get3A_1202 = vector.load %arg2[%get3A_1200, %get3A_1201] : memref<64x2xf32, #tpu.memory_space<vmem>>, vector<1x1xf32>
    %get3A_1203 = vector.extract %get3A_1202[0, 0] : f32 from vector<1x1xf32>
    %get3A_1204 = arith.constant 26 : index
    %get3A_1205 = arith.constant 1 : index
    %get3A_1206 = vector.load %arg2[%get3A_1204, %get3A_1205] : memref<64x2xf32, #tpu.memory_space<vmem>>, vector<1x1xf32>
    %get3A_1207 = vector.extract %get3A_1206[0, 0] : f32 from vector<1x1xf32>
    %sub3A_1208 = vector.broadcast %get3A_1203 : f32 to vector<32x2048xf32>
    %sub3A_1209 = arith.subf %get3A_1, %sub3A_1208 : vector<32x2048xf32>
    %sub3A_1210 = vector.broadcast %get3A_1207 : f32 to vector<32x2048xf32>
    %sub3A_1211 = arith.subf %get3A_4, %sub3A_1210 : vector<32x2048xf32>
    %mul3A_1212 = arith.mulf %sub3A_1209, %sub3A_1209 : vector<32x2048xf32>
    %mul3A_1213 = arith.mulf %sub3A_1211, %sub3A_1211 : vector<32x2048xf32>
    %add3A_1214 = arith.addf %mul3A_1212, %mul3A_1213 : vector<32x2048xf32>
    %neg3A_1215 = arith.constant 0.000000e+00 : f32
    %neg3A_1216 = vector.broadcast %neg3A_1215 : f32 to vector<32x2048xf32>
    %neg3A_1217 = arith.subf %neg3A_1216, %add3A_1214 : vector<32x2048xf32>
    %mul3A_1218 = arith.constant 1.250000e+01 : f32
    %mul3A_1219 = vector.broadcast %mul3A_1218 : f32 to vector<32x2048xf32>
    %mul3A_1220 = arith.mulf %neg3A_1217, %mul3A_1219 : vector<32x2048xf32>
    %exp3A_1221 = math.exp %mul3A_1220 : vector<32x2048xf32>
    %reduce_sum3A_1222 = arith.constant dense<0.000000e+00> : vector<32xf32>
    %reduce_sum3A_1223 = vector.multi_reduction <add>, %exp3A_1221, %reduce_sum3A_1222 [1] : vector<32x2048xf32> to vector<32xf32>
    %slice3A_1224 = vector.extract_strided_slice %reduce_sum3A_1223 {offsets = [0], sizes = [16], strides = [1]} : vector<32xf32> to vector<16xf32>
    %broadcast_in_dim3A_1225 = vector.shape_cast %slice3A_1224 : vector<16xf32> to vector<16x1xf32>
    %get3A_1226 = arith.constant 26 : index
    %get3A_1227 = arith.constant 0 : index
    %get3A_1228 = vector.load %arg3[%get3A_1226, %get3A_1227] : memref<128x10xf32, #tpu.memory_space<vmem>>, vector<1x10xf32>
    %get3A_1229 = vector.shape_cast %get3A_1228 : vector<1x10xf32> to vector<10xf32>
    %broadcast_in_dim3A_1230 = vector.shape_cast %get3A_1229 : vector<10xf32> to vector<1x10xf32>
    %mul3A_1231 = vector.broadcast %broadcast_in_dim3A_1225 : vector<16x1xf32> to vector<16x10xf32>
    %mul3A_1232 = vector.broadcast %broadcast_in_dim3A_1230 : vector<1x10xf32> to vector<16x10xf32>
    %mul3A_1233 = arith.mulf %mul3A_1231, %mul3A_1232 : vector<16x10xf32>
    %add3A_1234 = arith.addf %add3A_1199, %mul3A_1233 : vector<16x10xf32>
    %slice3A_1235 = vector.extract_strided_slice %reduce_sum3A_1223 {offsets = [16], sizes = [16], strides = [1]} : vector<32xf32> to vector<16xf32>
    %broadcast_in_dim3A_1236 = vector.shape_cast %slice3A_1235 : vector<16xf32> to vector<16x1xf32>
    %get3A_1237 = arith.constant 90 : index
    %get3A_1238 = arith.constant 0 : index
    %get3A_1239 = vector.load %arg3[%get3A_1237, %get3A_1238] : memref<128x10xf32, #tpu.memory_space<vmem>>, vector<1x10xf32>
    %get3A_1240 = vector.shape_cast %get3A_1239 : vector<1x10xf32> to vector<10xf32>
    %broadcast_in_dim3A_1241 = vector.shape_cast %get3A_1240 : vector<10xf32> to vector<1x10xf32>
    %mul3A_1242 = vector.broadcast %broadcast_in_dim3A_1236 : vector<16x1xf32> to vector<16x10xf32>
    %mul3A_1243 = vector.broadcast %broadcast_in_dim3A_1241 : vector<1x10xf32> to vector<16x10xf32>
    %mul3A_1244 = arith.mulf %mul3A_1242, %mul3A_1243 : vector<16x10xf32>
    %add3A_1245 = arith.addf %add3A_1234, %mul3A_1244 : vector<16x10xf32>
    %get3A_1246 = arith.constant 27 : index
    %get3A_1247 = arith.constant 0 : index
    %get3A_1248 = vector.load %arg2[%get3A_1246, %get3A_1247] : memref<64x2xf32, #tpu.memory_space<vmem>>, vector<1x1xf32>
    %get3A_1249 = vector.extract %get3A_1248[0, 0] : f32 from vector<1x1xf32>
    %get3A_1250 = arith.constant 27 : index
    %get3A_1251 = arith.constant 1 : index
    %get3A_1252 = vector.load %arg2[%get3A_1250, %get3A_1251] : memref<64x2xf32, #tpu.memory_space<vmem>>, vector<1x1xf32>
    %get3A_1253 = vector.extract %get3A_1252[0, 0] : f32 from vector<1x1xf32>
    %sub3A_1254 = vector.broadcast %get3A_1249 : f32 to vector<32x2048xf32>
    %sub3A_1255 = arith.subf %get3A_1, %sub3A_1254 : vector<32x2048xf32>
    %sub3A_1256 = vector.broadcast %get3A_1253 : f32 to vector<32x2048xf32>
    %sub3A_1257 = arith.subf %get3A_4, %sub3A_1256 : vector<32x2048xf32>
    %mul3A_1258 = arith.mulf %sub3A_1255, %sub3A_1255 : vector<32x2048xf32>
    %mul3A_1259 = arith.mulf %sub3A_1257, %sub3A_1257 : vector<32x2048xf32>
    %add3A_1260 = arith.addf %mul3A_1258, %mul3A_1259 : vector<32x2048xf32>
    %neg3A_1261 = arith.constant 0.000000e+00 : f32
    %neg3A_1262 = vector.broadcast %neg3A_1261 : f32 to vector<32x2048xf32>
    %neg3A_1263 = arith.subf %neg3A_1262, %add3A_1260 : vector<32x2048xf32>
    %mul3A_1264 = arith.constant 1.250000e+01 : f32
    %mul3A_1265 = vector.broadcast %mul3A_1264 : f32 to vector<32x2048xf32>
    %mul3A_1266 = arith.mulf %neg3A_1263, %mul3A_1265 : vector<32x2048xf32>
    %exp3A_1267 = math.exp %mul3A_1266 : vector<32x2048xf32>
    %reduce_sum3A_1268 = arith.constant dense<0.000000e+00> : vector<32xf32>
    %reduce_sum3A_1269 = vector.multi_reduction <add>, %exp3A_1267, %reduce_sum3A_1268 [1] : vector<32x2048xf32> to vector<32xf32>
    %slice3A_1270 = vector.extract_strided_slice %reduce_sum3A_1269 {offsets = [0], sizes = [16], strides = [1]} : vector<32xf32> to vector<16xf32>
    %broadcast_in_dim3A_1271 = vector.shape_cast %slice3A_1270 : vector<16xf32> to vector<16x1xf32>
    %get3A_1272 = arith.constant 27 : index
    %get3A_1273 = arith.constant 0 : index
    %get3A_1274 = vector.load %arg3[%get3A_1272, %get3A_1273] : memref<128x10xf32, #tpu.memory_space<vmem>>, vector<1x10xf32>
    %get3A_1275 = vector.shape_cast %get3A_1274 : vector<1x10xf32> to vector<10xf32>
    %broadcast_in_dim3A_1276 = vector.shape_cast %get3A_1275 : vector<10xf32> to vector<1x10xf32>
    %mul3A_1277 = vector.broadcast %broadcast_in_dim3A_1271 : vector<16x1xf32> to vector<16x10xf32>
    %mul3A_1278 = vector.broadcast %broadcast_in_dim3A_1276 : vector<1x10xf32> to vector<16x10xf32>
    %mul3A_1279 = arith.mulf %mul3A_1277, %mul3A_1278 : vector<16x10xf32>
    %add3A_1280 = arith.addf %add3A_1245, %mul3A_1279 : vector<16x10xf32>
    %slice3A_1281 = vector.extract_strided_slice %reduce_sum3A_1269 {offsets = [16], sizes = [16], strides = [1]} : vector<32xf32> to vector<16xf32>
    %broadcast_in_dim3A_1282 = vector.shape_cast %slice3A_1281 : vector<16xf32> to vector<16x1xf32>
    %get3A_1283 = arith.constant 91 : index
    %get3A_1284 = arith.constant 0 : index
    %get3A_1285 = vector.load %arg3[%get3A_1283, %get3A_1284] : memref<128x10xf32, #tpu.memory_space<vmem>>, vector<1x10xf32>
    %get3A_1286 = vector.shape_cast %get3A_1285 : vector<1x10xf32> to vector<10xf32>
    %broadcast_in_dim3A_1287 = vector.shape_cast %get3A_1286 : vector<10xf32> to vector<1x10xf32>
    %mul3A_1288 = vector.broadcast %broadcast_in_dim3A_1282 : vector<16x1xf32> to vector<16x10xf32>
    %mul3A_1289 = vector.broadcast %broadcast_in_dim3A_1287 : vector<1x10xf32> to vector<16x10xf32>
    %mul3A_1290 = arith.mulf %mul3A_1288, %mul3A_1289 : vector<16x10xf32>
    %add3A_1291 = arith.addf %add3A_1280, %mul3A_1290 : vector<16x10xf32>
    %get3A_1292 = arith.constant 28 : index
    %get3A_1293 = arith.constant 0 : index
    %get3A_1294 = vector.load %arg2[%get3A_1292, %get3A_1293] : memref<64x2xf32, #tpu.memory_space<vmem>>, vector<1x1xf32>
    %get3A_1295 = vector.extract %get3A_1294[0, 0] : f32 from vector<1x1xf32>
    %get3A_1296 = arith.constant 28 : index
    %get3A_1297 = arith.constant 1 : index
    %get3A_1298 = vector.load %arg2[%get3A_1296, %get3A_1297] : memref<64x2xf32, #tpu.memory_space<vmem>>, vector<1x1xf32>
    %get3A_1299 = vector.extract %get3A_1298[0, 0] : f32 from vector<1x1xf32>
    %sub3A_1300 = vector.broadcast %get3A_1295 : f32 to vector<32x2048xf32>
    %sub3A_1301 = arith.subf %get3A_1, %sub3A_1300 : vector<32x2048xf32>
    %sub3A_1302 = vector.broadcast %get3A_1299 : f32 to vector<32x2048xf32>
    %sub3A_1303 = arith.subf %get3A_4, %sub3A_1302 : vector<32x2048xf32>
    %mul3A_1304 = arith.mulf %sub3A_1301, %sub3A_1301 : vector<32x2048xf32>
    %mul3A_1305 = arith.mulf %sub3A_1303, %sub3A_1303 : vector<32x2048xf32>
    %add3A_1306 = arith.addf %mul3A_1304, %mul3A_1305 : vector<32x2048xf32>
    %neg3A_1307 = arith.constant 0.000000e+00 : f32
    %neg3A_1308 = vector.broadcast %neg3A_1307 : f32 to vector<32x2048xf32>
    %neg3A_1309 = arith.subf %neg3A_1308, %add3A_1306 : vector<32x2048xf32>
    %mul3A_1310 = arith.constant 1.250000e+01 : f32
    %mul3A_1311 = vector.broadcast %mul3A_1310 : f32 to vector<32x2048xf32>
    %mul3A_1312 = arith.mulf %neg3A_1309, %mul3A_1311 : vector<32x2048xf32>
    %exp3A_1313 = math.exp %mul3A_1312 : vector<32x2048xf32>
    %reduce_sum3A_1314 = arith.constant dense<0.000000e+00> : vector<32xf32>
    %reduce_sum3A_1315 = vector.multi_reduction <add>, %exp3A_1313, %reduce_sum3A_1314 [1] : vector<32x2048xf32> to vector<32xf32>
    %slice3A_1316 = vector.extract_strided_slice %reduce_sum3A_1315 {offsets = [0], sizes = [16], strides = [1]} : vector<32xf32> to vector<16xf32>
    %broadcast_in_dim3A_1317 = vector.shape_cast %slice3A_1316 : vector<16xf32> to vector<16x1xf32>
    %get3A_1318 = arith.constant 28 : index
    %get3A_1319 = arith.constant 0 : index
    %get3A_1320 = vector.load %arg3[%get3A_1318, %get3A_1319] : memref<128x10xf32, #tpu.memory_space<vmem>>, vector<1x10xf32>
    %get3A_1321 = vector.shape_cast %get3A_1320 : vector<1x10xf32> to vector<10xf32>
    %broadcast_in_dim3A_1322 = vector.shape_cast %get3A_1321 : vector<10xf32> to vector<1x10xf32>
    %mul3A_1323 = vector.broadcast %broadcast_in_dim3A_1317 : vector<16x1xf32> to vector<16x10xf32>
    %mul3A_1324 = vector.broadcast %broadcast_in_dim3A_1322 : vector<1x10xf32> to vector<16x10xf32>
    %mul3A_1325 = arith.mulf %mul3A_1323, %mul3A_1324 : vector<16x10xf32>
    %add3A_1326 = arith.addf %add3A_1291, %mul3A_1325 : vector<16x10xf32>
    %slice3A_1327 = vector.extract_strided_slice %reduce_sum3A_1315 {offsets = [16], sizes = [16], strides = [1]} : vector<32xf32> to vector<16xf32>
    %broadcast_in_dim3A_1328 = vector.shape_cast %slice3A_1327 : vector<16xf32> to vector<16x1xf32>
    %get3A_1329 = arith.constant 92 : index
    %get3A_1330 = arith.constant 0 : index
    %get3A_1331 = vector.load %arg3[%get3A_1329, %get3A_1330] : memref<128x10xf32, #tpu.memory_space<vmem>>, vector<1x10xf32>
    %get3A_1332 = vector.shape_cast %get3A_1331 : vector<1x10xf32> to vector<10xf32>
    %broadcast_in_dim3A_1333 = vector.shape_cast %get3A_1332 : vector<10xf32> to vector<1x10xf32>
    %mul3A_1334 = vector.broadcast %broadcast_in_dim3A_1328 : vector<16x1xf32> to vector<16x10xf32>
    %mul3A_1335 = vector.broadcast %broadcast_in_dim3A_1333 : vector<1x10xf32> to vector<16x10xf32>
    %mul3A_1336 = arith.mulf %mul3A_1334, %mul3A_1335 : vector<16x10xf32>
    %add3A_1337 = arith.addf %add3A_1326, %mul3A_1336 : vector<16x10xf32>
    %get3A_1338 = arith.constant 29 : index
    %get3A_1339 = arith.constant 0 : index
    %get3A_1340 = vector.load %arg2[%get3A_1338, %get3A_1339] : memref<64x2xf32, #tpu.memory_space<vmem>>, vector<1x1xf32>
    %get3A_1341 = vector.extract %get3A_1340[0, 0] : f32 from vector<1x1xf32>
    %get3A_1342 = arith.constant 29 : index
    %get3A_1343 = arith.constant 1 : index
    %get3A_1344 = vector.load %arg2[%get3A_1342, %get3A_1343] : memref<64x2xf32, #tpu.memory_space<vmem>>, vector<1x1xf32>
    %get3A_1345 = vector.extract %get3A_1344[0, 0] : f32 from vector<1x1xf32>
    %sub3A_1346 = vector.broadcast %get3A_1341 : f32 to vector<32x2048xf32>
    %sub3A_1347 = arith.subf %get3A_1, %sub3A_1346 : vector<32x2048xf32>
    %sub3A_1348 = vector.broadcast %get3A_1345 : f32 to vector<32x2048xf32>
    %sub3A_1349 = arith.subf %get3A_4, %sub3A_1348 : vector<32x2048xf32>
    %mul3A_1350 = arith.mulf %sub3A_1347, %sub3A_1347 : vector<32x2048xf32>
    %mul3A_1351 = arith.mulf %sub3A_1349, %sub3A_1349 : vector<32x2048xf32>
    %add3A_1352 = arith.addf %mul3A_1350, %mul3A_1351 : vector<32x2048xf32>
    %neg3A_1353 = arith.constant 0.000000e+00 : f32
    %neg3A_1354 = vector.broadcast %neg3A_1353 : f32 to vector<32x2048xf32>
    %neg3A_1355 = arith.subf %neg3A_1354, %add3A_1352 : vector<32x2048xf32>
    %mul3A_1356 = arith.constant 1.250000e+01 : f32
    %mul3A_1357 = vector.broadcast %mul3A_1356 : f32 to vector<32x2048xf32>
    %mul3A_1358 = arith.mulf %neg3A_1355, %mul3A_1357 : vector<32x2048xf32>
    %exp3A_1359 = math.exp %mul3A_1358 : vector<32x2048xf32>
    %reduce_sum3A_1360 = arith.constant dense<0.000000e+00> : vector<32xf32>
    %reduce_sum3A_1361 = vector.multi_reduction <add>, %exp3A_1359, %reduce_sum3A_1360 [1] : vector<32x2048xf32> to vector<32xf32>
    %slice3A_1362 = vector.extract_strided_slice %reduce_sum3A_1361 {offsets = [0], sizes = [16], strides = [1]} : vector<32xf32> to vector<16xf32>
    %broadcast_in_dim3A_1363 = vector.shape_cast %slice3A_1362 : vector<16xf32> to vector<16x1xf32>
    %get3A_1364 = arith.constant 29 : index
    %get3A_1365 = arith.constant 0 : index
    %get3A_1366 = vector.load %arg3[%get3A_1364, %get3A_1365] : memref<128x10xf32, #tpu.memory_space<vmem>>, vector<1x10xf32>
    %get3A_1367 = vector.shape_cast %get3A_1366 : vector<1x10xf32> to vector<10xf32>
    %broadcast_in_dim3A_1368 = vector.shape_cast %get3A_1367 : vector<10xf32> to vector<1x10xf32>
    %mul3A_1369 = vector.broadcast %broadcast_in_dim3A_1363 : vector<16x1xf32> to vector<16x10xf32>
    %mul3A_1370 = vector.broadcast %broadcast_in_dim3A_1368 : vector<1x10xf32> to vector<16x10xf32>
    %mul3A_1371 = arith.mulf %mul3A_1369, %mul3A_1370 : vector<16x10xf32>
    %add3A_1372 = arith.addf %add3A_1337, %mul3A_1371 : vector<16x10xf32>
    %slice3A_1373 = vector.extract_strided_slice %reduce_sum3A_1361 {offsets = [16], sizes = [16], strides = [1]} : vector<32xf32> to vector<16xf32>
    %broadcast_in_dim3A_1374 = vector.shape_cast %slice3A_1373 : vector<16xf32> to vector<16x1xf32>
    %get3A_1375 = arith.constant 93 : index
    %get3A_1376 = arith.constant 0 : index
    %get3A_1377 = vector.load %arg3[%get3A_1375, %get3A_1376] : memref<128x10xf32, #tpu.memory_space<vmem>>, vector<1x10xf32>
    %get3A_1378 = vector.shape_cast %get3A_1377 : vector<1x10xf32> to vector<10xf32>
    %broadcast_in_dim3A_1379 = vector.shape_cast %get3A_1378 : vector<10xf32> to vector<1x10xf32>
    %mul3A_1380 = vector.broadcast %broadcast_in_dim3A_1374 : vector<16x1xf32> to vector<16x10xf32>
    %mul3A_1381 = vector.broadcast %broadcast_in_dim3A_1379 : vector<1x10xf32> to vector<16x10xf32>
    %mul3A_1382 = arith.mulf %mul3A_1380, %mul3A_1381 : vector<16x10xf32>
    %add3A_1383 = arith.addf %add3A_1372, %mul3A_1382 : vector<16x10xf32>
    %get3A_1384 = arith.constant 30 : index
    %get3A_1385 = arith.constant 0 : index
    %get3A_1386 = vector.load %arg2[%get3A_1384, %get3A_1385] : memref<64x2xf32, #tpu.memory_space<vmem>>, vector<1x1xf32>
    %get3A_1387 = vector.extract %get3A_1386[0, 0] : f32 from vector<1x1xf32>
    %get3A_1388 = arith.constant 30 : index
    %get3A_1389 = arith.constant 1 : index
    %get3A_1390 = vector.load %arg2[%get3A_1388, %get3A_1389] : memref<64x2xf32, #tpu.memory_space<vmem>>, vector<1x1xf32>
    %get3A_1391 = vector.extract %get3A_1390[0, 0] : f32 from vector<1x1xf32>
    %sub3A_1392 = vector.broadcast %get3A_1387 : f32 to vector<32x2048xf32>
    %sub3A_1393 = arith.subf %get3A_1, %sub3A_1392 : vector<32x2048xf32>
    %sub3A_1394 = vector.broadcast %get3A_1391 : f32 to vector<32x2048xf32>
    %sub3A_1395 = arith.subf %get3A_4, %sub3A_1394 : vector<32x2048xf32>
    %mul3A_1396 = arith.mulf %sub3A_1393, %sub3A_1393 : vector<32x2048xf32>
    %mul3A_1397 = arith.mulf %sub3A_1395, %sub3A_1395 : vector<32x2048xf32>
    %add3A_1398 = arith.addf %mul3A_1396, %mul3A_1397 : vector<32x2048xf32>
    %neg3A_1399 = arith.constant 0.000000e+00 : f32
    %neg3A_1400 = vector.broadcast %neg3A_1399 : f32 to vector<32x2048xf32>
    %neg3A_1401 = arith.subf %neg3A_1400, %add3A_1398 : vector<32x2048xf32>
    %mul3A_1402 = arith.constant 1.250000e+01 : f32
    %mul3A_1403 = vector.broadcast %mul3A_1402 : f32 to vector<32x2048xf32>
    %mul3A_1404 = arith.mulf %neg3A_1401, %mul3A_1403 : vector<32x2048xf32>
    %exp3A_1405 = math.exp %mul3A_1404 : vector<32x2048xf32>
    %reduce_sum3A_1406 = arith.constant dense<0.000000e+00> : vector<32xf32>
    %reduce_sum3A_1407 = vector.multi_reduction <add>, %exp3A_1405, %reduce_sum3A_1406 [1] : vector<32x2048xf32> to vector<32xf32>
    %slice3A_1408 = vector.extract_strided_slice %reduce_sum3A_1407 {offsets = [0], sizes = [16], strides = [1]} : vector<32xf32> to vector<16xf32>
    %broadcast_in_dim3A_1409 = vector.shape_cast %slice3A_1408 : vector<16xf32> to vector<16x1xf32>
    %get3A_1410 = arith.constant 30 : index
    %get3A_1411 = arith.constant 0 : index
    %get3A_1412 = vector.load %arg3[%get3A_1410, %get3A_1411] : memref<128x10xf32, #tpu.memory_space<vmem>>, vector<1x10xf32>
    %get3A_1413 = vector.shape_cast %get3A_1412 : vector<1x10xf32> to vector<10xf32>
    %broadcast_in_dim3A_1414 = vector.shape_cast %get3A_1413 : vector<10xf32> to vector<1x10xf32>
    %mul3A_1415 = vector.broadcast %broadcast_in_dim3A_1409 : vector<16x1xf32> to vector<16x10xf32>
    %mul3A_1416 = vector.broadcast %broadcast_in_dim3A_1414 : vector<1x10xf32> to vector<16x10xf32>
    %mul3A_1417 = arith.mulf %mul3A_1415, %mul3A_1416 : vector<16x10xf32>
    %add3A_1418 = arith.addf %add3A_1383, %mul3A_1417 : vector<16x10xf32>
    %slice3A_1419 = vector.extract_strided_slice %reduce_sum3A_1407 {offsets = [16], sizes = [16], strides = [1]} : vector<32xf32> to vector<16xf32>
    %broadcast_in_dim3A_1420 = vector.shape_cast %slice3A_1419 : vector<16xf32> to vector<16x1xf32>
    %get3A_1421 = arith.constant 94 : index
    %get3A_1422 = arith.constant 0 : index
    %get3A_1423 = vector.load %arg3[%get3A_1421, %get3A_1422] : memref<128x10xf32, #tpu.memory_space<vmem>>, vector<1x10xf32>
    %get3A_1424 = vector.shape_cast %get3A_1423 : vector<1x10xf32> to vector<10xf32>
    %broadcast_in_dim3A_1425 = vector.shape_cast %get3A_1424 : vector<10xf32> to vector<1x10xf32>
    %mul3A_1426 = vector.broadcast %broadcast_in_dim3A_1420 : vector<16x1xf32> to vector<16x10xf32>
    %mul3A_1427 = vector.broadcast %broadcast_in_dim3A_1425 : vector<1x10xf32> to vector<16x10xf32>
    %mul3A_1428 = arith.mulf %mul3A_1426, %mul3A_1427 : vector<16x10xf32>
    %add3A_1429 = arith.addf %add3A_1418, %mul3A_1428 : vector<16x10xf32>
    %get3A_1430 = arith.constant 31 : index
    %get3A_1431 = arith.constant 0 : index
    %get3A_1432 = vector.load %arg2[%get3A_1430, %get3A_1431] : memref<64x2xf32, #tpu.memory_space<vmem>>, vector<1x1xf32>
    %get3A_1433 = vector.extract %get3A_1432[0, 0] : f32 from vector<1x1xf32>
    %get3A_1434 = arith.constant 31 : index
    %get3A_1435 = arith.constant 1 : index
    %get3A_1436 = vector.load %arg2[%get3A_1434, %get3A_1435] : memref<64x2xf32, #tpu.memory_space<vmem>>, vector<1x1xf32>
    %get3A_1437 = vector.extract %get3A_1436[0, 0] : f32 from vector<1x1xf32>
    %sub3A_1438 = vector.broadcast %get3A_1433 : f32 to vector<32x2048xf32>
    %sub3A_1439 = arith.subf %get3A_1, %sub3A_1438 : vector<32x2048xf32>
    %sub3A_1440 = vector.broadcast %get3A_1437 : f32 to vector<32x2048xf32>
    %sub3A_1441 = arith.subf %get3A_4, %sub3A_1440 : vector<32x2048xf32>
    %mul3A_1442 = arith.mulf %sub3A_1439, %sub3A_1439 : vector<32x2048xf32>
    %mul3A_1443 = arith.mulf %sub3A_1441, %sub3A_1441 : vector<32x2048xf32>
    %add3A_1444 = arith.addf %mul3A_1442, %mul3A_1443 : vector<32x2048xf32>
    %neg3A_1445 = arith.constant 0.000000e+00 : f32
    %neg3A_1446 = vector.broadcast %neg3A_1445 : f32 to vector<32x2048xf32>
    %neg3A_1447 = arith.subf %neg3A_1446, %add3A_1444 : vector<32x2048xf32>
    %mul3A_1448 = arith.constant 1.250000e+01 : f32
    %mul3A_1449 = vector.broadcast %mul3A_1448 : f32 to vector<32x2048xf32>
    %mul3A_1450 = arith.mulf %neg3A_1447, %mul3A_1449 : vector<32x2048xf32>
    %exp3A_1451 = math.exp %mul3A_1450 : vector<32x2048xf32>
    %reduce_sum3A_1452 = arith.constant dense<0.000000e+00> : vector<32xf32>
    %reduce_sum3A_1453 = vector.multi_reduction <add>, %exp3A_1451, %reduce_sum3A_1452 [1] : vector<32x2048xf32> to vector<32xf32>
    %slice3A_1454 = vector.extract_strided_slice %reduce_sum3A_1453 {offsets = [0], sizes = [16], strides = [1]} : vector<32xf32> to vector<16xf32>
    %broadcast_in_dim3A_1455 = vector.shape_cast %slice3A_1454 : vector<16xf32> to vector<16x1xf32>
    %get3A_1456 = arith.constant 31 : index
    %get3A_1457 = arith.constant 0 : index
    %get3A_1458 = vector.load %arg3[%get3A_1456, %get3A_1457] : memref<128x10xf32, #tpu.memory_space<vmem>>, vector<1x10xf32>
    %get3A_1459 = vector.shape_cast %get3A_1458 : vector<1x10xf32> to vector<10xf32>
    %broadcast_in_dim3A_1460 = vector.shape_cast %get3A_1459 : vector<10xf32> to vector<1x10xf32>
    %mul3A_1461 = vector.broadcast %broadcast_in_dim3A_1455 : vector<16x1xf32> to vector<16x10xf32>
    %mul3A_1462 = vector.broadcast %broadcast_in_dim3A_1460 : vector<1x10xf32> to vector<16x10xf32>
    %mul3A_1463 = arith.mulf %mul3A_1461, %mul3A_1462 : vector<16x10xf32>
    %add3A_1464 = arith.addf %add3A_1429, %mul3A_1463 : vector<16x10xf32>
    %slice3A_1465 = vector.extract_strided_slice %reduce_sum3A_1453 {offsets = [16], sizes = [16], strides = [1]} : vector<32xf32> to vector<16xf32>
    %broadcast_in_dim3A_1466 = vector.shape_cast %slice3A_1465 : vector<16xf32> to vector<16x1xf32>
    %get3A_1467 = arith.constant 95 : index
    %get3A_1468 = arith.constant 0 : index
    %get3A_1469 = vector.load %arg3[%get3A_1467, %get3A_1468] : memref<128x10xf32, #tpu.memory_space<vmem>>, vector<1x10xf32>
    %get3A_1470 = vector.shape_cast %get3A_1469 : vector<1x10xf32> to vector<10xf32>
    %broadcast_in_dim3A_1471 = vector.shape_cast %get3A_1470 : vector<10xf32> to vector<1x10xf32>
    %mul3A_1472 = vector.broadcast %broadcast_in_dim3A_1466 : vector<16x1xf32> to vector<16x10xf32>
    %mul3A_1473 = vector.broadcast %broadcast_in_dim3A_1471 : vector<1x10xf32> to vector<16x10xf32>
    %mul3A_1474 = arith.mulf %mul3A_1472, %mul3A_1473 : vector<16x10xf32>
    %add3A_1475 = arith.addf %add3A_1464, %mul3A_1474 : vector<16x10xf32>
    %get3A_1476 = arith.constant 32 : index
    %get3A_1477 = arith.constant 0 : index
    %get3A_1478 = vector.load %arg2[%get3A_1476, %get3A_1477] : memref<64x2xf32, #tpu.memory_space<vmem>>, vector<1x1xf32>
    %get3A_1479 = vector.extract %get3A_1478[0, 0] : f32 from vector<1x1xf32>
    %get3A_1480 = arith.constant 32 : index
    %get3A_1481 = arith.constant 1 : index
    %get3A_1482 = vector.load %arg2[%get3A_1480, %get3A_1481] : memref<64x2xf32, #tpu.memory_space<vmem>>, vector<1x1xf32>
    %get3A_1483 = vector.extract %get3A_1482[0, 0] : f32 from vector<1x1xf32>
    %sub3A_1484 = vector.broadcast %get3A_1479 : f32 to vector<32x2048xf32>
    %sub3A_1485 = arith.subf %get3A_1, %sub3A_1484 : vector<32x2048xf32>
    %sub3A_1486 = vector.broadcast %get3A_1483 : f32 to vector<32x2048xf32>
    %sub3A_1487 = arith.subf %get3A_4, %sub3A_1486 : vector<32x2048xf32>
    %mul3A_1488 = arith.mulf %sub3A_1485, %sub3A_1485 : vector<32x2048xf32>
    %mul3A_1489 = arith.mulf %sub3A_1487, %sub3A_1487 : vector<32x2048xf32>
    %add3A_1490 = arith.addf %mul3A_1488, %mul3A_1489 : vector<32x2048xf32>
    %neg3A_1491 = arith.constant 0.000000e+00 : f32
    %neg3A_1492 = vector.broadcast %neg3A_1491 : f32 to vector<32x2048xf32>
    %neg3A_1493 = arith.subf %neg3A_1492, %add3A_1490 : vector<32x2048xf32>
    %mul3A_1494 = arith.constant 1.250000e+01 : f32
    %mul3A_1495 = vector.broadcast %mul3A_1494 : f32 to vector<32x2048xf32>
    %mul3A_1496 = arith.mulf %neg3A_1493, %mul3A_1495 : vector<32x2048xf32>
    %exp3A_1497 = math.exp %mul3A_1496 : vector<32x2048xf32>
    %reduce_sum3A_1498 = arith.constant dense<0.000000e+00> : vector<32xf32>
    %reduce_sum3A_1499 = vector.multi_reduction <add>, %exp3A_1497, %reduce_sum3A_1498 [1] : vector<32x2048xf32> to vector<32xf32>
    %slice3A_1500 = vector.extract_strided_slice %reduce_sum3A_1499 {offsets = [0], sizes = [16], strides = [1]} : vector<32xf32> to vector<16xf32>
    %broadcast_in_dim3A_1501 = vector.shape_cast %slice3A_1500 : vector<16xf32> to vector<16x1xf32>
    %get3A_1502 = arith.constant 32 : index
    %get3A_1503 = arith.constant 0 : index
    %get3A_1504 = vector.load %arg3[%get3A_1502, %get3A_1503] : memref<128x10xf32, #tpu.memory_space<vmem>>, vector<1x10xf32>
    %get3A_1505 = vector.shape_cast %get3A_1504 : vector<1x10xf32> to vector<10xf32>
    %broadcast_in_dim3A_1506 = vector.shape_cast %get3A_1505 : vector<10xf32> to vector<1x10xf32>
    %mul3A_1507 = vector.broadcast %broadcast_in_dim3A_1501 : vector<16x1xf32> to vector<16x10xf32>
    %mul3A_1508 = vector.broadcast %broadcast_in_dim3A_1506 : vector<1x10xf32> to vector<16x10xf32>
    %mul3A_1509 = arith.mulf %mul3A_1507, %mul3A_1508 : vector<16x10xf32>
    %add3A_1510 = arith.addf %add3A_1475, %mul3A_1509 : vector<16x10xf32>
    %slice3A_1511 = vector.extract_strided_slice %reduce_sum3A_1499 {offsets = [16], sizes = [16], strides = [1]} : vector<32xf32> to vector<16xf32>
    %broadcast_in_dim3A_1512 = vector.shape_cast %slice3A_1511 : vector<16xf32> to vector<16x1xf32>
    %get3A_1513 = arith.constant 96 : index
    %get3A_1514 = arith.constant 0 : index
    %get3A_1515 = vector.load %arg3[%get3A_1513, %get3A_1514] : memref<128x10xf32, #tpu.memory_space<vmem>>, vector<1x10xf32>
    %get3A_1516 = vector.shape_cast %get3A_1515 : vector<1x10xf32> to vector<10xf32>
    %broadcast_in_dim3A_1517 = vector.shape_cast %get3A_1516 : vector<10xf32> to vector<1x10xf32>
    %mul3A_1518 = vector.broadcast %broadcast_in_dim3A_1512 : vector<16x1xf32> to vector<16x10xf32>
    %mul3A_1519 = vector.broadcast %broadcast_in_dim3A_1517 : vector<1x10xf32> to vector<16x10xf32>
    %mul3A_1520 = arith.mulf %mul3A_1518, %mul3A_1519 : vector<16x10xf32>
    %add3A_1521 = arith.addf %add3A_1510, %mul3A_1520 : vector<16x10xf32>
    %get3A_1522 = arith.constant 33 : index
    %get3A_1523 = arith.constant 0 : index
    %get3A_1524 = vector.load %arg2[%get3A_1522, %get3A_1523] : memref<64x2xf32, #tpu.memory_space<vmem>>, vector<1x1xf32>
    %get3A_1525 = vector.extract %get3A_1524[0, 0] : f32 from vector<1x1xf32>
    %get3A_1526 = arith.constant 33 : index
    %get3A_1527 = arith.constant 1 : index
    %get3A_1528 = vector.load %arg2[%get3A_1526, %get3A_1527] : memref<64x2xf32, #tpu.memory_space<vmem>>, vector<1x1xf32>
    %get3A_1529 = vector.extract %get3A_1528[0, 0] : f32 from vector<1x1xf32>
    %sub3A_1530 = vector.broadcast %get3A_1525 : f32 to vector<32x2048xf32>
    %sub3A_1531 = arith.subf %get3A_1, %sub3A_1530 : vector<32x2048xf32>
    %sub3A_1532 = vector.broadcast %get3A_1529 : f32 to vector<32x2048xf32>
    %sub3A_1533 = arith.subf %get3A_4, %sub3A_1532 : vector<32x2048xf32>
    %mul3A_1534 = arith.mulf %sub3A_1531, %sub3A_1531 : vector<32x2048xf32>
    %mul3A_1535 = arith.mulf %sub3A_1533, %sub3A_1533 : vector<32x2048xf32>
    %add3A_1536 = arith.addf %mul3A_1534, %mul3A_1535 : vector<32x2048xf32>
    %neg3A_1537 = arith.constant 0.000000e+00 : f32
    %neg3A_1538 = vector.broadcast %neg3A_1537 : f32 to vector<32x2048xf32>
    %neg3A_1539 = arith.subf %neg3A_1538, %add3A_1536 : vector<32x2048xf32>
    %mul3A_1540 = arith.constant 1.250000e+01 : f32
    %mul3A_1541 = vector.broadcast %mul3A_1540 : f32 to vector<32x2048xf32>
    %mul3A_1542 = arith.mulf %neg3A_1539, %mul3A_1541 : vector<32x2048xf32>
    %exp3A_1543 = math.exp %mul3A_1542 : vector<32x2048xf32>
    %reduce_sum3A_1544 = arith.constant dense<0.000000e+00> : vector<32xf32>
    %reduce_sum3A_1545 = vector.multi_reduction <add>, %exp3A_1543, %reduce_sum3A_1544 [1] : vector<32x2048xf32> to vector<32xf32>
    %slice3A_1546 = vector.extract_strided_slice %reduce_sum3A_1545 {offsets = [0], sizes = [16], strides = [1]} : vector<32xf32> to vector<16xf32>
    %broadcast_in_dim3A_1547 = vector.shape_cast %slice3A_1546 : vector<16xf32> to vector<16x1xf32>
    %get3A_1548 = arith.constant 33 : index
    %get3A_1549 = arith.constant 0 : index
    %get3A_1550 = vector.load %arg3[%get3A_1548, %get3A_1549] : memref<128x10xf32, #tpu.memory_space<vmem>>, vector<1x10xf32>
    %get3A_1551 = vector.shape_cast %get3A_1550 : vector<1x10xf32> to vector<10xf32>
    %broadcast_in_dim3A_1552 = vector.shape_cast %get3A_1551 : vector<10xf32> to vector<1x10xf32>
    %mul3A_1553 = vector.broadcast %broadcast_in_dim3A_1547 : vector<16x1xf32> to vector<16x10xf32>
    %mul3A_1554 = vector.broadcast %broadcast_in_dim3A_1552 : vector<1x10xf32> to vector<16x10xf32>
    %mul3A_1555 = arith.mulf %mul3A_1553, %mul3A_1554 : vector<16x10xf32>
    %add3A_1556 = arith.addf %add3A_1521, %mul3A_1555 : vector<16x10xf32>
    %slice3A_1557 = vector.extract_strided_slice %reduce_sum3A_1545 {offsets = [16], sizes = [16], strides = [1]} : vector<32xf32> to vector<16xf32>
    %broadcast_in_dim3A_1558 = vector.shape_cast %slice3A_1557 : vector<16xf32> to vector<16x1xf32>
    %get3A_1559 = arith.constant 97 : index
    %get3A_1560 = arith.constant 0 : index
    %get3A_1561 = vector.load %arg3[%get3A_1559, %get3A_1560] : memref<128x10xf32, #tpu.memory_space<vmem>>, vector<1x10xf32>
    %get3A_1562 = vector.shape_cast %get3A_1561 : vector<1x10xf32> to vector<10xf32>
    %broadcast_in_dim3A_1563 = vector.shape_cast %get3A_1562 : vector<10xf32> to vector<1x10xf32>
    %mul3A_1564 = vector.broadcast %broadcast_in_dim3A_1558 : vector<16x1xf32> to vector<16x10xf32>
    %mul3A_1565 = vector.broadcast %broadcast_in_dim3A_1563 : vector<1x10xf32> to vector<16x10xf32>
    %mul3A_1566 = arith.mulf %mul3A_1564, %mul3A_1565 : vector<16x10xf32>
    %add3A_1567 = arith.addf %add3A_1556, %mul3A_1566 : vector<16x10xf32>
    %get3A_1568 = arith.constant 34 : index
    %get3A_1569 = arith.constant 0 : index
    %get3A_1570 = vector.load %arg2[%get3A_1568, %get3A_1569] : memref<64x2xf32, #tpu.memory_space<vmem>>, vector<1x1xf32>
    %get3A_1571 = vector.extract %get3A_1570[0, 0] : f32 from vector<1x1xf32>
    %get3A_1572 = arith.constant 34 : index
    %get3A_1573 = arith.constant 1 : index
    %get3A_1574 = vector.load %arg2[%get3A_1572, %get3A_1573] : memref<64x2xf32, #tpu.memory_space<vmem>>, vector<1x1xf32>
    %get3A_1575 = vector.extract %get3A_1574[0, 0] : f32 from vector<1x1xf32>
    %sub3A_1576 = vector.broadcast %get3A_1571 : f32 to vector<32x2048xf32>
    %sub3A_1577 = arith.subf %get3A_1, %sub3A_1576 : vector<32x2048xf32>
    %sub3A_1578 = vector.broadcast %get3A_1575 : f32 to vector<32x2048xf32>
    %sub3A_1579 = arith.subf %get3A_4, %sub3A_1578 : vector<32x2048xf32>
    %mul3A_1580 = arith.mulf %sub3A_1577, %sub3A_1577 : vector<32x2048xf32>
    %mul3A_1581 = arith.mulf %sub3A_1579, %sub3A_1579 : vector<32x2048xf32>
    %add3A_1582 = arith.addf %mul3A_1580, %mul3A_1581 : vector<32x2048xf32>
    %neg3A_1583 = arith.constant 0.000000e+00 : f32
    %neg3A_1584 = vector.broadcast %neg3A_1583 : f32 to vector<32x2048xf32>
    %neg3A_1585 = arith.subf %neg3A_1584, %add3A_1582 : vector<32x2048xf32>
    %mul3A_1586 = arith.constant 1.250000e+01 : f32
    %mul3A_1587 = vector.broadcast %mul3A_1586 : f32 to vector<32x2048xf32>
    %mul3A_1588 = arith.mulf %neg3A_1585, %mul3A_1587 : vector<32x2048xf32>
    %exp3A_1589 = math.exp %mul3A_1588 : vector<32x2048xf32>
    %reduce_sum3A_1590 = arith.constant dense<0.000000e+00> : vector<32xf32>
    %reduce_sum3A_1591 = vector.multi_reduction <add>, %exp3A_1589, %reduce_sum3A_1590 [1] : vector<32x2048xf32> to vector<32xf32>
    %slice3A_1592 = vector.extract_strided_slice %reduce_sum3A_1591 {offsets = [0], sizes = [16], strides = [1]} : vector<32xf32> to vector<16xf32>
    %broadcast_in_dim3A_1593 = vector.shape_cast %slice3A_1592 : vector<16xf32> to vector<16x1xf32>
    %get3A_1594 = arith.constant 34 : index
    %get3A_1595 = arith.constant 0 : index
    %get3A_1596 = vector.load %arg3[%get3A_1594, %get3A_1595] : memref<128x10xf32, #tpu.memory_space<vmem>>, vector<1x10xf32>
    %get3A_1597 = vector.shape_cast %get3A_1596 : vector<1x10xf32> to vector<10xf32>
    %broadcast_in_dim3A_1598 = vector.shape_cast %get3A_1597 : vector<10xf32> to vector<1x10xf32>
    %mul3A_1599 = vector.broadcast %broadcast_in_dim3A_1593 : vector<16x1xf32> to vector<16x10xf32>
    %mul3A_1600 = vector.broadcast %broadcast_in_dim3A_1598 : vector<1x10xf32> to vector<16x10xf32>
    %mul3A_1601 = arith.mulf %mul3A_1599, %mul3A_1600 : vector<16x10xf32>
    %add3A_1602 = arith.addf %add3A_1567, %mul3A_1601 : vector<16x10xf32>
    %slice3A_1603 = vector.extract_strided_slice %reduce_sum3A_1591 {offsets = [16], sizes = [16], strides = [1]} : vector<32xf32> to vector<16xf32>
    %broadcast_in_dim3A_1604 = vector.shape_cast %slice3A_1603 : vector<16xf32> to vector<16x1xf32>
    %get3A_1605 = arith.constant 98 : index
    %get3A_1606 = arith.constant 0 : index
    %get3A_1607 = vector.load %arg3[%get3A_1605, %get3A_1606] : memref<128x10xf32, #tpu.memory_space<vmem>>, vector<1x10xf32>
    %get3A_1608 = vector.shape_cast %get3A_1607 : vector<1x10xf32> to vector<10xf32>
    %broadcast_in_dim3A_1609 = vector.shape_cast %get3A_1608 : vector<10xf32> to vector<1x10xf32>
    %mul3A_1610 = vector.broadcast %broadcast_in_dim3A_1604 : vector<16x1xf32> to vector<16x10xf32>
    %mul3A_1611 = vector.broadcast %broadcast_in_dim3A_1609 : vector<1x10xf32> to vector<16x10xf32>
    %mul3A_1612 = arith.mulf %mul3A_1610, %mul3A_1611 : vector<16x10xf32>
    %add3A_1613 = arith.addf %add3A_1602, %mul3A_1612 : vector<16x10xf32>
    %get3A_1614 = arith.constant 35 : index
    %get3A_1615 = arith.constant 0 : index
    %get3A_1616 = vector.load %arg2[%get3A_1614, %get3A_1615] : memref<64x2xf32, #tpu.memory_space<vmem>>, vector<1x1xf32>
    %get3A_1617 = vector.extract %get3A_1616[0, 0] : f32 from vector<1x1xf32>
    %get3A_1618 = arith.constant 35 : index
    %get3A_1619 = arith.constant 1 : index
    %get3A_1620 = vector.load %arg2[%get3A_1618, %get3A_1619] : memref<64x2xf32, #tpu.memory_space<vmem>>, vector<1x1xf32>
    %get3A_1621 = vector.extract %get3A_1620[0, 0] : f32 from vector<1x1xf32>
    %sub3A_1622 = vector.broadcast %get3A_1617 : f32 to vector<32x2048xf32>
    %sub3A_1623 = arith.subf %get3A_1, %sub3A_1622 : vector<32x2048xf32>
    %sub3A_1624 = vector.broadcast %get3A_1621 : f32 to vector<32x2048xf32>
    %sub3A_1625 = arith.subf %get3A_4, %sub3A_1624 : vector<32x2048xf32>
    %mul3A_1626 = arith.mulf %sub3A_1623, %sub3A_1623 : vector<32x2048xf32>
    %mul3A_1627 = arith.mulf %sub3A_1625, %sub3A_1625 : vector<32x2048xf32>
    %add3A_1628 = arith.addf %mul3A_1626, %mul3A_1627 : vector<32x2048xf32>
    %neg3A_1629 = arith.constant 0.000000e+00 : f32
    %neg3A_1630 = vector.broadcast %neg3A_1629 : f32 to vector<32x2048xf32>
    %neg3A_1631 = arith.subf %neg3A_1630, %add3A_1628 : vector<32x2048xf32>
    %mul3A_1632 = arith.constant 1.250000e+01 : f32
    %mul3A_1633 = vector.broadcast %mul3A_1632 : f32 to vector<32x2048xf32>
    %mul3A_1634 = arith.mulf %neg3A_1631, %mul3A_1633 : vector<32x2048xf32>
    %exp3A_1635 = math.exp %mul3A_1634 : vector<32x2048xf32>
    %reduce_sum3A_1636 = arith.constant dense<0.000000e+00> : vector<32xf32>
    %reduce_sum3A_1637 = vector.multi_reduction <add>, %exp3A_1635, %reduce_sum3A_1636 [1] : vector<32x2048xf32> to vector<32xf32>
    %slice3A_1638 = vector.extract_strided_slice %reduce_sum3A_1637 {offsets = [0], sizes = [16], strides = [1]} : vector<32xf32> to vector<16xf32>
    %broadcast_in_dim3A_1639 = vector.shape_cast %slice3A_1638 : vector<16xf32> to vector<16x1xf32>
    %get3A_1640 = arith.constant 35 : index
    %get3A_1641 = arith.constant 0 : index
    %get3A_1642 = vector.load %arg3[%get3A_1640, %get3A_1641] : memref<128x10xf32, #tpu.memory_space<vmem>>, vector<1x10xf32>
    %get3A_1643 = vector.shape_cast %get3A_1642 : vector<1x10xf32> to vector<10xf32>
    %broadcast_in_dim3A_1644 = vector.shape_cast %get3A_1643 : vector<10xf32> to vector<1x10xf32>
    %mul3A_1645 = vector.broadcast %broadcast_in_dim3A_1639 : vector<16x1xf32> to vector<16x10xf32>
    %mul3A_1646 = vector.broadcast %broadcast_in_dim3A_1644 : vector<1x10xf32> to vector<16x10xf32>
    %mul3A_1647 = arith.mulf %mul3A_1645, %mul3A_1646 : vector<16x10xf32>
    %add3A_1648 = arith.addf %add3A_1613, %mul3A_1647 : vector<16x10xf32>
    %slice3A_1649 = vector.extract_strided_slice %reduce_sum3A_1637 {offsets = [16], sizes = [16], strides = [1]} : vector<32xf32> to vector<16xf32>
    %broadcast_in_dim3A_1650 = vector.shape_cast %slice3A_1649 : vector<16xf32> to vector<16x1xf32>
    %get3A_1651 = arith.constant 99 : index
    %get3A_1652 = arith.constant 0 : index
    %get3A_1653 = vector.load %arg3[%get3A_1651, %get3A_1652] : memref<128x10xf32, #tpu.memory_space<vmem>>, vector<1x10xf32>
    %get3A_1654 = vector.shape_cast %get3A_1653 : vector<1x10xf32> to vector<10xf32>
    %broadcast_in_dim3A_1655 = vector.shape_cast %get3A_1654 : vector<10xf32> to vector<1x10xf32>
    %mul3A_1656 = vector.broadcast %broadcast_in_dim3A_1650 : vector<16x1xf32> to vector<16x10xf32>
    %mul3A_1657 = vector.broadcast %broadcast_in_dim3A_1655 : vector<1x10xf32> to vector<16x10xf32>
    %mul3A_1658 = arith.mulf %mul3A_1656, %mul3A_1657 : vector<16x10xf32>
    %add3A_1659 = arith.addf %add3A_1648, %mul3A_1658 : vector<16x10xf32>
    %get3A_1660 = arith.constant 36 : index
    %get3A_1661 = arith.constant 0 : index
    %get3A_1662 = vector.load %arg2[%get3A_1660, %get3A_1661] : memref<64x2xf32, #tpu.memory_space<vmem>>, vector<1x1xf32>
    %get3A_1663 = vector.extract %get3A_1662[0, 0] : f32 from vector<1x1xf32>
    %get3A_1664 = arith.constant 36 : index
    %get3A_1665 = arith.constant 1 : index
    %get3A_1666 = vector.load %arg2[%get3A_1664, %get3A_1665] : memref<64x2xf32, #tpu.memory_space<vmem>>, vector<1x1xf32>
    %get3A_1667 = vector.extract %get3A_1666[0, 0] : f32 from vector<1x1xf32>
    %sub3A_1668 = vector.broadcast %get3A_1663 : f32 to vector<32x2048xf32>
    %sub3A_1669 = arith.subf %get3A_1, %sub3A_1668 : vector<32x2048xf32>
    %sub3A_1670 = vector.broadcast %get3A_1667 : f32 to vector<32x2048xf32>
    %sub3A_1671 = arith.subf %get3A_4, %sub3A_1670 : vector<32x2048xf32>
    %mul3A_1672 = arith.mulf %sub3A_1669, %sub3A_1669 : vector<32x2048xf32>
    %mul3A_1673 = arith.mulf %sub3A_1671, %sub3A_1671 : vector<32x2048xf32>
    %add3A_1674 = arith.addf %mul3A_1672, %mul3A_1673 : vector<32x2048xf32>
    %neg3A_1675 = arith.constant 0.000000e+00 : f32
    %neg3A_1676 = vector.broadcast %neg3A_1675 : f32 to vector<32x2048xf32>
    %neg3A_1677 = arith.subf %neg3A_1676, %add3A_1674 : vector<32x2048xf32>
    %mul3A_1678 = arith.constant 1.250000e+01 : f32
    %mul3A_1679 = vector.broadcast %mul3A_1678 : f32 to vector<32x2048xf32>
    %mul3A_1680 = arith.mulf %neg3A_1677, %mul3A_1679 : vector<32x2048xf32>
    %exp3A_1681 = math.exp %mul3A_1680 : vector<32x2048xf32>
    %reduce_sum3A_1682 = arith.constant dense<0.000000e+00> : vector<32xf32>
    %reduce_sum3A_1683 = vector.multi_reduction <add>, %exp3A_1681, %reduce_sum3A_1682 [1] : vector<32x2048xf32> to vector<32xf32>
    %slice3A_1684 = vector.extract_strided_slice %reduce_sum3A_1683 {offsets = [0], sizes = [16], strides = [1]} : vector<32xf32> to vector<16xf32>
    %broadcast_in_dim3A_1685 = vector.shape_cast %slice3A_1684 : vector<16xf32> to vector<16x1xf32>
    %get3A_1686 = arith.constant 36 : index
    %get3A_1687 = arith.constant 0 : index
    %get3A_1688 = vector.load %arg3[%get3A_1686, %get3A_1687] : memref<128x10xf32, #tpu.memory_space<vmem>>, vector<1x10xf32>
    %get3A_1689 = vector.shape_cast %get3A_1688 : vector<1x10xf32> to vector<10xf32>
    %broadcast_in_dim3A_1690 = vector.shape_cast %get3A_1689 : vector<10xf32> to vector<1x10xf32>
    %mul3A_1691 = vector.broadcast %broadcast_in_dim3A_1685 : vector<16x1xf32> to vector<16x10xf32>
    %mul3A_1692 = vector.broadcast %broadcast_in_dim3A_1690 : vector<1x10xf32> to vector<16x10xf32>
    %mul3A_1693 = arith.mulf %mul3A_1691, %mul3A_1692 : vector<16x10xf32>
    %add3A_1694 = arith.addf %add3A_1659, %mul3A_1693 : vector<16x10xf32>
    %slice3A_1695 = vector.extract_strided_slice %reduce_sum3A_1683 {offsets = [16], sizes = [16], strides = [1]} : vector<32xf32> to vector<16xf32>
    %broadcast_in_dim3A_1696 = vector.shape_cast %slice3A_1695 : vector<16xf32> to vector<16x1xf32>
    %get3A_1697 = arith.constant 100 : index
    %get3A_1698 = arith.constant 0 : index
    %get3A_1699 = vector.load %arg3[%get3A_1697, %get3A_1698] : memref<128x10xf32, #tpu.memory_space<vmem>>, vector<1x10xf32>
    %get3A_1700 = vector.shape_cast %get3A_1699 : vector<1x10xf32> to vector<10xf32>
    %broadcast_in_dim3A_1701 = vector.shape_cast %get3A_1700 : vector<10xf32> to vector<1x10xf32>
    %mul3A_1702 = vector.broadcast %broadcast_in_dim3A_1696 : vector<16x1xf32> to vector<16x10xf32>
    %mul3A_1703 = vector.broadcast %broadcast_in_dim3A_1701 : vector<1x10xf32> to vector<16x10xf32>
    %mul3A_1704 = arith.mulf %mul3A_1702, %mul3A_1703 : vector<16x10xf32>
    %add3A_1705 = arith.addf %add3A_1694, %mul3A_1704 : vector<16x10xf32>
    %get3A_1706 = arith.constant 37 : index
    %get3A_1707 = arith.constant 0 : index
    %get3A_1708 = vector.load %arg2[%get3A_1706, %get3A_1707] : memref<64x2xf32, #tpu.memory_space<vmem>>, vector<1x1xf32>
    %get3A_1709 = vector.extract %get3A_1708[0, 0] : f32 from vector<1x1xf32>
    %get3A_1710 = arith.constant 37 : index
    %get3A_1711 = arith.constant 1 : index
    %get3A_1712 = vector.load %arg2[%get3A_1710, %get3A_1711] : memref<64x2xf32, #tpu.memory_space<vmem>>, vector<1x1xf32>
    %get3A_1713 = vector.extract %get3A_1712[0, 0] : f32 from vector<1x1xf32>
    %sub3A_1714 = vector.broadcast %get3A_1709 : f32 to vector<32x2048xf32>
    %sub3A_1715 = arith.subf %get3A_1, %sub3A_1714 : vector<32x2048xf32>
    %sub3A_1716 = vector.broadcast %get3A_1713 : f32 to vector<32x2048xf32>
    %sub3A_1717 = arith.subf %get3A_4, %sub3A_1716 : vector<32x2048xf32>
    %mul3A_1718 = arith.mulf %sub3A_1715, %sub3A_1715 : vector<32x2048xf32>
    %mul3A_1719 = arith.mulf %sub3A_1717, %sub3A_1717 : vector<32x2048xf32>
    %add3A_1720 = arith.addf %mul3A_1718, %mul3A_1719 : vector<32x2048xf32>
    %neg3A_1721 = arith.constant 0.000000e+00 : f32
    %neg3A_1722 = vector.broadcast %neg3A_1721 : f32 to vector<32x2048xf32>
    %neg3A_1723 = arith.subf %neg3A_1722, %add3A_1720 : vector<32x2048xf32>
    %mul3A_1724 = arith.constant 1.250000e+01 : f32
    %mul3A_1725 = vector.broadcast %mul3A_1724 : f32 to vector<32x2048xf32>
    %mul3A_1726 = arith.mulf %neg3A_1723, %mul3A_1725 : vector<32x2048xf32>
    %exp3A_1727 = math.exp %mul3A_1726 : vector<32x2048xf32>
    %reduce_sum3A_1728 = arith.constant dense<0.000000e+00> : vector<32xf32>
    %reduce_sum3A_1729 = vector.multi_reduction <add>, %exp3A_1727, %reduce_sum3A_1728 [1] : vector<32x2048xf32> to vector<32xf32>
    %slice3A_1730 = vector.extract_strided_slice %reduce_sum3A_1729 {offsets = [0], sizes = [16], strides = [1]} : vector<32xf32> to vector<16xf32>
    %broadcast_in_dim3A_1731 = vector.shape_cast %slice3A_1730 : vector<16xf32> to vector<16x1xf32>
    %get3A_1732 = arith.constant 37 : index
    %get3A_1733 = arith.constant 0 : index
    %get3A_1734 = vector.load %arg3[%get3A_1732, %get3A_1733] : memref<128x10xf32, #tpu.memory_space<vmem>>, vector<1x10xf32>
    %get3A_1735 = vector.shape_cast %get3A_1734 : vector<1x10xf32> to vector<10xf32>
    %broadcast_in_dim3A_1736 = vector.shape_cast %get3A_1735 : vector<10xf32> to vector<1x10xf32>
    %mul3A_1737 = vector.broadcast %broadcast_in_dim3A_1731 : vector<16x1xf32> to vector<16x10xf32>
    %mul3A_1738 = vector.broadcast %broadcast_in_dim3A_1736 : vector<1x10xf32> to vector<16x10xf32>
    %mul3A_1739 = arith.mulf %mul3A_1737, %mul3A_1738 : vector<16x10xf32>
    %add3A_1740 = arith.addf %add3A_1705, %mul3A_1739 : vector<16x10xf32>
    %slice3A_1741 = vector.extract_strided_slice %reduce_sum3A_1729 {offsets = [16], sizes = [16], strides = [1]} : vector<32xf32> to vector<16xf32>
    %broadcast_in_dim3A_1742 = vector.shape_cast %slice3A_1741 : vector<16xf32> to vector<16x1xf32>
    %get3A_1743 = arith.constant 101 : index
    %get3A_1744 = arith.constant 0 : index
    %get3A_1745 = vector.load %arg3[%get3A_1743, %get3A_1744] : memref<128x10xf32, #tpu.memory_space<vmem>>, vector<1x10xf32>
    %get3A_1746 = vector.shape_cast %get3A_1745 : vector<1x10xf32> to vector<10xf32>
    %broadcast_in_dim3A_1747 = vector.shape_cast %get3A_1746 : vector<10xf32> to vector<1x10xf32>
    %mul3A_1748 = vector.broadcast %broadcast_in_dim3A_1742 : vector<16x1xf32> to vector<16x10xf32>
    %mul3A_1749 = vector.broadcast %broadcast_in_dim3A_1747 : vector<1x10xf32> to vector<16x10xf32>
    %mul3A_1750 = arith.mulf %mul3A_1748, %mul3A_1749 : vector<16x10xf32>
    %add3A_1751 = arith.addf %add3A_1740, %mul3A_1750 : vector<16x10xf32>
    %get3A_1752 = arith.constant 38 : index
    %get3A_1753 = arith.constant 0 : index
    %get3A_1754 = vector.load %arg2[%get3A_1752, %get3A_1753] : memref<64x2xf32, #tpu.memory_space<vmem>>, vector<1x1xf32>
    %get3A_1755 = vector.extract %get3A_1754[0, 0] : f32 from vector<1x1xf32>
    %get3A_1756 = arith.constant 38 : index
    %get3A_1757 = arith.constant 1 : index
    %get3A_1758 = vector.load %arg2[%get3A_1756, %get3A_1757] : memref<64x2xf32, #tpu.memory_space<vmem>>, vector<1x1xf32>
    %get3A_1759 = vector.extract %get3A_1758[0, 0] : f32 from vector<1x1xf32>
    %sub3A_1760 = vector.broadcast %get3A_1755 : f32 to vector<32x2048xf32>
    %sub3A_1761 = arith.subf %get3A_1, %sub3A_1760 : vector<32x2048xf32>
    %sub3A_1762 = vector.broadcast %get3A_1759 : f32 to vector<32x2048xf32>
    %sub3A_1763 = arith.subf %get3A_4, %sub3A_1762 : vector<32x2048xf32>
    %mul3A_1764 = arith.mulf %sub3A_1761, %sub3A_1761 : vector<32x2048xf32>
    %mul3A_1765 = arith.mulf %sub3A_1763, %sub3A_1763 : vector<32x2048xf32>
    %add3A_1766 = arith.addf %mul3A_1764, %mul3A_1765 : vector<32x2048xf32>
    %neg3A_1767 = arith.constant 0.000000e+00 : f32
    %neg3A_1768 = vector.broadcast %neg3A_1767 : f32 to vector<32x2048xf32>
    %neg3A_1769 = arith.subf %neg3A_1768, %add3A_1766 : vector<32x2048xf32>
    %mul3A_1770 = arith.constant 1.250000e+01 : f32
    %mul3A_1771 = vector.broadcast %mul3A_1770 : f32 to vector<32x2048xf32>
    %mul3A_1772 = arith.mulf %neg3A_1769, %mul3A_1771 : vector<32x2048xf32>
    %exp3A_1773 = math.exp %mul3A_1772 : vector<32x2048xf32>
    %reduce_sum3A_1774 = arith.constant dense<0.000000e+00> : vector<32xf32>
    %reduce_sum3A_1775 = vector.multi_reduction <add>, %exp3A_1773, %reduce_sum3A_1774 [1] : vector<32x2048xf32> to vector<32xf32>
    %slice3A_1776 = vector.extract_strided_slice %reduce_sum3A_1775 {offsets = [0], sizes = [16], strides = [1]} : vector<32xf32> to vector<16xf32>
    %broadcast_in_dim3A_1777 = vector.shape_cast %slice3A_1776 : vector<16xf32> to vector<16x1xf32>
    %get3A_1778 = arith.constant 38 : index
    %get3A_1779 = arith.constant 0 : index
    %get3A_1780 = vector.load %arg3[%get3A_1778, %get3A_1779] : memref<128x10xf32, #tpu.memory_space<vmem>>, vector<1x10xf32>
    %get3A_1781 = vector.shape_cast %get3A_1780 : vector<1x10xf32> to vector<10xf32>
    %broadcast_in_dim3A_1782 = vector.shape_cast %get3A_1781 : vector<10xf32> to vector<1x10xf32>
    %mul3A_1783 = vector.broadcast %broadcast_in_dim3A_1777 : vector<16x1xf32> to vector<16x10xf32>
    %mul3A_1784 = vector.broadcast %broadcast_in_dim3A_1782 : vector<1x10xf32> to vector<16x10xf32>
    %mul3A_1785 = arith.mulf %mul3A_1783, %mul3A_1784 : vector<16x10xf32>
    %add3A_1786 = arith.addf %add3A_1751, %mul3A_1785 : vector<16x10xf32>
    %slice3A_1787 = vector.extract_strided_slice %reduce_sum3A_1775 {offsets = [16], sizes = [16], strides = [1]} : vector<32xf32> to vector<16xf32>
    %broadcast_in_dim3A_1788 = vector.shape_cast %slice3A_1787 : vector<16xf32> to vector<16x1xf32>
    %get3A_1789 = arith.constant 102 : index
    %get3A_1790 = arith.constant 0 : index
    %get3A_1791 = vector.load %arg3[%get3A_1789, %get3A_1790] : memref<128x10xf32, #tpu.memory_space<vmem>>, vector<1x10xf32>
    %get3A_1792 = vector.shape_cast %get3A_1791 : vector<1x10xf32> to vector<10xf32>
    %broadcast_in_dim3A_1793 = vector.shape_cast %get3A_1792 : vector<10xf32> to vector<1x10xf32>
    %mul3A_1794 = vector.broadcast %broadcast_in_dim3A_1788 : vector<16x1xf32> to vector<16x10xf32>
    %mul3A_1795 = vector.broadcast %broadcast_in_dim3A_1793 : vector<1x10xf32> to vector<16x10xf32>
    %mul3A_1796 = arith.mulf %mul3A_1794, %mul3A_1795 : vector<16x10xf32>
    %add3A_1797 = arith.addf %add3A_1786, %mul3A_1796 : vector<16x10xf32>
    %get3A_1798 = arith.constant 39 : index
    %get3A_1799 = arith.constant 0 : index
    %get3A_1800 = vector.load %arg2[%get3A_1798, %get3A_1799] : memref<64x2xf32, #tpu.memory_space<vmem>>, vector<1x1xf32>
    %get3A_1801 = vector.extract %get3A_1800[0, 0] : f32 from vector<1x1xf32>
    %get3A_1802 = arith.constant 39 : index
    %get3A_1803 = arith.constant 1 : index
    %get3A_1804 = vector.load %arg2[%get3A_1802, %get3A_1803] : memref<64x2xf32, #tpu.memory_space<vmem>>, vector<1x1xf32>
    %get3A_1805 = vector.extract %get3A_1804[0, 0] : f32 from vector<1x1xf32>
    %sub3A_1806 = vector.broadcast %get3A_1801 : f32 to vector<32x2048xf32>
    %sub3A_1807 = arith.subf %get3A_1, %sub3A_1806 : vector<32x2048xf32>
    %sub3A_1808 = vector.broadcast %get3A_1805 : f32 to vector<32x2048xf32>
    %sub3A_1809 = arith.subf %get3A_4, %sub3A_1808 : vector<32x2048xf32>
    %mul3A_1810 = arith.mulf %sub3A_1807, %sub3A_1807 : vector<32x2048xf32>
    %mul3A_1811 = arith.mulf %sub3A_1809, %sub3A_1809 : vector<32x2048xf32>
    %add3A_1812 = arith.addf %mul3A_1810, %mul3A_1811 : vector<32x2048xf32>
    %neg3A_1813 = arith.constant 0.000000e+00 : f32
    %neg3A_1814 = vector.broadcast %neg3A_1813 : f32 to vector<32x2048xf32>
    %neg3A_1815 = arith.subf %neg3A_1814, %add3A_1812 : vector<32x2048xf32>
    %mul3A_1816 = arith.constant 1.250000e+01 : f32
    %mul3A_1817 = vector.broadcast %mul3A_1816 : f32 to vector<32x2048xf32>
    %mul3A_1818 = arith.mulf %neg3A_1815, %mul3A_1817 : vector<32x2048xf32>
    %exp3A_1819 = math.exp %mul3A_1818 : vector<32x2048xf32>
    %reduce_sum3A_1820 = arith.constant dense<0.000000e+00> : vector<32xf32>
    %reduce_sum3A_1821 = vector.multi_reduction <add>, %exp3A_1819, %reduce_sum3A_1820 [1] : vector<32x2048xf32> to vector<32xf32>
    %slice3A_1822 = vector.extract_strided_slice %reduce_sum3A_1821 {offsets = [0], sizes = [16], strides = [1]} : vector<32xf32> to vector<16xf32>
    %broadcast_in_dim3A_1823 = vector.shape_cast %slice3A_1822 : vector<16xf32> to vector<16x1xf32>
    %get3A_1824 = arith.constant 39 : index
    %get3A_1825 = arith.constant 0 : index
    %get3A_1826 = vector.load %arg3[%get3A_1824, %get3A_1825] : memref<128x10xf32, #tpu.memory_space<vmem>>, vector<1x10xf32>
    %get3A_1827 = vector.shape_cast %get3A_1826 : vector<1x10xf32> to vector<10xf32>
    %broadcast_in_dim3A_1828 = vector.shape_cast %get3A_1827 : vector<10xf32> to vector<1x10xf32>
    %mul3A_1829 = vector.broadcast %broadcast_in_dim3A_1823 : vector<16x1xf32> to vector<16x10xf32>
    %mul3A_1830 = vector.broadcast %broadcast_in_dim3A_1828 : vector<1x10xf32> to vector<16x10xf32>
    %mul3A_1831 = arith.mulf %mul3A_1829, %mul3A_1830 : vector<16x10xf32>
    %add3A_1832 = arith.addf %add3A_1797, %mul3A_1831 : vector<16x10xf32>
    %slice3A_1833 = vector.extract_strided_slice %reduce_sum3A_1821 {offsets = [16], sizes = [16], strides = [1]} : vector<32xf32> to vector<16xf32>
    %broadcast_in_dim3A_1834 = vector.shape_cast %slice3A_1833 : vector<16xf32> to vector<16x1xf32>
    %get3A_1835 = arith.constant 103 : index
    %get3A_1836 = arith.constant 0 : index
    %get3A_1837 = vector.load %arg3[%get3A_1835, %get3A_1836] : memref<128x10xf32, #tpu.memory_space<vmem>>, vector<1x10xf32>
    %get3A_1838 = vector.shape_cast %get3A_1837 : vector<1x10xf32> to vector<10xf32>
    %broadcast_in_dim3A_1839 = vector.shape_cast %get3A_1838 : vector<10xf32> to vector<1x10xf32>
    %mul3A_1840 = vector.broadcast %broadcast_in_dim3A_1834 : vector<16x1xf32> to vector<16x10xf32>
    %mul3A_1841 = vector.broadcast %broadcast_in_dim3A_1839 : vector<1x10xf32> to vector<16x10xf32>
    %mul3A_1842 = arith.mulf %mul3A_1840, %mul3A_1841 : vector<16x10xf32>
    %add3A_1843 = arith.addf %add3A_1832, %mul3A_1842 : vector<16x10xf32>
    %get3A_1844 = arith.constant 40 : index
    %get3A_1845 = arith.constant 0 : index
    %get3A_1846 = vector.load %arg2[%get3A_1844, %get3A_1845] : memref<64x2xf32, #tpu.memory_space<vmem>>, vector<1x1xf32>
    %get3A_1847 = vector.extract %get3A_1846[0, 0] : f32 from vector<1x1xf32>
    %get3A_1848 = arith.constant 40 : index
    %get3A_1849 = arith.constant 1 : index
    %get3A_1850 = vector.load %arg2[%get3A_1848, %get3A_1849] : memref<64x2xf32, #tpu.memory_space<vmem>>, vector<1x1xf32>
    %get3A_1851 = vector.extract %get3A_1850[0, 0] : f32 from vector<1x1xf32>
    %sub3A_1852 = vector.broadcast %get3A_1847 : f32 to vector<32x2048xf32>
    %sub3A_1853 = arith.subf %get3A_1, %sub3A_1852 : vector<32x2048xf32>
    %sub3A_1854 = vector.broadcast %get3A_1851 : f32 to vector<32x2048xf32>
    %sub3A_1855 = arith.subf %get3A_4, %sub3A_1854 : vector<32x2048xf32>
    %mul3A_1856 = arith.mulf %sub3A_1853, %sub3A_1853 : vector<32x2048xf32>
    %mul3A_1857 = arith.mulf %sub3A_1855, %sub3A_1855 : vector<32x2048xf32>
    %add3A_1858 = arith.addf %mul3A_1856, %mul3A_1857 : vector<32x2048xf32>
    %neg3A_1859 = arith.constant 0.000000e+00 : f32
    %neg3A_1860 = vector.broadcast %neg3A_1859 : f32 to vector<32x2048xf32>
    %neg3A_1861 = arith.subf %neg3A_1860, %add3A_1858 : vector<32x2048xf32>
    %mul3A_1862 = arith.constant 1.250000e+01 : f32
    %mul3A_1863 = vector.broadcast %mul3A_1862 : f32 to vector<32x2048xf32>
    %mul3A_1864 = arith.mulf %neg3A_1861, %mul3A_1863 : vector<32x2048xf32>
    %exp3A_1865 = math.exp %mul3A_1864 : vector<32x2048xf32>
    %reduce_sum3A_1866 = arith.constant dense<0.000000e+00> : vector<32xf32>
    %reduce_sum3A_1867 = vector.multi_reduction <add>, %exp3A_1865, %reduce_sum3A_1866 [1] : vector<32x2048xf32> to vector<32xf32>
    %slice3A_1868 = vector.extract_strided_slice %reduce_sum3A_1867 {offsets = [0], sizes = [16], strides = [1]} : vector<32xf32> to vector<16xf32>
    %broadcast_in_dim3A_1869 = vector.shape_cast %slice3A_1868 : vector<16xf32> to vector<16x1xf32>
    %get3A_1870 = arith.constant 40 : index
    %get3A_1871 = arith.constant 0 : index
    %get3A_1872 = vector.load %arg3[%get3A_1870, %get3A_1871] : memref<128x10xf32, #tpu.memory_space<vmem>>, vector<1x10xf32>
    %get3A_1873 = vector.shape_cast %get3A_1872 : vector<1x10xf32> to vector<10xf32>
    %broadcast_in_dim3A_1874 = vector.shape_cast %get3A_1873 : vector<10xf32> to vector<1x10xf32>
    %mul3A_1875 = vector.broadcast %broadcast_in_dim3A_1869 : vector<16x1xf32> to vector<16x10xf32>
    %mul3A_1876 = vector.broadcast %broadcast_in_dim3A_1874 : vector<1x10xf32> to vector<16x10xf32>
    %mul3A_1877 = arith.mulf %mul3A_1875, %mul3A_1876 : vector<16x10xf32>
    %add3A_1878 = arith.addf %add3A_1843, %mul3A_1877 : vector<16x10xf32>
    %slice3A_1879 = vector.extract_strided_slice %reduce_sum3A_1867 {offsets = [16], sizes = [16], strides = [1]} : vector<32xf32> to vector<16xf32>
    %broadcast_in_dim3A_1880 = vector.shape_cast %slice3A_1879 : vector<16xf32> to vector<16x1xf32>
    %get3A_1881 = arith.constant 104 : index
    %get3A_1882 = arith.constant 0 : index
    %get3A_1883 = vector.load %arg3[%get3A_1881, %get3A_1882] : memref<128x10xf32, #tpu.memory_space<vmem>>, vector<1x10xf32>
    %get3A_1884 = vector.shape_cast %get3A_1883 : vector<1x10xf32> to vector<10xf32>
    %broadcast_in_dim3A_1885 = vector.shape_cast %get3A_1884 : vector<10xf32> to vector<1x10xf32>
    %mul3A_1886 = vector.broadcast %broadcast_in_dim3A_1880 : vector<16x1xf32> to vector<16x10xf32>
    %mul3A_1887 = vector.broadcast %broadcast_in_dim3A_1885 : vector<1x10xf32> to vector<16x10xf32>
    %mul3A_1888 = arith.mulf %mul3A_1886, %mul3A_1887 : vector<16x10xf32>
    %add3A_1889 = arith.addf %add3A_1878, %mul3A_1888 : vector<16x10xf32>
    %get3A_1890 = arith.constant 41 : index
    %get3A_1891 = arith.constant 0 : index
    %get3A_1892 = vector.load %arg2[%get3A_1890, %get3A_1891] : memref<64x2xf32, #tpu.memory_space<vmem>>, vector<1x1xf32>
    %get3A_1893 = vector.extract %get3A_1892[0, 0] : f32 from vector<1x1xf32>
    %get3A_1894 = arith.constant 41 : index
    %get3A_1895 = arith.constant 1 : index
    %get3A_1896 = vector.load %arg2[%get3A_1894, %get3A_1895] : memref<64x2xf32, #tpu.memory_space<vmem>>, vector<1x1xf32>
    %get3A_1897 = vector.extract %get3A_1896[0, 0] : f32 from vector<1x1xf32>
    %sub3A_1898 = vector.broadcast %get3A_1893 : f32 to vector<32x2048xf32>
    %sub3A_1899 = arith.subf %get3A_1, %sub3A_1898 : vector<32x2048xf32>
    %sub3A_1900 = vector.broadcast %get3A_1897 : f32 to vector<32x2048xf32>
    %sub3A_1901 = arith.subf %get3A_4, %sub3A_1900 : vector<32x2048xf32>
    %mul3A_1902 = arith.mulf %sub3A_1899, %sub3A_1899 : vector<32x2048xf32>
    %mul3A_1903 = arith.mulf %sub3A_1901, %sub3A_1901 : vector<32x2048xf32>
    %add3A_1904 = arith.addf %mul3A_1902, %mul3A_1903 : vector<32x2048xf32>
    %neg3A_1905 = arith.constant 0.000000e+00 : f32
    %neg3A_1906 = vector.broadcast %neg3A_1905 : f32 to vector<32x2048xf32>
    %neg3A_1907 = arith.subf %neg3A_1906, %add3A_1904 : vector<32x2048xf32>
    %mul3A_1908 = arith.constant 1.250000e+01 : f32
    %mul3A_1909 = vector.broadcast %mul3A_1908 : f32 to vector<32x2048xf32>
    %mul3A_1910 = arith.mulf %neg3A_1907, %mul3A_1909 : vector<32x2048xf32>
    %exp3A_1911 = math.exp %mul3A_1910 : vector<32x2048xf32>
    %reduce_sum3A_1912 = arith.constant dense<0.000000e+00> : vector<32xf32>
    %reduce_sum3A_1913 = vector.multi_reduction <add>, %exp3A_1911, %reduce_sum3A_1912 [1] : vector<32x2048xf32> to vector<32xf32>
    %slice3A_1914 = vector.extract_strided_slice %reduce_sum3A_1913 {offsets = [0], sizes = [16], strides = [1]} : vector<32xf32> to vector<16xf32>
    %broadcast_in_dim3A_1915 = vector.shape_cast %slice3A_1914 : vector<16xf32> to vector<16x1xf32>
    %get3A_1916 = arith.constant 41 : index
    %get3A_1917 = arith.constant 0 : index
    %get3A_1918 = vector.load %arg3[%get3A_1916, %get3A_1917] : memref<128x10xf32, #tpu.memory_space<vmem>>, vector<1x10xf32>
    %get3A_1919 = vector.shape_cast %get3A_1918 : vector<1x10xf32> to vector<10xf32>
    %broadcast_in_dim3A_1920 = vector.shape_cast %get3A_1919 : vector<10xf32> to vector<1x10xf32>
    %mul3A_1921 = vector.broadcast %broadcast_in_dim3A_1915 : vector<16x1xf32> to vector<16x10xf32>
    %mul3A_1922 = vector.broadcast %broadcast_in_dim3A_1920 : vector<1x10xf32> to vector<16x10xf32>
    %mul3A_1923 = arith.mulf %mul3A_1921, %mul3A_1922 : vector<16x10xf32>
    %add3A_1924 = arith.addf %add3A_1889, %mul3A_1923 : vector<16x10xf32>
    %slice3A_1925 = vector.extract_strided_slice %reduce_sum3A_1913 {offsets = [16], sizes = [16], strides = [1]} : vector<32xf32> to vector<16xf32>
    %broadcast_in_dim3A_1926 = vector.shape_cast %slice3A_1925 : vector<16xf32> to vector<16x1xf32>
    %get3A_1927 = arith.constant 105 : index
    %get3A_1928 = arith.constant 0 : index
    %get3A_1929 = vector.load %arg3[%get3A_1927, %get3A_1928] : memref<128x10xf32, #tpu.memory_space<vmem>>, vector<1x10xf32>
    %get3A_1930 = vector.shape_cast %get3A_1929 : vector<1x10xf32> to vector<10xf32>
    %broadcast_in_dim3A_1931 = vector.shape_cast %get3A_1930 : vector<10xf32> to vector<1x10xf32>
    %mul3A_1932 = vector.broadcast %broadcast_in_dim3A_1926 : vector<16x1xf32> to vector<16x10xf32>
    %mul3A_1933 = vector.broadcast %broadcast_in_dim3A_1931 : vector<1x10xf32> to vector<16x10xf32>
    %mul3A_1934 = arith.mulf %mul3A_1932, %mul3A_1933 : vector<16x10xf32>
    %add3A_1935 = arith.addf %add3A_1924, %mul3A_1934 : vector<16x10xf32>
    %get3A_1936 = arith.constant 42 : index
    %get3A_1937 = arith.constant 0 : index
    %get3A_1938 = vector.load %arg2[%get3A_1936, %get3A_1937] : memref<64x2xf32, #tpu.memory_space<vmem>>, vector<1x1xf32>
    %get3A_1939 = vector.extract %get3A_1938[0, 0] : f32 from vector<1x1xf32>
    %get3A_1940 = arith.constant 42 : index
    %get3A_1941 = arith.constant 1 : index
    %get3A_1942 = vector.load %arg2[%get3A_1940, %get3A_1941] : memref<64x2xf32, #tpu.memory_space<vmem>>, vector<1x1xf32>
    %get3A_1943 = vector.extract %get3A_1942[0, 0] : f32 from vector<1x1xf32>
    %sub3A_1944 = vector.broadcast %get3A_1939 : f32 to vector<32x2048xf32>
    %sub3A_1945 = arith.subf %get3A_1, %sub3A_1944 : vector<32x2048xf32>
    %sub3A_1946 = vector.broadcast %get3A_1943 : f32 to vector<32x2048xf32>
    %sub3A_1947 = arith.subf %get3A_4, %sub3A_1946 : vector<32x2048xf32>
    %mul3A_1948 = arith.mulf %sub3A_1945, %sub3A_1945 : vector<32x2048xf32>
    %mul3A_1949 = arith.mulf %sub3A_1947, %sub3A_1947 : vector<32x2048xf32>
    %add3A_1950 = arith.addf %mul3A_1948, %mul3A_1949 : vector<32x2048xf32>
    %neg3A_1951 = arith.constant 0.000000e+00 : f32
    %neg3A_1952 = vector.broadcast %neg3A_1951 : f32 to vector<32x2048xf32>
    %neg3A_1953 = arith.subf %neg3A_1952, %add3A_1950 : vector<32x2048xf32>
    %mul3A_1954 = arith.constant 1.250000e+01 : f32
    %mul3A_1955 = vector.broadcast %mul3A_1954 : f32 to vector<32x2048xf32>
    %mul3A_1956 = arith.mulf %neg3A_1953, %mul3A_1955 : vector<32x2048xf32>
    %exp3A_1957 = math.exp %mul3A_1956 : vector<32x2048xf32>
    %reduce_sum3A_1958 = arith.constant dense<0.000000e+00> : vector<32xf32>
    %reduce_sum3A_1959 = vector.multi_reduction <add>, %exp3A_1957, %reduce_sum3A_1958 [1] : vector<32x2048xf32> to vector<32xf32>
    %slice3A_1960 = vector.extract_strided_slice %reduce_sum3A_1959 {offsets = [0], sizes = [16], strides = [1]} : vector<32xf32> to vector<16xf32>
    %broadcast_in_dim3A_1961 = vector.shape_cast %slice3A_1960 : vector<16xf32> to vector<16x1xf32>
    %get3A_1962 = arith.constant 42 : index
    %get3A_1963 = arith.constant 0 : index
    %get3A_1964 = vector.load %arg3[%get3A_1962, %get3A_1963] : memref<128x10xf32, #tpu.memory_space<vmem>>, vector<1x10xf32>
    %get3A_1965 = vector.shape_cast %get3A_1964 : vector<1x10xf32> to vector<10xf32>
    %broadcast_in_dim3A_1966 = vector.shape_cast %get3A_1965 : vector<10xf32> to vector<1x10xf32>
    %mul3A_1967 = vector.broadcast %broadcast_in_dim3A_1961 : vector<16x1xf32> to vector<16x10xf32>
    %mul3A_1968 = vector.broadcast %broadcast_in_dim3A_1966 : vector<1x10xf32> to vector<16x10xf32>
    %mul3A_1969 = arith.mulf %mul3A_1967, %mul3A_1968 : vector<16x10xf32>
    %add3A_1970 = arith.addf %add3A_1935, %mul3A_1969 : vector<16x10xf32>
    %slice3A_1971 = vector.extract_strided_slice %reduce_sum3A_1959 {offsets = [16], sizes = [16], strides = [1]} : vector<32xf32> to vector<16xf32>
    %broadcast_in_dim3A_1972 = vector.shape_cast %slice3A_1971 : vector<16xf32> to vector<16x1xf32>
    %get3A_1973 = arith.constant 106 : index
    %get3A_1974 = arith.constant 0 : index
    %get3A_1975 = vector.load %arg3[%get3A_1973, %get3A_1974] : memref<128x10xf32, #tpu.memory_space<vmem>>, vector<1x10xf32>
    %get3A_1976 = vector.shape_cast %get3A_1975 : vector<1x10xf32> to vector<10xf32>
    %broadcast_in_dim3A_1977 = vector.shape_cast %get3A_1976 : vector<10xf32> to vector<1x10xf32>
    %mul3A_1978 = vector.broadcast %broadcast_in_dim3A_1972 : vector<16x1xf32> to vector<16x10xf32>
    %mul3A_1979 = vector.broadcast %broadcast_in_dim3A_1977 : vector<1x10xf32> to vector<16x10xf32>
    %mul3A_1980 = arith.mulf %mul3A_1978, %mul3A_1979 : vector<16x10xf32>
    %add3A_1981 = arith.addf %add3A_1970, %mul3A_1980 : vector<16x10xf32>
    %get3A_1982 = arith.constant 43 : index
    %get3A_1983 = arith.constant 0 : index
    %get3A_1984 = vector.load %arg2[%get3A_1982, %get3A_1983] : memref<64x2xf32, #tpu.memory_space<vmem>>, vector<1x1xf32>
    %get3A_1985 = vector.extract %get3A_1984[0, 0] : f32 from vector<1x1xf32>
    %get3A_1986 = arith.constant 43 : index
    %get3A_1987 = arith.constant 1 : index
    %get3A_1988 = vector.load %arg2[%get3A_1986, %get3A_1987] : memref<64x2xf32, #tpu.memory_space<vmem>>, vector<1x1xf32>
    %get3A_1989 = vector.extract %get3A_1988[0, 0] : f32 from vector<1x1xf32>
    %sub3A_1990 = vector.broadcast %get3A_1985 : f32 to vector<32x2048xf32>
    %sub3A_1991 = arith.subf %get3A_1, %sub3A_1990 : vector<32x2048xf32>
    %sub3A_1992 = vector.broadcast %get3A_1989 : f32 to vector<32x2048xf32>
    %sub3A_1993 = arith.subf %get3A_4, %sub3A_1992 : vector<32x2048xf32>
    %mul3A_1994 = arith.mulf %sub3A_1991, %sub3A_1991 : vector<32x2048xf32>
    %mul3A_1995 = arith.mulf %sub3A_1993, %sub3A_1993 : vector<32x2048xf32>
    %add3A_1996 = arith.addf %mul3A_1994, %mul3A_1995 : vector<32x2048xf32>
    %neg3A_1997 = arith.constant 0.000000e+00 : f32
    %neg3A_1998 = vector.broadcast %neg3A_1997 : f32 to vector<32x2048xf32>
    %neg3A_1999 = arith.subf %neg3A_1998, %add3A_1996 : vector<32x2048xf32>
    %mul3A_2000 = arith.constant 1.250000e+01 : f32
    %mul3A_2001 = vector.broadcast %mul3A_2000 : f32 to vector<32x2048xf32>
    %mul3A_2002 = arith.mulf %neg3A_1999, %mul3A_2001 : vector<32x2048xf32>
    %exp3A_2003 = math.exp %mul3A_2002 : vector<32x2048xf32>
    %reduce_sum3A_2004 = arith.constant dense<0.000000e+00> : vector<32xf32>
    %reduce_sum3A_2005 = vector.multi_reduction <add>, %exp3A_2003, %reduce_sum3A_2004 [1] : vector<32x2048xf32> to vector<32xf32>
    %slice3A_2006 = vector.extract_strided_slice %reduce_sum3A_2005 {offsets = [0], sizes = [16], strides = [1]} : vector<32xf32> to vector<16xf32>
    %broadcast_in_dim3A_2007 = vector.shape_cast %slice3A_2006 : vector<16xf32> to vector<16x1xf32>
    %get3A_2008 = arith.constant 43 : index
    %get3A_2009 = arith.constant 0 : index
    %get3A_2010 = vector.load %arg3[%get3A_2008, %get3A_2009] : memref<128x10xf32, #tpu.memory_space<vmem>>, vector<1x10xf32>
    %get3A_2011 = vector.shape_cast %get3A_2010 : vector<1x10xf32> to vector<10xf32>
    %broadcast_in_dim3A_2012 = vector.shape_cast %get3A_2011 : vector<10xf32> to vector<1x10xf32>
    %mul3A_2013 = vector.broadcast %broadcast_in_dim3A_2007 : vector<16x1xf32> to vector<16x10xf32>
    %mul3A_2014 = vector.broadcast %broadcast_in_dim3A_2012 : vector<1x10xf32> to vector<16x10xf32>
    %mul3A_2015 = arith.mulf %mul3A_2013, %mul3A_2014 : vector<16x10xf32>
    %add3A_2016 = arith.addf %add3A_1981, %mul3A_2015 : vector<16x10xf32>
    %slice3A_2017 = vector.extract_strided_slice %reduce_sum3A_2005 {offsets = [16], sizes = [16], strides = [1]} : vector<32xf32> to vector<16xf32>
    %broadcast_in_dim3A_2018 = vector.shape_cast %slice3A_2017 : vector<16xf32> to vector<16x1xf32>
    %get3A_2019 = arith.constant 107 : index
    %get3A_2020 = arith.constant 0 : index
    %get3A_2021 = vector.load %arg3[%get3A_2019, %get3A_2020] : memref<128x10xf32, #tpu.memory_space<vmem>>, vector<1x10xf32>
    %get3A_2022 = vector.shape_cast %get3A_2021 : vector<1x10xf32> to vector<10xf32>
    %broadcast_in_dim3A_2023 = vector.shape_cast %get3A_2022 : vector<10xf32> to vector<1x10xf32>
    %mul3A_2024 = vector.broadcast %broadcast_in_dim3A_2018 : vector<16x1xf32> to vector<16x10xf32>
    %mul3A_2025 = vector.broadcast %broadcast_in_dim3A_2023 : vector<1x10xf32> to vector<16x10xf32>
    %mul3A_2026 = arith.mulf %mul3A_2024, %mul3A_2025 : vector<16x10xf32>
    %add3A_2027 = arith.addf %add3A_2016, %mul3A_2026 : vector<16x10xf32>
    %get3A_2028 = arith.constant 44 : index
    %get3A_2029 = arith.constant 0 : index
    %get3A_2030 = vector.load %arg2[%get3A_2028, %get3A_2029] : memref<64x2xf32, #tpu.memory_space<vmem>>, vector<1x1xf32>
    %get3A_2031 = vector.extract %get3A_2030[0, 0] : f32 from vector<1x1xf32>
    %get3A_2032 = arith.constant 44 : index
    %get3A_2033 = arith.constant 1 : index
    %get3A_2034 = vector.load %arg2[%get3A_2032, %get3A_2033] : memref<64x2xf32, #tpu.memory_space<vmem>>, vector<1x1xf32>
    %get3A_2035 = vector.extract %get3A_2034[0, 0] : f32 from vector<1x1xf32>
    %sub3A_2036 = vector.broadcast %get3A_2031 : f32 to vector<32x2048xf32>
    %sub3A_2037 = arith.subf %get3A_1, %sub3A_2036 : vector<32x2048xf32>
    %sub3A_2038 = vector.broadcast %get3A_2035 : f32 to vector<32x2048xf32>
    %sub3A_2039 = arith.subf %get3A_4, %sub3A_2038 : vector<32x2048xf32>
    %mul3A_2040 = arith.mulf %sub3A_2037, %sub3A_2037 : vector<32x2048xf32>
    %mul3A_2041 = arith.mulf %sub3A_2039, %sub3A_2039 : vector<32x2048xf32>
    %add3A_2042 = arith.addf %mul3A_2040, %mul3A_2041 : vector<32x2048xf32>
    %neg3A_2043 = arith.constant 0.000000e+00 : f32
    %neg3A_2044 = vector.broadcast %neg3A_2043 : f32 to vector<32x2048xf32>
    %neg3A_2045 = arith.subf %neg3A_2044, %add3A_2042 : vector<32x2048xf32>
    %mul3A_2046 = arith.constant 1.250000e+01 : f32
    %mul3A_2047 = vector.broadcast %mul3A_2046 : f32 to vector<32x2048xf32>
    %mul3A_2048 = arith.mulf %neg3A_2045, %mul3A_2047 : vector<32x2048xf32>
    %exp3A_2049 = math.exp %mul3A_2048 : vector<32x2048xf32>
    %reduce_sum3A_2050 = arith.constant dense<0.000000e+00> : vector<32xf32>
    %reduce_sum3A_2051 = vector.multi_reduction <add>, %exp3A_2049, %reduce_sum3A_2050 [1] : vector<32x2048xf32> to vector<32xf32>
    %slice3A_2052 = vector.extract_strided_slice %reduce_sum3A_2051 {offsets = [0], sizes = [16], strides = [1]} : vector<32xf32> to vector<16xf32>
    %broadcast_in_dim3A_2053 = vector.shape_cast %slice3A_2052 : vector<16xf32> to vector<16x1xf32>
    %get3A_2054 = arith.constant 44 : index
    %get3A_2055 = arith.constant 0 : index
    %get3A_2056 = vector.load %arg3[%get3A_2054, %get3A_2055] : memref<128x10xf32, #tpu.memory_space<vmem>>, vector<1x10xf32>
    %get3A_2057 = vector.shape_cast %get3A_2056 : vector<1x10xf32> to vector<10xf32>
    %broadcast_in_dim3A_2058 = vector.shape_cast %get3A_2057 : vector<10xf32> to vector<1x10xf32>
    %mul3A_2059 = vector.broadcast %broadcast_in_dim3A_2053 : vector<16x1xf32> to vector<16x10xf32>
    %mul3A_2060 = vector.broadcast %broadcast_in_dim3A_2058 : vector<1x10xf32> to vector<16x10xf32>
    %mul3A_2061 = arith.mulf %mul3A_2059, %mul3A_2060 : vector<16x10xf32>
    %add3A_2062 = arith.addf %add3A_2027, %mul3A_2061 : vector<16x10xf32>
    %slice3A_2063 = vector.extract_strided_slice %reduce_sum3A_2051 {offsets = [16], sizes = [16], strides = [1]} : vector<32xf32> to vector<16xf32>
    %broadcast_in_dim3A_2064 = vector.shape_cast %slice3A_2063 : vector<16xf32> to vector<16x1xf32>
    %get3A_2065 = arith.constant 108 : index
    %get3A_2066 = arith.constant 0 : index
    %get3A_2067 = vector.load %arg3[%get3A_2065, %get3A_2066] : memref<128x10xf32, #tpu.memory_space<vmem>>, vector<1x10xf32>
    %get3A_2068 = vector.shape_cast %get3A_2067 : vector<1x10xf32> to vector<10xf32>
    %broadcast_in_dim3A_2069 = vector.shape_cast %get3A_2068 : vector<10xf32> to vector<1x10xf32>
    %mul3A_2070 = vector.broadcast %broadcast_in_dim3A_2064 : vector<16x1xf32> to vector<16x10xf32>
    %mul3A_2071 = vector.broadcast %broadcast_in_dim3A_2069 : vector<1x10xf32> to vector<16x10xf32>
    %mul3A_2072 = arith.mulf %mul3A_2070, %mul3A_2071 : vector<16x10xf32>
    %add3A_2073 = arith.addf %add3A_2062, %mul3A_2072 : vector<16x10xf32>
    %get3A_2074 = arith.constant 45 : index
    %get3A_2075 = arith.constant 0 : index
    %get3A_2076 = vector.load %arg2[%get3A_2074, %get3A_2075] : memref<64x2xf32, #tpu.memory_space<vmem>>, vector<1x1xf32>
    %get3A_2077 = vector.extract %get3A_2076[0, 0] : f32 from vector<1x1xf32>
    %get3A_2078 = arith.constant 45 : index
    %get3A_2079 = arith.constant 1 : index
    %get3A_2080 = vector.load %arg2[%get3A_2078, %get3A_2079] : memref<64x2xf32, #tpu.memory_space<vmem>>, vector<1x1xf32>
    %get3A_2081 = vector.extract %get3A_2080[0, 0] : f32 from vector<1x1xf32>
    %sub3A_2082 = vector.broadcast %get3A_2077 : f32 to vector<32x2048xf32>
    %sub3A_2083 = arith.subf %get3A_1, %sub3A_2082 : vector<32x2048xf32>
    %sub3A_2084 = vector.broadcast %get3A_2081 : f32 to vector<32x2048xf32>
    %sub3A_2085 = arith.subf %get3A_4, %sub3A_2084 : vector<32x2048xf32>
    %mul3A_2086 = arith.mulf %sub3A_2083, %sub3A_2083 : vector<32x2048xf32>
    %mul3A_2087 = arith.mulf %sub3A_2085, %sub3A_2085 : vector<32x2048xf32>
    %add3A_2088 = arith.addf %mul3A_2086, %mul3A_2087 : vector<32x2048xf32>
    %neg3A_2089 = arith.constant 0.000000e+00 : f32
    %neg3A_2090 = vector.broadcast %neg3A_2089 : f32 to vector<32x2048xf32>
    %neg3A_2091 = arith.subf %neg3A_2090, %add3A_2088 : vector<32x2048xf32>
    %mul3A_2092 = arith.constant 1.250000e+01 : f32
    %mul3A_2093 = vector.broadcast %mul3A_2092 : f32 to vector<32x2048xf32>
    %mul3A_2094 = arith.mulf %neg3A_2091, %mul3A_2093 : vector<32x2048xf32>
    %exp3A_2095 = math.exp %mul3A_2094 : vector<32x2048xf32>
    %reduce_sum3A_2096 = arith.constant dense<0.000000e+00> : vector<32xf32>
    %reduce_sum3A_2097 = vector.multi_reduction <add>, %exp3A_2095, %reduce_sum3A_2096 [1] : vector<32x2048xf32> to vector<32xf32>
    %slice3A_2098 = vector.extract_strided_slice %reduce_sum3A_2097 {offsets = [0], sizes = [16], strides = [1]} : vector<32xf32> to vector<16xf32>
    %broadcast_in_dim3A_2099 = vector.shape_cast %slice3A_2098 : vector<16xf32> to vector<16x1xf32>
    %get3A_2100 = arith.constant 45 : index
    %get3A_2101 = arith.constant 0 : index
    %get3A_2102 = vector.load %arg3[%get3A_2100, %get3A_2101] : memref<128x10xf32, #tpu.memory_space<vmem>>, vector<1x10xf32>
    %get3A_2103 = vector.shape_cast %get3A_2102 : vector<1x10xf32> to vector<10xf32>
    %broadcast_in_dim3A_2104 = vector.shape_cast %get3A_2103 : vector<10xf32> to vector<1x10xf32>
    %mul3A_2105 = vector.broadcast %broadcast_in_dim3A_2099 : vector<16x1xf32> to vector<16x10xf32>
    %mul3A_2106 = vector.broadcast %broadcast_in_dim3A_2104 : vector<1x10xf32> to vector<16x10xf32>
    %mul3A_2107 = arith.mulf %mul3A_2105, %mul3A_2106 : vector<16x10xf32>
    %add3A_2108 = arith.addf %add3A_2073, %mul3A_2107 : vector<16x10xf32>
    %slice3A_2109 = vector.extract_strided_slice %reduce_sum3A_2097 {offsets = [16], sizes = [16], strides = [1]} : vector<32xf32> to vector<16xf32>
    %broadcast_in_dim3A_2110 = vector.shape_cast %slice3A_2109 : vector<16xf32> to vector<16x1xf32>
    %get3A_2111 = arith.constant 109 : index
    %get3A_2112 = arith.constant 0 : index
    %get3A_2113 = vector.load %arg3[%get3A_2111, %get3A_2112] : memref<128x10xf32, #tpu.memory_space<vmem>>, vector<1x10xf32>
    %get3A_2114 = vector.shape_cast %get3A_2113 : vector<1x10xf32> to vector<10xf32>
    %broadcast_in_dim3A_2115 = vector.shape_cast %get3A_2114 : vector<10xf32> to vector<1x10xf32>
    %mul3A_2116 = vector.broadcast %broadcast_in_dim3A_2110 : vector<16x1xf32> to vector<16x10xf32>
    %mul3A_2117 = vector.broadcast %broadcast_in_dim3A_2115 : vector<1x10xf32> to vector<16x10xf32>
    %mul3A_2118 = arith.mulf %mul3A_2116, %mul3A_2117 : vector<16x10xf32>
    %add3A_2119 = arith.addf %add3A_2108, %mul3A_2118 : vector<16x10xf32>
    %get3A_2120 = arith.constant 46 : index
    %get3A_2121 = arith.constant 0 : index
    %get3A_2122 = vector.load %arg2[%get3A_2120, %get3A_2121] : memref<64x2xf32, #tpu.memory_space<vmem>>, vector<1x1xf32>
    %get3A_2123 = vector.extract %get3A_2122[0, 0] : f32 from vector<1x1xf32>
    %get3A_2124 = arith.constant 46 : index
    %get3A_2125 = arith.constant 1 : index
    %get3A_2126 = vector.load %arg2[%get3A_2124, %get3A_2125] : memref<64x2xf32, #tpu.memory_space<vmem>>, vector<1x1xf32>
    %get3A_2127 = vector.extract %get3A_2126[0, 0] : f32 from vector<1x1xf32>
    %sub3A_2128 = vector.broadcast %get3A_2123 : f32 to vector<32x2048xf32>
    %sub3A_2129 = arith.subf %get3A_1, %sub3A_2128 : vector<32x2048xf32>
    %sub3A_2130 = vector.broadcast %get3A_2127 : f32 to vector<32x2048xf32>
    %sub3A_2131 = arith.subf %get3A_4, %sub3A_2130 : vector<32x2048xf32>
    %mul3A_2132 = arith.mulf %sub3A_2129, %sub3A_2129 : vector<32x2048xf32>
    %mul3A_2133 = arith.mulf %sub3A_2131, %sub3A_2131 : vector<32x2048xf32>
    %add3A_2134 = arith.addf %mul3A_2132, %mul3A_2133 : vector<32x2048xf32>
    %neg3A_2135 = arith.constant 0.000000e+00 : f32
    %neg3A_2136 = vector.broadcast %neg3A_2135 : f32 to vector<32x2048xf32>
    %neg3A_2137 = arith.subf %neg3A_2136, %add3A_2134 : vector<32x2048xf32>
    %mul3A_2138 = arith.constant 1.250000e+01 : f32
    %mul3A_2139 = vector.broadcast %mul3A_2138 : f32 to vector<32x2048xf32>
    %mul3A_2140 = arith.mulf %neg3A_2137, %mul3A_2139 : vector<32x2048xf32>
    %exp3A_2141 = math.exp %mul3A_2140 : vector<32x2048xf32>
    %reduce_sum3A_2142 = arith.constant dense<0.000000e+00> : vector<32xf32>
    %reduce_sum3A_2143 = vector.multi_reduction <add>, %exp3A_2141, %reduce_sum3A_2142 [1] : vector<32x2048xf32> to vector<32xf32>
    %slice3A_2144 = vector.extract_strided_slice %reduce_sum3A_2143 {offsets = [0], sizes = [16], strides = [1]} : vector<32xf32> to vector<16xf32>
    %broadcast_in_dim3A_2145 = vector.shape_cast %slice3A_2144 : vector<16xf32> to vector<16x1xf32>
    %get3A_2146 = arith.constant 46 : index
    %get3A_2147 = arith.constant 0 : index
    %get3A_2148 = vector.load %arg3[%get3A_2146, %get3A_2147] : memref<128x10xf32, #tpu.memory_space<vmem>>, vector<1x10xf32>
    %get3A_2149 = vector.shape_cast %get3A_2148 : vector<1x10xf32> to vector<10xf32>
    %broadcast_in_dim3A_2150 = vector.shape_cast %get3A_2149 : vector<10xf32> to vector<1x10xf32>
    %mul3A_2151 = vector.broadcast %broadcast_in_dim3A_2145 : vector<16x1xf32> to vector<16x10xf32>
    %mul3A_2152 = vector.broadcast %broadcast_in_dim3A_2150 : vector<1x10xf32> to vector<16x10xf32>
    %mul3A_2153 = arith.mulf %mul3A_2151, %mul3A_2152 : vector<16x10xf32>
    %add3A_2154 = arith.addf %add3A_2119, %mul3A_2153 : vector<16x10xf32>
    %slice3A_2155 = vector.extract_strided_slice %reduce_sum3A_2143 {offsets = [16], sizes = [16], strides = [1]} : vector<32xf32> to vector<16xf32>
    %broadcast_in_dim3A_2156 = vector.shape_cast %slice3A_2155 : vector<16xf32> to vector<16x1xf32>
    %get3A_2157 = arith.constant 110 : index
    %get3A_2158 = arith.constant 0 : index
    %get3A_2159 = vector.load %arg3[%get3A_2157, %get3A_2158] : memref<128x10xf32, #tpu.memory_space<vmem>>, vector<1x10xf32>
    %get3A_2160 = vector.shape_cast %get3A_2159 : vector<1x10xf32> to vector<10xf32>
    %broadcast_in_dim3A_2161 = vector.shape_cast %get3A_2160 : vector<10xf32> to vector<1x10xf32>
    %mul3A_2162 = vector.broadcast %broadcast_in_dim3A_2156 : vector<16x1xf32> to vector<16x10xf32>
    %mul3A_2163 = vector.broadcast %broadcast_in_dim3A_2161 : vector<1x10xf32> to vector<16x10xf32>
    %mul3A_2164 = arith.mulf %mul3A_2162, %mul3A_2163 : vector<16x10xf32>
    %add3A_2165 = arith.addf %add3A_2154, %mul3A_2164 : vector<16x10xf32>
    %get3A_2166 = arith.constant 47 : index
    %get3A_2167 = arith.constant 0 : index
    %get3A_2168 = vector.load %arg2[%get3A_2166, %get3A_2167] : memref<64x2xf32, #tpu.memory_space<vmem>>, vector<1x1xf32>
    %get3A_2169 = vector.extract %get3A_2168[0, 0] : f32 from vector<1x1xf32>
    %get3A_2170 = arith.constant 47 : index
    %get3A_2171 = arith.constant 1 : index
    %get3A_2172 = vector.load %arg2[%get3A_2170, %get3A_2171] : memref<64x2xf32, #tpu.memory_space<vmem>>, vector<1x1xf32>
    %get3A_2173 = vector.extract %get3A_2172[0, 0] : f32 from vector<1x1xf32>
    %sub3A_2174 = vector.broadcast %get3A_2169 : f32 to vector<32x2048xf32>
    %sub3A_2175 = arith.subf %get3A_1, %sub3A_2174 : vector<32x2048xf32>
    %sub3A_2176 = vector.broadcast %get3A_2173 : f32 to vector<32x2048xf32>
    %sub3A_2177 = arith.subf %get3A_4, %sub3A_2176 : vector<32x2048xf32>
    %mul3A_2178 = arith.mulf %sub3A_2175, %sub3A_2175 : vector<32x2048xf32>
    %mul3A_2179 = arith.mulf %sub3A_2177, %sub3A_2177 : vector<32x2048xf32>
    %add3A_2180 = arith.addf %mul3A_2178, %mul3A_2179 : vector<32x2048xf32>
    %neg3A_2181 = arith.constant 0.000000e+00 : f32
    %neg3A_2182 = vector.broadcast %neg3A_2181 : f32 to vector<32x2048xf32>
    %neg3A_2183 = arith.subf %neg3A_2182, %add3A_2180 : vector<32x2048xf32>
    %mul3A_2184 = arith.constant 1.250000e+01 : f32
    %mul3A_2185 = vector.broadcast %mul3A_2184 : f32 to vector<32x2048xf32>
    %mul3A_2186 = arith.mulf %neg3A_2183, %mul3A_2185 : vector<32x2048xf32>
    %exp3A_2187 = math.exp %mul3A_2186 : vector<32x2048xf32>
    %reduce_sum3A_2188 = arith.constant dense<0.000000e+00> : vector<32xf32>
    %reduce_sum3A_2189 = vector.multi_reduction <add>, %exp3A_2187, %reduce_sum3A_2188 [1] : vector<32x2048xf32> to vector<32xf32>
    %slice3A_2190 = vector.extract_strided_slice %reduce_sum3A_2189 {offsets = [0], sizes = [16], strides = [1]} : vector<32xf32> to vector<16xf32>
    %broadcast_in_dim3A_2191 = vector.shape_cast %slice3A_2190 : vector<16xf32> to vector<16x1xf32>
    %get3A_2192 = arith.constant 47 : index
    %get3A_2193 = arith.constant 0 : index
    %get3A_2194 = vector.load %arg3[%get3A_2192, %get3A_2193] : memref<128x10xf32, #tpu.memory_space<vmem>>, vector<1x10xf32>
    %get3A_2195 = vector.shape_cast %get3A_2194 : vector<1x10xf32> to vector<10xf32>
    %broadcast_in_dim3A_2196 = vector.shape_cast %get3A_2195 : vector<10xf32> to vector<1x10xf32>
    %mul3A_2197 = vector.broadcast %broadcast_in_dim3A_2191 : vector<16x1xf32> to vector<16x10xf32>
    %mul3A_2198 = vector.broadcast %broadcast_in_dim3A_2196 : vector<1x10xf32> to vector<16x10xf32>
    %mul3A_2199 = arith.mulf %mul3A_2197, %mul3A_2198 : vector<16x10xf32>
    %add3A_2200 = arith.addf %add3A_2165, %mul3A_2199 : vector<16x10xf32>
    %slice3A_2201 = vector.extract_strided_slice %reduce_sum3A_2189 {offsets = [16], sizes = [16], strides = [1]} : vector<32xf32> to vector<16xf32>
    %broadcast_in_dim3A_2202 = vector.shape_cast %slice3A_2201 : vector<16xf32> to vector<16x1xf32>
    %get3A_2203 = arith.constant 111 : index
    %get3A_2204 = arith.constant 0 : index
    %get3A_2205 = vector.load %arg3[%get3A_2203, %get3A_2204] : memref<128x10xf32, #tpu.memory_space<vmem>>, vector<1x10xf32>
    %get3A_2206 = vector.shape_cast %get3A_2205 : vector<1x10xf32> to vector<10xf32>
    %broadcast_in_dim3A_2207 = vector.shape_cast %get3A_2206 : vector<10xf32> to vector<1x10xf32>
    %mul3A_2208 = vector.broadcast %broadcast_in_dim3A_2202 : vector<16x1xf32> to vector<16x10xf32>
    %mul3A_2209 = vector.broadcast %broadcast_in_dim3A_2207 : vector<1x10xf32> to vector<16x10xf32>
    %mul3A_2210 = arith.mulf %mul3A_2208, %mul3A_2209 : vector<16x10xf32>
    %add3A_2211 = arith.addf %add3A_2200, %mul3A_2210 : vector<16x10xf32>
    %get3A_2212 = arith.constant 48 : index
    %get3A_2213 = arith.constant 0 : index
    %get3A_2214 = vector.load %arg2[%get3A_2212, %get3A_2213] : memref<64x2xf32, #tpu.memory_space<vmem>>, vector<1x1xf32>
    %get3A_2215 = vector.extract %get3A_2214[0, 0] : f32 from vector<1x1xf32>
    %get3A_2216 = arith.constant 48 : index
    %get3A_2217 = arith.constant 1 : index
    %get3A_2218 = vector.load %arg2[%get3A_2216, %get3A_2217] : memref<64x2xf32, #tpu.memory_space<vmem>>, vector<1x1xf32>
    %get3A_2219 = vector.extract %get3A_2218[0, 0] : f32 from vector<1x1xf32>
    %sub3A_2220 = vector.broadcast %get3A_2215 : f32 to vector<32x2048xf32>
    %sub3A_2221 = arith.subf %get3A_1, %sub3A_2220 : vector<32x2048xf32>
    %sub3A_2222 = vector.broadcast %get3A_2219 : f32 to vector<32x2048xf32>
    %sub3A_2223 = arith.subf %get3A_4, %sub3A_2222 : vector<32x2048xf32>
    %mul3A_2224 = arith.mulf %sub3A_2221, %sub3A_2221 : vector<32x2048xf32>
    %mul3A_2225 = arith.mulf %sub3A_2223, %sub3A_2223 : vector<32x2048xf32>
    %add3A_2226 = arith.addf %mul3A_2224, %mul3A_2225 : vector<32x2048xf32>
    %neg3A_2227 = arith.constant 0.000000e+00 : f32
    %neg3A_2228 = vector.broadcast %neg3A_2227 : f32 to vector<32x2048xf32>
    %neg3A_2229 = arith.subf %neg3A_2228, %add3A_2226 : vector<32x2048xf32>
    %mul3A_2230 = arith.constant 1.250000e+01 : f32
    %mul3A_2231 = vector.broadcast %mul3A_2230 : f32 to vector<32x2048xf32>
    %mul3A_2232 = arith.mulf %neg3A_2229, %mul3A_2231 : vector<32x2048xf32>
    %exp3A_2233 = math.exp %mul3A_2232 : vector<32x2048xf32>
    %reduce_sum3A_2234 = arith.constant dense<0.000000e+00> : vector<32xf32>
    %reduce_sum3A_2235 = vector.multi_reduction <add>, %exp3A_2233, %reduce_sum3A_2234 [1] : vector<32x2048xf32> to vector<32xf32>
    %slice3A_2236 = vector.extract_strided_slice %reduce_sum3A_2235 {offsets = [0], sizes = [16], strides = [1]} : vector<32xf32> to vector<16xf32>
    %broadcast_in_dim3A_2237 = vector.shape_cast %slice3A_2236 : vector<16xf32> to vector<16x1xf32>
    %get3A_2238 = arith.constant 48 : index
    %get3A_2239 = arith.constant 0 : index
    %get3A_2240 = vector.load %arg3[%get3A_2238, %get3A_2239] : memref<128x10xf32, #tpu.memory_space<vmem>>, vector<1x10xf32>
    %get3A_2241 = vector.shape_cast %get3A_2240 : vector<1x10xf32> to vector<10xf32>
    %broadcast_in_dim3A_2242 = vector.shape_cast %get3A_2241 : vector<10xf32> to vector<1x10xf32>
    %mul3A_2243 = vector.broadcast %broadcast_in_dim3A_2237 : vector<16x1xf32> to vector<16x10xf32>
    %mul3A_2244 = vector.broadcast %broadcast_in_dim3A_2242 : vector<1x10xf32> to vector<16x10xf32>
    %mul3A_2245 = arith.mulf %mul3A_2243, %mul3A_2244 : vector<16x10xf32>
    %add3A_2246 = arith.addf %add3A_2211, %mul3A_2245 : vector<16x10xf32>
    %slice3A_2247 = vector.extract_strided_slice %reduce_sum3A_2235 {offsets = [16], sizes = [16], strides = [1]} : vector<32xf32> to vector<16xf32>
    %broadcast_in_dim3A_2248 = vector.shape_cast %slice3A_2247 : vector<16xf32> to vector<16x1xf32>
    %get3A_2249 = arith.constant 112 : index
    %get3A_2250 = arith.constant 0 : index
    %get3A_2251 = vector.load %arg3[%get3A_2249, %get3A_2250] : memref<128x10xf32, #tpu.memory_space<vmem>>, vector<1x10xf32>
    %get3A_2252 = vector.shape_cast %get3A_2251 : vector<1x10xf32> to vector<10xf32>
    %broadcast_in_dim3A_2253 = vector.shape_cast %get3A_2252 : vector<10xf32> to vector<1x10xf32>
    %mul3A_2254 = vector.broadcast %broadcast_in_dim3A_2248 : vector<16x1xf32> to vector<16x10xf32>
    %mul3A_2255 = vector.broadcast %broadcast_in_dim3A_2253 : vector<1x10xf32> to vector<16x10xf32>
    %mul3A_2256 = arith.mulf %mul3A_2254, %mul3A_2255 : vector<16x10xf32>
    %add3A_2257 = arith.addf %add3A_2246, %mul3A_2256 : vector<16x10xf32>
    %get3A_2258 = arith.constant 49 : index
    %get3A_2259 = arith.constant 0 : index
    %get3A_2260 = vector.load %arg2[%get3A_2258, %get3A_2259] : memref<64x2xf32, #tpu.memory_space<vmem>>, vector<1x1xf32>
    %get3A_2261 = vector.extract %get3A_2260[0, 0] : f32 from vector<1x1xf32>
    %get3A_2262 = arith.constant 49 : index
    %get3A_2263 = arith.constant 1 : index
    %get3A_2264 = vector.load %arg2[%get3A_2262, %get3A_2263] : memref<64x2xf32, #tpu.memory_space<vmem>>, vector<1x1xf32>
    %get3A_2265 = vector.extract %get3A_2264[0, 0] : f32 from vector<1x1xf32>
    %sub3A_2266 = vector.broadcast %get3A_2261 : f32 to vector<32x2048xf32>
    %sub3A_2267 = arith.subf %get3A_1, %sub3A_2266 : vector<32x2048xf32>
    %sub3A_2268 = vector.broadcast %get3A_2265 : f32 to vector<32x2048xf32>
    %sub3A_2269 = arith.subf %get3A_4, %sub3A_2268 : vector<32x2048xf32>
    %mul3A_2270 = arith.mulf %sub3A_2267, %sub3A_2267 : vector<32x2048xf32>
    %mul3A_2271 = arith.mulf %sub3A_2269, %sub3A_2269 : vector<32x2048xf32>
    %add3A_2272 = arith.addf %mul3A_2270, %mul3A_2271 : vector<32x2048xf32>
    %neg3A_2273 = arith.constant 0.000000e+00 : f32
    %neg3A_2274 = vector.broadcast %neg3A_2273 : f32 to vector<32x2048xf32>
    %neg3A_2275 = arith.subf %neg3A_2274, %add3A_2272 : vector<32x2048xf32>
    %mul3A_2276 = arith.constant 1.250000e+01 : f32
    %mul3A_2277 = vector.broadcast %mul3A_2276 : f32 to vector<32x2048xf32>
    %mul3A_2278 = arith.mulf %neg3A_2275, %mul3A_2277 : vector<32x2048xf32>
    %exp3A_2279 = math.exp %mul3A_2278 : vector<32x2048xf32>
    %reduce_sum3A_2280 = arith.constant dense<0.000000e+00> : vector<32xf32>
    %reduce_sum3A_2281 = vector.multi_reduction <add>, %exp3A_2279, %reduce_sum3A_2280 [1] : vector<32x2048xf32> to vector<32xf32>
    %slice3A_2282 = vector.extract_strided_slice %reduce_sum3A_2281 {offsets = [0], sizes = [16], strides = [1]} : vector<32xf32> to vector<16xf32>
    %broadcast_in_dim3A_2283 = vector.shape_cast %slice3A_2282 : vector<16xf32> to vector<16x1xf32>
    %get3A_2284 = arith.constant 49 : index
    %get3A_2285 = arith.constant 0 : index
    %get3A_2286 = vector.load %arg3[%get3A_2284, %get3A_2285] : memref<128x10xf32, #tpu.memory_space<vmem>>, vector<1x10xf32>
    %get3A_2287 = vector.shape_cast %get3A_2286 : vector<1x10xf32> to vector<10xf32>
    %broadcast_in_dim3A_2288 = vector.shape_cast %get3A_2287 : vector<10xf32> to vector<1x10xf32>
    %mul3A_2289 = vector.broadcast %broadcast_in_dim3A_2283 : vector<16x1xf32> to vector<16x10xf32>
    %mul3A_2290 = vector.broadcast %broadcast_in_dim3A_2288 : vector<1x10xf32> to vector<16x10xf32>
    %mul3A_2291 = arith.mulf %mul3A_2289, %mul3A_2290 : vector<16x10xf32>
    %add3A_2292 = arith.addf %add3A_2257, %mul3A_2291 : vector<16x10xf32>
    %slice3A_2293 = vector.extract_strided_slice %reduce_sum3A_2281 {offsets = [16], sizes = [16], strides = [1]} : vector<32xf32> to vector<16xf32>
    %broadcast_in_dim3A_2294 = vector.shape_cast %slice3A_2293 : vector<16xf32> to vector<16x1xf32>
    %get3A_2295 = arith.constant 113 : index
    %get3A_2296 = arith.constant 0 : index
    %get3A_2297 = vector.load %arg3[%get3A_2295, %get3A_2296] : memref<128x10xf32, #tpu.memory_space<vmem>>, vector<1x10xf32>
    %get3A_2298 = vector.shape_cast %get3A_2297 : vector<1x10xf32> to vector<10xf32>
    %broadcast_in_dim3A_2299 = vector.shape_cast %get3A_2298 : vector<10xf32> to vector<1x10xf32>
    %mul3A_2300 = vector.broadcast %broadcast_in_dim3A_2294 : vector<16x1xf32> to vector<16x10xf32>
    %mul3A_2301 = vector.broadcast %broadcast_in_dim3A_2299 : vector<1x10xf32> to vector<16x10xf32>
    %mul3A_2302 = arith.mulf %mul3A_2300, %mul3A_2301 : vector<16x10xf32>
    %add3A_2303 = arith.addf %add3A_2292, %mul3A_2302 : vector<16x10xf32>
    %get3A_2304 = arith.constant 50 : index
    %get3A_2305 = arith.constant 0 : index
    %get3A_2306 = vector.load %arg2[%get3A_2304, %get3A_2305] : memref<64x2xf32, #tpu.memory_space<vmem>>, vector<1x1xf32>
    %get3A_2307 = vector.extract %get3A_2306[0, 0] : f32 from vector<1x1xf32>
    %get3A_2308 = arith.constant 50 : index
    %get3A_2309 = arith.constant 1 : index
    %get3A_2310 = vector.load %arg2[%get3A_2308, %get3A_2309] : memref<64x2xf32, #tpu.memory_space<vmem>>, vector<1x1xf32>
    %get3A_2311 = vector.extract %get3A_2310[0, 0] : f32 from vector<1x1xf32>
    %sub3A_2312 = vector.broadcast %get3A_2307 : f32 to vector<32x2048xf32>
    %sub3A_2313 = arith.subf %get3A_1, %sub3A_2312 : vector<32x2048xf32>
    %sub3A_2314 = vector.broadcast %get3A_2311 : f32 to vector<32x2048xf32>
    %sub3A_2315 = arith.subf %get3A_4, %sub3A_2314 : vector<32x2048xf32>
    %mul3A_2316 = arith.mulf %sub3A_2313, %sub3A_2313 : vector<32x2048xf32>
    %mul3A_2317 = arith.mulf %sub3A_2315, %sub3A_2315 : vector<32x2048xf32>
    %add3A_2318 = arith.addf %mul3A_2316, %mul3A_2317 : vector<32x2048xf32>
    %neg3A_2319 = arith.constant 0.000000e+00 : f32
    %neg3A_2320 = vector.broadcast %neg3A_2319 : f32 to vector<32x2048xf32>
    %neg3A_2321 = arith.subf %neg3A_2320, %add3A_2318 : vector<32x2048xf32>
    %mul3A_2322 = arith.constant 1.250000e+01 : f32
    %mul3A_2323 = vector.broadcast %mul3A_2322 : f32 to vector<32x2048xf32>
    %mul3A_2324 = arith.mulf %neg3A_2321, %mul3A_2323 : vector<32x2048xf32>
    %exp3A_2325 = math.exp %mul3A_2324 : vector<32x2048xf32>
    %reduce_sum3A_2326 = arith.constant dense<0.000000e+00> : vector<32xf32>
    %reduce_sum3A_2327 = vector.multi_reduction <add>, %exp3A_2325, %reduce_sum3A_2326 [1] : vector<32x2048xf32> to vector<32xf32>
    %slice3A_2328 = vector.extract_strided_slice %reduce_sum3A_2327 {offsets = [0], sizes = [16], strides = [1]} : vector<32xf32> to vector<16xf32>
    %broadcast_in_dim3A_2329 = vector.shape_cast %slice3A_2328 : vector<16xf32> to vector<16x1xf32>
    %get3A_2330 = arith.constant 50 : index
    %get3A_2331 = arith.constant 0 : index
    %get3A_2332 = vector.load %arg3[%get3A_2330, %get3A_2331] : memref<128x10xf32, #tpu.memory_space<vmem>>, vector<1x10xf32>
    %get3A_2333 = vector.shape_cast %get3A_2332 : vector<1x10xf32> to vector<10xf32>
    %broadcast_in_dim3A_2334 = vector.shape_cast %get3A_2333 : vector<10xf32> to vector<1x10xf32>
    %mul3A_2335 = vector.broadcast %broadcast_in_dim3A_2329 : vector<16x1xf32> to vector<16x10xf32>
    %mul3A_2336 = vector.broadcast %broadcast_in_dim3A_2334 : vector<1x10xf32> to vector<16x10xf32>
    %mul3A_2337 = arith.mulf %mul3A_2335, %mul3A_2336 : vector<16x10xf32>
    %add3A_2338 = arith.addf %add3A_2303, %mul3A_2337 : vector<16x10xf32>
    %slice3A_2339 = vector.extract_strided_slice %reduce_sum3A_2327 {offsets = [16], sizes = [16], strides = [1]} : vector<32xf32> to vector<16xf32>
    %broadcast_in_dim3A_2340 = vector.shape_cast %slice3A_2339 : vector<16xf32> to vector<16x1xf32>
    %get3A_2341 = arith.constant 114 : index
    %get3A_2342 = arith.constant 0 : index
    %get3A_2343 = vector.load %arg3[%get3A_2341, %get3A_2342] : memref<128x10xf32, #tpu.memory_space<vmem>>, vector<1x10xf32>
    %get3A_2344 = vector.shape_cast %get3A_2343 : vector<1x10xf32> to vector<10xf32>
    %broadcast_in_dim3A_2345 = vector.shape_cast %get3A_2344 : vector<10xf32> to vector<1x10xf32>
    %mul3A_2346 = vector.broadcast %broadcast_in_dim3A_2340 : vector<16x1xf32> to vector<16x10xf32>
    %mul3A_2347 = vector.broadcast %broadcast_in_dim3A_2345 : vector<1x10xf32> to vector<16x10xf32>
    %mul3A_2348 = arith.mulf %mul3A_2346, %mul3A_2347 : vector<16x10xf32>
    %add3A_2349 = arith.addf %add3A_2338, %mul3A_2348 : vector<16x10xf32>
    %get3A_2350 = arith.constant 51 : index
    %get3A_2351 = arith.constant 0 : index
    %get3A_2352 = vector.load %arg2[%get3A_2350, %get3A_2351] : memref<64x2xf32, #tpu.memory_space<vmem>>, vector<1x1xf32>
    %get3A_2353 = vector.extract %get3A_2352[0, 0] : f32 from vector<1x1xf32>
    %get3A_2354 = arith.constant 51 : index
    %get3A_2355 = arith.constant 1 : index
    %get3A_2356 = vector.load %arg2[%get3A_2354, %get3A_2355] : memref<64x2xf32, #tpu.memory_space<vmem>>, vector<1x1xf32>
    %get3A_2357 = vector.extract %get3A_2356[0, 0] : f32 from vector<1x1xf32>
    %sub3A_2358 = vector.broadcast %get3A_2353 : f32 to vector<32x2048xf32>
    %sub3A_2359 = arith.subf %get3A_1, %sub3A_2358 : vector<32x2048xf32>
    %sub3A_2360 = vector.broadcast %get3A_2357 : f32 to vector<32x2048xf32>
    %sub3A_2361 = arith.subf %get3A_4, %sub3A_2360 : vector<32x2048xf32>
    %mul3A_2362 = arith.mulf %sub3A_2359, %sub3A_2359 : vector<32x2048xf32>
    %mul3A_2363 = arith.mulf %sub3A_2361, %sub3A_2361 : vector<32x2048xf32>
    %add3A_2364 = arith.addf %mul3A_2362, %mul3A_2363 : vector<32x2048xf32>
    %neg3A_2365 = arith.constant 0.000000e+00 : f32
    %neg3A_2366 = vector.broadcast %neg3A_2365 : f32 to vector<32x2048xf32>
    %neg3A_2367 = arith.subf %neg3A_2366, %add3A_2364 : vector<32x2048xf32>
    %mul3A_2368 = arith.constant 1.250000e+01 : f32
    %mul3A_2369 = vector.broadcast %mul3A_2368 : f32 to vector<32x2048xf32>
    %mul3A_2370 = arith.mulf %neg3A_2367, %mul3A_2369 : vector<32x2048xf32>
    %exp3A_2371 = math.exp %mul3A_2370 : vector<32x2048xf32>
    %reduce_sum3A_2372 = arith.constant dense<0.000000e+00> : vector<32xf32>
    %reduce_sum3A_2373 = vector.multi_reduction <add>, %exp3A_2371, %reduce_sum3A_2372 [1] : vector<32x2048xf32> to vector<32xf32>
    %slice3A_2374 = vector.extract_strided_slice %reduce_sum3A_2373 {offsets = [0], sizes = [16], strides = [1]} : vector<32xf32> to vector<16xf32>
    %broadcast_in_dim3A_2375 = vector.shape_cast %slice3A_2374 : vector<16xf32> to vector<16x1xf32>
    %get3A_2376 = arith.constant 51 : index
    %get3A_2377 = arith.constant 0 : index
    %get3A_2378 = vector.load %arg3[%get3A_2376, %get3A_2377] : memref<128x10xf32, #tpu.memory_space<vmem>>, vector<1x10xf32>
    %get3A_2379 = vector.shape_cast %get3A_2378 : vector<1x10xf32> to vector<10xf32>
    %broadcast_in_dim3A_2380 = vector.shape_cast %get3A_2379 : vector<10xf32> to vector<1x10xf32>
    %mul3A_2381 = vector.broadcast %broadcast_in_dim3A_2375 : vector<16x1xf32> to vector<16x10xf32>
    %mul3A_2382 = vector.broadcast %broadcast_in_dim3A_2380 : vector<1x10xf32> to vector<16x10xf32>
    %mul3A_2383 = arith.mulf %mul3A_2381, %mul3A_2382 : vector<16x10xf32>
    %add3A_2384 = arith.addf %add3A_2349, %mul3A_2383 : vector<16x10xf32>
    %slice3A_2385 = vector.extract_strided_slice %reduce_sum3A_2373 {offsets = [16], sizes = [16], strides = [1]} : vector<32xf32> to vector<16xf32>
    %broadcast_in_dim3A_2386 = vector.shape_cast %slice3A_2385 : vector<16xf32> to vector<16x1xf32>
    %get3A_2387 = arith.constant 115 : index
    %get3A_2388 = arith.constant 0 : index
    %get3A_2389 = vector.load %arg3[%get3A_2387, %get3A_2388] : memref<128x10xf32, #tpu.memory_space<vmem>>, vector<1x10xf32>
    %get3A_2390 = vector.shape_cast %get3A_2389 : vector<1x10xf32> to vector<10xf32>
    %broadcast_in_dim3A_2391 = vector.shape_cast %get3A_2390 : vector<10xf32> to vector<1x10xf32>
    %mul3A_2392 = vector.broadcast %broadcast_in_dim3A_2386 : vector<16x1xf32> to vector<16x10xf32>
    %mul3A_2393 = vector.broadcast %broadcast_in_dim3A_2391 : vector<1x10xf32> to vector<16x10xf32>
    %mul3A_2394 = arith.mulf %mul3A_2392, %mul3A_2393 : vector<16x10xf32>
    %add3A_2395 = arith.addf %add3A_2384, %mul3A_2394 : vector<16x10xf32>
    %get3A_2396 = arith.constant 52 : index
    %get3A_2397 = arith.constant 0 : index
    %get3A_2398 = vector.load %arg2[%get3A_2396, %get3A_2397] : memref<64x2xf32, #tpu.memory_space<vmem>>, vector<1x1xf32>
    %get3A_2399 = vector.extract %get3A_2398[0, 0] : f32 from vector<1x1xf32>
    %get3A_2400 = arith.constant 52 : index
    %get3A_2401 = arith.constant 1 : index
    %get3A_2402 = vector.load %arg2[%get3A_2400, %get3A_2401] : memref<64x2xf32, #tpu.memory_space<vmem>>, vector<1x1xf32>
    %get3A_2403 = vector.extract %get3A_2402[0, 0] : f32 from vector<1x1xf32>
    %sub3A_2404 = vector.broadcast %get3A_2399 : f32 to vector<32x2048xf32>
    %sub3A_2405 = arith.subf %get3A_1, %sub3A_2404 : vector<32x2048xf32>
    %sub3A_2406 = vector.broadcast %get3A_2403 : f32 to vector<32x2048xf32>
    %sub3A_2407 = arith.subf %get3A_4, %sub3A_2406 : vector<32x2048xf32>
    %mul3A_2408 = arith.mulf %sub3A_2405, %sub3A_2405 : vector<32x2048xf32>
    %mul3A_2409 = arith.mulf %sub3A_2407, %sub3A_2407 : vector<32x2048xf32>
    %add3A_2410 = arith.addf %mul3A_2408, %mul3A_2409 : vector<32x2048xf32>
    %neg3A_2411 = arith.constant 0.000000e+00 : f32
    %neg3A_2412 = vector.broadcast %neg3A_2411 : f32 to vector<32x2048xf32>
    %neg3A_2413 = arith.subf %neg3A_2412, %add3A_2410 : vector<32x2048xf32>
    %mul3A_2414 = arith.constant 1.250000e+01 : f32
    %mul3A_2415 = vector.broadcast %mul3A_2414 : f32 to vector<32x2048xf32>
    %mul3A_2416 = arith.mulf %neg3A_2413, %mul3A_2415 : vector<32x2048xf32>
    %exp3A_2417 = math.exp %mul3A_2416 : vector<32x2048xf32>
    %reduce_sum3A_2418 = arith.constant dense<0.000000e+00> : vector<32xf32>
    %reduce_sum3A_2419 = vector.multi_reduction <add>, %exp3A_2417, %reduce_sum3A_2418 [1] : vector<32x2048xf32> to vector<32xf32>
    %slice3A_2420 = vector.extract_strided_slice %reduce_sum3A_2419 {offsets = [0], sizes = [16], strides = [1]} : vector<32xf32> to vector<16xf32>
    %broadcast_in_dim3A_2421 = vector.shape_cast %slice3A_2420 : vector<16xf32> to vector<16x1xf32>
    %get3A_2422 = arith.constant 52 : index
    %get3A_2423 = arith.constant 0 : index
    %get3A_2424 = vector.load %arg3[%get3A_2422, %get3A_2423] : memref<128x10xf32, #tpu.memory_space<vmem>>, vector<1x10xf32>
    %get3A_2425 = vector.shape_cast %get3A_2424 : vector<1x10xf32> to vector<10xf32>
    %broadcast_in_dim3A_2426 = vector.shape_cast %get3A_2425 : vector<10xf32> to vector<1x10xf32>
    %mul3A_2427 = vector.broadcast %broadcast_in_dim3A_2421 : vector<16x1xf32> to vector<16x10xf32>
    %mul3A_2428 = vector.broadcast %broadcast_in_dim3A_2426 : vector<1x10xf32> to vector<16x10xf32>
    %mul3A_2429 = arith.mulf %mul3A_2427, %mul3A_2428 : vector<16x10xf32>
    %add3A_2430 = arith.addf %add3A_2395, %mul3A_2429 : vector<16x10xf32>
    %slice3A_2431 = vector.extract_strided_slice %reduce_sum3A_2419 {offsets = [16], sizes = [16], strides = [1]} : vector<32xf32> to vector<16xf32>
    %broadcast_in_dim3A_2432 = vector.shape_cast %slice3A_2431 : vector<16xf32> to vector<16x1xf32>
    %get3A_2433 = arith.constant 116 : index
    %get3A_2434 = arith.constant 0 : index
    %get3A_2435 = vector.load %arg3[%get3A_2433, %get3A_2434] : memref<128x10xf32, #tpu.memory_space<vmem>>, vector<1x10xf32>
    %get3A_2436 = vector.shape_cast %get3A_2435 : vector<1x10xf32> to vector<10xf32>
    %broadcast_in_dim3A_2437 = vector.shape_cast %get3A_2436 : vector<10xf32> to vector<1x10xf32>
    %mul3A_2438 = vector.broadcast %broadcast_in_dim3A_2432 : vector<16x1xf32> to vector<16x10xf32>
    %mul3A_2439 = vector.broadcast %broadcast_in_dim3A_2437 : vector<1x10xf32> to vector<16x10xf32>
    %mul3A_2440 = arith.mulf %mul3A_2438, %mul3A_2439 : vector<16x10xf32>
    %add3A_2441 = arith.addf %add3A_2430, %mul3A_2440 : vector<16x10xf32>
    %get3A_2442 = arith.constant 53 : index
    %get3A_2443 = arith.constant 0 : index
    %get3A_2444 = vector.load %arg2[%get3A_2442, %get3A_2443] : memref<64x2xf32, #tpu.memory_space<vmem>>, vector<1x1xf32>
    %get3A_2445 = vector.extract %get3A_2444[0, 0] : f32 from vector<1x1xf32>
    %get3A_2446 = arith.constant 53 : index
    %get3A_2447 = arith.constant 1 : index
    %get3A_2448 = vector.load %arg2[%get3A_2446, %get3A_2447] : memref<64x2xf32, #tpu.memory_space<vmem>>, vector<1x1xf32>
    %get3A_2449 = vector.extract %get3A_2448[0, 0] : f32 from vector<1x1xf32>
    %sub3A_2450 = vector.broadcast %get3A_2445 : f32 to vector<32x2048xf32>
    %sub3A_2451 = arith.subf %get3A_1, %sub3A_2450 : vector<32x2048xf32>
    %sub3A_2452 = vector.broadcast %get3A_2449 : f32 to vector<32x2048xf32>
    %sub3A_2453 = arith.subf %get3A_4, %sub3A_2452 : vector<32x2048xf32>
    %mul3A_2454 = arith.mulf %sub3A_2451, %sub3A_2451 : vector<32x2048xf32>
    %mul3A_2455 = arith.mulf %sub3A_2453, %sub3A_2453 : vector<32x2048xf32>
    %add3A_2456 = arith.addf %mul3A_2454, %mul3A_2455 : vector<32x2048xf32>
    %neg3A_2457 = arith.constant 0.000000e+00 : f32
    %neg3A_2458 = vector.broadcast %neg3A_2457 : f32 to vector<32x2048xf32>
    %neg3A_2459 = arith.subf %neg3A_2458, %add3A_2456 : vector<32x2048xf32>
    %mul3A_2460 = arith.constant 1.250000e+01 : f32
    %mul3A_2461 = vector.broadcast %mul3A_2460 : f32 to vector<32x2048xf32>
    %mul3A_2462 = arith.mulf %neg3A_2459, %mul3A_2461 : vector<32x2048xf32>
    %exp3A_2463 = math.exp %mul3A_2462 : vector<32x2048xf32>
    %reduce_sum3A_2464 = arith.constant dense<0.000000e+00> : vector<32xf32>
    %reduce_sum3A_2465 = vector.multi_reduction <add>, %exp3A_2463, %reduce_sum3A_2464 [1] : vector<32x2048xf32> to vector<32xf32>
    %slice3A_2466 = vector.extract_strided_slice %reduce_sum3A_2465 {offsets = [0], sizes = [16], strides = [1]} : vector<32xf32> to vector<16xf32>
    %broadcast_in_dim3A_2467 = vector.shape_cast %slice3A_2466 : vector<16xf32> to vector<16x1xf32>
    %get3A_2468 = arith.constant 53 : index
    %get3A_2469 = arith.constant 0 : index
    %get3A_2470 = vector.load %arg3[%get3A_2468, %get3A_2469] : memref<128x10xf32, #tpu.memory_space<vmem>>, vector<1x10xf32>
    %get3A_2471 = vector.shape_cast %get3A_2470 : vector<1x10xf32> to vector<10xf32>
    %broadcast_in_dim3A_2472 = vector.shape_cast %get3A_2471 : vector<10xf32> to vector<1x10xf32>
    %mul3A_2473 = vector.broadcast %broadcast_in_dim3A_2467 : vector<16x1xf32> to vector<16x10xf32>
    %mul3A_2474 = vector.broadcast %broadcast_in_dim3A_2472 : vector<1x10xf32> to vector<16x10xf32>
    %mul3A_2475 = arith.mulf %mul3A_2473, %mul3A_2474 : vector<16x10xf32>
    %add3A_2476 = arith.addf %add3A_2441, %mul3A_2475 : vector<16x10xf32>
    %slice3A_2477 = vector.extract_strided_slice %reduce_sum3A_2465 {offsets = [16], sizes = [16], strides = [1]} : vector<32xf32> to vector<16xf32>
    %broadcast_in_dim3A_2478 = vector.shape_cast %slice3A_2477 : vector<16xf32> to vector<16x1xf32>
    %get3A_2479 = arith.constant 117 : index
    %get3A_2480 = arith.constant 0 : index
    %get3A_2481 = vector.load %arg3[%get3A_2479, %get3A_2480] : memref<128x10xf32, #tpu.memory_space<vmem>>, vector<1x10xf32>
    %get3A_2482 = vector.shape_cast %get3A_2481 : vector<1x10xf32> to vector<10xf32>
    %broadcast_in_dim3A_2483 = vector.shape_cast %get3A_2482 : vector<10xf32> to vector<1x10xf32>
    %mul3A_2484 = vector.broadcast %broadcast_in_dim3A_2478 : vector<16x1xf32> to vector<16x10xf32>
    %mul3A_2485 = vector.broadcast %broadcast_in_dim3A_2483 : vector<1x10xf32> to vector<16x10xf32>
    %mul3A_2486 = arith.mulf %mul3A_2484, %mul3A_2485 : vector<16x10xf32>
    %add3A_2487 = arith.addf %add3A_2476, %mul3A_2486 : vector<16x10xf32>
    %get3A_2488 = arith.constant 54 : index
    %get3A_2489 = arith.constant 0 : index
    %get3A_2490 = vector.load %arg2[%get3A_2488, %get3A_2489] : memref<64x2xf32, #tpu.memory_space<vmem>>, vector<1x1xf32>
    %get3A_2491 = vector.extract %get3A_2490[0, 0] : f32 from vector<1x1xf32>
    %get3A_2492 = arith.constant 54 : index
    %get3A_2493 = arith.constant 1 : index
    %get3A_2494 = vector.load %arg2[%get3A_2492, %get3A_2493] : memref<64x2xf32, #tpu.memory_space<vmem>>, vector<1x1xf32>
    %get3A_2495 = vector.extract %get3A_2494[0, 0] : f32 from vector<1x1xf32>
    %sub3A_2496 = vector.broadcast %get3A_2491 : f32 to vector<32x2048xf32>
    %sub3A_2497 = arith.subf %get3A_1, %sub3A_2496 : vector<32x2048xf32>
    %sub3A_2498 = vector.broadcast %get3A_2495 : f32 to vector<32x2048xf32>
    %sub3A_2499 = arith.subf %get3A_4, %sub3A_2498 : vector<32x2048xf32>
    %mul3A_2500 = arith.mulf %sub3A_2497, %sub3A_2497 : vector<32x2048xf32>
    %mul3A_2501 = arith.mulf %sub3A_2499, %sub3A_2499 : vector<32x2048xf32>
    %add3A_2502 = arith.addf %mul3A_2500, %mul3A_2501 : vector<32x2048xf32>
    %neg3A_2503 = arith.constant 0.000000e+00 : f32
    %neg3A_2504 = vector.broadcast %neg3A_2503 : f32 to vector<32x2048xf32>
    %neg3A_2505 = arith.subf %neg3A_2504, %add3A_2502 : vector<32x2048xf32>
    %mul3A_2506 = arith.constant 1.250000e+01 : f32
    %mul3A_2507 = vector.broadcast %mul3A_2506 : f32 to vector<32x2048xf32>
    %mul3A_2508 = arith.mulf %neg3A_2505, %mul3A_2507 : vector<32x2048xf32>
    %exp3A_2509 = math.exp %mul3A_2508 : vector<32x2048xf32>
    %reduce_sum3A_2510 = arith.constant dense<0.000000e+00> : vector<32xf32>
    %reduce_sum3A_2511 = vector.multi_reduction <add>, %exp3A_2509, %reduce_sum3A_2510 [1] : vector<32x2048xf32> to vector<32xf32>
    %slice3A_2512 = vector.extract_strided_slice %reduce_sum3A_2511 {offsets = [0], sizes = [16], strides = [1]} : vector<32xf32> to vector<16xf32>
    %broadcast_in_dim3A_2513 = vector.shape_cast %slice3A_2512 : vector<16xf32> to vector<16x1xf32>
    %get3A_2514 = arith.constant 54 : index
    %get3A_2515 = arith.constant 0 : index
    %get3A_2516 = vector.load %arg3[%get3A_2514, %get3A_2515] : memref<128x10xf32, #tpu.memory_space<vmem>>, vector<1x10xf32>
    %get3A_2517 = vector.shape_cast %get3A_2516 : vector<1x10xf32> to vector<10xf32>
    %broadcast_in_dim3A_2518 = vector.shape_cast %get3A_2517 : vector<10xf32> to vector<1x10xf32>
    %mul3A_2519 = vector.broadcast %broadcast_in_dim3A_2513 : vector<16x1xf32> to vector<16x10xf32>
    %mul3A_2520 = vector.broadcast %broadcast_in_dim3A_2518 : vector<1x10xf32> to vector<16x10xf32>
    %mul3A_2521 = arith.mulf %mul3A_2519, %mul3A_2520 : vector<16x10xf32>
    %add3A_2522 = arith.addf %add3A_2487, %mul3A_2521 : vector<16x10xf32>
    %slice3A_2523 = vector.extract_strided_slice %reduce_sum3A_2511 {offsets = [16], sizes = [16], strides = [1]} : vector<32xf32> to vector<16xf32>
    %broadcast_in_dim3A_2524 = vector.shape_cast %slice3A_2523 : vector<16xf32> to vector<16x1xf32>
    %get3A_2525 = arith.constant 118 : index
    %get3A_2526 = arith.constant 0 : index
    %get3A_2527 = vector.load %arg3[%get3A_2525, %get3A_2526] : memref<128x10xf32, #tpu.memory_space<vmem>>, vector<1x10xf32>
    %get3A_2528 = vector.shape_cast %get3A_2527 : vector<1x10xf32> to vector<10xf32>
    %broadcast_in_dim3A_2529 = vector.shape_cast %get3A_2528 : vector<10xf32> to vector<1x10xf32>
    %mul3A_2530 = vector.broadcast %broadcast_in_dim3A_2524 : vector<16x1xf32> to vector<16x10xf32>
    %mul3A_2531 = vector.broadcast %broadcast_in_dim3A_2529 : vector<1x10xf32> to vector<16x10xf32>
    %mul3A_2532 = arith.mulf %mul3A_2530, %mul3A_2531 : vector<16x10xf32>
    %add3A_2533 = arith.addf %add3A_2522, %mul3A_2532 : vector<16x10xf32>
    %get3A_2534 = arith.constant 55 : index
    %get3A_2535 = arith.constant 0 : index
    %get3A_2536 = vector.load %arg2[%get3A_2534, %get3A_2535] : memref<64x2xf32, #tpu.memory_space<vmem>>, vector<1x1xf32>
    %get3A_2537 = vector.extract %get3A_2536[0, 0] : f32 from vector<1x1xf32>
    %get3A_2538 = arith.constant 55 : index
    %get3A_2539 = arith.constant 1 : index
    %get3A_2540 = vector.load %arg2[%get3A_2538, %get3A_2539] : memref<64x2xf32, #tpu.memory_space<vmem>>, vector<1x1xf32>
    %get3A_2541 = vector.extract %get3A_2540[0, 0] : f32 from vector<1x1xf32>
    %sub3A_2542 = vector.broadcast %get3A_2537 : f32 to vector<32x2048xf32>
    %sub3A_2543 = arith.subf %get3A_1, %sub3A_2542 : vector<32x2048xf32>
    %sub3A_2544 = vector.broadcast %get3A_2541 : f32 to vector<32x2048xf32>
    %sub3A_2545 = arith.subf %get3A_4, %sub3A_2544 : vector<32x2048xf32>
    %mul3A_2546 = arith.mulf %sub3A_2543, %sub3A_2543 : vector<32x2048xf32>
    %mul3A_2547 = arith.mulf %sub3A_2545, %sub3A_2545 : vector<32x2048xf32>
    %add3A_2548 = arith.addf %mul3A_2546, %mul3A_2547 : vector<32x2048xf32>
    %neg3A_2549 = arith.constant 0.000000e+00 : f32
    %neg3A_2550 = vector.broadcast %neg3A_2549 : f32 to vector<32x2048xf32>
    %neg3A_2551 = arith.subf %neg3A_2550, %add3A_2548 : vector<32x2048xf32>
    %mul3A_2552 = arith.constant 1.250000e+01 : f32
    %mul3A_2553 = vector.broadcast %mul3A_2552 : f32 to vector<32x2048xf32>
    %mul3A_2554 = arith.mulf %neg3A_2551, %mul3A_2553 : vector<32x2048xf32>
    %exp3A_2555 = math.exp %mul3A_2554 : vector<32x2048xf32>
    %reduce_sum3A_2556 = arith.constant dense<0.000000e+00> : vector<32xf32>
    %reduce_sum3A_2557 = vector.multi_reduction <add>, %exp3A_2555, %reduce_sum3A_2556 [1] : vector<32x2048xf32> to vector<32xf32>
    %slice3A_2558 = vector.extract_strided_slice %reduce_sum3A_2557 {offsets = [0], sizes = [16], strides = [1]} : vector<32xf32> to vector<16xf32>
    %broadcast_in_dim3A_2559 = vector.shape_cast %slice3A_2558 : vector<16xf32> to vector<16x1xf32>
    %get3A_2560 = arith.constant 55 : index
    %get3A_2561 = arith.constant 0 : index
    %get3A_2562 = vector.load %arg3[%get3A_2560, %get3A_2561] : memref<128x10xf32, #tpu.memory_space<vmem>>, vector<1x10xf32>
    %get3A_2563 = vector.shape_cast %get3A_2562 : vector<1x10xf32> to vector<10xf32>
    %broadcast_in_dim3A_2564 = vector.shape_cast %get3A_2563 : vector<10xf32> to vector<1x10xf32>
    %mul3A_2565 = vector.broadcast %broadcast_in_dim3A_2559 : vector<16x1xf32> to vector<16x10xf32>
    %mul3A_2566 = vector.broadcast %broadcast_in_dim3A_2564 : vector<1x10xf32> to vector<16x10xf32>
    %mul3A_2567 = arith.mulf %mul3A_2565, %mul3A_2566 : vector<16x10xf32>
    %add3A_2568 = arith.addf %add3A_2533, %mul3A_2567 : vector<16x10xf32>
    %slice3A_2569 = vector.extract_strided_slice %reduce_sum3A_2557 {offsets = [16], sizes = [16], strides = [1]} : vector<32xf32> to vector<16xf32>
    %broadcast_in_dim3A_2570 = vector.shape_cast %slice3A_2569 : vector<16xf32> to vector<16x1xf32>
    %get3A_2571 = arith.constant 119 : index
    %get3A_2572 = arith.constant 0 : index
    %get3A_2573 = vector.load %arg3[%get3A_2571, %get3A_2572] : memref<128x10xf32, #tpu.memory_space<vmem>>, vector<1x10xf32>
    %get3A_2574 = vector.shape_cast %get3A_2573 : vector<1x10xf32> to vector<10xf32>
    %broadcast_in_dim3A_2575 = vector.shape_cast %get3A_2574 : vector<10xf32> to vector<1x10xf32>
    %mul3A_2576 = vector.broadcast %broadcast_in_dim3A_2570 : vector<16x1xf32> to vector<16x10xf32>
    %mul3A_2577 = vector.broadcast %broadcast_in_dim3A_2575 : vector<1x10xf32> to vector<16x10xf32>
    %mul3A_2578 = arith.mulf %mul3A_2576, %mul3A_2577 : vector<16x10xf32>
    %add3A_2579 = arith.addf %add3A_2568, %mul3A_2578 : vector<16x10xf32>
    %get3A_2580 = arith.constant 56 : index
    %get3A_2581 = arith.constant 0 : index
    %get3A_2582 = vector.load %arg2[%get3A_2580, %get3A_2581] : memref<64x2xf32, #tpu.memory_space<vmem>>, vector<1x1xf32>
    %get3A_2583 = vector.extract %get3A_2582[0, 0] : f32 from vector<1x1xf32>
    %get3A_2584 = arith.constant 56 : index
    %get3A_2585 = arith.constant 1 : index
    %get3A_2586 = vector.load %arg2[%get3A_2584, %get3A_2585] : memref<64x2xf32, #tpu.memory_space<vmem>>, vector<1x1xf32>
    %get3A_2587 = vector.extract %get3A_2586[0, 0] : f32 from vector<1x1xf32>
    %sub3A_2588 = vector.broadcast %get3A_2583 : f32 to vector<32x2048xf32>
    %sub3A_2589 = arith.subf %get3A_1, %sub3A_2588 : vector<32x2048xf32>
    %sub3A_2590 = vector.broadcast %get3A_2587 : f32 to vector<32x2048xf32>
    %sub3A_2591 = arith.subf %get3A_4, %sub3A_2590 : vector<32x2048xf32>
    %mul3A_2592 = arith.mulf %sub3A_2589, %sub3A_2589 : vector<32x2048xf32>
    %mul3A_2593 = arith.mulf %sub3A_2591, %sub3A_2591 : vector<32x2048xf32>
    %add3A_2594 = arith.addf %mul3A_2592, %mul3A_2593 : vector<32x2048xf32>
    %neg3A_2595 = arith.constant 0.000000e+00 : f32
    %neg3A_2596 = vector.broadcast %neg3A_2595 : f32 to vector<32x2048xf32>
    %neg3A_2597 = arith.subf %neg3A_2596, %add3A_2594 : vector<32x2048xf32>
    %mul3A_2598 = arith.constant 1.250000e+01 : f32
    %mul3A_2599 = vector.broadcast %mul3A_2598 : f32 to vector<32x2048xf32>
    %mul3A_2600 = arith.mulf %neg3A_2597, %mul3A_2599 : vector<32x2048xf32>
    %exp3A_2601 = math.exp %mul3A_2600 : vector<32x2048xf32>
    %reduce_sum3A_2602 = arith.constant dense<0.000000e+00> : vector<32xf32>
    %reduce_sum3A_2603 = vector.multi_reduction <add>, %exp3A_2601, %reduce_sum3A_2602 [1] : vector<32x2048xf32> to vector<32xf32>
    %slice3A_2604 = vector.extract_strided_slice %reduce_sum3A_2603 {offsets = [0], sizes = [16], strides = [1]} : vector<32xf32> to vector<16xf32>
    %broadcast_in_dim3A_2605 = vector.shape_cast %slice3A_2604 : vector<16xf32> to vector<16x1xf32>
    %get3A_2606 = arith.constant 56 : index
    %get3A_2607 = arith.constant 0 : index
    %get3A_2608 = vector.load %arg3[%get3A_2606, %get3A_2607] : memref<128x10xf32, #tpu.memory_space<vmem>>, vector<1x10xf32>
    %get3A_2609 = vector.shape_cast %get3A_2608 : vector<1x10xf32> to vector<10xf32>
    %broadcast_in_dim3A_2610 = vector.shape_cast %get3A_2609 : vector<10xf32> to vector<1x10xf32>
    %mul3A_2611 = vector.broadcast %broadcast_in_dim3A_2605 : vector<16x1xf32> to vector<16x10xf32>
    %mul3A_2612 = vector.broadcast %broadcast_in_dim3A_2610 : vector<1x10xf32> to vector<16x10xf32>
    %mul3A_2613 = arith.mulf %mul3A_2611, %mul3A_2612 : vector<16x10xf32>
    %add3A_2614 = arith.addf %add3A_2579, %mul3A_2613 : vector<16x10xf32>
    %slice3A_2615 = vector.extract_strided_slice %reduce_sum3A_2603 {offsets = [16], sizes = [16], strides = [1]} : vector<32xf32> to vector<16xf32>
    %broadcast_in_dim3A_2616 = vector.shape_cast %slice3A_2615 : vector<16xf32> to vector<16x1xf32>
    %get3A_2617 = arith.constant 120 : index
    %get3A_2618 = arith.constant 0 : index
    %get3A_2619 = vector.load %arg3[%get3A_2617, %get3A_2618] : memref<128x10xf32, #tpu.memory_space<vmem>>, vector<1x10xf32>
    %get3A_2620 = vector.shape_cast %get3A_2619 : vector<1x10xf32> to vector<10xf32>
    %broadcast_in_dim3A_2621 = vector.shape_cast %get3A_2620 : vector<10xf32> to vector<1x10xf32>
    %mul3A_2622 = vector.broadcast %broadcast_in_dim3A_2616 : vector<16x1xf32> to vector<16x10xf32>
    %mul3A_2623 = vector.broadcast %broadcast_in_dim3A_2621 : vector<1x10xf32> to vector<16x10xf32>
    %mul3A_2624 = arith.mulf %mul3A_2622, %mul3A_2623 : vector<16x10xf32>
    %add3A_2625 = arith.addf %add3A_2614, %mul3A_2624 : vector<16x10xf32>
    %get3A_2626 = arith.constant 57 : index
    %get3A_2627 = arith.constant 0 : index
    %get3A_2628 = vector.load %arg2[%get3A_2626, %get3A_2627] : memref<64x2xf32, #tpu.memory_space<vmem>>, vector<1x1xf32>
    %get3A_2629 = vector.extract %get3A_2628[0, 0] : f32 from vector<1x1xf32>
    %get3A_2630 = arith.constant 57 : index
    %get3A_2631 = arith.constant 1 : index
    %get3A_2632 = vector.load %arg2[%get3A_2630, %get3A_2631] : memref<64x2xf32, #tpu.memory_space<vmem>>, vector<1x1xf32>
    %get3A_2633 = vector.extract %get3A_2632[0, 0] : f32 from vector<1x1xf32>
    %sub3A_2634 = vector.broadcast %get3A_2629 : f32 to vector<32x2048xf32>
    %sub3A_2635 = arith.subf %get3A_1, %sub3A_2634 : vector<32x2048xf32>
    %sub3A_2636 = vector.broadcast %get3A_2633 : f32 to vector<32x2048xf32>
    %sub3A_2637 = arith.subf %get3A_4, %sub3A_2636 : vector<32x2048xf32>
    %mul3A_2638 = arith.mulf %sub3A_2635, %sub3A_2635 : vector<32x2048xf32>
    %mul3A_2639 = arith.mulf %sub3A_2637, %sub3A_2637 : vector<32x2048xf32>
    %add3A_2640 = arith.addf %mul3A_2638, %mul3A_2639 : vector<32x2048xf32>
    %neg3A_2641 = arith.constant 0.000000e+00 : f32
    %neg3A_2642 = vector.broadcast %neg3A_2641 : f32 to vector<32x2048xf32>
    %neg3A_2643 = arith.subf %neg3A_2642, %add3A_2640 : vector<32x2048xf32>
    %mul3A_2644 = arith.constant 1.250000e+01 : f32
    %mul3A_2645 = vector.broadcast %mul3A_2644 : f32 to vector<32x2048xf32>
    %mul3A_2646 = arith.mulf %neg3A_2643, %mul3A_2645 : vector<32x2048xf32>
    %exp3A_2647 = math.exp %mul3A_2646 : vector<32x2048xf32>
    %reduce_sum3A_2648 = arith.constant dense<0.000000e+00> : vector<32xf32>
    %reduce_sum3A_2649 = vector.multi_reduction <add>, %exp3A_2647, %reduce_sum3A_2648 [1] : vector<32x2048xf32> to vector<32xf32>
    %slice3A_2650 = vector.extract_strided_slice %reduce_sum3A_2649 {offsets = [0], sizes = [16], strides = [1]} : vector<32xf32> to vector<16xf32>
    %broadcast_in_dim3A_2651 = vector.shape_cast %slice3A_2650 : vector<16xf32> to vector<16x1xf32>
    %get3A_2652 = arith.constant 57 : index
    %get3A_2653 = arith.constant 0 : index
    %get3A_2654 = vector.load %arg3[%get3A_2652, %get3A_2653] : memref<128x10xf32, #tpu.memory_space<vmem>>, vector<1x10xf32>
    %get3A_2655 = vector.shape_cast %get3A_2654 : vector<1x10xf32> to vector<10xf32>
    %broadcast_in_dim3A_2656 = vector.shape_cast %get3A_2655 : vector<10xf32> to vector<1x10xf32>
    %mul3A_2657 = vector.broadcast %broadcast_in_dim3A_2651 : vector<16x1xf32> to vector<16x10xf32>
    %mul3A_2658 = vector.broadcast %broadcast_in_dim3A_2656 : vector<1x10xf32> to vector<16x10xf32>
    %mul3A_2659 = arith.mulf %mul3A_2657, %mul3A_2658 : vector<16x10xf32>
    %add3A_2660 = arith.addf %add3A_2625, %mul3A_2659 : vector<16x10xf32>
    %slice3A_2661 = vector.extract_strided_slice %reduce_sum3A_2649 {offsets = [16], sizes = [16], strides = [1]} : vector<32xf32> to vector<16xf32>
    %broadcast_in_dim3A_2662 = vector.shape_cast %slice3A_2661 : vector<16xf32> to vector<16x1xf32>
    %get3A_2663 = arith.constant 121 : index
    %get3A_2664 = arith.constant 0 : index
    %get3A_2665 = vector.load %arg3[%get3A_2663, %get3A_2664] : memref<128x10xf32, #tpu.memory_space<vmem>>, vector<1x10xf32>
    %get3A_2666 = vector.shape_cast %get3A_2665 : vector<1x10xf32> to vector<10xf32>
    %broadcast_in_dim3A_2667 = vector.shape_cast %get3A_2666 : vector<10xf32> to vector<1x10xf32>
    %mul3A_2668 = vector.broadcast %broadcast_in_dim3A_2662 : vector<16x1xf32> to vector<16x10xf32>
    %mul3A_2669 = vector.broadcast %broadcast_in_dim3A_2667 : vector<1x10xf32> to vector<16x10xf32>
    %mul3A_2670 = arith.mulf %mul3A_2668, %mul3A_2669 : vector<16x10xf32>
    %add3A_2671 = arith.addf %add3A_2660, %mul3A_2670 : vector<16x10xf32>
    %get3A_2672 = arith.constant 58 : index
    %get3A_2673 = arith.constant 0 : index
    %get3A_2674 = vector.load %arg2[%get3A_2672, %get3A_2673] : memref<64x2xf32, #tpu.memory_space<vmem>>, vector<1x1xf32>
    %get3A_2675 = vector.extract %get3A_2674[0, 0] : f32 from vector<1x1xf32>
    %get3A_2676 = arith.constant 58 : index
    %get3A_2677 = arith.constant 1 : index
    %get3A_2678 = vector.load %arg2[%get3A_2676, %get3A_2677] : memref<64x2xf32, #tpu.memory_space<vmem>>, vector<1x1xf32>
    %get3A_2679 = vector.extract %get3A_2678[0, 0] : f32 from vector<1x1xf32>
    %sub3A_2680 = vector.broadcast %get3A_2675 : f32 to vector<32x2048xf32>
    %sub3A_2681 = arith.subf %get3A_1, %sub3A_2680 : vector<32x2048xf32>
    %sub3A_2682 = vector.broadcast %get3A_2679 : f32 to vector<32x2048xf32>
    %sub3A_2683 = arith.subf %get3A_4, %sub3A_2682 : vector<32x2048xf32>
    %mul3A_2684 = arith.mulf %sub3A_2681, %sub3A_2681 : vector<32x2048xf32>
    %mul3A_2685 = arith.mulf %sub3A_2683, %sub3A_2683 : vector<32x2048xf32>
    %add3A_2686 = arith.addf %mul3A_2684, %mul3A_2685 : vector<32x2048xf32>
    %neg3A_2687 = arith.constant 0.000000e+00 : f32
    %neg3A_2688 = vector.broadcast %neg3A_2687 : f32 to vector<32x2048xf32>
    %neg3A_2689 = arith.subf %neg3A_2688, %add3A_2686 : vector<32x2048xf32>
    %mul3A_2690 = arith.constant 1.250000e+01 : f32
    %mul3A_2691 = vector.broadcast %mul3A_2690 : f32 to vector<32x2048xf32>
    %mul3A_2692 = arith.mulf %neg3A_2689, %mul3A_2691 : vector<32x2048xf32>
    %exp3A_2693 = math.exp %mul3A_2692 : vector<32x2048xf32>
    %reduce_sum3A_2694 = arith.constant dense<0.000000e+00> : vector<32xf32>
    %reduce_sum3A_2695 = vector.multi_reduction <add>, %exp3A_2693, %reduce_sum3A_2694 [1] : vector<32x2048xf32> to vector<32xf32>
    %slice3A_2696 = vector.extract_strided_slice %reduce_sum3A_2695 {offsets = [0], sizes = [16], strides = [1]} : vector<32xf32> to vector<16xf32>
    %broadcast_in_dim3A_2697 = vector.shape_cast %slice3A_2696 : vector<16xf32> to vector<16x1xf32>
    %get3A_2698 = arith.constant 58 : index
    %get3A_2699 = arith.constant 0 : index
    %get3A_2700 = vector.load %arg3[%get3A_2698, %get3A_2699] : memref<128x10xf32, #tpu.memory_space<vmem>>, vector<1x10xf32>
    %get3A_2701 = vector.shape_cast %get3A_2700 : vector<1x10xf32> to vector<10xf32>
    %broadcast_in_dim3A_2702 = vector.shape_cast %get3A_2701 : vector<10xf32> to vector<1x10xf32>
    %mul3A_2703 = vector.broadcast %broadcast_in_dim3A_2697 : vector<16x1xf32> to vector<16x10xf32>
    %mul3A_2704 = vector.broadcast %broadcast_in_dim3A_2702 : vector<1x10xf32> to vector<16x10xf32>
    %mul3A_2705 = arith.mulf %mul3A_2703, %mul3A_2704 : vector<16x10xf32>
    %add3A_2706 = arith.addf %add3A_2671, %mul3A_2705 : vector<16x10xf32>
    %slice3A_2707 = vector.extract_strided_slice %reduce_sum3A_2695 {offsets = [16], sizes = [16], strides = [1]} : vector<32xf32> to vector<16xf32>
    %broadcast_in_dim3A_2708 = vector.shape_cast %slice3A_2707 : vector<16xf32> to vector<16x1xf32>
    %get3A_2709 = arith.constant 122 : index
    %get3A_2710 = arith.constant 0 : index
    %get3A_2711 = vector.load %arg3[%get3A_2709, %get3A_2710] : memref<128x10xf32, #tpu.memory_space<vmem>>, vector<1x10xf32>
    %get3A_2712 = vector.shape_cast %get3A_2711 : vector<1x10xf32> to vector<10xf32>
    %broadcast_in_dim3A_2713 = vector.shape_cast %get3A_2712 : vector<10xf32> to vector<1x10xf32>
    %mul3A_2714 = vector.broadcast %broadcast_in_dim3A_2708 : vector<16x1xf32> to vector<16x10xf32>
    %mul3A_2715 = vector.broadcast %broadcast_in_dim3A_2713 : vector<1x10xf32> to vector<16x10xf32>
    %mul3A_2716 = arith.mulf %mul3A_2714, %mul3A_2715 : vector<16x10xf32>
    %add3A_2717 = arith.addf %add3A_2706, %mul3A_2716 : vector<16x10xf32>
    %get3A_2718 = arith.constant 59 : index
    %get3A_2719 = arith.constant 0 : index
    %get3A_2720 = vector.load %arg2[%get3A_2718, %get3A_2719] : memref<64x2xf32, #tpu.memory_space<vmem>>, vector<1x1xf32>
    %get3A_2721 = vector.extract %get3A_2720[0, 0] : f32 from vector<1x1xf32>
    %get3A_2722 = arith.constant 59 : index
    %get3A_2723 = arith.constant 1 : index
    %get3A_2724 = vector.load %arg2[%get3A_2722, %get3A_2723] : memref<64x2xf32, #tpu.memory_space<vmem>>, vector<1x1xf32>
    %get3A_2725 = vector.extract %get3A_2724[0, 0] : f32 from vector<1x1xf32>
    %sub3A_2726 = vector.broadcast %get3A_2721 : f32 to vector<32x2048xf32>
    %sub3A_2727 = arith.subf %get3A_1, %sub3A_2726 : vector<32x2048xf32>
    %sub3A_2728 = vector.broadcast %get3A_2725 : f32 to vector<32x2048xf32>
    %sub3A_2729 = arith.subf %get3A_4, %sub3A_2728 : vector<32x2048xf32>
    %mul3A_2730 = arith.mulf %sub3A_2727, %sub3A_2727 : vector<32x2048xf32>
    %mul3A_2731 = arith.mulf %sub3A_2729, %sub3A_2729 : vector<32x2048xf32>
    %add3A_2732 = arith.addf %mul3A_2730, %mul3A_2731 : vector<32x2048xf32>
    %neg3A_2733 = arith.constant 0.000000e+00 : f32
    %neg3A_2734 = vector.broadcast %neg3A_2733 : f32 to vector<32x2048xf32>
    %neg3A_2735 = arith.subf %neg3A_2734, %add3A_2732 : vector<32x2048xf32>
    %mul3A_2736 = arith.constant 1.250000e+01 : f32
    %mul3A_2737 = vector.broadcast %mul3A_2736 : f32 to vector<32x2048xf32>
    %mul3A_2738 = arith.mulf %neg3A_2735, %mul3A_2737 : vector<32x2048xf32>
    %exp3A_2739 = math.exp %mul3A_2738 : vector<32x2048xf32>
    %reduce_sum3A_2740 = arith.constant dense<0.000000e+00> : vector<32xf32>
    %reduce_sum3A_2741 = vector.multi_reduction <add>, %exp3A_2739, %reduce_sum3A_2740 [1] : vector<32x2048xf32> to vector<32xf32>
    %slice3A_2742 = vector.extract_strided_slice %reduce_sum3A_2741 {offsets = [0], sizes = [16], strides = [1]} : vector<32xf32> to vector<16xf32>
    %broadcast_in_dim3A_2743 = vector.shape_cast %slice3A_2742 : vector<16xf32> to vector<16x1xf32>
    %get3A_2744 = arith.constant 59 : index
    %get3A_2745 = arith.constant 0 : index
    %get3A_2746 = vector.load %arg3[%get3A_2744, %get3A_2745] : memref<128x10xf32, #tpu.memory_space<vmem>>, vector<1x10xf32>
    %get3A_2747 = vector.shape_cast %get3A_2746 : vector<1x10xf32> to vector<10xf32>
    %broadcast_in_dim3A_2748 = vector.shape_cast %get3A_2747 : vector<10xf32> to vector<1x10xf32>
    %mul3A_2749 = vector.broadcast %broadcast_in_dim3A_2743 : vector<16x1xf32> to vector<16x10xf32>
    %mul3A_2750 = vector.broadcast %broadcast_in_dim3A_2748 : vector<1x10xf32> to vector<16x10xf32>
    %mul3A_2751 = arith.mulf %mul3A_2749, %mul3A_2750 : vector<16x10xf32>
    %add3A_2752 = arith.addf %add3A_2717, %mul3A_2751 : vector<16x10xf32>
    %slice3A_2753 = vector.extract_strided_slice %reduce_sum3A_2741 {offsets = [16], sizes = [16], strides = [1]} : vector<32xf32> to vector<16xf32>
    %broadcast_in_dim3A_2754 = vector.shape_cast %slice3A_2753 : vector<16xf32> to vector<16x1xf32>
    %get3A_2755 = arith.constant 123 : index
    %get3A_2756 = arith.constant 0 : index
    %get3A_2757 = vector.load %arg3[%get3A_2755, %get3A_2756] : memref<128x10xf32, #tpu.memory_space<vmem>>, vector<1x10xf32>
    %get3A_2758 = vector.shape_cast %get3A_2757 : vector<1x10xf32> to vector<10xf32>
    %broadcast_in_dim3A_2759 = vector.shape_cast %get3A_2758 : vector<10xf32> to vector<1x10xf32>
    %mul3A_2760 = vector.broadcast %broadcast_in_dim3A_2754 : vector<16x1xf32> to vector<16x10xf32>
    %mul3A_2761 = vector.broadcast %broadcast_in_dim3A_2759 : vector<1x10xf32> to vector<16x10xf32>
    %mul3A_2762 = arith.mulf %mul3A_2760, %mul3A_2761 : vector<16x10xf32>
    %add3A_2763 = arith.addf %add3A_2752, %mul3A_2762 : vector<16x10xf32>
    %get3A_2764 = arith.constant 60 : index
    %get3A_2765 = arith.constant 0 : index
    %get3A_2766 = vector.load %arg2[%get3A_2764, %get3A_2765] : memref<64x2xf32, #tpu.memory_space<vmem>>, vector<1x1xf32>
    %get3A_2767 = vector.extract %get3A_2766[0, 0] : f32 from vector<1x1xf32>
    %get3A_2768 = arith.constant 60 : index
    %get3A_2769 = arith.constant 1 : index
    %get3A_2770 = vector.load %arg2[%get3A_2768, %get3A_2769] : memref<64x2xf32, #tpu.memory_space<vmem>>, vector<1x1xf32>
    %get3A_2771 = vector.extract %get3A_2770[0, 0] : f32 from vector<1x1xf32>
    %sub3A_2772 = vector.broadcast %get3A_2767 : f32 to vector<32x2048xf32>
    %sub3A_2773 = arith.subf %get3A_1, %sub3A_2772 : vector<32x2048xf32>
    %sub3A_2774 = vector.broadcast %get3A_2771 : f32 to vector<32x2048xf32>
    %sub3A_2775 = arith.subf %get3A_4, %sub3A_2774 : vector<32x2048xf32>
    %mul3A_2776 = arith.mulf %sub3A_2773, %sub3A_2773 : vector<32x2048xf32>
    %mul3A_2777 = arith.mulf %sub3A_2775, %sub3A_2775 : vector<32x2048xf32>
    %add3A_2778 = arith.addf %mul3A_2776, %mul3A_2777 : vector<32x2048xf32>
    %neg3A_2779 = arith.constant 0.000000e+00 : f32
    %neg3A_2780 = vector.broadcast %neg3A_2779 : f32 to vector<32x2048xf32>
    %neg3A_2781 = arith.subf %neg3A_2780, %add3A_2778 : vector<32x2048xf32>
    %mul3A_2782 = arith.constant 1.250000e+01 : f32
    %mul3A_2783 = vector.broadcast %mul3A_2782 : f32 to vector<32x2048xf32>
    %mul3A_2784 = arith.mulf %neg3A_2781, %mul3A_2783 : vector<32x2048xf32>
    %exp3A_2785 = math.exp %mul3A_2784 : vector<32x2048xf32>
    %reduce_sum3A_2786 = arith.constant dense<0.000000e+00> : vector<32xf32>
    %reduce_sum3A_2787 = vector.multi_reduction <add>, %exp3A_2785, %reduce_sum3A_2786 [1] : vector<32x2048xf32> to vector<32xf32>
    %slice3A_2788 = vector.extract_strided_slice %reduce_sum3A_2787 {offsets = [0], sizes = [16], strides = [1]} : vector<32xf32> to vector<16xf32>
    %broadcast_in_dim3A_2789 = vector.shape_cast %slice3A_2788 : vector<16xf32> to vector<16x1xf32>
    %get3A_2790 = arith.constant 60 : index
    %get3A_2791 = arith.constant 0 : index
    %get3A_2792 = vector.load %arg3[%get3A_2790, %get3A_2791] : memref<128x10xf32, #tpu.memory_space<vmem>>, vector<1x10xf32>
    %get3A_2793 = vector.shape_cast %get3A_2792 : vector<1x10xf32> to vector<10xf32>
    %broadcast_in_dim3A_2794 = vector.shape_cast %get3A_2793 : vector<10xf32> to vector<1x10xf32>
    %mul3A_2795 = vector.broadcast %broadcast_in_dim3A_2789 : vector<16x1xf32> to vector<16x10xf32>
    %mul3A_2796 = vector.broadcast %broadcast_in_dim3A_2794 : vector<1x10xf32> to vector<16x10xf32>
    %mul3A_2797 = arith.mulf %mul3A_2795, %mul3A_2796 : vector<16x10xf32>
    %add3A_2798 = arith.addf %add3A_2763, %mul3A_2797 : vector<16x10xf32>
    %slice3A_2799 = vector.extract_strided_slice %reduce_sum3A_2787 {offsets = [16], sizes = [16], strides = [1]} : vector<32xf32> to vector<16xf32>
    %broadcast_in_dim3A_2800 = vector.shape_cast %slice3A_2799 : vector<16xf32> to vector<16x1xf32>
    %get3A_2801 = arith.constant 124 : index
    %get3A_2802 = arith.constant 0 : index
    %get3A_2803 = vector.load %arg3[%get3A_2801, %get3A_2802] : memref<128x10xf32, #tpu.memory_space<vmem>>, vector<1x10xf32>
    %get3A_2804 = vector.shape_cast %get3A_2803 : vector<1x10xf32> to vector<10xf32>
    %broadcast_in_dim3A_2805 = vector.shape_cast %get3A_2804 : vector<10xf32> to vector<1x10xf32>
    %mul3A_2806 = vector.broadcast %broadcast_in_dim3A_2800 : vector<16x1xf32> to vector<16x10xf32>
    %mul3A_2807 = vector.broadcast %broadcast_in_dim3A_2805 : vector<1x10xf32> to vector<16x10xf32>
    %mul3A_2808 = arith.mulf %mul3A_2806, %mul3A_2807 : vector<16x10xf32>
    %add3A_2809 = arith.addf %add3A_2798, %mul3A_2808 : vector<16x10xf32>
    %get3A_2810 = arith.constant 61 : index
    %get3A_2811 = arith.constant 0 : index
    %get3A_2812 = vector.load %arg2[%get3A_2810, %get3A_2811] : memref<64x2xf32, #tpu.memory_space<vmem>>, vector<1x1xf32>
    %get3A_2813 = vector.extract %get3A_2812[0, 0] : f32 from vector<1x1xf32>
    %get3A_2814 = arith.constant 61 : index
    %get3A_2815 = arith.constant 1 : index
    %get3A_2816 = vector.load %arg2[%get3A_2814, %get3A_2815] : memref<64x2xf32, #tpu.memory_space<vmem>>, vector<1x1xf32>
    %get3A_2817 = vector.extract %get3A_2816[0, 0] : f32 from vector<1x1xf32>
    %sub3A_2818 = vector.broadcast %get3A_2813 : f32 to vector<32x2048xf32>
    %sub3A_2819 = arith.subf %get3A_1, %sub3A_2818 : vector<32x2048xf32>
    %sub3A_2820 = vector.broadcast %get3A_2817 : f32 to vector<32x2048xf32>
    %sub3A_2821 = arith.subf %get3A_4, %sub3A_2820 : vector<32x2048xf32>
    %mul3A_2822 = arith.mulf %sub3A_2819, %sub3A_2819 : vector<32x2048xf32>
    %mul3A_2823 = arith.mulf %sub3A_2821, %sub3A_2821 : vector<32x2048xf32>
    %add3A_2824 = arith.addf %mul3A_2822, %mul3A_2823 : vector<32x2048xf32>
    %neg3A_2825 = arith.constant 0.000000e+00 : f32
    %neg3A_2826 = vector.broadcast %neg3A_2825 : f32 to vector<32x2048xf32>
    %neg3A_2827 = arith.subf %neg3A_2826, %add3A_2824 : vector<32x2048xf32>
    %mul3A_2828 = arith.constant 1.250000e+01 : f32
    %mul3A_2829 = vector.broadcast %mul3A_2828 : f32 to vector<32x2048xf32>
    %mul3A_2830 = arith.mulf %neg3A_2827, %mul3A_2829 : vector<32x2048xf32>
    %exp3A_2831 = math.exp %mul3A_2830 : vector<32x2048xf32>
    %reduce_sum3A_2832 = arith.constant dense<0.000000e+00> : vector<32xf32>
    %reduce_sum3A_2833 = vector.multi_reduction <add>, %exp3A_2831, %reduce_sum3A_2832 [1] : vector<32x2048xf32> to vector<32xf32>
    %slice3A_2834 = vector.extract_strided_slice %reduce_sum3A_2833 {offsets = [0], sizes = [16], strides = [1]} : vector<32xf32> to vector<16xf32>
    %broadcast_in_dim3A_2835 = vector.shape_cast %slice3A_2834 : vector<16xf32> to vector<16x1xf32>
    %get3A_2836 = arith.constant 61 : index
    %get3A_2837 = arith.constant 0 : index
    %get3A_2838 = vector.load %arg3[%get3A_2836, %get3A_2837] : memref<128x10xf32, #tpu.memory_space<vmem>>, vector<1x10xf32>
    %get3A_2839 = vector.shape_cast %get3A_2838 : vector<1x10xf32> to vector<10xf32>
    %broadcast_in_dim3A_2840 = vector.shape_cast %get3A_2839 : vector<10xf32> to vector<1x10xf32>
    %mul3A_2841 = vector.broadcast %broadcast_in_dim3A_2835 : vector<16x1xf32> to vector<16x10xf32>
    %mul3A_2842 = vector.broadcast %broadcast_in_dim3A_2840 : vector<1x10xf32> to vector<16x10xf32>
    %mul3A_2843 = arith.mulf %mul3A_2841, %mul3A_2842 : vector<16x10xf32>
    %add3A_2844 = arith.addf %add3A_2809, %mul3A_2843 : vector<16x10xf32>
    %slice3A_2845 = vector.extract_strided_slice %reduce_sum3A_2833 {offsets = [16], sizes = [16], strides = [1]} : vector<32xf32> to vector<16xf32>
    %broadcast_in_dim3A_2846 = vector.shape_cast %slice3A_2845 : vector<16xf32> to vector<16x1xf32>
    %get3A_2847 = arith.constant 125 : index
    %get3A_2848 = arith.constant 0 : index
    %get3A_2849 = vector.load %arg3[%get3A_2847, %get3A_2848] : memref<128x10xf32, #tpu.memory_space<vmem>>, vector<1x10xf32>
    %get3A_2850 = vector.shape_cast %get3A_2849 : vector<1x10xf32> to vector<10xf32>
    %broadcast_in_dim3A_2851 = vector.shape_cast %get3A_2850 : vector<10xf32> to vector<1x10xf32>
    %mul3A_2852 = vector.broadcast %broadcast_in_dim3A_2846 : vector<16x1xf32> to vector<16x10xf32>
    %mul3A_2853 = vector.broadcast %broadcast_in_dim3A_2851 : vector<1x10xf32> to vector<16x10xf32>
    %mul3A_2854 = arith.mulf %mul3A_2852, %mul3A_2853 : vector<16x10xf32>
    %add3A_2855 = arith.addf %add3A_2844, %mul3A_2854 : vector<16x10xf32>
    %get3A_2856 = arith.constant 62 : index
    %get3A_2857 = arith.constant 0 : index
    %get3A_2858 = vector.load %arg2[%get3A_2856, %get3A_2857] : memref<64x2xf32, #tpu.memory_space<vmem>>, vector<1x1xf32>
    %get3A_2859 = vector.extract %get3A_2858[0, 0] : f32 from vector<1x1xf32>
    %get3A_2860 = arith.constant 62 : index
    %get3A_2861 = arith.constant 1 : index
    %get3A_2862 = vector.load %arg2[%get3A_2860, %get3A_2861] : memref<64x2xf32, #tpu.memory_space<vmem>>, vector<1x1xf32>
    %get3A_2863 = vector.extract %get3A_2862[0, 0] : f32 from vector<1x1xf32>
    %sub3A_2864 = vector.broadcast %get3A_2859 : f32 to vector<32x2048xf32>
    %sub3A_2865 = arith.subf %get3A_1, %sub3A_2864 : vector<32x2048xf32>
    %sub3A_2866 = vector.broadcast %get3A_2863 : f32 to vector<32x2048xf32>
    %sub3A_2867 = arith.subf %get3A_4, %sub3A_2866 : vector<32x2048xf32>
    %mul3A_2868 = arith.mulf %sub3A_2865, %sub3A_2865 : vector<32x2048xf32>
    %mul3A_2869 = arith.mulf %sub3A_2867, %sub3A_2867 : vector<32x2048xf32>
    %add3A_2870 = arith.addf %mul3A_2868, %mul3A_2869 : vector<32x2048xf32>
    %neg3A_2871 = arith.constant 0.000000e+00 : f32
    %neg3A_2872 = vector.broadcast %neg3A_2871 : f32 to vector<32x2048xf32>
    %neg3A_2873 = arith.subf %neg3A_2872, %add3A_2870 : vector<32x2048xf32>
    %mul3A_2874 = arith.constant 1.250000e+01 : f32
    %mul3A_2875 = vector.broadcast %mul3A_2874 : f32 to vector<32x2048xf32>
    %mul3A_2876 = arith.mulf %neg3A_2873, %mul3A_2875 : vector<32x2048xf32>
    %exp3A_2877 = math.exp %mul3A_2876 : vector<32x2048xf32>
    %reduce_sum3A_2878 = arith.constant dense<0.000000e+00> : vector<32xf32>
    %reduce_sum3A_2879 = vector.multi_reduction <add>, %exp3A_2877, %reduce_sum3A_2878 [1] : vector<32x2048xf32> to vector<32xf32>
    %slice3A_2880 = vector.extract_strided_slice %reduce_sum3A_2879 {offsets = [0], sizes = [16], strides = [1]} : vector<32xf32> to vector<16xf32>
    %broadcast_in_dim3A_2881 = vector.shape_cast %slice3A_2880 : vector<16xf32> to vector<16x1xf32>
    %get3A_2882 = arith.constant 62 : index
    %get3A_2883 = arith.constant 0 : index
    %get3A_2884 = vector.load %arg3[%get3A_2882, %get3A_2883] : memref<128x10xf32, #tpu.memory_space<vmem>>, vector<1x10xf32>
    %get3A_2885 = vector.shape_cast %get3A_2884 : vector<1x10xf32> to vector<10xf32>
    %broadcast_in_dim3A_2886 = vector.shape_cast %get3A_2885 : vector<10xf32> to vector<1x10xf32>
    %mul3A_2887 = vector.broadcast %broadcast_in_dim3A_2881 : vector<16x1xf32> to vector<16x10xf32>
    %mul3A_2888 = vector.broadcast %broadcast_in_dim3A_2886 : vector<1x10xf32> to vector<16x10xf32>
    %mul3A_2889 = arith.mulf %mul3A_2887, %mul3A_2888 : vector<16x10xf32>
    %add3A_2890 = arith.addf %add3A_2855, %mul3A_2889 : vector<16x10xf32>
    %slice3A_2891 = vector.extract_strided_slice %reduce_sum3A_2879 {offsets = [16], sizes = [16], strides = [1]} : vector<32xf32> to vector<16xf32>
    %broadcast_in_dim3A_2892 = vector.shape_cast %slice3A_2891 : vector<16xf32> to vector<16x1xf32>
    %get3A_2893 = arith.constant 126 : index
    %get3A_2894 = arith.constant 0 : index
    %get3A_2895 = vector.load %arg3[%get3A_2893, %get3A_2894] : memref<128x10xf32, #tpu.memory_space<vmem>>, vector<1x10xf32>
    %get3A_2896 = vector.shape_cast %get3A_2895 : vector<1x10xf32> to vector<10xf32>
    %broadcast_in_dim3A_2897 = vector.shape_cast %get3A_2896 : vector<10xf32> to vector<1x10xf32>
    %mul3A_2898 = vector.broadcast %broadcast_in_dim3A_2892 : vector<16x1xf32> to vector<16x10xf32>
    %mul3A_2899 = vector.broadcast %broadcast_in_dim3A_2897 : vector<1x10xf32> to vector<16x10xf32>
    %mul3A_2900 = arith.mulf %mul3A_2898, %mul3A_2899 : vector<16x10xf32>
    %add3A_2901 = arith.addf %add3A_2890, %mul3A_2900 : vector<16x10xf32>
    %get3A_2902 = arith.constant 63 : index
    %get3A_2903 = arith.constant 0 : index
    %get3A_2904 = vector.load %arg2[%get3A_2902, %get3A_2903] : memref<64x2xf32, #tpu.memory_space<vmem>>, vector<1x1xf32>
    %get3A_2905 = vector.extract %get3A_2904[0, 0] : f32 from vector<1x1xf32>
    %get3A_2906 = arith.constant 63 : index
    %get3A_2907 = arith.constant 1 : index
    %get3A_2908 = vector.load %arg2[%get3A_2906, %get3A_2907] : memref<64x2xf32, #tpu.memory_space<vmem>>, vector<1x1xf32>
    %get3A_2909 = vector.extract %get3A_2908[0, 0] : f32 from vector<1x1xf32>
    %sub3A_2910 = vector.broadcast %get3A_2905 : f32 to vector<32x2048xf32>
    %sub3A_2911 = arith.subf %get3A_1, %sub3A_2910 : vector<32x2048xf32>
    %sub3A_2912 = vector.broadcast %get3A_2909 : f32 to vector<32x2048xf32>
    %sub3A_2913 = arith.subf %get3A_4, %sub3A_2912 : vector<32x2048xf32>
    %mul3A_2914 = arith.mulf %sub3A_2911, %sub3A_2911 : vector<32x2048xf32>
    %mul3A_2915 = arith.mulf %sub3A_2913, %sub3A_2913 : vector<32x2048xf32>
    %add3A_2916 = arith.addf %mul3A_2914, %mul3A_2915 : vector<32x2048xf32>
    %neg3A_2917 = arith.constant 0.000000e+00 : f32
    %neg3A_2918 = vector.broadcast %neg3A_2917 : f32 to vector<32x2048xf32>
    %neg3A_2919 = arith.subf %neg3A_2918, %add3A_2916 : vector<32x2048xf32>
    %mul3A_2920 = arith.constant 1.250000e+01 : f32
    %mul3A_2921 = vector.broadcast %mul3A_2920 : f32 to vector<32x2048xf32>
    %mul3A_2922 = arith.mulf %neg3A_2919, %mul3A_2921 : vector<32x2048xf32>
    %exp3A_2923 = math.exp %mul3A_2922 : vector<32x2048xf32>
    %reduce_sum3A_2924 = arith.constant dense<0.000000e+00> : vector<32xf32>
    %reduce_sum3A_2925 = vector.multi_reduction <add>, %exp3A_2923, %reduce_sum3A_2924 [1] : vector<32x2048xf32> to vector<32xf32>
    %slice3A_2926 = vector.extract_strided_slice %reduce_sum3A_2925 {offsets = [0], sizes = [16], strides = [1]} : vector<32xf32> to vector<16xf32>
    %broadcast_in_dim3A_2927 = vector.shape_cast %slice3A_2926 : vector<16xf32> to vector<16x1xf32>
    %get3A_2928 = arith.constant 63 : index
    %get3A_2929 = arith.constant 0 : index
    %get3A_2930 = vector.load %arg3[%get3A_2928, %get3A_2929] : memref<128x10xf32, #tpu.memory_space<vmem>>, vector<1x10xf32>
    %get3A_2931 = vector.shape_cast %get3A_2930 : vector<1x10xf32> to vector<10xf32>
    %broadcast_in_dim3A_2932 = vector.shape_cast %get3A_2931 : vector<10xf32> to vector<1x10xf32>
    %mul3A_2933 = vector.broadcast %broadcast_in_dim3A_2927 : vector<16x1xf32> to vector<16x10xf32>
    %mul3A_2934 = vector.broadcast %broadcast_in_dim3A_2932 : vector<1x10xf32> to vector<16x10xf32>
    %mul3A_2935 = arith.mulf %mul3A_2933, %mul3A_2934 : vector<16x10xf32>
    %add3A_2936 = arith.addf %add3A_2901, %mul3A_2935 : vector<16x10xf32>
    %slice3A_2937 = vector.extract_strided_slice %reduce_sum3A_2925 {offsets = [16], sizes = [16], strides = [1]} : vector<32xf32> to vector<16xf32>
    %broadcast_in_dim3A_2938 = vector.shape_cast %slice3A_2937 : vector<16xf32> to vector<16x1xf32>
    %get3A_2939 = arith.constant 127 : index
    %get3A_2940 = arith.constant 0 : index
    %get3A_2941 = vector.load %arg3[%get3A_2939, %get3A_2940] : memref<128x10xf32, #tpu.memory_space<vmem>>, vector<1x10xf32>
    %get3A_2942 = vector.shape_cast %get3A_2941 : vector<1x10xf32> to vector<10xf32>
    %broadcast_in_dim3A_2943 = vector.shape_cast %get3A_2942 : vector<10xf32> to vector<1x10xf32>
    %mul3A_2944 = vector.broadcast %broadcast_in_dim3A_2938 : vector<16x1xf32> to vector<16x10xf32>
    %mul3A_2945 = vector.broadcast %broadcast_in_dim3A_2943 : vector<1x10xf32> to vector<16x10xf32>
    %mul3A_2946 = arith.mulf %mul3A_2944, %mul3A_2945 : vector<16x10xf32>
    %add3A_2947 = arith.addf %add3A_2936, %mul3A_2946 : vector<16x10xf32>
    %swap3A = arith.constant 0 : index
    %swap3A_2948 = arith.constant 0 : index
    %swap3A_2949 = vector.load %arg5[%swap3A, %swap3A_2948] : memref<16x10xf32, #tpu.memory_space<vmem>>, vector<16x10xf32>
    tpu.vector_store %arg5[%swap3A, %swap3A_2948], %add3A_2947 {strides = array<i32>} : memref<16x10xf32, #tpu.memory_space<vmem>>, vector<16x10xf32>,
    return
  }
}

</mosaic_0001>

<sc_bundles>
// kernel: kernel.5.cloned.1.call-start
scs
__scs_entry_jumppad:
0x0: {  	(pc) =	sbr.rel $0x88, $3  }
0x1: {  	(tag) =	ssettag $0x0;
	lr =	simm.s32 $0x1  }
0x2: {  	[smem:$0x3F98] =	sst lr;
	_ =	strace $0xD0000000  }
0x3: {  	_ = 	snop  }
0x4: {  	_ = 	snop  }
0x5: {  	_ = 	snop  }
0x6: {  	_ = 	snop  }
0x7: {  	_ = 	snop  }
__scs_overlays_trampoline_lowered:
0x8: {  	[smem:$0x3FA7] =	sst s0  }
0x9: {  	[smem:$0x3FA8] =	sst s1  }
0xa: {  	[smem:$0x3FA9] =	sst s2  }
0xb: {  	[smem:$0x3FAA] =	sst s3  }
0xc: {  	[smem:$0x3FAB] =	sst s4  }
0xd: {  	[smem:$0x3FAC] =	sst s5  }
0xe: {  	[smem:$0x3FAD] =	sst s6  }
0xf: {  	[smem:$0x3FAE] =	sst s7  }
0x10: {  	[smem:$0x3FAF] =	sst s8  }
0x11: {  	[smem:$0x3FB0] =	sst s9;
	s0 =	simm.s32 @!p0 $0x0  }
0x12: {  	s1 =	sld [smem:$0x3F96];
	s0 =	simm.s32 @p0 $0x1  }
0x13: {  	[smem:$0x3FB1] =	sst s0;
	s0 =	simm.s32 @!p1 $0x0  }
0x14: {  	s2 =	sld [smem:$0x3F95];
	s0 =	simm.s32 @p1 $0x1  }
0x15: {  	[smem:$0x3FB2] =	sst s0;
	s0 =	simm.s32 @!p2 $0x0  }
0x16: {  	s3 =	sld [smem:$0x3FDB];
	s0 =	simm.s32 @p2 $0x1  }
0x17: {  	s4 =	simm.s32 $0x1BF5;
	[smem:$0x3FB4] =	sst s0  }
0x18: {  	s0 =	sld [smem:$0x3F97];
	_ =	swait.ge [sflag:s4], $0x0  }
0x19: {  	s7 =	sld [smem:$0x3F98]  }
0x1a: {  	s8 =	sadd.s32 $0xFFFFE003, lr  }
0x1b: {  	s9 =	sadd.s32 $0xFFFFFEF7, lr;
	s5 =	simm.s32 $0xFFFFFFFF;
	p2 =	slt.u32 s8, $0xFFFFF086  }
0x1c: {  	p1 =	slt.u32 s9, $0xF7A;
	s5 =	simm.s32 @!p2 $0x0  }
0x1d: {  	s5 =	simm.s32 @p1 $0x1;
	p0 =	seq.s32 s7, s2  }
0x1e: {  	s7 =	smul.u32 @!p0 $0xF7A, s2;
	p2 =	seq.s32 @!p0 s5, $0x0  }
0x1f: {  	s9 =	smul.u32 $0xF7A, s1;
	s8 =	simm.s32 @!p0 $0x1BF5;
	p2 =	por !p2, p0  }
0x20: {  	[sflag:s8] =	ssyncset.s32 @!p0 $0xFFFFF086;
	s6 =	sadd.s32 @!p0 s3, s7;
	s7 =	simm.s32 @!p0 $0x108  }
0x21: {  	s3 =	sadd.s32 s3, s9;
	s6 =	sadd.s32 @!p0 $0x88, s6;
	s7 =	simm.s32 @p2 $0x1082  }
0x22: {  	[simem:s7], [sflag:s8] =	dma.local @!p0 [hbm:s6], $0xF7A  }
0x23: {  	s9 =	sor.u32 $0xD0000000, s2;
	s6 =	simm.s32 $0x108;
	_ =	swait.ge @!p0 [sflag:s8], $0x0  }
0x24: {  	s3 =	sadd.s32 $0x88, s3;
	s6 =	simm.s32 @!p1 $0x1082;
	[sflag:s4] =	ssyncset.s32 $0xFFFFF086  }
0x25: {  	[simem:s6], [sflag:s4] =	dma.local [hbm:s3], $0xF7A  }
0x26: {  	[smem:$0x3F98] =	sst s1;
	(tag) =	ssettag s2;
	_ =	strace s9  }
0x27: {  	s1 =	sld [smem:$0x3FA8]  }
0x28: {  	s2 =	sld [smem:$0x3FA9]  }
0x29: {  	s4 =	sld [smem:$0x3FAB]  }
0x2a: {  	p0 =	seq.s32 s5, $0x0;
	s5 =	sld [smem:$0x3FAC]  }
0x2b: {  	s6 =	sld [smem:$0x3FAD]  }
0x2c: {  	s7 =	sld [smem:$0x3FAE]  }
0x2d: {  	s3 =	simm.s32 $0x108;
	s8 =	sld [smem:$0x3FAF]  }
0x2e: {  	s3 =	simm.s32 @!p0 $0x1082;
	s9 =	sld [smem:$0x3FB0]  }
0x2f: {  	lr =	sadd.s32 s0, s3;
	s0 =	sld [smem:$0x3FA7]  }
0x30: {  	s3 =	sld [smem:$0x3FAA]  }
0x31: {  	[smem:$0x3FB3] =	sst s10  }
0x32: {  	s10 =	sld [smem:$0x3FB1];
	_ =	sdelay $0x3  }
0x33: {  	p0 =	seq.s32 s10, $0x1;
	s10 =	sld [smem:$0x3FB3];
	_ =	sdelay $0x3  }
0x34: {  	[smem:$0x3FB3] =	sst s10  }
0x35: {  	s10 =	sld [smem:$0x3FB2];
	_ =	sdelay $0x3  }
0x36: {  	p1 =	seq.s32 s10, $0x1;
	s10 =	sld [smem:$0x3FB3];
	_ =	sdelay $0x3  }
0x37: {  	[smem:$0x3FB3] =	sst s10  }
0x38: {  	s10 =	sld [smem:$0x3FB4]  }
0x39: {  	_ = 	snop;
	(pc) =	sbr.ind lr, $3  }
0x3a: {  	_ = 	snop  }
0x3b: {  	_ = 	snop  }
0x3c: {  	p2 =	seq.s32 s10, $0x1;
	s10 =	sld [smem:$0x3FB3]  }
0x3d: {  	_ =	shalt  }
0x3e: {  	_ =	shalt  }
0x3f: {  	_ =	shalt  }
0x40: {  	_ =	shalt  }
0x41: {  	_ =	shalt  }
0x42: {  	_ =	shalt  }
0x43: {  	_ =	shalt  }
0x44: {  	_ =	shalt  }
0x45: {  	_ =	shalt  }
0x46: {  	_ =	shalt  }
0x47: {  	_ =	shalt  }
0x48: {  	_ =	shalt  }
0x49: {  	_ =	shalt  }
0x4a: {  	_ =	shalt  }
0x4b: {  	_ =	shalt  }
0x4c: {  	_ =	shalt  }
0x4d: {  	_ =	shalt  }
0x4e: {  	_ =	shalt  }
0x4f: {  	_ =	shalt  }
0x50: {  	_ =	shalt  }
0x51: {  	_ =	shalt  }
0x52: {  	_ =	shalt  }
0x53: {  	_ =	shalt  }
0x54: {  	_ =	shalt  }
0x55: {  	_ =	shalt  }
0x56: {  	_ =	shalt  }
0x57: {  	_ =	shalt  }
0x58: {  	_ =	shalt  }
0x59: {  	_ =	shalt  }
0x5a: {  	_ =	shalt  }
0x5b: {  	_ =	shalt  }
0x5c: {  	_ =	shalt  }
0x5d: {  	_ =	shalt  }
0x5e: {  	_ =	shalt  }
0x5f: {  	_ =	shalt  }
0x60: {  	_ =	shalt  }
0x61: {  	_ =	shalt  }
0x62: {  	_ =	shalt  }
0x63: {  	_ =	shalt  }
0x64: {  	_ =	shalt  }
0x65: {  	_ =	shalt  }
0x66: {  	_ =	shalt  }
0x67: {  	_ =	shalt  }
0x68: {  	_ =	shalt  }
0x69: {  	_ =	shalt  }
0x6a: {  	_ =	shalt  }
0x6b: {  	_ =	shalt  }
0x6c: {  	_ =	shalt  }
0x6d: {  	_ =	shalt  }
0x6e: {  	_ =	shalt  }
0x6f: {  	_ =	shalt  }
0x70: {  	_ =	shalt  }
0x71: {  	_ =	shalt  }
0x72: {  	_ =	shalt  }
0x73: {  	_ =	shalt  }
0x74: {  	_ =	shalt  }
0x75: {  	_ =	shalt  }
0x76: {  	_ =	shalt  }
0x77: {  	_ =	shalt  }
0x78: {  	_ =	shalt  }
0x79: {  	_ =	shalt  }
0x7a: {  	_ =	shalt  }
0x7b: {  	_ =	shalt  }
0x7c: {  	_ =	shalt  }
0x7d: {  	_ =	shalt  }
0x7e: {  	_ =	shalt  }
0x7f: {  	_ =	shalt  }
0x80: {  	_ =	shalt  }
0x81: {  	_ =	shalt  }
0x82: {  	_ =	shalt  }
0x83: {  	_ =	shalt  }
0x84: {  	_ =	shalt  }
0x85: {  	_ =	shalt  }
0x86: {  	_ =	shalt  }
0x87: {  	_ =	shalt  }
.Lfunc_end0:
.L_simem_size_0:
called_computation_lowered:
.L_overlay_start_0:
0x88: {  	s2 =	sld [smem:$0x3FD9]  }
0x89: {  	s3 =	sld [smem:$0x3FFE];
	_ =	sdelay $0x1  }
0x8a: {  	s1 =	srdreg.scid  }
0x8b: {  	s0 =	sand.u32 $0x1, s1  }
0x8c: {  	s16 =	sshll.u32 s0, $0xA;
	s2 =	sadd.s32 s3, s2  }
0x8d: {  	s2 =	sadd.s32 s2, s16  }
0x8e: {  	[smem:$0x3FBF] =	sst s2  }
0x8f: {  	_ = 	snop  }
0x90: {  	(tm) =	ssettm $0x1  }
0x91: {  	s17 =	sld [smem:$0x3FFB];
	_ =	sdelay $0x3  }
0x92: {  	_ =	strace s17  }
0x93: {  	s2 =	sld [smem:$0x3FFC];
	_ =	sdelay $0x3  }
0x94: {  	_ =	strace s2  }
0x95: {  	s2 =	sld [smem:$0x3FFD];
	_ =	sdelay $0x3  }
0x96: {  	_ =	strace s2  }
0x97: {  	_ =	strace $0x8FFFFFFF  }
0x98: {  	s18 =	sld [smem:$0x3FDB];
	_ =	sdelay $0x1  }
0x99: {  	s19 =	simm.s32 $_scs_section_size  }
0x9a: {  	s4 =	simm.s32 $_size__tile_overlayer_lowered;
	s5 =	simm.s32 $_tile_overlayer_lowered  }
0x9b: {  	s22 =	simm.s32 $0x1BFF;
	s21 =	sshll.u32 s5, $0x1;
	s2 =	sadd.s32 s19, s18  }
0x9c: {  	s6 =	simm.s32 $0x0;
	s20 =	sshll.u32 s4, $0x1;
	s4 =	sadd.s32 s21, s2  }
0x9d: {  	[timem:s6], [sflag:s22] =	dma.local [hbm:s4], s20  }
0x9e: {  	_ =	swait.ge [sflag:s22], s20  }
0x9f: {  	s3 =	ssub.s32 $0x0, s20;
	[sflag:s22] =	ssyncset.done $0x0  }
0xa0: {  	[sflag:s22] =	ssyncadd.s32 s3;
	_ =	sdelay $0x1  }
0xa1: {  	s23 =	simm.s32 $0x1B8B  }
0xa2: {  	_ =	swait.ge [sflag:s23], $0x1  }
0xa3: {  	[sflag:s23] =	ssyncset.done $0x0  }
0xa4: {  	s25 =	simm.s32 $0x1B8E;
	s24 =	sld [smem:$0x3FFE];
	[sflag:s23] =	ssyncadd.s32 $0xFFFFFFFF  }
0xa5: {  	s26 =	simm.s32 $execute0_lowered;
	[smem:$0x3FD2] =	sst s25  }
0xa6: {  	s4 =	sshll.u32 s26, $0x1;
	_ =	strace $0x80000046;
	[dreg:$0x1] =	wrdreg $0xFFFFFFFF  }
0xa7: {  	s28 =	simm.s32 $_size_execute0_lowered;
	s2 =	sadd.s32 s2, s4;
	[dreg:$0x0] =	wrdreg $0x0  }
0xa8: {  	s4 =	sshll.u32 s28, $0x1;
	[dreg:$0x2] =	wrdreg s2  }
0xa9: {  	[dreg:$0x3] =	wrdreg s4  }
0xaa: {  	[dreg:$0x4] =	wrdreg $0xC0  }
0xab: {  	_ =	task [dreg:s6], $0x5FFFF  }
0xac: {  	[dreg:$0x1] =	wrdreg $0xFFFFFFFF  }
0xad: {  	[dreg:$0x0] =	wrdreg $0x60  }
0xae: {  	[dreg:$0x2] =	wrdreg s24  }
0xaf: {  	[dreg:$0x3] =	wrdreg $0x9  }
0xb0: {  	_ =	task.clear_ibuf [dreg:s6], $0x4FFFF;
	_ =	strace $0x90000046  }
0xb1: {  	s29 =	simm.s32 $0x9;
	_ =	strace $0x80000048  }
0xb2: {  	_ =	swait.ge [sflag:s29], $0x1  }
0xb3: {  	[sflag:s29] =	ssyncadd.s32 $0xFFFFFFFF  }
0xb4: {  	_ =	strace $0x90000048  }
0xb5: {  	_ =	sfence  }
0xb6: {  	s30 =	sld [smem:$0x0];
	_ =	sdelay $0x2  }
0xb7: {  	s31 =	sshll.u32 s1, $0xD;
	s1 =	sshrl.u32 s1, $0x2  }
0xb8: {  	s3 =	sand.u32 $0x4000, s31;
	s1 =	sadd.s32 s1, s30  }
0xb9: {  	s0 =	sor.u32 s3, s0;
	s1 =	sshll.u32 s1, $0x11  }
0xba: {  	s0 =	sor.u32 s1, s0  }
0xbb: {  	s0 =	sadd.s32 $0x8F2B, s0  }
0xbc: {  	[sflag:s0] =	ssyncadd.remote.s32 $0x1  }
0xbd: {  	_ =	sfence.sel $0xFFFF  }
0xbe: {  	[dreg:$0x0] =	wrdreg $0xFFFFFFFF;
	(pc) =	sbr.abs _section_cstart, $3  }
0xbf: {  	[dreg:$0x1] =	wrdreg $0xFFFFFFFF  }
0xc0: {  	_ =	task.clear_ibuf [dreg:s6], $0x2FFFF;
	_ =	strace $0x9FFFFFFF  }
0xc1: {  	(tm) =	ssettm $0x7FFFFFFF  }
tec
execute0_lowered:
.L_overlay_start_1:
0x0: {  	(tag) =	ssettag $0x1  }
0x1: {  	s1 =	srdreg.scid  }
0x2: {  	s0 =	stileid.u32;
	s4 =	rddreg [dreg:$0x0]  }
0x3: {  	s2 =	simm.s32 $0x0;
	s14 =	simm.s32 $0xE000;
	s15 =	simm.s32 $0x800  }
0x4: {  	s16 =	simm.s32 $0x8800;
	s17 =	simm.s32 $0x2800;
	s18 =	simm.s32 $0x4800  }
0x5: {  	s19 =	simm.s32 $0x6800;
	s20 =	simm.s32 $0x9800;
	s21 =	simm.s32 $0xA000  }
0x6: {  	s22 =	simm.s32 $0xB000;
	s23 =	simm.s32 $0xB800;
	s24 =	simm.s32 $0x0  }
0x7: {  	s3 =	sand.u32 $0x1, s1;
	s28 =	sshll.u32 s0, $0x1;
	[smem:$0x7FF] =	sst s2  }
0x8: {  	s10 =	sshll.u32 s0, $0x9;
	s12 =	sadd.s32 $0x2200, s4;
	p0 =	slt.u32 s0, $0x8  }
0x9: {  	s29 =	sshll.u32 s0, $0xB;
	s5 =	sor.u32 s3, s28;
	_ =	strace $0x80000047  }
0xa: {  	s3 =	ssub.s32 $0x2, s3;
	s6 =	sand.u32 $0xF, s5;
	s8 =	sshll.u32 s5, $0x7  }
0xb: {  	s5 =	sshll.u32 s5, $0x4;
	s11 =	sshrl.u32 s3, $0x1;
	s7 =	sshrl.u32 s6, $0x3  }
0xc: {  	s8 =	sand.u32 $0x380, s8;
	s10 =	sor.u32 s10, s5;
	s11 =	ssub.s32 s3, s11  }
0xd: {  	s3 =	simm.f32 $1.000000000e+00;
	s13 =	sshll.u32 s6, $0xB;
	s9 =	sshll.u32 s7, $0xE  }
0xe: {  	s10 =	sand.u32 $0x1870, s10;
	s3 =	simm.s32 @!p0 $0xBF800000;
	s7 =	sshll.u32 s7, $0x10  }
0xf: {  	v0 =	vmov s13;
	s13 =	simm.s32 $0xC000;
	p0 =	sgt.u32 s0, $0x7;
	s9 =	sor.u32 s8, s9  }
0x10: {  	v1 =	vlaneseq.u32;
	s10 =	sadd.s32 s10, s4;
	s30 =	sor.u32 s8, s7;
	s9 =	sshrl.u32 s9, $0x3  }
.Ltmp0:
0x11: {  	v3 =	vimm.s32 $0x0;
	v5 =	vimm.s32 $0x1;
	v7 =	vimm.f32 $1.000000000e+00;
	s7 =	sadd.s32 $0xA200, s10;
	s8 =	sadd.s32 $0xC200, s10;
	(pc) =	sbr.rel .LBB2_1-.Ltmp0, $4  }
0x12: {  	vm0 =	vcmask $0x2320;
	vm1 =	vcmask $0x300;
	vm2 =	vcmask $0x1F24;
	s10 =	simm.s32 $0x80;
	s9 =	sadd.s32 s9, s4;
	s4 =	sor.u32 s5, s29  }
0x13: {  	v8 =	vimm.s32 $0x80000000;
	vm3 =	vmxor vm3, vm3;
	vm4 =	vmmov $0x3;
	s5 =	sshrl.u32 s30, $0x3;
	s31 =	sand.u32 $0x2070, s4;
	s4 =	sadd.s32 $0x1200, s9  }
0x14: {  	v6 =	vshrl.u32 v1, $0x3;
	v4 =	vmul.u32 $0x200, v1;
	vm0 =	vmor vm1, vm0;
	s5 =	sadd.s32 s12, s5;
	s9 =	smax.u32 s11, $0x1;
	s6 =	sadd.s32 s31, s12  }
0x15: {  	vm1 =	vmmov $0x1;
	v6 =	vmul.u32 $0xB, v6;
	v2 =	vmov s3;
	s11 =	simm.s32 $0x400;
	s12 =	simm.s32 $0x1;
	s6 =	sadd.s32 $0x4000, s6  }
.LBB2_49:
0x16: {  	_ = 	snop  }
0x17: {  	v12 =	vsel vm7, v12, v15  }
0x18: {  	v12 =	vsel vm5, $0x4E6E6B28, v12  }
0x19: {  	[tilespmem:s28+$0x0] =	vst v12  }
0x1a: {  	v12 =	vld.idx.msk [tilespmem:v16+s21+$0x0], $0xffff  }
0x1b: {  	v14 =	vld.idx.msk [tilespmem:v14+s21+$0x0], $0xffff;
	_ =	sdelay $0x1  }
0x1c: {  	vm7 =	vlt.s32 v10, v9;
	v9 =	vor.u32 $0x1, v13;
	vm5 =	vmmov vm8  }
0x1d: {  	v10 =	vshll.u32 v11, $0x1;
	v9 =	vnsel vm7, $0x1, v9;
	vm8 =	vmor vm5, vm7  }
0x1e: {  	v10 =	vsel vm8, $0x0, v10  }
0x1f: {  	v11 =	vsel vm6, v14, v12  }
0x20: {  	s0 =	sadd.s32 $0x10, s26;
	v11 =	vsel vm5, $0x4E6E6B28, v11  }
0x21: {  	[tilespmem:s0+$0x0] =	vst v11  }
0x22: {  	v9 =	vld.idx.msk [tilespmem:v9+s21+$0x0], $0xffff  }
0x23: {  	v10 =	vld.idx.msk [tilespmem:v10+s21+$0x0], $0xffff;
	_ =	sdelay $0x4  }
0x24: {  	v9 =	vsel vm7, v9, v10  }
0x25: {  	s31 =	sadd.s32 $0x10, s25;
	v9 =	vsel vm5, $0x4E6E6B28, v9  }
0x26: {  	[tilespmem:s31+$0x0] =	vst v9  }
.LBB2_50:
0x27: {  	[hbm4b:s7+s10] =	stream.strided.scatter [tilespmem:s22], [sflag:$0x1], $0x800, s11, s10, $0x38;
	[tilespmem:$0x10000] =	vst v63  }
0x28: {  	s24 =	sadd.s32 $0x1, s24;
	_ =	swait.ge [sflag:s12], $0x800  }
0x29: {  	p1 =	sne.s32 s24, s9;
	[sflag:s12] =	ssyncset.done $0x0  }
.Ltmp1:
0x2a: {  	[sflag:s12] =	ssyncadd.s32 $0xFFFFF800;
	(pc) =	sbr.rel @!p1 .LBB2_51-.Ltmp1, $4  }
0x2b: {  	[hbm4b:s8+s10] =	stream.strided.scatter [tilespmem:s23], [sflag:$0x1], $0x800, s11, s10, $0x38;
	[tilespmem:$0x10000] =	vst v63  }
0x2c: {  	_ =	swait.ge [sflag:s12], $0x800  }
0x2d: {  	[sflag:s12] =	ssyncset.done $0x0  }
0x2e: {  	[sflag:s12] =	ssyncadd.s32 $0xFFFFF800  }
.LBB2_1:
0x2f: {  	[tilespmem:s2], [sflag:$0x1] =	stream.strided.gather [hbm4b:s4+s10], $0x800, s11, s10, $0x38;
	[tilespmem:$0x10000] =	vst v63  }
0x30: {  	_ =	swait.ge [sflag:s12], $0x800  }
0x31: {  	[sflag:s12] =	ssyncset.done $0x0  }
0x32: {  	[sflag:s12] =	ssyncadd.s32 $0xFFFFF800  }
0x33: {  	[tilespmem:s13], [sflag:$0x1] =	stream.strided.gather [hbm4b:s5+s10], $0x2000, s11, s10, $0x38;
	[tilespmem:$0x10000] =	vst v63  }
0x34: {  	_ =	swait.ge [sflag:s12], $0x2000  }
0x35: {  	[sflag:s12] =	ssyncset.done $0x0  }
0x36: {  	[sflag:s12] =	ssyncadd.s32 $0xFFFFE000  }
0x37: {  	[tilespmem:s14], [sflag:$0x1] =	stream.strided.gather [hbm4b:s6+s10], $0x2000, s11, s10, $0x38;
	[tilespmem:$0x10000] =	vst v63  }
0x38: {  	_ =	swait.ge [sflag:s12], $0x2000  }
0x39: {  	[sflag:s12] =	ssyncset.done $0x0  }
0x3a: {  	s26 =	simm.s32 $0x0;
	[sflag:s12] =	ssyncadd.s32 $0xFFFFE000  }
0x3b: {  	v9 =	vld [tilespmem:s26+$0xC000]  }
0x3c: {  	v10 =	vld [tilespmem:s26+$0xE000];
	_ =	sdelay $0x3  }
0x3d: {  	v12 =	vsub.s32 v9, v0  }
0x3e: {  	v11 =	vsub.s32 v10, v0;
	v9 =	vand.u32 $0x7F, v9;
	v13 =	vand.u32 $0xFFFFFF80, v12  }
0x3f: {  	v10 =	vand.u32 $0x7F, v10;
	v13 =	vor.u32 v9, v13;
	v9 =	vand.u32 $0xFFFFFF80, v11  }
0x40: {  	v14 =	vor.u32 v10, v9  }
0x41: {  	s25 =	simm.s32 $0x10  }
0x42: {  	v10 =	vld [tilespmem:s25+$0xC000]  }
0x43: {  	v15 =	vshll.u32 v11, $0xB;
	v9 =	vld [tilespmem:s25+$0xE000]  }
0x44: {  	v11 =	vld.idx.msk [tilespmem:v13+s2+$0x0], $0xffff;
	v13 =	vor.u32 v12, v15  }
0x45: {  	s29 =	simm.s32 $0x80;
	v12 =	vld.idx.msk [tilespmem:v14+s2+$0x0], $0xffff;
	[tilespmem:s26+$0x2800] =	vst v13  }
.LBB2_2:
0x46: {  	p1 =	sne.s32 s29, $0x7FC0;
	_ =	sdelay $0x3  }
0x47: {  	v13 =	vsub.s32 v10, v0;
	v10 =	vand.u32 $0x7F, v10;
	v14 =	vsub.s32 v9, v0  }
0x48: {  	v15 =	vand.u32 $0xFFFFFF80, v13;
	v11 =	vmul.f32 v11, v2;
	v12 =	vmul.f32 v12, v2  }
0x49: {  	v9 =	vand.u32 $0x7F, v9;
	v15 =	vor.u32 v10, v15;
	v10 =	vand.u32 $0xFFFFFF80, v14  }
0x4a: {  	v16 =	vor.u32 v9, v10;
	v9 =	vmax.f32 v11, v12  }
.Ltmp2:
0x4b: {  	s30 =	sshra.s32 s29, $0x2;
	vm5 =	vlt.s32 v9, $0x0;
	v11 =	vxor.u32 $0xFFFFFFFF, v9;
	v9 =	vxor.u32 $0x80000000, v9;
	(pc) =	sbr.rel @p1 .LBB2_2-.Ltmp2, $4  }
0x4c: {  	v11 =	vsel vm5, v11, v9;
	v10 =	vld [tilespmem:s30+$0xC000]  }
0x4d: {  	s28 =	simm.s32 $0x0;
	v12 =	vshll.u32 v14, $0xB;
	v9 =	vld [tilespmem:s30+$0xE000];
	[tilespmem:s26+$0x800] =	vst v11;
	s26 =	smov.u32 s25;
	s25 =	smov.u32 s30  }
0x4e: {  	v13 =	vor.u32 v13, v12;
	v11 =	vld.idx.msk [tilespmem:v15+s28+$0x0], $0xffff  }
0x4f: {  	s29 =	sadd.s32 $0x40, s29;
	v12 =	vld.idx.msk [tilespmem:v16+s28+$0x0], $0xffff;
	[tilespmem:s26+$0x2800] =	vst v13  }
0x50: {  	_ =	sdelay $0x2  }
0x51: {  	v13 =	vsub.s32 v10, v0;
	v10 =	vand.u32 $0x7F, v10;
	v14 =	vsub.s32 v9, v0  }
0x52: {  	v15 =	vand.u32 $0xFFFFFF80, v13;
	v11 =	vmul.f32 v11, v2;
	v12 =	vmul.f32 v12, v2  }
0x53: {  	v9 =	vand.u32 $0x7F, v9;
	v10 =	vor.u32 v10, v15;
	v63 =	vand.u32 $0xFFFFFF80, v14  }
0x54: {  	v9 =	vor.u32 v9, v63;
	v11 =	vmax.f32 v11, v12  }
0x55: {  	vm5 =	vlt.s32 v11, $0x0;
	v12 =	vxor.u32 $0xFFFFFFFF, v11;
	v11 =	vxor.u32 $0x80000000, v11  }
0x56: {  	v11 =	vsel vm5, v12, v11  }
0x57: {  	[tilespmem:s26+$0x800] =	vst v11  }
0x58: {  	v10 =	vld.idx.msk [tilespmem:v10+s28+$0x0], $0xffff  }
0x59: {  	v9 =	vld.idx.msk [tilespmem:v9+s28+$0x0], $0xffff;
	_ =	sdelay $0x4  }
0x5a: {  	p1 =	por $0x1, $0x1;
	v10 =	vmul.f32 v10, v2;
	v9 =	vmul.f32 v9, v2  }
.Ltmp3:
0x5b: {  	v11 =	vshll.u32 v14, $0xB;
	(pc) =	sbr.rel @!p1 .LBB2_5-.Ltmp3, $4  }
0x5c: {  	v11 =	vor.u32 v13, v11;
	v9 =	vmax.f32 v10, v9  }
0x5d: {  	vm5 =	vlt.s32 v9, $0x0;
	v10 =	vxor.u32 $0xFFFFFFFF, v9;
	v9 =	vxor.u32 $0x80000000, v9  }
0x5e: {  	[tilespmem:s25+$0x2800] =	vst v11;
	v9 =	vsel vm5, v10, v9  }
0x5f: {  	s26 =	simm.s32 $0x0;
	[tilespmem:s25+$0x800] =	vst v9;
	s25 =	simm.s32 $0x40  }
.LBB2_4:
0x60: {  	p1 =	sne.s32 s25, $0x3FC0;
	[tilespmem:s26+$0x8800] =	vst v3;
	s26 =	smov.u32 s25;
	s25 =	sadd.s32 $0x40, s25  }
.Ltmp4:
0x61: {  	(pc) =	sbr.rel @p1 .LBB2_4-.Ltmp4, $2  }
0x62: {  	_ =	sdelay $0x2  }
0x63: {  	s26 =	sshra.s32 s26, $0x2  }
.LBB2_5:
0x64: {  	p2 =	por $0x1, $0x1  }
.Ltmp5:
0x65: {  	_ = 	snop;
	(pc) =	sbr.rel @!p2 .LBB2_6-.Ltmp5, $2  }
0x66: {  	_ =	sdelay $0x2  }
0x67: {  	[tilespmem:s26+$0x8800] =	vst v3;
	v9 =	vor.u32 s28, v4;
	s25 =	simm.s32 $0x1;
	p1 =	por $0x0, $0x0  }
0x68: {  	_ =	sdelay $0x3  }
0x69: {  	v9 =	vld.idx.msk [tilespmem:v9+s15+$0x0], $0xffff;
	_ =	sdelay $0x2  }
0x6a: {  	p2 =	por $0x1, $0x1  }
.Ltmp6:
0x6b: {  	_ = 	snop;
	(pc) =	sbr.rel @!p2 .LBB2_9-.Ltmp6, $4  }
0x6c: {  	v9 =	vshll.u32 v9, $0x4  }
0x6d: {  	v9 =	vor.u32 v1, v9  }
0x6e: {  	v10 =	vand.u32 $0xFFF, v9  }
0x6f: {  	p1 =	por $0x1, $0x1;
	v9 =	vor.u32 s25, v4;
	s25 =	simm.s32 $0x2  }
.LBB2_8:
0x70: {  	p2 =	sne.s32 s25, $0x1FF;
	_ =	sdelay $0x2  }
0x71: {  	[tilespmem:v10+s16+$0x0] =	vst.idx.add.s32.msk $0xffff, v5  }
0x72: {  	v9 =	vld.idx.msk [tilespmem:v9+s15+$0x0], $0xffff;
	_ =	sdelay $0x4  }
.Ltmp7:
0x73: {  	(pc) =	sbr.rel @p2 .LBB2_8-.Ltmp7, $4  }
0x74: {  	v9 =	vshll.u32 v9, $0x4  }
0x75: {  	v9 =	vor.u32 v1, v9  }
0x76: {  	v10 =	vand.u32 $0xFFF, v9  }
0x77: {  	v9 =	vor.u32 s25, v4;
	s25 =	sadd.s32 $0x1, s25  }
.LBB2_9:
0x78: {  	_ =	sdelay $0x3  }
0x79: {  	[tilespmem:v10+s16+$0x0] =	vst.idx.add.s32.msk @p1 $0xffff, v5  }
0x7a: {  	v9 =	vld.idx.msk [tilespmem:v9+s15+$0x0], $0xffff;
	_ =	sdelay $0x4  }
0x7b: {  	v9 =	vshll.u32 v9, $0x4  }
0x7c: {  	v9 =	vor.u32 v1, v9  }
0x7d: {  	v9 =	vand.u32 $0xFFF, v9;
	_ =	sdelay $0x4  }
0x7e: {  	s28 =	simm.s32 $0x0;
	[tilespmem:v9+s16+$0x0] =	vst.idx.add.s32.msk $0xffff, v5  }
0x7f: {  	v9 =	vld [tilespmem:s28+$0x8800];
	_ =	sdelay $0x4  }
0x80: {  	(xrf0) =	vadd.scan.msk.s32 $0xffff, v9;
	_ =	sdelay $0x5  }
0x81: {  	v10, _, _ =	vpop (xrf0)  }
0x82: {  	s25 =	simm.s32 $0x0;
	(v2sf) =	vpush v10, $0xF  }
0x83: {  	v9 =	vsub.s32 s25, v9  }
0x84: {  	v9 =	vadd.s32 v10, v9  }
0x85: {  	s26 =	simm.s32 $0x10;
	s29 =	simm.s32 $0x80;
	[tilespmem:s28+$0x8800] =	vst v9;
	s28 =	simm.s32 $0x0  }
.LBB2_10:
0x86: {  	p1 =	sne.s32 s29, $0x3FC0;
	v9 =	vld [tilespmem:s26+$0x8800];
	_ =	sdelay $0x4  }
0x87: {  	(xrf0) =	vadd.scan.msk.s32 $0xffff, v9;
	_ =	sdelay $0x5  }
.Ltmp8:
0x88: {  	v10, _, _ =	vpop (xrf0);
	s30 =	spop (v2sf);
	(pc) =	sbr.rel @p1 .LBB2_10-.Ltmp8, $4  }
0x89: {  	(v2sf) =	vpush v10, $0xF;
	s28 =	sadd.s32 s28, s30  }
0x8a: {  	v9 =	vsub.s32 s28, v9  }
0x8b: {  	v9 =	vadd.s32 v10, v9  }
0x8c: {  	[tilespmem:s26+$0x8800] =	vst v9;
	s26 =	sshra.s32 s29, $0x2;
	s29 =	sadd.s32 $0x40, s29  }
0x8d: {  	_ =	sdelay $0x1  }
0x8e: {  	v9 =	vld [tilespmem:s26+$0x8800];
	_ =	sdelay $0x4  }
0x8f: {  	(xrf0) =	vadd.scan.msk.s32 $0xffff, v9;
	_ =	sdelay $0x3  }
0x90: {  	v10 =	vor.u32 s25, v4;
	s29 =	spop (v2sf)  }
0x91: {  	s29 =	sadd.s32 s28, s29  }
0x92: {  	v11, _, _ =	vpop (xrf0);
	v9 =	vsub.s32 s29, v9  }
0x93: {  	v9 =	vadd.s32 v11, v9  }
0x94: {  	[tilespmem:s26+$0x8800] =	vst v9  }
0x95: {  	v9 =	vld.idx.msk [tilespmem:v10+s15+$0x0], $0xffff;
	_ =	sdelay $0x2  }
0x96: {  	(v2sf) =	vpush v11, $0xF;
	_ =	sdelay $0x1  }
0x97: {  	v11 =	vshll.u32 v9, $0x4  }
0x98: {  	v11 =	vor.u32 v1, v11  }
0x99: {  	v11 =	vand.u32 $0xFFF, v11;
	_ =	sdelay $0x4  }
0x9a: {  	v12 =	vld.idx.msk [tilespmem:v11+s16+$0x0], $0xffff;
	_ =	sdelay $0x3  }
0x9b: {  	s30 =	simm.s32 $0x1;
	v10 =	vld.idx.msk [tilespmem:v10+s17+$0x0], $0xffff  }
0x9c: {  	v13 =	vor.u32 s30, v4  }
0x9d: {  	s25 =	simm.s32 $0x2;
	s31 =	spop (v2sf);
	v14 =	vadd.s32 $0x1, v12  }
.LBB2_12:
0x9e: {  	p1 =	sne.s32 s25, $0x1FF;
	[tilespmem:v11+s16+$0x0] =	vst.idx.msk $0xffff, v14  }
0x9f: {  	[tilespmem:v12+s18+$0x0] =	vst.idx.msk $0xffff, v9  }
0xa0: {  	[tilespmem:v12+s19+$0x0] =	vst.idx.msk $0xffff, v10  }
0xa1: {  	v9 =	vld.idx.msk [tilespmem:v13+s15+$0x0], $0xffff  }
0xa2: {  	v10 =	vld.idx.msk [tilespmem:v13+s17+$0x0], $0xffff;
	_ =	sdelay $0x4  }
0xa3: {  	v11 =	vshll.u32 v9, $0x4  }
0xa4: {  	v11 =	vor.u32 v1, v11  }
0xa5: {  	v11 =	vand.u32 $0xFFF, v11;
	_ =	sdelay $0x4  }
0xa6: {  	v12 =	vld.idx.msk [tilespmem:v11+s16+$0x0], $0xffff;
	_ =	sdelay $0x1  }
.Ltmp9:
0xa7: {  	(pc) =	sbr.rel @p1 .LBB2_12-.Ltmp9, $3  }
0xa8: {  	_ =	sdelay $0x1  }
0xa9: {  	v13 =	vor.u32 s25, v4  }
0xaa: {  	s25 =	sadd.s32 $0x1, s25;
	v14 =	vadd.s32 $0x1, v12  }
0xab: {  	_ =	sdelay $0x3  }
0xac: {  	[tilespmem:v11+s16+$0x0] =	vst.idx.msk $0xffff, v14  }
0xad: {  	[tilespmem:v12+s18+$0x0] =	vst.idx.msk $0xffff, v9  }
0xae: {  	[tilespmem:v12+s19+$0x0] =	vst.idx.msk $0xffff, v10  }
0xaf: {  	v9 =	vld.idx.msk [tilespmem:v13+s15+$0x0], $0xffff;
	_ =	sdelay $0x4  }
0xb0: {  	v10 =	vshll.u32 v9, $0x4  }
0xb1: {  	v10 =	vor.u32 v1, v10  }
0xb2: {  	v10 =	vand.u32 $0xFFF, v10;
	_ =	sdelay $0x4  }
0xb3: {  	v11 =	vld.idx.msk [tilespmem:v10+s16+$0x0], $0xffff;
	_ =	sdelay $0x3  }
0xb4: {  	v12 =	vld.idx.msk [tilespmem:v13+s17+$0x0], $0xffff;
	_ =	sdelay $0x1  }
0xb5: {  	v63 =	vadd.s32 $0x1, v11  }
0xb6: {  	[tilespmem:v10+s16+$0x0] =	vst.idx.msk $0xffff, v63  }
0xb7: {  	[tilespmem:v11+s18+$0x0] =	vst.idx.msk $0xffff, v9  }
0xb8: {  	s25 =	simm.s32 $0x0;
	s26 =	simm.s32 $0x40;
	s28 =	simm.s32 $0x0;
	[tilespmem:v11+s19+$0x0] =	vst.idx.msk $0xffff, v12  }
.LBB2_14:
0xb9: {  	p1 =	sne.s32 s26, $0x3FC0;
	[tilespmem:s28+$0x8800] =	vst v3;
	s28 =	smov.u32 s26;
	s26 =	sadd.s32 $0x40, s26  }
.Ltmp10:
0xba: {  	(pc) =	sbr.rel @p1 .LBB2_14-.Ltmp10, $2  }
0xbb: {  	_ =	sdelay $0x2  }
0xbc: {  	s28 =	sshra.s32 s28, $0x2  }
0xbd: {  	v9 =	vor.u32 s25, v4;
	_ =	sdelay $0x3  }
0xbe: {  	[tilespmem:s28+$0x8800] =	vst v3  }
0xbf: {  	v9 =	vld.idx.msk [tilespmem:v9+s18+$0x0], $0xffff;
	_ =	sdelay $0x4  }
0xc0: {  	v9 =	vshrl.u32 v9, $0x4  }
0xc1: {  	v9 =	vand.u32 $0xFF0, v9  }
0xc2: {  	s31 =	simm.s32 $0x1;
	v9 =	vor.u32 v1, v9  }
0xc3: {  	s25 =	simm.s32 $0x2;
	v10 =	vor.u32 s31, v4  }
.LBB2_16:
0xc4: {  	p1 =	sne.s32 s25, $0x1FF;
	_ =	sdelay $0x2  }
0xc5: {  	[tilespmem:v9+s16+$0x0] =	vst.idx.add.s32.msk $0xffff, v5  }
0xc6: {  	v9 =	vld.idx.msk [tilespmem:v10+s18+$0x0], $0xffff;
	_ =	sdelay $0x4  }
.Ltmp11:
0xc7: {  	(pc) =	sbr.rel @p1 .LBB2_16-.Ltmp11, $4  }
0xc8: {  	v9 =	vshrl.u32 v9, $0x4  }
0xc9: {  	v9 =	vand.u32 $0xFF0, v9  }
0xca: {  	v9 =	vor.u32 v1, v9  }
0xcb: {  	v10 =	vor.u32 s25, v4;
	s25 =	sadd.s32 $0x1, s25  }
0xcc: {  	_ =	sdelay $0x3  }
0xcd: {  	[tilespmem:v9+s16+$0x0] =	vst.idx.add.s32.msk $0xffff, v5  }
0xce: {  	v9 =	vld.idx.msk [tilespmem:v10+s18+$0x0], $0xffff;
	_ =	sdelay $0x4  }
0xcf: {  	v9 =	vshrl.u32 v9, $0x4  }
0xd0: {  	v9 =	vand.u32 $0xFF0, v9  }
0xd1: {  	v9 =	vor.u32 v1, v9;
	_ =	sdelay $0x4  }
0xd2: {  	s28 =	simm.s32 $0x0;
	[tilespmem:v9+s16+$0x0] =	vst.idx.add.s32.msk $0xffff, v5  }
0xd3: {  	v9 =	vld [tilespmem:s28+$0x8800];
	_ =	sdelay $0x4  }
0xd4: {  	(xrf0) =	vadd.scan.msk.s32 $0xffff, v9;
	_ =	sdelay $0x5  }
0xd5: {  	v10, _, _ =	vpop (xrf0)  }
0xd6: {  	s25 =	simm.s32 $0x0;
	(v2sf) =	vpush v10, $0xF  }
0xd7: {  	v9 =	vsub.s32 s25, v9  }
0xd8: {  	v9 =	vadd.s32 v10, v9  }
0xd9: {  	s26 =	simm.s32 $0x10;
	s29 =	simm.s32 $0x80;
	[tilespmem:s28+$0x8800] =	vst v9;
	s28 =	simm.s32 $0x0  }
.LBB2_18:
0xda: {  	p1 =	sne.s32 s29, $0x3FC0;
	v9 =	vld [tilespmem:s26+$0x8800];
	_ =	sdelay $0x4  }
0xdb: {  	(xrf0) =	vadd.scan.msk.s32 $0xffff, v9;
	_ =	sdelay $0x5  }
.Ltmp12:
0xdc: {  	v10, _, _ =	vpop (xrf0);
	s30 =	spop (v2sf);
	(pc) =	sbr.rel @p1 .LBB2_18-.Ltmp12, $4  }
0xdd: {  	(v2sf) =	vpush v10, $0xF;
	s28 =	sadd.s32 s28, s30  }
0xde: {  	v9 =	vsub.s32 s28, v9  }
0xdf: {  	v9 =	vadd.s32 v10, v9  }
0xe0: {  	[tilespmem:s26+$0x8800] =	vst v9;
	s26 =	sshra.s32 s29, $0x2;
	s29 =	sadd.s32 $0x40, s29  }
0xe1: {  	_ =	sdelay $0x1  }
0xe2: {  	v9 =	vld [tilespmem:s26+$0x8800];
	_ =	sdelay $0x4  }
0xe3: {  	(xrf0) =	vadd.scan.msk.s32 $0xffff, v9;
	_ =	sdelay $0x3  }
0xe4: {  	v10 =	vor.u32 s25, v4;
	s29 =	spop (v2sf)  }
0xe5: {  	s29 =	sadd.s32 s28, s29  }
0xe6: {  	v11, _, _ =	vpop (xrf0);
	v9 =	vsub.s32 s29, v9  }
0xe7: {  	v9 =	vadd.s32 v11, v9  }
0xe8: {  	[tilespmem:s26+$0x8800] =	vst v9  }
0xe9: {  	v9 =	vld.idx.msk [tilespmem:v10+s18+$0x0], $0xffff;
	_ =	sdelay $0x2  }
0xea: {  	(v2sf) =	vpush v11, $0xF;
	_ =	sdelay $0x1  }
0xeb: {  	v11 =	vshrl.u32 v9, $0x4  }
0xec: {  	v11 =	vand.u32 $0xFF0, v11  }
0xed: {  	v11 =	vor.u32 v1, v11;
	_ =	sdelay $0x4  }
0xee: {  	v12 =	vld.idx.msk [tilespmem:v11+s16+$0x0], $0xffff;
	_ =	sdelay $0x3  }
0xef: {  	s30 =	simm.s32 $0x1;
	v10 =	vld.idx.msk [tilespmem:v10+s19+$0x0], $0xffff  }
0xf0: {  	v13 =	vor.u32 s30, v4  }
0xf1: {  	s25 =	simm.s32 $0x2;
	s31 =	spop (v2sf);
	v14 =	vadd.s32 $0x1, v12  }
.LBB2_20:
0xf2: {  	p1 =	sne.s32 s25, $0x1FF;
	[tilespmem:v11+s16+$0x0] =	vst.idx.msk $0xffff, v14  }
0xf3: {  	[tilespmem:v12+s15+$0x0] =	vst.idx.msk $0xffff, v9  }
0xf4: {  	[tilespmem:v12+s17+$0x0] =	vst.idx.msk $0xffff, v10  }
0xf5: {  	v9 =	vld.idx.msk [tilespmem:v13+s18+$0x0], $0xffff  }
0xf6: {  	v10 =	vld.idx.msk [tilespmem:v13+s19+$0x0], $0xffff;
	_ =	sdelay $0x4  }
0xf7: {  	v11 =	vshrl.u32 v9, $0x4  }
0xf8: {  	v11 =	vand.u32 $0xFF0, v11  }
0xf9: {  	v11 =	vor.u32 v1, v11;
	_ =	sdelay $0x4  }
0xfa: {  	v12 =	vld.idx.msk [tilespmem:v11+s16+$0x0], $0xffff;
	_ =	sdelay $0x1  }
.Ltmp13:
0xfb: {  	(pc) =	sbr.rel @p1 .LBB2_20-.Ltmp13, $3  }
0xfc: {  	_ =	sdelay $0x1  }
0xfd: {  	v13 =	vor.u32 s25, v4  }
0xfe: {  	s25 =	sadd.s32 $0x1, s25;
	v14 =	vadd.s32 $0x1, v12  }
0xff: {  	_ =	sdelay $0x3  }
0x100: {  	[tilespmem:v11+s16+$0x0] =	vst.idx.msk $0xffff, v14  }
0x101: {  	[tilespmem:v12+s15+$0x0] =	vst.idx.msk $0xffff, v9  }
0x102: {  	[tilespmem:v12+s17+$0x0] =	vst.idx.msk $0xffff, v10  }
0x103: {  	v9 =	vld.idx.msk [tilespmem:v13+s18+$0x0], $0xffff;
	_ =	sdelay $0x4  }
0x104: {  	v10 =	vshrl.u32 v9, $0x4  }
0x105: {  	v10 =	vand.u32 $0xFF0, v10  }
0x106: {  	v10 =	vor.u32 v1, v10;
	_ =	sdelay $0x4  }
0x107: {  	v11 =	vld.idx.msk [tilespmem:v10+s16+$0x0], $0xffff;
	_ =	sdelay $0x3  }
0x108: {  	v12 =	vld.idx.msk [tilespmem:v13+s19+$0x0], $0xffff;
	_ =	sdelay $0x1  }
0x109: {  	v63 =	vadd.s32 $0x1, v11  }
0x10a: {  	[tilespmem:v10+s16+$0x0] =	vst.idx.msk $0xffff, v63  }
0x10b: {  	[tilespmem:v11+s15+$0x0] =	vst.idx.msk $0xffff, v9  }
0x10c: {  	s25 =	simm.s32 $0x0;
	s26 =	simm.s32 $0x40;
	s28 =	simm.s32 $0x0;
	[tilespmem:v11+s17+$0x0] =	vst.idx.msk $0xffff, v12  }
.LBB2_22:
0x10d: {  	p1 =	sne.s32 s26, $0x3FC0;
	[tilespmem:s28+$0x8800] =	vst v3;
	s28 =	smov.u32 s26;
	s26 =	sadd.s32 $0x40, s26  }
.Ltmp14:
0x10e: {  	(pc) =	sbr.rel @p1 .LBB2_22-.Ltmp14, $2  }
0x10f: {  	_ =	sdelay $0x2  }
0x110: {  	s28 =	sshra.s32 s28, $0x2  }
0x111: {  	v9 =	vor.u32 s25, v4;
	_ =	sdelay $0x3  }
0x112: {  	[tilespmem:s28+$0x8800] =	vst v3  }
0x113: {  	v9 =	vld.idx.msk [tilespmem:v9+s15+$0x0], $0xffff;
	_ =	sdelay $0x4  }
0x114: {  	v9 =	vshrl.u32 v9, $0xC  }
0x115: {  	v9 =	vand.u32 $0xFF0, v9  }
0x116: {  	s31 =	simm.s32 $0x1;
	v9 =	vor.u32 v1, v9  }
0x117: {  	s25 =	simm.s32 $0x2;
	v10 =	vor.u32 s31, v4  }
.LBB2_24:
0x118: {  	p1 =	sne.s32 s25, $0x1FF;
	_ =	sdelay $0x2  }
0x119: {  	[tilespmem:v9+s16+$0x0] =	vst.idx.add.s32.msk $0xffff, v5  }
0x11a: {  	v9 =	vld.idx.msk [tilespmem:v10+s15+$0x0], $0xffff;
	_ =	sdelay $0x4  }
.Ltmp15:
0x11b: {  	(pc) =	sbr.rel @p1 .LBB2_24-.Ltmp15, $4  }
0x11c: {  	v9 =	vshrl.u32 v9, $0xC  }
0x11d: {  	v9 =	vand.u32 $0xFF0, v9  }
0x11e: {  	v9 =	vor.u32 v1, v9  }
0x11f: {  	v10 =	vor.u32 s25, v4;
	s25 =	sadd.s32 $0x1, s25  }
0x120: {  	_ =	sdelay $0x3  }
0x121: {  	[tilespmem:v9+s16+$0x0] =	vst.idx.add.s32.msk $0xffff, v5  }
0x122: {  	v9 =	vld.idx.msk [tilespmem:v10+s15+$0x0], $0xffff;
	_ =	sdelay $0x4  }
0x123: {  	v9 =	vshrl.u32 v9, $0xC  }
0x124: {  	v9 =	vand.u32 $0xFF0, v9  }
0x125: {  	v9 =	vor.u32 v1, v9;
	_ =	sdelay $0x4  }
0x126: {  	s28 =	simm.s32 $0x0;
	[tilespmem:v9+s16+$0x0] =	vst.idx.add.s32.msk $0xffff, v5  }
0x127: {  	v9 =	vld [tilespmem:s28+$0x8800];
	_ =	sdelay $0x4  }
0x128: {  	(xrf0) =	vadd.scan.msk.s32 $0xffff, v9;
	_ =	sdelay $0x5  }
0x129: {  	v10, _, _ =	vpop (xrf0)  }
0x12a: {  	s25 =	simm.s32 $0x0;
	(v2sf) =	vpush v10, $0xF  }
0x12b: {  	v9 =	vsub.s32 s25, v9  }
0x12c: {  	v9 =	vadd.s32 v10, v9  }
0x12d: {  	s26 =	simm.s32 $0x10;
	s29 =	simm.s32 $0x80;
	[tilespmem:s28+$0x8800] =	vst v9;
	s28 =	simm.s32 $0x0  }
.LBB2_26:
0x12e: {  	p1 =	sne.s32 s29, $0x3FC0;
	v9 =	vld [tilespmem:s26+$0x8800];
	_ =	sdelay $0x4  }
0x12f: {  	(xrf0) =	vadd.scan.msk.s32 $0xffff, v9;
	_ =	sdelay $0x5  }
.Ltmp16:
0x130: {  	v10, _, _ =	vpop (xrf0);
	s30 =	spop (v2sf);
	(pc) =	sbr.rel @p1 .LBB2_26-.Ltmp16, $4  }
0x131: {  	(v2sf) =	vpush v10, $0xF;
	s28 =	sadd.s32 s28, s30  }
0x132: {  	v9 =	vsub.s32 s28, v9  }
0x133: {  	v9 =	vadd.s32 v10, v9  }
0x134: {  	[tilespmem:s26+$0x8800] =	vst v9;
	s26 =	sshra.s32 s29, $0x2;
	s29 =	sadd.s32 $0x40, s29  }
0x135: {  	_ =	sdelay $0x1  }
0x136: {  	v9 =	vld [tilespmem:s26+$0x8800];
	_ =	sdelay $0x4  }
0x137: {  	(xrf0) =	vadd.scan.msk.s32 $0xffff, v9;
	_ =	sdelay $0x3  }
0x138: {  	v10 =	vor.u32 s25, v4;
	s29 =	spop (v2sf)  }
0x139: {  	s29 =	sadd.s32 s28, s29  }
0x13a: {  	v11, _, _ =	vpop (xrf0);
	v9 =	vsub.s32 s29, v9  }
0x13b: {  	v9 =	vadd.s32 v11, v9  }
0x13c: {  	[tilespmem:s26+$0x8800] =	vst v9  }
0x13d: {  	v9 =	vld.idx.msk [tilespmem:v10+s15+$0x0], $0xffff;
	_ =	sdelay $0x2  }
0x13e: {  	(v2sf) =	vpush v11, $0xF;
	_ =	sdelay $0x1  }
0x13f: {  	v11 =	vshrl.u32 v9, $0xC  }
0x140: {  	v11 =	vand.u32 $0xFF0, v11  }
0x141: {  	v11 =	vor.u32 v1, v11;
	_ =	sdelay $0x4  }
0x142: {  	v12 =	vld.idx.msk [tilespmem:v11+s16+$0x0], $0xffff;
	_ =	sdelay $0x3  }
0x143: {  	s30 =	simm.s32 $0x1;
	v10 =	vld.idx.msk [tilespmem:v10+s17+$0x0], $0xffff  }
0x144: {  	v13 =	vor.u32 s30, v4  }
0x145: {  	s25 =	simm.s32 $0x2;
	s31 =	spop (v2sf);
	v14 =	vadd.s32 $0x1, v12  }
.LBB2_28:
0x146: {  	p1 =	sne.s32 s25, $0x1FF;
	[tilespmem:v11+s16+$0x0] =	vst.idx.msk $0xffff, v14  }
0x147: {  	[tilespmem:v12+s18+$0x0] =	vst.idx.msk $0xffff, v9  }
0x148: {  	[tilespmem:v12+s19+$0x0] =	vst.idx.msk $0xffff, v10  }
0x149: {  	v9 =	vld.idx.msk [tilespmem:v13+s15+$0x0], $0xffff  }
0x14a: {  	v10 =	vld.idx.msk [tilespmem:v13+s17+$0x0], $0xffff;
	_ =	sdelay $0x4  }
0x14b: {  	v11 =	vshrl.u32 v9, $0xC  }
0x14c: {  	v11 =	vand.u32 $0xFF0, v11  }
0x14d: {  	v11 =	vor.u32 v1, v11;
	_ =	sdelay $0x4  }
0x14e: {  	v12 =	vld.idx.msk [tilespmem:v11+s16+$0x0], $0xffff;
	_ =	sdelay $0x1  }
.Ltmp17:
0x14f: {  	(pc) =	sbr.rel @p1 .LBB2_28-.Ltmp17, $3  }
0x150: {  	_ =	sdelay $0x1  }
0x151: {  	v13 =	vor.u32 s25, v4  }
0x152: {  	s25 =	sadd.s32 $0x1, s25;
	v14 =	vadd.s32 $0x1, v12  }
0x153: {  	_ =	sdelay $0x3  }
0x154: {  	[tilespmem:v11+s16+$0x0] =	vst.idx.msk $0xffff, v14  }
0x155: {  	[tilespmem:v12+s18+$0x0] =	vst.idx.msk $0xffff, v9  }
0x156: {  	[tilespmem:v12+s19+$0x0] =	vst.idx.msk $0xffff, v10  }
0x157: {  	v9 =	vld.idx.msk [tilespmem:v13+s15+$0x0], $0xffff;
	_ =	sdelay $0x4  }
0x158: {  	v10 =	vshrl.u32 v9, $0xC  }
0x159: {  	v10 =	vand.u32 $0xFF0, v10  }
0x15a: {  	v10 =	vor.u32 v1, v10;
	_ =	sdelay $0x4  }
0x15b: {  	v11 =	vld.idx.msk [tilespmem:v10+s16+$0x0], $0xffff;
	_ =	sdelay $0x3  }
0x15c: {  	v12 =	vld.idx.msk [tilespmem:v13+s17+$0x0], $0xffff;
	_ =	sdelay $0x1  }
0x15d: {  	v63 =	vadd.s32 $0x1, v11  }
0x15e: {  	[tilespmem:v10+s16+$0x0] =	vst.idx.msk $0xffff, v63  }
0x15f: {  	[tilespmem:v11+s18+$0x0] =	vst.idx.msk $0xffff, v9  }
0x160: {  	s25 =	simm.s32 $0x0;
	s26 =	simm.s32 $0x40;
	s28 =	simm.s32 $0x0;
	[tilespmem:v11+s19+$0x0] =	vst.idx.msk $0xffff, v12  }
.LBB2_30:
0x161: {  	p1 =	sne.s32 s26, $0x3FC0;
	[tilespmem:s28+$0x8800] =	vst v3;
	s28 =	smov.u32 s26;
	s26 =	sadd.s32 $0x40, s26  }
.Ltmp18:
0x162: {  	(pc) =	sbr.rel @p1 .LBB2_30-.Ltmp18, $2  }
0x163: {  	_ =	sdelay $0x2  }
0x164: {  	s28 =	sshra.s32 s28, $0x2  }
0x165: {  	v9 =	vor.u32 s25, v4;
	_ =	sdelay $0x3  }
0x166: {  	[tilespmem:s28+$0x8800] =	vst v3  }
0x167: {  	v9 =	vld.idx.msk [tilespmem:v9+s18+$0x0], $0xffff;
	_ =	sdelay $0x4  }
0x168: {  	v9 =	vshrl.u32 v9, $0x14  }
0x169: {  	v9 =	vand.u32 $0xFF0, v9  }
0x16a: {  	s31 =	simm.s32 $0x1;
	v9 =	vor.u32 v1, v9  }
0x16b: {  	s25 =	simm.s32 $0x2;
	v10 =	vor.u32 s31, v4  }
.LBB2_32:
0x16c: {  	p1 =	sne.s32 s25, $0x1FF;
	_ =	sdelay $0x2  }
0x16d: {  	[tilespmem:v9+s16+$0x0] =	vst.idx.add.s32.msk $0xffff, v5  }
0x16e: {  	v9 =	vld.idx.msk [tilespmem:v10+s18+$0x0], $0xffff;
	_ =	sdelay $0x4  }
.Ltmp19:
0x16f: {  	(pc) =	sbr.rel @p1 .LBB2_32-.Ltmp19, $4  }
0x170: {  	v9 =	vshrl.u32 v9, $0x14  }
0x171: {  	v9 =	vand.u32 $0xFF0, v9  }
0x172: {  	v9 =	vor.u32 v1, v9  }
0x173: {  	v10 =	vor.u32 s25, v4;
	s25 =	sadd.s32 $0x1, s25  }
0x174: {  	_ =	sdelay $0x3  }
0x175: {  	[tilespmem:v9+s16+$0x0] =	vst.idx.add.s32.msk $0xffff, v5  }
0x176: {  	v9 =	vld.idx.msk [tilespmem:v10+s18+$0x0], $0xffff;
	_ =	sdelay $0x4  }
0x177: {  	v9 =	vshrl.u32 v9, $0x14  }
0x178: {  	v9 =	vand.u32 $0xFF0, v9  }
0x179: {  	v9 =	vor.u32 v1, v9;
	_ =	sdelay $0x4  }
0x17a: {  	s28 =	simm.s32 $0x0;
	[tilespmem:v9+s16+$0x0] =	vst.idx.add.s32.msk $0xffff, v5  }
0x17b: {  	v9 =	vld [tilespmem:s28+$0x8800];
	_ =	sdelay $0x4  }
0x17c: {  	(xrf0) =	vadd.scan.msk.s32 $0xffff, v9;
	_ =	sdelay $0x5  }
0x17d: {  	v10, _, _ =	vpop (xrf0)  }
0x17e: {  	s25 =	simm.s32 $0x0;
	(v2sf) =	vpush v10, $0xF  }
0x17f: {  	v9 =	vsub.s32 s25, v9  }
0x180: {  	v9 =	vadd.s32 v10, v9  }
0x181: {  	s26 =	simm.s32 $0x10;
	s29 =	simm.s32 $0x80;
	[tilespmem:s28+$0x8800] =	vst v9;
	s28 =	simm.s32 $0x0  }
.LBB2_34:
0x182: {  	p1 =	sne.s32 s29, $0x3FC0;
	v9 =	vld [tilespmem:s26+$0x8800];
	_ =	sdelay $0x4  }
0x183: {  	(xrf0) =	vadd.scan.msk.s32 $0xffff, v9;
	_ =	sdelay $0x5  }
.Ltmp20:
0x184: {  	v10, _, _ =	vpop (xrf0);
	s30 =	spop (v2sf);
	(pc) =	sbr.rel @p1 .LBB2_34-.Ltmp20, $4  }
0x185: {  	(v2sf) =	vpush v10, $0xF;
	s28 =	sadd.s32 s28, s30  }
0x186: {  	v9 =	vsub.s32 s28, v9  }
0x187: {  	v9 =	vadd.s32 v10, v9  }
0x188: {  	[tilespmem:s26+$0x8800] =	vst v9;
	s26 =	sshra.s32 s29, $0x2;
	s29 =	sadd.s32 $0x40, s29  }
0x189: {  	v9 =	vld [tilespmem:s26+$0x8800];
	_ =	sdelay $0x4  }
0x18a: {  	(xrf0) =	vadd.scan.msk.s32 $0xffff, v9;
	_ =	sdelay $0x5  }
0x18b: {  	v10, _, _ =	vpop (xrf0)  }
0x18c: {  	(v2sf) =	vpush v10, $0xF;
	_ =	sdelay $0xa  }
0x18d: {  	s29 =	spop (v2sf)  }
0x18e: {  	s28 =	sadd.s32 s28, s29  }
0x18f: {  	v9 =	vsub.s32 s28, v9  }
0x190: {  	v9 =	vadd.s32 v10, v9  }
0x191: {  	[tilespmem:s26+$0x8800] =	vst v9;
	s31 =	spop (v2sf)  }
.LBB2_36:
0x192: {  	v9 =	vor.u32 s25, v4;
	_ =	sdelay $0x4  }
0x193: {  	v10 =	vld.idx.msk [tilespmem:v9+s18+$0x0], $0xffff;
	_ =	sdelay $0x4  }
0x194: {  	v11 =	vshrl.u32 v10, $0x14  }
0x195: {  	v11 =	vand.u32 $0xFF0, v11  }
0x196: {  	v11 =	vor.u32 v1, v11;
	_ =	sdelay $0x4  }
0x197: {  	v12 =	vld.idx.msk [tilespmem:v11+s16+$0x0], $0xffff;
	_ =	sdelay $0x3  }
0x198: {  	p1 =	sne.s32 s25, $0x1FF;
	v9 =	vld.idx.msk [tilespmem:v9+s19+$0x0], $0xffff  }
.Ltmp21:
0x199: {  	_ = 	snop;
	(pc) =	sbr.rel @p1 .LBB2_36-.Ltmp21, $4  }
0x19a: {  	v13 =	vadd.s32 $0x1, v12  }
0x19b: {  	[tilespmem:v11+s16+$0x0] =	vst.idx.msk $0xffff, v13  }
0x19c: {  	[tilespmem:v12+s15+$0x0] =	vst.idx.msk $0xffff, v10  }
0x19d: {  	s25 =	sadd.s32 $0x1, s25;
	[tilespmem:v12+s17+$0x0] =	vst.idx.msk $0xffff, v9  }
0x19e: {  	s25 =	simm.s32 $0x0  }
0x19f: {  	s26 =	simm.s32 $0x9800;
	v9 =	vor.u32 s25, v1  }
0x1a0: {  	s28 =	simm.s32 $0x10;
	[tilespmem:s26+$0x0] =	vst v9  }
.LBB2_38:
0x1a1: {  	p1 =	sne.s32 s28, $0x7F0  }
.Ltmp22:
0x1a2: {  	_ = 	snop;
	(pc) =	sbr.rel @p1 .LBB2_38-.Ltmp22, $3  }
0x1a3: {  	_ =	sdelay $0x1  }
0x1a4: {  	v9 =	vor.u32 s28, v1;
	s28 =	sadd.s32 $0x10, s28;
	s26 =	sadd.s32 $0x10, s26  }
0x1a5: {  	[tilespmem:s26+$0x0] =	vst v9  }
.Ltmp23:
0x1a6: {  	(pc) =	sbr.rel .LBB2_40-.Ltmp23, $2  }
0x1a7: {  	_ =	sdelay $0x2  }
0x1a8: {  	s26 =	simm.s32 $0x0  }
.LBB2_42:
0x1a9: {  	_ =	sdelay $0x3  }
0x1aa: {  	v11 =	vld.idx.msk [tilespmem:v9+s2+$0x0], $0xffff;
	_ =	sdelay $0x4  }
0x1ab: {  	v12 =	vnsel vm1, $0x0, v11  }
0x1ac: {  	v11 =	vsel vm2, $0x0, v11;
	(xrf2) =	vadd.scan.msk.f32 $0xffff, v12  }
0x1ad: {  	v62 =	vnsel vm1, $0x0, v9;
	(xrf2) =	vadd.scan.msk.f32 $0xffff, v11  }
0x1ae: {  	v9 =	vsel vm2, $0x0, v9;
	(xrf0) =	vadd.scan.msk.s32 $0xffff, v62  }
0x1af: {  	vm5 =	vgt.s32 v10, $0xFFFFFFFF;
	(xrf0) =	vadd.scan.msk.s32 $0xffff, v9  }
0x1b0: {  	v9 =	vsel vm5, $0xFFFFFFFF, v8  }
0x1b1: {  	v9 =	vxor.u32 v10, v9  }
0x1b2: {  	v9 =	vnsel vm1, $0x0, v9;
	_ =	sdelay $0x1  }
0x1b3: {  	v10, _, _ =	vpop (xrf0);
	(xrf2) =	vadd.scan.msk.f32 $0xffff, v9  }
0x1b4: {  	(v2sf) =	vpush v10, $0xF;
	v9, _, _ =	vpop (xrf0)  }
0x1b5: {  	(v2sf) =	vpush v9, $0xF;
	v10, _, _ =	vpop (xrf2)  }
0x1b6: {  	v9, _, _ =	vpop (xrf2);
	(v2sf) =	vpush v10, $0xF  }
0x1b7: {  	(v2sf) =	vpush v9, $0xF;
	_ =	sdelay $0x5  }
0x1b8: {  	v9, _, _ =	vpop (xrf2)  }
0x1b9: {  	(v2sf) =	vpush v9, $0xF;
	_ =	sdelay $0x4  }
0x1ba: {  	s28 =	spop (v2sf)  }
0x1bb: {  	s29 =	spop (v2sf)  }
0x1bc: {  	s30 =	spop (v2sf)  }
0x1bd: {  	s31 =	spop (v2sf);
	s1 =	smul.f32 s30, s3  }
0x1be: {  	s0 =	smul.f32 s31, s3;
	_ =	sdelay $0x1  }
0x1bf: {  	p2 =	sle.f32 s1, s0  }
0x1c0: {  	vm5 =	vmmov vm3;
	p1 =	sne.s32 s28, s29;
	s0 =	smov.u32 s28  }
0x1c1: {  	vm5 =	vmneg @p1 vm5;
	s0 =	smov.u32 @p2 s29  }
0x1c2: {  	vm6 =	vmand vm5, vm1;
	v9 =	vmov s0;
	s0 =	sshll.u32 s25, $0x1  }
0x1c3: {  	s26 =	sadd.s32 $0x1, s26;
	vm5 =	vmand vm5, vm4;
	s1 =	spop (v2sf);
	v10 =	vadd.s32 s0, v1;
	s0 =	simm.s32 $0x1  }
0x1c4: {  	s1 =	smul.f32 s1, s3;
	s0 =	simm.s32 @!p1 $0x0;
	p1 =	sne.s32 s26, $0x2000  }
.Ltmp24:
0x1c5: {  	_ = 	snop;
	(pc) =	sbr.rel @!p1 .LBB2_43-.Ltmp24, $4  }
0x1c6: {  	s29 =	smov.u32 @p2 s28  }
0x1c7: {  	vm7 =	veq.s32 v1, $0x0;
	s30 =	smov.u32 @p2 s31;
	v11 =	vmov s29;
	v63 =	vmov s1  }
0x1c8: {  	[tilespmem:v9+s20+$0x0] =	vst.idx.msk vm6, v11;
	v9 =	vsel vm7, s30, v63  }
0x1c9: {  	s25 =	sadd.s32 s0, s25;
	[tilespmem:v10+s21+$0x0] =	vst.idx.msk vm5, v9  }
.LBB2_40:
0x1ca: {  	v10 =	vmov s26;
	_ =	sdelay $0x4  }
0x1cb: {  	v9 =	vld.idx.msk [tilespmem:v10+s17+$0x0], $0xffff;
	_ =	sdelay $0x4  }
0x1cc: {  	v9 =	vshrl.u32 v9, v6  }
0x1cd: {  	v11 =	vand.u32 $0x7FF, v9;
	_ =	sdelay $0x4  }
0x1ce: {  	v9 =	vld.idx.msk [tilespmem:v11+s20+$0x0], $0xffff;
	_ =	sdelay $0x4  }
0x1cf: {  	vm5 =	veq.s32 v9, v11  }
0x1d0: {  	v12 =	vsel vm5, $0x0, v7  }
0x1d1: {  	(xrf0) =	vmax.scan.msk.f32 $0xffff, v12;
	_ =	sdelay $0x5  }
0x1d2: {  	v12, _, _ =	vpop (xrf0)  }
0x1d3: {  	(v2sf) =	vpush v12, $0xF;
	_ =	sdelay $0xe  }
0x1d4: {  	s28 =	spop (v2sf)  }
0x1d5: {  	p1 =	sgt.f32 s28, $0.0e+00  }
.Ltmp25:
0x1d6: {  	_ = 	snop;
	(pc) =	sbr.rel @!p1 .LBB2_42-.Ltmp25, $2  }
0x1d7: {  	_ =	sdelay $0x2  }
0x1d8: {  	v10 =	vld.idx.msk [tilespmem:v10+s15+$0x0], $0xffff  }
.LBB2_41:
0x1d9: {  	v12 =	vmov v11;
	v11 =	vmov v9;
	v9 =	vld.idx.msk [tilespmem:v9+s20+$0x0], $0xffff;
	_ =	sdelay $0x4  }
0x1da: {  	vm5 =	veq.s32 v9, v11  }
0x1db: {  	v13 =	vsel vm5, $0x0, v7  }
0x1dc: {  	(xrf0) =	vmax.scan.msk.f32 $0xffff, v13;
	_ =	sdelay $0x5  }
0x1dd: {  	v13, _, _ =	vpop (xrf0)  }
0x1de: {  	(v2sf) =	vpush v13, $0xF;
	_ =	sdelay $0xe  }
0x1df: {  	s28 =	spop (v2sf)  }
0x1e0: {  	p1 =	sgt.f32 s28, $0.0e+00  }
.Ltmp26:
0x1e1: {  	_ = 	snop;
	(pc) =	sbr.rel @p1 .LBB2_41-.Ltmp26, $2  }
0x1e2: {  	_ =	sdelay $0x2  }
0x1e3: {  	[tilespmem:v12+s20+$0x0] =	vst.idx.msk vm0, v9  }
.Ltmp27:
0x1e4: {  	_ = 	snop;
	(pc) =	sbr.rel .LBB2_42-.Ltmp27, $1  }
0x1e5: {  	_ =	sdelay $0x3  }
.LBB2_43:
.Ltmp28:
0x1e6: {  	(pc) =	sbr.rel @p0 .LBB2_47-.Ltmp28, $3  }
0x1e7: {  	_ =	sdelay $0x1  }
0x1e8: {  	s28 =	simm.s32 $0x0  }
0x1e9: {  	v9 =	vmov s25;
	s26 =	simm.s32 $0xB000;
	s25 =	simm.s32 $0xB800;
	v10 =	vor.u32 s28, v1  }
0x1ea: {  	vm5 =	vlt.s32 v10, v9;
	v10 =	vshll.u32 v10, $0x1  }
0x1eb: {  	v10 =	vnsel vm5, $0x0, v10  }
0x1ec: {  	v11 =	vor.u32 $0x1, v10;
	_ =	sdelay $0x3  }
0x1ed: {  	s0 =	simm.s32 $0x10;
	v10 =	vld.idx.msk [tilespmem:v10+s21+$0x0], $0xffff  }
0x1ee: {  	v12 =	vor.u32 s0, v1;
	v11 =	vld.idx.msk [tilespmem:v11+s21+$0x0], $0xffff  }
0x1ef: {  	vm6 =	vlt.s32 v12, v9;
	v12 =	vshll.u32 v12, $0x1  }
0x1f0: {  	v12 =	vnsel vm6, $0x0, v12  }
0x1f1: {  	vm5 =	vmmov vm5;
	v13 =	vor.u32 $0x1, v12  }
0x1f2: {  	v10 =	vnsel vm5, $0x4E6E6B28, v10  }
0x1f3: {  	[tilespmem:s26+$0x0] =	vst v10;
	v10 =	vnsel vm5, $0x4E6E6B28, v11  }
0x1f4: {  	[tilespmem:s25+$0x0] =	vst v10  }
0x1f5: {  	s31 =	simm.s32 $0x20;
	v11 =	vld.idx.msk [tilespmem:v12+s21+$0x0], $0xffff  }
0x1f6: {  	s28 =	simm.s32 $0x30;
	vm5 =	vmmov vm6;
	v10 =	vld.idx.msk [tilespmem:v13+s21+$0x0], $0xffff;
	v12 =	vor.u32 s31, v1  }
.LBB2_45:
0x1f7: {  	p1 =	seq.s32 s28, $0x7F0;
	vm6 =	vlt.s32 v12, v9;
	v12 =	vshll.u32 v12, $0x1  }
0x1f8: {  	v12 =	vnsel vm6, $0x0, v12  }
0x1f9: {  	v13 =	vor.u32 $0x1, v12  }
0x1fa: {  	s26 =	sadd.s32 $0x10, s26;
	v11 =	vnsel vm5, $0x4E6E6B28, v11  }
.Ltmp29:
0x1fb: {  	s25 =	sadd.s32 $0x10, s25;
	v10 =	vnsel vm5, $0x4E6E6B28, v10;
	vm5 =	vmmov vm6;
	[tilespmem:s26+$0x0] =	vst v11;
	(pc) =	sbr.rel @!p1 .LBB2_45-.Ltmp29, $4  }
0x1fc: {  	[tilespmem:s25+$0x0] =	vst v10  }
0x1fd: {  	v11 =	vld.idx.msk [tilespmem:v12+s21+$0x0], $0xffff  }
0x1fe: {  	v10 =	vld.idx.msk [tilespmem:v13+s21+$0x0], $0xffff  }
0x1ff: {  	v12 =	vor.u32 s28, v1;
	s28 =	sadd.s32 $0x10, s28  }
0x200: {  	vm6 =	vlt.s32 v12, v9;
	v9 =	vshll.u32 v12, $0x1  }
0x201: {  	v9 =	vnsel vm6, $0x0, v9  }
0x202: {  	v63 =	vor.u32 $0x1, v9  }
0x203: {  	s0 =	sadd.s32 $0x10, s26;
	v11 =	vnsel vm5, $0x4E6E6B28, v11  }
0x204: {  	s1 =	sadd.s32 $0x10, s25;
	[tilespmem:s0+$0x0] =	vst v11;
	v10 =	vnsel vm5, $0x4E6E6B28, v10  }
0x205: {  	[tilespmem:s1+$0x0] =	vst v10  }
0x206: {  	v9 =	vld.idx.msk [tilespmem:v9+s21+$0x0], $0xffff  }
0x207: {  	v10 =	vld.idx.msk [tilespmem:v63+s21+$0x0], $0xffff;
	_ =	sdelay $0x1  }
.Ltmp30:
0x208: {  	_ = 	snop;
	(pc) =	sbr.rel .LBB2_50-.Ltmp30, $4  }
0x209: {  	vm5 =	vmmov vm6  }
0x20a: {  	s0 =	sadd.s32 $0x10, s0;
	v9 =	vnsel vm5, $0x4E6E6B28, v9  }
0x20b: {  	s31 =	sadd.s32 $0x10, s1;
	[tilespmem:s0+$0x0] =	vst v9;
	v9 =	vnsel vm5, $0x4E6E6B28, v10  }
0x20c: {  	[tilespmem:s31+$0x0] =	vst v9  }
.LBB2_47:
0x20d: {  	v11 =	vshll.u32 v10, $0x1;
	vm5 =	vge.s32 v10, v9;
	v10 =	vshll.u32 v10, $0x2  }
0x20e: {  	vm6 =	vlt.s32 v11, v9;
	v12 =	vsub.s32 v11, v9;
	v10 =	vor.u32 $0x1, v10  }
0x20f: {  	vm7 =	vmor vm5, vm6;
	v12 =	vshll.u32 v12, $0x1;
	v10 =	vnsel vm6, $0x1, v10  }
0x210: {  	v12 =	vsel vm7, $0x0, v12;
	_ =	sdelay $0x3  }
0x211: {  	v10 =	vld.idx.msk [tilespmem:v10+s21+$0x0], $0xffff  }
0x212: {  	v11 =	vor.u32 $0x1, v11;
	v12 =	vld.idx.msk [tilespmem:v12+s21+$0x0], $0xffff  }
0x213: {  	v13 =	vshll.u32 v11, $0x1;
	v14 =	vsub.s32 v11, v9  }
0x214: {  	vm5 =	vmmov vm5;
	vm7 =	vlt.s32 v11, v9;
	v11 =	vor.u32 $0x1, v13  }
0x215: {  	v13 =	vshll.u32 v14, $0x1;
	vm8 =	vmor vm5, vm7;
	v11 =	vnsel vm7, $0x1, v11  }
0x216: {  	v13 =	vsel vm8, $0x0, v13  }
0x217: {  	s0 =	simm.s32 $0x10;
	v10 =	vsel vm6, v10, v12  }
0x218: {  	v12 =	vor.u32 s0, v1;
	v10 =	vsel vm5, $0x4E6E6B28, v10  }
0x219: {  	v14 =	vshll.u32 v12, $0x1;
	v15 =	vshll.u32 v12, $0x2;
	vm8 =	vge.s32 v12, v9;
	[tilespmem:s26+$0x0] =	vst v10  }
0x21a: {  	vm6 =	vlt.s32 v14, v9;
	v10 =	vsub.s32 v14, v9;
	v15 =	vor.u32 $0x1, v15;
	v12 =	vld.idx.msk [tilespmem:v11+s21+$0x0], $0xffff  }
0x21b: {  	v11 =	vshll.u32 v10, $0x1;
	v10 =	vor.u32 $0x1, v14;
	v14 =	vnsel vm6, $0x1, v15;
	v15 =	vld.idx.msk [tilespmem:v13+s21+$0x0], $0xffff;
	_ =	sdelay $0x1  }
0x21c: {  	vm9 =	vmor vm8, vm6  }
0x21d: {  	s29 =	simm.s32 $0x20;
	s28 =	simm.s32 $0xB800;
	v16 =	vsel vm9, $0x0, v11;
	v13 =	vshll.u32 v10, $0x1;
	v11 =	vsub.s32 v10, v9  }
.LBB2_48:
0x21e: {  	s26 =	sadd.s32 $0x10, s26  }
0x21f: {  	v12 =	vsel vm7, v12, v15;
	s25 =	sadd.s32 $0x10, s25;
	s0 =	smov.u32 s29;
	s1 =	sadd.s32 $0x10, s29  }
0x220: {  	p1 =	sne.s32 s29, $0x7F0;
	v12 =	vsel vm5, $0x4E6E6B28, v12;
	vm5 =	vmmov vm8  }
0x221: {  	[tilespmem:s28+$0x0] =	vst v12;
	s28 =	smov.u32 s25  }
0x222: {  	v12 =	vld.idx.msk [tilespmem:v16+s21+$0x0], $0xffff  }
0x223: {  	v14 =	vld.idx.msk [tilespmem:v14+s21+$0x0], $0xffff;
	_ =	sdelay $0x1  }
0x224: {  	vm7 =	vlt.s32 v10, v9  }
0x225: {  	v10 =	vor.u32 $0x1, v13;
	v11 =	vshll.u32 v11, $0x1;
	vm8 =	vmor vm5, vm7  }
0x226: {  	v10 =	vnsel vm7, $0x1, v10;
	v11 =	vsel vm8, $0x0, v11;
	_ =	sdelay $0x1  }
0x227: {  	v12 =	vsel vm6, v14, v12  }
0x228: {  	v12 =	vsel vm5, $0x4E6E6B28, v12  }
0x229: {  	[tilespmem:s26+$0x0] =	vst v12  }
0x22a: {  	v12 =	vld.idx.msk [tilespmem:v10+s21+$0x0], $0xffff  }
0x22b: {  	v10 =	vor.u32 s0, v1;
	v15 =	vld.idx.msk [tilespmem:v11+s21+$0x0], $0xffff  }
.Ltmp31:
0x22c: {  	v11 =	vshll.u32 v10, $0x1;
	v13 =	vshll.u32 v10, $0x2;
	(pc) =	sbr.rel @p1 .LBB2_48-.Ltmp31, $4  }
0x22d: {  	vm8 =	vge.s32 v10, v9;
	vm6 =	vlt.s32 v11, v9;
	v10 =	vsub.s32 v11, v9  }
0x22e: {  	v13 =	vor.u32 $0x1, v13;
	vm9 =	vmor vm8, vm6;
	v16 =	vshll.u32 v10, $0x1  }
0x22f: {  	v10 =	vor.u32 $0x1, v11;
	v14 =	vnsel vm6, $0x1, v13;
	v16 =	vsel vm9, $0x0, v16  }
0x230: {  	s29 =	smov.u32 s1;
	v13 =	vshll.u32 v10, $0x1;
	v11 =	vsub.s32 v10, v9  }
.Ltmp32:
0x231: {  	_ = 	snop;
	(pc) =	sbr.rel .LBB2_49-.Ltmp32, $1  }
0x232: {  	_ =	sdelay $0x3  }
.LBB2_6:
.Ltmp33:
0x233: {  	(pc) =	sbr.rel .LBB2_9-.Ltmp33, $2  }
0x234: {  	_ =	sdelay $0x2  }
0x235: {  	_ = 	snop  }
.LBB2_51:
0x236: {  	_ =	sfence.sel $0x180000  }
0x237: {  	[bflag:$0x0] =	sbarrier.arrive $0xFFFF  }
0x238: {  	_ =	strace $0x90000047  }
0x239: {  	s0 =	stileid.u32;
	[bflag:$0x2] =	sbarrier.arrive $0xFFFF  }
0x23a: {  	p0 =	sne.s32 s0, $0x0;
	s0 =	rddreg [dreg:$0x1]  }
0x23b: {  	s0 =	sadd.s32 @!p0 $0x100000, s0  }
0x23c: {  	[sflag:s0] =	ssyncadd.tile.s32 @!p0 $0x1;
	_ =	shalt  }
.Lfunc_end2:
_tile_overlayer_lowered:
.L_overlay_start_2:
0x23d: {  	(tag) =	ssettag $0x2  }
0x23e: {  	s0 =	rddreg [dreg:$0x0];
	s2 =	stileid.u32  }
0x23f: {  	s1 =	rddreg [dreg:$0x1];
	p0 =	sne.s32 s2, $0x0  }
0x240: {  	s3 =	rddreg [dreg:$0x2];
	[bflag:$0x3] =	sbarrier.arrive $0xFFFF;
	s2 =	simm.s32 @!p0 $0x1C01  }
0x241: {  	[timem:s3], [sflag:s2] =	dma.local @!p0 [hbm:s0], s1  }
0x242: {  	s0 =	simm.s32 @!p0 $0x1  }
0x243: {  	_ =	swait.ge @!p0 [sflag:s0], s1  }
0x244: {  	s1 =	ssub.s32 @!p0 $0x0, s1;
	[sflag:s0] =	ssyncset.done @!p0 $0x0  }
0x245: {  	[sflag:s0] =	ssyncadd.s32 @!p0 s1  }
0x246: {  	[bflag:$0x3] =	sbarrier.arrive $0xFFFF  }
0x247: {  	_ =	shalt  }

</sc_bundles>
